<compile_context>
chip_gen: v7x
topology: tpu7x:2x2x1
jax: 0.10.2.dev20260603
libtpu: 0.0.44.dev20260713+nightly
codegen_flags: <defaults>
</compile_context>

<pallas_src>
import jax
import jax.numpy as jnp
from jax import lax
from jax.experimental import pallas as pl
from jax.experimental.pallas import tpu as pltpu
from jax.experimental.pallas import tpu_sc as plsc

N = 10000
E = 320000
D = 128
K = 3
NC = 2
NS = 16
EPC = E // NC
EPT = EPC // NS
CH = 128
NCH = EPT // CH
TAIL = EPT - NCH * CH
RPT = 624

def _mesh():
    return plsc.VectorSubcoreMesh(
        core_axis_name="c", subcore_axis_name="s",
        num_cores=NC, num_subcores=NS)


def _zero_fill(buf, nrows):
    zz = jnp.zeros((16,), jnp.float32)

    def zrow(i, carry):
        for k in range(D // 16):
            buf[i, pl.ds(k * 16, 16)] = zz
        return carry
    lax.fori_loop(0, nrows, zrow, 0)


def _acc_slices(row0):
    rem = RPT % CH
    slices = [(row0 + m * CH, CH) for m in range(RPT // CH)]
    if rem:
        slices.append((row0 + (RPT // CH) * CH, rem))
    return slices


def _zero_acc(buf, acc, row0, s, sem):
    for r0, nr in _acc_slices(row0):
        pltpu.async_copy(buf.at[pl.ds(0, nr)], acc.at[pl.ds(r0, nr)], sem)

    @pl.when(s < 2)
    def _():
        pltpu.async_copy(buf.at[pl.ds(0, 8)],
                         acc.at[pl.ds(NS * RPT + s * 8, 8)], sem)
    for r0, nr in _acc_slices(row0):
        pltpu.make_async_copy(buf.at[pl.ds(0, nr)],
                              acc.at[pl.ds(r0, nr)], sem).wait()

    @pl.when(s < 2)
    def _():
        pltpu.make_async_copy(buf.at[pl.ds(0, 8)],
                              acc.at[pl.ds(NS * RPT + s * 8, 8)], sem).wait()


def _copy_out(acc, buf, hbm_ref, row0, c, s):
    def stage_out(r0, nrows):
        pltpu.sync_copy(acc.at[pl.ds(r0, nrows)], buf.at[pl.ds(0, nrows)])
        pltpu.sync_copy(buf.at[pl.ds(0, nrows)],
                        hbm_ref.at[c, pl.ds(r0, nrows)])

    for r0, nr in _acc_slices(row0):
        stage_out(r0, nr)

    @pl.when(s < 2)
    def _():
        stage_out(NS * RPT + s * 8, 8)


def _copy_out2(acc, bufs, hbm_ref, row0, c, s, semH):
    stages = _acc_slices(row0)

    def b2h(m):
        r0, nr = stages[m]
        return pltpu.make_async_copy(bufs[m % 2].at[pl.ds(0, nr)],
                                     hbm_ref.at[c, pl.ds(r0, nr)],
                                     semH[m % 2])

    for m, (r0, nr) in enumerate(stages):
        i = m % 2
        if m >= 2:
            b2h(m - 2).wait()
        pltpu.sync_copy(acc.at[pl.ds(r0, nr)], bufs[i].at[pl.ds(0, nr)])
        b2h(m).start()
    for m in range(max(0, len(stages) - 2), len(stages)):
        b2h(m).wait()

    @pl.when(s < 2)
    def _():
        r0 = NS * RPT + s * 8
        pltpu.sync_copy(acc.at[pl.ds(r0, 8)], bufs[0].at[pl.ds(0, 8)])
        pltpu.sync_copy(bufs[0].at[pl.ds(0, 8)], hbm_ref.at[c, pl.ds(r0, 8)])


IDXW = NCH * CH
NPAIR = NCH // 2


def _stage_indices(hbm_1d, stage_1d, table_2d, base):
    pltpu.sync_copy(hbm_1d.at[pl.ds(base, IDXW)], stage_1d)

    def redis(j, carry):
        for k in range(CH // 16):
            table_2d[j, pl.ds(k * 16, 16)] = stage_1d[pl.ds(j * CH + k * 16, 16)]
        return carry
    lax.fori_loop(0, NCH, redis, 0)


def _build_agg():
    scratch = [
        pltpu.VMEM((CH,), jnp.int32),
        pltpu.VMEM((CH,), jnp.int32),
        pltpu.VMEM((CH,), jnp.int32),
        pltpu.VMEM((CH,), jnp.int32),
        pltpu.VMEM((TAIL,), jnp.int32),
        pltpu.VMEM((TAIL,), jnp.int32),
        pltpu.VMEM((CH, D), jnp.float32),
        pltpu.VMEM((CH, D), jnp.float32),
        pltpu.VMEM_SHARED((N, D), jnp.float32),
        pltpu.SemaphoreType.DMA,
        pltpu.SemaphoreType.DMA,
        pltpu.SemaphoreType.DMA,
        pltpu.SemaphoreType.DMA,
    ]

    def body(h_hbm, src_hbm, dst_hbm, out_hbm,
             srcA, dstA, srcB, dstB, srct, dstt, rowsA, rowsB, acc,
             semA, semB, semIA, semIB):
        c = lax.axis_index("c")
        s = lax.axis_index("s")
        row0 = s * RPT
        base = c * EPC + s * EPT
        _zero_fill(rowsA, CH)
        _zero_acc(rowsA, acc, row0, s, semA)
        plsc.subcore_barrier()

        def fire_idx(srcb, dstb, j, semI):
            off = base + j * CH
            pltpu.async_copy(src_hbm.at[pl.ds(off, CH)], srcb, semI)
            pltpu.async_copy(dst_hbm.at[pl.ds(off, CH)], dstb, semI)

        def wait_idx(srcb, dstb, j, semI):
            off = base + j * CH
            pltpu.make_async_copy(src_hbm.at[pl.ds(off, CH)], srcb,
                                  semI).wait()
            pltpu.make_async_copy(dst_hbm.at[pl.ds(off, CH)], dstb,
                                  semI).wait()

        fire_idx(srcA, dstA, 0, semIA)
        wait_idx(srcA, dstA, 0, semIA)
        pltpu.async_copy(h_hbm.at[srcA], rowsA, semA)
        fire_idx(srcB, dstB, 1, semIB)

        def pair(g, carry):
            a = 2 * g
            b = a + 1
            wait_idx(srcB, dstB, b, semIB)
            pltpu.async_copy(h_hbm.at[srcB], rowsB, semB)
            pltpu.make_async_copy(h_hbm.at[srcA], rowsA, semA).wait()
            pltpu.sync_copy(rowsA, acc.at[dstA], add=True)

            @pl.when(g < NPAIR - 1)
            def _():
                fire_idx(srcA, dstA, a + 2, semIA)
            pltpu.make_async_copy(h_hbm.at[srcB], rowsB, semB).wait()
            pltpu.sync_copy(rowsB, acc.at[dstB], add=True)

            @pl.when(g < NPAIR - 1)
            def _():
                wait_idx(srcA, dstA, a + 2, semIA)
                pltpu.async_copy(h_hbm.at[srcA], rowsA, semA)
                fire_idx(srcB, dstB, b + 2, semIB)
            return carry
        lax.fori_loop(0, NPAIR, pair, 0)

        pltpu.sync_copy(src_hbm.at[pl.ds(base + IDXW, TAIL)], srct)
        pltpu.sync_copy(dst_hbm.at[pl.ds(base + IDXW, TAIL)], dstt)
        pltpu.async_copy(h_hbm.at[srct], rowsA.at[pl.ds(0, TAIL)], semA).wait()
        pltpu.sync_copy(rowsA.at[pl.ds(0, TAIL)], acc.at[dstt], add=True)
        plsc.subcore_barrier()
        _copy_out2(acc, (rowsA, rowsB), out_hbm, row0, c, s,
                   (semA, semB))

    return pl.kernel(body,
                     out_type=jax.ShapeDtypeStruct((NC, N, D), jnp.float32),
                     mesh=_mesh(), scratch_types=scratch)


def _build_deg():
    scratch = [
        pltpu.VMEM((CH, D), jnp.float32),
        pltpu.VMEM((IDXW,), jnp.int32),
        pltpu.VMEM((NCH, CH), jnp.int32),
        pltpu.VMEM((TAIL,), jnp.int32),
        pltpu.VMEM_SHARED((N, D), jnp.float32),
        pltpu.SemaphoreType.DMA,
    ]

    def body(dst_hbm, out_hbm, ones, stage1, dstall, dstt, acc, sem):
        c = lax.axis_index("c")
        s = lax.axis_index("s")
        row0 = s * RPT
        base = c * EPC + s * EPT
        _stage_indices(dst_hbm, stage1, dstall, base)
        pltpu.sync_copy(dst_hbm.at[pl.ds(base + IDXW, TAIL)], dstt)
        _zero_fill(ones, CH)
        _zero_acc(ones, acc, row0, s, sem)

        oo = jnp.ones((16,), jnp.float32)

        def orow(i, carry):
            for k in range(D // 16):
                ones[i, pl.ds(k * 16, 16)] = oo
            return carry
        lax.fori_loop(0, CH, orow, 0)
        plsc.subcore_barrier()

        def fire(j, carry):
            pltpu.async_copy(ones, acc.at[dstall.at[j]], sem, add=True)
            return carry
        lax.fori_loop(0, NCH, fire, 0)

        def drain(j, carry):
            pltpu.make_async_copy(ones, acc.at[dstall.at[j]], sem).wait()
            return carry
        lax.fori_loop(0, NCH, drain, 0)
        pltpu.async_copy(ones.at[pl.ds(0, TAIL)], acc.at[dstt], sem,
                         add=True).wait()
        plsc.subcore_barrier()
        _copy_out(acc, ones, out_hbm, row0, c, s)

    return pl.kernel(body,
                     out_type=jax.ShapeDtypeStruct((NC, N, D), jnp.float32),
                     mesh=_mesh(), scratch_types=scratch)


_R = 2000


def _dot_t(a, w):
    return lax.dot_general(a, w, (((1,), (1,)), ((), ())),
                           preferred_element_type=jnp.float32)


def _mean_from_parts(part_ref, deg_ref):
    a = part_ref[0] + part_ref[1]
    dg = deg_ref[0, :, 0:1] + deg_ref[1, :, 0:1]
    return a * (1.0 / jnp.maximum(dg, 1.0))


def _layer_tc(part, deg16, h, Wl, bl, Wr):
    def body(part_ref, deg_ref, h_ref, wl_ref, bl_ref, wr_ref, o_ref):
        mean = _mean_from_parts(part_ref, deg_ref)
        acc = _dot_t(mean, wl_ref[...]) + _dot_t(h_ref[...], wr_ref[...])
        o_ref[...] = jnp.maximum(acc + bl_ref[...], 0.0)

    return pl.pallas_call(
        body,
        grid=(N // _R,),
        in_specs=[
            pl.BlockSpec((NC, _R, D), lambda i: (0, i, 0)),
            pl.BlockSpec((NC, _R, D), lambda i: (0, i, 0)),
            pl.BlockSpec((_R, D), lambda i: (i, 0)),
            pl.BlockSpec((D, D), lambda i: (0, 0)),
            pl.BlockSpec((1, D), lambda i: (0, 0)),
            pl.BlockSpec((D, D), lambda i: (0, 0)),
        ],
        out_specs=pl.BlockSpec((_R, D), lambda i: (i, 0)),
        out_shape=jax.ShapeDtypeStruct((N, D), jnp.float32),
    )(part, deg16, h, Wl, bl.reshape(1, D), Wr)


def _final_tc(part, deg16, h2, h1, Wl2, bl2, Wr2, W2, b2, W3, b3):
    def body(part_ref, deg_ref, h2_ref, h1_ref, wl_ref, bl_ref, wr_ref,
             w2_ref, b2_ref, w3_ref, b3_ref, o_ref):
        mean = _mean_from_parts(part_ref, deg_ref)
        h2b = h2_ref[...]
        h3 = jnp.maximum(
            _dot_t(mean, wl_ref[...]) + _dot_t(h2b, wr_ref[...]) + bl_ref[...],
            0.0)
        w2 = w2_ref[...]
        p = (_dot_t(h1_ref[...], w2[:, 0:D]) + _dot_t(h2b, w2[:, D:2 * D])
             + _dot_t(h3, w2[:, 2 * D:3 * D]) + b2_ref[...])
        p = jnp.maximum(p, 0.0)
        o_ref[...] = _dot_t(p, w3_ref[...]) + b3_ref[...]

    D2 = 2 * D
    return pl.pallas_call(
        body,
        grid=(N // _R,),
        in_specs=[
            pl.BlockSpec((NC, _R, D), lambda i: (0, i, 0)),
            pl.BlockSpec((NC, _R, D), lambda i: (0, i, 0)),
            pl.BlockSpec((_R, D), lambda i: (i, 0)),
            pl.BlockSpec((_R, D), lambda i: (i, 0)),
            pl.BlockSpec((D, D), lambda i: (0, 0)),
            pl.BlockSpec((1, D), lambda i: (0, 0)),
            pl.BlockSpec((D, D), lambda i: (0, 0)),
            pl.BlockSpec((D2, K * D), lambda i: (0, 0)),
            pl.BlockSpec((1, D2), lambda i: (0, 0)),
            pl.BlockSpec((D, D2), lambda i: (0, 0)),
            pl.BlockSpec((1, D), lambda i: (0, 0)),
        ],
        out_specs=pl.BlockSpec((_R, D), lambda i: (i, 0)),
        out_shape=jax.ShapeDtypeStruct((N, D), jnp.float32),
    )(part, deg16, h2, h1, Wl2, bl2.reshape(1, D), Wr2,
      W2, b2.reshape(1, D2), W3, b3.reshape(1, D))


def kernel(x, edge_index, Wl0, bl0, Wr0, Wl1, bl1, Wr1, Wl2, bl2, Wr2,
           W2, b2, W3, b3):
    src = edge_index[0].astype(jnp.int32)
    dst = edge_index[1].astype(jnp.int32)
    agg = _build_agg()
    degp = _build_deg()(dst)
    part0 = agg(x, src, dst)
    h1 = _layer_tc(part0, degp, x, Wl0, bl0, Wr0)
    part1 = agg(h1, src, dst)
    h2 = _layer_tc(part1, degp, h1, Wl1, bl1, Wr1)
    part2 = agg(h2, src, dst)
    return _final_tc(part2, degp, h2, h1, Wl2, bl2, Wr2, W2, b2, W3, b3)

# --- scband reference (transcript-rebuilt; emitter-appended) ---
"""Pipeline reference for scband-encoder-16484084483579 (READ-ONLY COPY).

The authoritative reference and input builder live on the scoring server;
editing this copy changes nothing except your own understanding.
"""

import jax, jax.numpy as jnp
import numpy as np

N_NODES = 10000
N_EDGES = 320000
D = 128          # in_channels == inter_channels (fc1 is None)
D_OUT = 128      # out_channels
K = 3            # number of SAGEConv layers


def setup_inputs(seed: int = 0) -> dict:
    key = jax.random.key(seed)
    ks = jax.random.split(key, 20)
    inp = {}
    inp['x'] = jax.random.normal(ks[0], (N_NODES, D), dtype=jnp.float32)
    inp['edge_index'] = jax.random.randint(ks[1], (2, N_EDGES), 0, N_NODES, dtype=jnp.int64)
    s = 1.0 / np.sqrt(D)
    # 3 SAGEConv layers: lin_l (with bias) applied to aggregated neighbors, lin_r (no bias) to self
    for i in range(K):
        inp[f'Wl{i}'] = jax.random.uniform(ks[2 + 3 * i], (D, D), minval=-s, maxval=s, dtype=jnp.float32)
        inp[f'bl{i}'] = jax.random.uniform(ks[3 + 3 * i], (D,), minval=-s, maxval=s, dtype=jnp.float32)
        inp[f'Wr{i}'] = jax.random.uniform(ks[4 + 3 * i], (D, D), minval=-s, maxval=s, dtype=jnp.float32)
    s2 = 1.0 / np.sqrt(K * D)
    inp['W2'] = jax.random.uniform(ks[11], (2 * D_OUT, K * D), minval=-s2, maxval=s2, dtype=jnp.float32)
    inp['b2'] = jax.random.uniform(ks[12], (2 * D_OUT,), minval=-s2, maxval=s2, dtype=jnp.float32)
    s3 = 1.0 / np.sqrt(2 * D_OUT)
    inp['W3'] = jax.random.uniform(ks[13], (D_OUT, 2 * D_OUT), minval=-s3, maxval=s3, dtype=jnp.float32)
    inp['b3'] = jax.random.uniform(ks[14], (D_OUT,), minval=-s3, maxval=s3, dtype=jnp.float32)
    return inp


def _sage_conv(x, edge_index, Wl, bl, Wr):
    # PyG SAGEConv with aggr='mean': out = lin_l(mean_{j in N(i)} x_j) + lin_r(x_i)
    src = edge_index[0]
    dst = edge_index[1]
    msgs = jnp.take(x, src, axis=0)                                   # gather [E, D]
    summed = jax.ops.segment_sum(msgs, dst, num_segments=N_NODES)     # scatter-add
    cnt = jax.ops.segment_sum(jnp.ones((msgs.shape[0], 1), dtype=x.dtype), dst, num_segments=N_NODES)
    mean = summed / jnp.maximum(cnt, 1.0)
    return mean @ Wl.T + bl + x @ Wr.T


def reference(x, edge_index, Wl0, bl0, Wr0, Wl1, bl1, Wr1, Wl2, bl2, Wr2, W2, b2, W3, b3):
    # fc1 is None since inter_channels == in_channels
    Wls = [Wl0, Wl1, Wl2]
    bls = [bl0, bl1, bl2]
    Wrs = [Wr0, Wr1, Wr2]
    h = x
    zs = []
    for i in range(K):
        h = _sage_conv(h, edge_index, Wls[i], bls[i], Wrs[i])
        h = jax.nn.relu(h)
        # dropout: eval mode / identity
        zs.append(h)
    z = jnp.concatenate(zs, axis=1)  # structure='Pre' -> [N, K*D]
    # projection: fc3(relu(fc2(z)))
    p = jax.nn.relu(z @ W2.T + b2)
    out = p @ W3.T + b3
    return out

if __name__ == "__main__":
    import jax
    _d = setup_inputs()
    print(jax.jit(kernel)(*tuple(_d.values())))

</pallas_src>

<mosaic_0001>
#map = affine_map<(d0, d1) -> (0, 0)>
#map1 = affine_map<(d0, d1) -> (0)>
#map2 = affine_map<(d0, d1) -> (0, 0, 0)>
module attributes {stable_mosaic.version = 14 : i64} {
  func.func @body(%arg0: i32, %arg1: i32, %arg2: memref<10000x128xf32, #tpu.memory_space<hbm>>, %arg3: memref<320000xi32, #tpu.memory_space<hbm>>, %arg4: memref<320000xi32, #tpu.memory_space<hbm>>, %arg5: memref<2x10000x128xf32, #tpu.memory_space<hbm>>, %arg6: memref<128xi32, #tpu.memory_space<vmem>>, %arg7: memref<128xi32, #tpu.memory_space<vmem>>, %arg8: memref<128xi32, #tpu.memory_space<vmem>>, %arg9: memref<128xi32, #tpu.memory_space<vmem>>, %arg10: memref<16xi32, #tpu.memory_space<vmem>>, %arg11: memref<16xi32, #tpu.memory_space<vmem>>, %arg12: memref<128x128xf32, #tpu.memory_space<vmem>>, %arg13: memref<128x128xf32, #tpu.memory_space<vmem>>, %arg14: memref<10000x128xf32, #tpu.memory_space<vmem_shared>>, %arg15: memref<!tpu.dma_semaphore, #tpu.memory_space<semaphore_mem>>, %arg16: memref<!tpu.dma_semaphore, #tpu.memory_space<semaphore_mem>>, %arg17: memref<!tpu.dma_semaphore, #tpu.memory_space<semaphore_mem>>, %arg18: memref<!tpu.dma_semaphore, #tpu.memory_space<semaphore_mem>>) attributes {dimension_semantics = [#tpu.dimension_semantics<core_parallel>, #tpu.dimension_semantics<subcore_parallel>], iteration_bounds = array<i64: 2, 16>, scalar_prefetch = 0 : i64, scratch_operands = 13 : i64, tpu.core_type = #tpu.core_type<sc_vector_subcore>, window_params = [{transform_indices = #map}, {transform_indices = #map1}, {transform_indices = #map1}, {transform_indices = #map2}]} {
    %mul3A = arith.constant 624 : i32
    %mul3A_0 = arith.muli %arg1, %mul3A : i32
    %mul3A_1 = arith.constant 160000 : i32
    %mul3A_2 = arith.muli %arg0, %mul3A_1 : i32
    %mul3A_3 = arith.constant 10000 : i32
    %mul3A_4 = arith.muli %arg1, %mul3A_3 : i32
    %add3A = arith.addi %mul3A_2, %mul3A_4 : i32
    %broadcast_in_dim3A = arith.constant 0.000000e+00 : f32
    %broadcast_in_dim3A_5 = vector.broadcast %broadcast_in_dim3A : f32 to vector<16xf32>
    %scan3A = arith.constant 0 : i32
    %scan3A_6 = arith.constant 0 : i32
    %scan3A_7 = arith.constant 128 : i32
    %scan3A_8 = arith.addi %scan3A_6, %scan3A_7 : i32
    %scan3A_9 = arith.constant 1 : i32
    scf.for %scan3A_315 = %scan3A_6 to %scan3A_8 step %scan3A_9  : i32 {
      %swap3A = arith.index_cast %scan3A_315 : i32 to index
      %swap3A_316 = arith.constant 0 : index
      %swap3A_317 = tpu.vector_load %arg12[%swap3A, %swap3A_316] {strides = array<i32>} : memref<128x128xf32, #tpu.memory_space<vmem>>, vector<1x16xf32>,
      %swap3A_318 = vector.shape_cast %swap3A_317 : vector<1x16xf32> to vector<16xf32>
      %swap3A_319 = vector.shape_cast %broadcast_in_dim3A_5 : vector<16xf32> to vector<1x16xf32>
      tpu.vector_store %arg12[%swap3A, %swap3A_316], %swap3A_319 {strides = array<i32>} : memref<128x128xf32, #tpu.memory_space<vmem>>, vector<1x16xf32>,
      %swap3A_320 = arith.index_cast %scan3A_315 : i32 to index
      %swap3A_321 = arith.constant 16 : index
      %swap3A_322 = tpu.vector_load %arg12[%swap3A_320, %swap3A_321] {strides = array<i32>} : memref<128x128xf32, #tpu.memory_space<vmem>>, vector<1x16xf32>,
      %swap3A_323 = vector.shape_cast %swap3A_322 : vector<1x16xf32> to vector<16xf32>
      %swap3A_324 = vector.shape_cast %broadcast_in_dim3A_5 : vector<16xf32> to vector<1x16xf32>
      tpu.vector_store %arg12[%swap3A_320, %swap3A_321], %swap3A_324 {strides = array<i32>} : memref<128x128xf32, #tpu.memory_space<vmem>>, vector<1x16xf32>,
      %swap3A_325 = arith.index_cast %scan3A_315 : i32 to index
      %swap3A_326 = arith.constant 32 : index
      %swap3A_327 = tpu.vector_load %arg12[%swap3A_325, %swap3A_326] {strides = array<i32>} : memref<128x128xf32, #tpu.memory_space<vmem>>, vector<1x16xf32>,
      %swap3A_328 = vector.shape_cast %swap3A_327 : vector<1x16xf32> to vector<16xf32>
      %swap3A_329 = vector.shape_cast %broadcast_in_dim3A_5 : vector<16xf32> to vector<1x16xf32>
      tpu.vector_store %arg12[%swap3A_325, %swap3A_326], %swap3A_329 {strides = array<i32>} : memref<128x128xf32, #tpu.memory_space<vmem>>, vector<1x16xf32>,
      %swap3A_330 = arith.index_cast %scan3A_315 : i32 to index
      %swap3A_331 = arith.constant 48 : index
      %swap3A_332 = tpu.vector_load %arg12[%swap3A_330, %swap3A_331] {strides = array<i32>} : memref<128x128xf32, #tpu.memory_space<vmem>>, vector<1x16xf32>,
      %swap3A_333 = vector.shape_cast %swap3A_332 : vector<1x16xf32> to vector<16xf32>
      %swap3A_334 = vector.shape_cast %broadcast_in_dim3A_5 : vector<16xf32> to vector<1x16xf32>
      tpu.vector_store %arg12[%swap3A_330, %swap3A_331], %swap3A_334 {strides = array<i32>} : memref<128x128xf32, #tpu.memory_space<vmem>>, vector<1x16xf32>,
      %swap3A_335 = arith.index_cast %scan3A_315 : i32 to index
      %swap3A_336 = arith.constant 64 : index
      %swap3A_337 = tpu.vector_load %arg12[%swap3A_335, %swap3A_336] {strides = array<i32>} : memref<128x128xf32, #tpu.memory_space<vmem>>, vector<1x16xf32>,
      %swap3A_338 = vector.shape_cast %swap3A_337 : vector<1x16xf32> to vector<16xf32>
      %swap3A_339 = vector.shape_cast %broadcast_in_dim3A_5 : vector<16xf32> to vector<1x16xf32>
      tpu.vector_store %arg12[%swap3A_335, %swap3A_336], %swap3A_339 {strides = array<i32>} : memref<128x128xf32, #tpu.memory_space<vmem>>, vector<1x16xf32>,
      %swap3A_340 = arith.index_cast %scan3A_315 : i32 to index
      %swap3A_341 = arith.constant 80 : index
      %swap3A_342 = tpu.vector_load %arg12[%swap3A_340, %swap3A_341] {strides = array<i32>} : memref<128x128xf32, #tpu.memory_space<vmem>>, vector<1x16xf32>,
      %swap3A_343 = vector.shape_cast %swap3A_342 : vector<1x16xf32> to vector<16xf32>
      %swap3A_344 = vector.shape_cast %broadcast_in_dim3A_5 : vector<16xf32> to vector<1x16xf32>
      tpu.vector_store %arg12[%swap3A_340, %swap3A_341], %swap3A_344 {strides = array<i32>} : memref<128x128xf32, #tpu.memory_space<vmem>>, vector<1x16xf32>,
      %swap3A_345 = arith.index_cast %scan3A_315 : i32 to index
      %swap3A_346 = arith.constant 96 : index
      %swap3A_347 = tpu.vector_load %arg12[%swap3A_345, %swap3A_346] {strides = array<i32>} : memref<128x128xf32, #tpu.memory_space<vmem>>, vector<1x16xf32>,
      %swap3A_348 = vector.shape_cast %swap3A_347 : vector<1x16xf32> to vector<16xf32>
      %swap3A_349 = vector.shape_cast %broadcast_in_dim3A_5 : vector<16xf32> to vector<1x16xf32>
      tpu.vector_store %arg12[%swap3A_345, %swap3A_346], %swap3A_349 {strides = array<i32>} : memref<128x128xf32, #tpu.memory_space<vmem>>, vector<1x16xf32>,
      %swap3A_350 = arith.index_cast %scan3A_315 : i32 to index
      %swap3A_351 = arith.constant 112 : index
      %swap3A_352 = tpu.vector_load %arg12[%swap3A_350, %swap3A_351] {strides = array<i32>} : memref<128x128xf32, #tpu.memory_space<vmem>>, vector<1x16xf32>,
      %swap3A_353 = vector.shape_cast %swap3A_352 : vector<1x16xf32> to vector<16xf32>
      %swap3A_354 = vector.shape_cast %broadcast_in_dim3A_5 : vector<16xf32> to vector<1x16xf32>
      tpu.vector_store %arg12[%swap3A_350, %swap3A_351], %swap3A_354 {strides = array<i32>} : memref<128x128xf32, #tpu.memory_space<vmem>>, vector<1x16xf32>,
    }
    %scan3A_10 = arith.constant 128 : i32
    %add3A_11 = arith.constant 0 : i32
    %add3A_12 = arith.addi %mul3A_0, %add3A_11 : i32
    %add3A_13 = arith.constant 128 : i32
    %add3A_14 = arith.addi %mul3A_0, %add3A_13 : i32
    %add3A_15 = arith.constant 256 : i32
    %add3A_16 = arith.addi %mul3A_0, %add3A_15 : i32
    %add3A_17 = arith.constant 384 : i32
    %add3A_18 = arith.addi %mul3A_0, %add3A_17 : i32
    %add3A_19 = arith.constant 512 : i32
    %add3A_20 = arith.addi %mul3A_0, %add3A_19 : i32
    %dma_start3A = arith.constant 0 : i32
    %dma_start3A_21 = arith.constant 0 : i32
    %dma_start3A_22 = tpu.memref_slice %arg12[%dma_start3A, %dma_start3A_21] : memref<128x128xf32, #tpu.memory_space<vmem>> -> memref<128x128xf32, #tpu.memory_space<vmem>>
    %dma_start3A_23 = arith.constant 0 : i32
    %dma_start3A_24 = tpu.memref_slice %arg14[%add3A_12, %dma_start3A_23] : memref<10000x128xf32, #tpu.memory_space<vmem_shared>> -> memref<128x128xf32, #tpu.memory_space<vmem_shared>>
    %dma_start3A_25 = arith.constant 0 : i32
    %dma_start3A_26 = tpu.memref_slice %arg14[%add3A_12, %dma_start3A_25] : memref<10000x128xf32, #tpu.memory_space<vmem_shared>> -> memref<128x128xf32, #tpu.memory_space<vmem_shared>>
    %dma_start3A_27 = arith.constant 0 : i32
    %dma_start3A_28 = arith.constant 0 : i32
    %dma_start3A_29 = tpu.memref_slice %arg12[%dma_start3A_27, %dma_start3A_28] : memref<128x128xf32, #tpu.memory_space<vmem>> -> memref<128x128xf32, #tpu.memory_space<vmem>>
    tpu.enqueue_dma source(%dma_start3A_29 : memref<128x128xf32, #tpu.memory_space<vmem>>) target(%dma_start3A_26 : memref<128x128xf32, #tpu.memory_space<vmem_shared>>) target_semaphore(%arg15 : memref<!tpu.dma_semaphore, #tpu.memory_space<semaphore_mem>>)
    %dma_start3A_30 = arith.constant 0 : i32
    %dma_start3A_31 = arith.constant 0 : i32
    %dma_start3A_32 = tpu.memref_slice %arg12[%dma_start3A_30, %dma_start3A_31] : memref<128x128xf32, #tpu.memory_space<vmem>> -> memref<128x128xf32, #tpu.memory_space<vmem>>
    %dma_start3A_33 = arith.constant 0 : i32
    %dma_start3A_34 = tpu.memref_slice %arg14[%add3A_14, %dma_start3A_33] : memref<10000x128xf32, #tpu.memory_space<vmem_shared>> -> memref<128x128xf32, #tpu.memory_space<vmem_shared>>
    %dma_start3A_35 = arith.constant 0 : i32
    %dma_start3A_36 = tpu.memref_slice %arg14[%add3A_14, %dma_start3A_35] : memref<10000x128xf32, #tpu.memory_space<vmem_shared>> -> memref<128x128xf32, #tpu.memory_space<vmem_shared>>
    %dma_start3A_37 = arith.constant 0 : i32
    %dma_start3A_38 = arith.constant 0 : i32
    %dma_start3A_39 = tpu.memref_slice %arg12[%dma_start3A_37, %dma_start3A_38] : memref<128x128xf32, #tpu.memory_space<vmem>> -> memref<128x128xf32, #tpu.memory_space<vmem>>
    tpu.enqueue_dma source(%dma_start3A_39 : memref<128x128xf32, #tpu.memory_space<vmem>>) target(%dma_start3A_36 : memref<128x128xf32, #tpu.memory_space<vmem_shared>>) target_semaphore(%arg15 : memref<!tpu.dma_semaphore, #tpu.memory_space<semaphore_mem>>)
    %dma_start3A_40 = arith.constant 0 : i32
    %dma_start3A_41 = arith.constant 0 : i32
    %dma_start3A_42 = tpu.memref_slice %arg12[%dma_start3A_40, %dma_start3A_41] : memref<128x128xf32, #tpu.memory_space<vmem>> -> memref<128x128xf32, #tpu.memory_space<vmem>>
    %dma_start3A_43 = arith.constant 0 : i32
    %dma_start3A_44 = tpu.memref_slice %arg14[%add3A_16, %dma_start3A_43] : memref<10000x128xf32, #tpu.memory_space<vmem_shared>> -> memref<128x128xf32, #tpu.memory_space<vmem_shared>>
    %dma_start3A_45 = arith.constant 0 : i32
    %dma_start3A_46 = tpu.memref_slice %arg14[%add3A_16, %dma_start3A_45] : memref<10000x128xf32, #tpu.memory_space<vmem_shared>> -> memref<128x128xf32, #tpu.memory_space<vmem_shared>>
    %dma_start3A_47 = arith.constant 0 : i32
    %dma_start3A_48 = arith.constant 0 : i32
    %dma_start3A_49 = tpu.memref_slice %arg12[%dma_start3A_47, %dma_start3A_48] : memref<128x128xf32, #tpu.memory_space<vmem>> -> memref<128x128xf32, #tpu.memory_space<vmem>>
    tpu.enqueue_dma source(%dma_start3A_49 : memref<128x128xf32, #tpu.memory_space<vmem>>) target(%dma_start3A_46 : memref<128x128xf32, #tpu.memory_space<vmem_shared>>) target_semaphore(%arg15 : memref<!tpu.dma_semaphore, #tpu.memory_space<semaphore_mem>>)
    %dma_start3A_50 = arith.constant 0 : i32
    %dma_start3A_51 = arith.constant 0 : i32
    %dma_start3A_52 = tpu.memref_slice %arg12[%dma_start3A_50, %dma_start3A_51] : memref<128x128xf32, #tpu.memory_space<vmem>> -> memref<128x128xf32, #tpu.memory_space<vmem>>
    %dma_start3A_53 = arith.constant 0 : i32
    %dma_start3A_54 = tpu.memref_slice %arg14[%add3A_18, %dma_start3A_53] : memref<10000x128xf32, #tpu.memory_space<vmem_shared>> -> memref<128x128xf32, #tpu.memory_space<vmem_shared>>
    %dma_start3A_55 = arith.constant 0 : i32
    %dma_start3A_56 = tpu.memref_slice %arg14[%add3A_18, %dma_start3A_55] : memref<10000x128xf32, #tpu.memory_space<vmem_shared>> -> memref<128x128xf32, #tpu.memory_space<vmem_shared>>
    %dma_start3A_57 = arith.constant 0 : i32
    %dma_start3A_58 = arith.constant 0 : i32
    %dma_start3A_59 = tpu.memref_slice %arg12[%dma_start3A_57, %dma_start3A_58] : memref<128x128xf32, #tpu.memory_space<vmem>> -> memref<128x128xf32, #tpu.memory_space<vmem>>
    tpu.enqueue_dma source(%dma_start3A_59 : memref<128x128xf32, #tpu.memory_space<vmem>>) target(%dma_start3A_56 : memref<128x128xf32, #tpu.memory_space<vmem_shared>>) target_semaphore(%arg15 : memref<!tpu.dma_semaphore, #tpu.memory_space<semaphore_mem>>)
    %dma_start3A_60 = arith.constant 0 : i32
    %dma_start3A_61 = arith.constant 0 : i32
    %dma_start3A_62 = tpu.memref_slice %arg12[%dma_start3A_60, %dma_start3A_61] : memref<128x128xf32, #tpu.memory_space<vmem>> -> memref<112x128xf32, #tpu.memory_space<vmem>>
    %dma_start3A_63 = arith.constant 0 : i32
    %dma_start3A_64 = tpu.memref_slice %arg14[%add3A_20, %dma_start3A_63] : memref<10000x128xf32, #tpu.memory_space<vmem_shared>> -> memref<112x128xf32, #tpu.memory_space<vmem_shared>>
    %dma_start3A_65 = arith.constant 0 : i32
    %dma_start3A_66 = tpu.memref_slice %arg14[%add3A_20, %dma_start3A_65] : memref<10000x128xf32, #tpu.memory_space<vmem_shared>> -> memref<112x128xf32, #tpu.memory_space<vmem_shared>>
    %dma_start3A_67 = arith.constant 0 : i32
    %dma_start3A_68 = arith.constant 0 : i32
    %dma_start3A_69 = tpu.memref_slice %arg12[%dma_start3A_67, %dma_start3A_68] : memref<128x128xf32, #tpu.memory_space<vmem>> -> memref<112x128xf32, #tpu.memory_space<vmem>>
    tpu.enqueue_dma source(%dma_start3A_69 : memref<112x128xf32, #tpu.memory_space<vmem>>) target(%dma_start3A_66 : memref<112x128xf32, #tpu.memory_space<vmem_shared>>) target_semaphore(%arg15 : memref<!tpu.dma_semaphore, #tpu.memory_space<semaphore_mem>>)
    %lt3A = arith.constant 2 : i32
    %lt3A_70 = arith.cmpi slt, %arg1, %lt3A : i32
    %convert_element_type3A = arith.extui %lt3A_70 : i1 to i32
    %cond3A = arith.constant 0 : i32
    %cond3A_71 = arith.cmpi ne, %convert_element_type3A, %cond3A : i32
    scf.if %cond3A_71 {
      %mul3A_315 = arith.constant 8 : i32
      %mul3A_316 = arith.muli %arg1, %mul3A_315 : i32
      %add3A_317 = arith.constant 9984 : i32
      %add3A_318 = arith.addi %add3A_317, %mul3A_316 : i32
      %dma_start3A_319 = arith.constant 0 : i32
      %dma_start3A_320 = arith.constant 0 : i32
      %dma_start3A_321 = tpu.memref_slice %arg12[%dma_start3A_319, %dma_start3A_320] : memref<128x128xf32, #tpu.memory_space<vmem>> -> memref<8x128xf32, #tpu.memory_space<vmem>>
      %dma_start3A_322 = arith.constant 0 : i32
      %dma_start3A_323 = tpu.memref_slice %arg14[%add3A_318, %dma_start3A_322] : memref<10000x128xf32, #tpu.memory_space<vmem_shared>> -> memref<8x128xf32, #tpu.memory_space<vmem_shared>>
      %dma_start3A_324 = arith.constant 0 : i32
      %dma_start3A_325 = tpu.memref_slice %arg14[%add3A_318, %dma_start3A_324] : memref<10000x128xf32, #tpu.memory_space<vmem_shared>> -> memref<8x128xf32, #tpu.memory_space<vmem_shared>>
      %dma_start3A_326 = arith.constant 0 : i32
      %dma_start3A_327 = arith.constant 0 : i32
      %dma_start3A_328 = tpu.memref_slice %arg12[%dma_start3A_326, %dma_start3A_327] : memref<128x128xf32, #tpu.memory_space<vmem>> -> memref<8x128xf32, #tpu.memory_space<vmem>>
      tpu.enqueue_dma source(%dma_start3A_328 : memref<8x128xf32, #tpu.memory_space<vmem>>) target(%dma_start3A_325 : memref<8x128xf32, #tpu.memory_space<vmem_shared>>) target_semaphore(%arg15 : memref<!tpu.dma_semaphore, #tpu.memory_space<semaphore_mem>>)
    } else {
    }
    %add3A_72 = arith.constant 0 : i32
    %add3A_73 = arith.addi %mul3A_0, %add3A_72 : i32
    %add3A_74 = arith.constant 128 : i32
    %add3A_75 = arith.addi %mul3A_0, %add3A_74 : i32
    %add3A_76 = arith.constant 256 : i32
    %add3A_77 = arith.addi %mul3A_0, %add3A_76 : i32
    %add3A_78 = arith.constant 384 : i32
    %add3A_79 = arith.addi %mul3A_0, %add3A_78 : i32
    %add3A_80 = arith.constant 512 : i32
    %add3A_81 = arith.addi %mul3A_0, %add3A_80 : i32
    %dma_wait3A = arith.constant 0 : i32
    %dma_wait3A_82 = arith.constant 0 : i32
    %dma_wait3A_83 = tpu.memref_slice %arg12[%dma_wait3A, %dma_wait3A_82] : memref<128x128xf32, #tpu.memory_space<vmem>> -> memref<128x128xf32, #tpu.memory_space<vmem>>
    %dma_wait3A_84 = arith.constant 0 : i32
    %dma_wait3A_85 = tpu.memref_slice %arg14[%add3A_73, %dma_wait3A_84] : memref<10000x128xf32, #tpu.memory_space<vmem_shared>> -> memref<128x128xf32, #tpu.memory_space<vmem_shared>>
    %dma_wait3A_86 = arith.constant 0 : i32
    %dma_wait3A_87 = tpu.memref_slice %arg14[%add3A_73, %dma_wait3A_86] : memref<10000x128xf32, #tpu.memory_space<vmem_shared>> -> memref<128x128xf32, #tpu.memory_space<vmem_shared>>
    %dma_wait3A_88 = arith.constant 0 : i32
    %dma_wait3A_89 = arith.constant 0 : i32
    %dma_wait3A_90 = tpu.memref_slice %arg12[%dma_wait3A_88, %dma_wait3A_89] : memref<128x128xf32, #tpu.memory_space<vmem>> -> memref<128x128xf32, #tpu.memory_space<vmem>>
    tpu.wait_dma2 semaphore(%arg15 : memref<!tpu.dma_semaphore, #tpu.memory_space<semaphore_mem>>) src(%dma_wait3A_90 : memref<128x128xf32, #tpu.memory_space<vmem>>) dst(%dma_wait3A_87 : memref<128x128xf32, #tpu.memory_space<vmem_shared>>)
    %dma_wait3A_91 = arith.constant 0 : i32
    %dma_wait3A_92 = arith.constant 0 : i32
    %dma_wait3A_93 = tpu.memref_slice %arg12[%dma_wait3A_91, %dma_wait3A_92] : memref<128x128xf32, #tpu.memory_space<vmem>> -> memref<128x128xf32, #tpu.memory_space<vmem>>
    %dma_wait3A_94 = arith.constant 0 : i32
    %dma_wait3A_95 = tpu.memref_slice %arg14[%add3A_75, %dma_wait3A_94] : memref<10000x128xf32, #tpu.memory_space<vmem_shared>> -> memref<128x128xf32, #tpu.memory_space<vmem_shared>>
    %dma_wait3A_96 = arith.constant 0 : i32
    %dma_wait3A_97 = tpu.memref_slice %arg14[%add3A_75, %dma_wait3A_96] : memref<10000x128xf32, #tpu.memory_space<vmem_shared>> -> memref<128x128xf32, #tpu.memory_space<vmem_shared>>
    %dma_wait3A_98 = arith.constant 0 : i32
    %dma_wait3A_99 = arith.constant 0 : i32
    %dma_wait3A_100 = tpu.memref_slice %arg12[%dma_wait3A_98, %dma_wait3A_99] : memref<128x128xf32, #tpu.memory_space<vmem>> -> memref<128x128xf32, #tpu.memory_space<vmem>>
    tpu.wait_dma2 semaphore(%arg15 : memref<!tpu.dma_semaphore, #tpu.memory_space<semaphore_mem>>) src(%dma_wait3A_100 : memref<128x128xf32, #tpu.memory_space<vmem>>) dst(%dma_wait3A_97 : memref<128x128xf32, #tpu.memory_space<vmem_shared>>)
    %dma_wait3A_101 = arith.constant 0 : i32
    %dma_wait3A_102 = arith.constant 0 : i32
    %dma_wait3A_103 = tpu.memref_slice %arg12[%dma_wait3A_101, %dma_wait3A_102] : memref<128x128xf32, #tpu.memory_space<vmem>> -> memref<128x128xf32, #tpu.memory_space<vmem>>
    %dma_wait3A_104 = arith.constant 0 : i32
    %dma_wait3A_105 = tpu.memref_slice %arg14[%add3A_77, %dma_wait3A_104] : memref<10000x128xf32, #tpu.memory_space<vmem_shared>> -> memref<128x128xf32, #tpu.memory_space<vmem_shared>>
    %dma_wait3A_106 = arith.constant 0 : i32
    %dma_wait3A_107 = tpu.memref_slice %arg14[%add3A_77, %dma_wait3A_106] : memref<10000x128xf32, #tpu.memory_space<vmem_shared>> -> memref<128x128xf32, #tpu.memory_space<vmem_shared>>
    %dma_wait3A_108 = arith.constant 0 : i32
    %dma_wait3A_109 = arith.constant 0 : i32
    %dma_wait3A_110 = tpu.memref_slice %arg12[%dma_wait3A_108, %dma_wait3A_109] : memref<128x128xf32, #tpu.memory_space<vmem>> -> memref<128x128xf32, #tpu.memory_space<vmem>>
    tpu.wait_dma2 semaphore(%arg15 : memref<!tpu.dma_semaphore, #tpu.memory_space<semaphore_mem>>) src(%dma_wait3A_110 : memref<128x128xf32, #tpu.memory_space<vmem>>) dst(%dma_wait3A_107 : memref<128x128xf32, #tpu.memory_space<vmem_shared>>)
    %dma_wait3A_111 = arith.constant 0 : i32
    %dma_wait3A_112 = arith.constant 0 : i32
    %dma_wait3A_113 = tpu.memref_slice %arg12[%dma_wait3A_111, %dma_wait3A_112] : memref<128x128xf32, #tpu.memory_space<vmem>> -> memref<128x128xf32, #tpu.memory_space<vmem>>
    %dma_wait3A_114 = arith.constant 0 : i32
    %dma_wait3A_115 = tpu.memref_slice %arg14[%add3A_79, %dma_wait3A_114] : memref<10000x128xf32, #tpu.memory_space<vmem_shared>> -> memref<128x128xf32, #tpu.memory_space<vmem_shared>>
    %dma_wait3A_116 = arith.constant 0 : i32
    %dma_wait3A_117 = tpu.memref_slice %arg14[%add3A_79, %dma_wait3A_116] : memref<10000x128xf32, #tpu.memory_space<vmem_shared>> -> memref<128x128xf32, #tpu.memory_space<vmem_shared>>
    %dma_wait3A_118 = arith.constant 0 : i32
    %dma_wait3A_119 = arith.constant 0 : i32
    %dma_wait3A_120 = tpu.memref_slice %arg12[%dma_wait3A_118, %dma_wait3A_119] : memref<128x128xf32, #tpu.memory_space<vmem>> -> memref<128x128xf32, #tpu.memory_space<vmem>>
    tpu.wait_dma2 semaphore(%arg15 : memref<!tpu.dma_semaphore, #tpu.memory_space<semaphore_mem>>) src(%dma_wait3A_120 : memref<128x128xf32, #tpu.memory_space<vmem>>) dst(%dma_wait3A_117 : memref<128x128xf32, #tpu.memory_space<vmem_shared>>)
    %dma_wait3A_121 = arith.constant 0 : i32
    %dma_wait3A_122 = arith.constant 0 : i32
    %dma_wait3A_123 = tpu.memref_slice %arg12[%dma_wait3A_121, %dma_wait3A_122] : memref<128x128xf32, #tpu.memory_space<vmem>> -> memref<112x128xf32, #tpu.memory_space<vmem>>
    %dma_wait3A_124 = arith.constant 0 : i32
    %dma_wait3A_125 = tpu.memref_slice %arg14[%add3A_81, %dma_wait3A_124] : memref<10000x128xf32, #tpu.memory_space<vmem_shared>> -> memref<112x128xf32, #tpu.memory_space<vmem_shared>>
    %dma_wait3A_126 = arith.constant 0 : i32
    %dma_wait3A_127 = tpu.memref_slice %arg14[%add3A_81, %dma_wait3A_126] : memref<10000x128xf32, #tpu.memory_space<vmem_shared>> -> memref<112x128xf32, #tpu.memory_space<vmem_shared>>
    %dma_wait3A_128 = arith.constant 0 : i32
    %dma_wait3A_129 = arith.constant 0 : i32
    %dma_wait3A_130 = tpu.memref_slice %arg12[%dma_wait3A_128, %dma_wait3A_129] : memref<128x128xf32, #tpu.memory_space<vmem>> -> memref<112x128xf32, #tpu.memory_space<vmem>>
    tpu.wait_dma2 semaphore(%arg15 : memref<!tpu.dma_semaphore, #tpu.memory_space<semaphore_mem>>) src(%dma_wait3A_130 : memref<112x128xf32, #tpu.memory_space<vmem>>) dst(%dma_wait3A_127 : memref<112x128xf32, #tpu.memory_space<vmem_shared>>)
    %lt3A_131 = arith.constant 2 : i32
    %lt3A_132 = arith.cmpi slt, %arg1, %lt3A_131 : i32
    %convert_element_type3A_133 = arith.extui %lt3A_132 : i1 to i32
    %cond3A_134 = arith.constant 0 : i32
    %cond3A_135 = arith.cmpi ne, %convert_element_type3A_133, %cond3A_134 : i32
    scf.if %cond3A_135 {
      %mul3A_315 = arith.constant 8 : i32
      %mul3A_316 = arith.muli %arg1, %mul3A_315 : i32
      %add3A_317 = arith.constant 9984 : i32
      %add3A_318 = arith.addi %add3A_317, %mul3A_316 : i32
      %dma_wait3A_319 = arith.constant 0 : i32
      %dma_wait3A_320 = arith.constant 0 : i32
      %dma_wait3A_321 = tpu.memref_slice %arg12[%dma_wait3A_319, %dma_wait3A_320] : memref<128x128xf32, #tpu.memory_space<vmem>> -> memref<8x128xf32, #tpu.memory_space<vmem>>
      %dma_wait3A_322 = arith.constant 0 : i32
      %dma_wait3A_323 = tpu.memref_slice %arg14[%add3A_318, %dma_wait3A_322] : memref<10000x128xf32, #tpu.memory_space<vmem_shared>> -> memref<8x128xf32, #tpu.memory_space<vmem_shared>>
      %dma_wait3A_324 = arith.constant 0 : i32
      %dma_wait3A_325 = tpu.memref_slice %arg14[%add3A_318, %dma_wait3A_324] : memref<10000x128xf32, #tpu.memory_space<vmem_shared>> -> memref<8x128xf32, #tpu.memory_space<vmem_shared>>
      %dma_wait3A_326 = arith.constant 0 : i32
      %dma_wait3A_327 = arith.constant 0 : i32
      %dma_wait3A_328 = tpu.memref_slice %arg12[%dma_wait3A_326, %dma_wait3A_327] : memref<128x128xf32, #tpu.memory_space<vmem>> -> memref<8x128xf32, #tpu.memory_space<vmem>>
      tpu.wait_dma2 semaphore(%arg15 : memref<!tpu.dma_semaphore, #tpu.memory_space<semaphore_mem>>) src(%dma_wait3A_328 : memref<8x128xf32, #tpu.memory_space<vmem>>) dst(%dma_wait3A_325 : memref<8x128xf32, #tpu.memory_space<vmem_shared>>)
    } else {
    }
    %barrier3A = arith.constant 0 : index
    tpu.barrier barrier_id(%barrier3A)
    %add3A_136 = arith.constant 0 : i32
    %add3A_137 = arith.addi %add3A, %add3A_136 : i32
    %dma_start3A_138 = tpu.memref_slice %arg3[%add3A_137] : memref<320000xi32, #tpu.memory_space<hbm>> -> memref<128xi32, #tpu.memory_space<hbm>>
    %dma_start3A_139 = tpu.memref_slice %arg3[%add3A_137] : memref<320000xi32, #tpu.memory_space<hbm>> -> memref<128xi32, #tpu.memory_space<hbm>>
    tpu.enqueue_dma source(%dma_start3A_139 : memref<128xi32, #tpu.memory_space<hbm>>) target(%arg6 : memref<128xi32, #tpu.memory_space<vmem>>) target_semaphore(%arg17 : memref<!tpu.dma_semaphore, #tpu.memory_space<semaphore_mem>>)
    %dma_start3A_140 = tpu.memref_slice %arg4[%add3A_137] : memref<320000xi32, #tpu.memory_space<hbm>> -> memref<128xi32, #tpu.memory_space<hbm>>
    %dma_start3A_141 = tpu.memref_slice %arg4[%add3A_137] : memref<320000xi32, #tpu.memory_space<hbm>> -> memref<128xi32, #tpu.memory_space<hbm>>
    tpu.enqueue_dma source(%dma_start3A_141 : memref<128xi32, #tpu.memory_space<hbm>>) target(%arg7 : memref<128xi32, #tpu.memory_space<vmem>>) target_semaphore(%arg17 : memref<!tpu.dma_semaphore, #tpu.memory_space<semaphore_mem>>)
    %add3A_142 = arith.constant 0 : i32
    %add3A_143 = arith.addi %add3A, %add3A_142 : i32
    %dma_wait3A_144 = tpu.memref_slice %arg3[%add3A_143] : memref<320000xi32, #tpu.memory_space<hbm>> -> memref<128xi32, #tpu.memory_space<hbm>>
    %dma_wait3A_145 = tpu.memref_slice %arg3[%add3A_143] : memref<320000xi32, #tpu.memory_space<hbm>> -> memref<128xi32, #tpu.memory_space<hbm>>
    tpu.wait_dma2 semaphore(%arg17 : memref<!tpu.dma_semaphore, #tpu.memory_space<semaphore_mem>>) src(%dma_wait3A_145 : memref<128xi32, #tpu.memory_space<hbm>>) dst(%arg6 : memref<128xi32, #tpu.memory_space<vmem>>)
    %dma_wait3A_146 = tpu.memref_slice %arg4[%add3A_143] : memref<320000xi32, #tpu.memory_space<hbm>> -> memref<128xi32, #tpu.memory_space<hbm>>
    %dma_wait3A_147 = tpu.memref_slice %arg4[%add3A_143] : memref<320000xi32, #tpu.memory_space<hbm>> -> memref<128xi32, #tpu.memory_space<hbm>>
    tpu.wait_dma2 semaphore(%arg17 : memref<!tpu.dma_semaphore, #tpu.memory_space<semaphore_mem>>) src(%dma_wait3A_147 : memref<128xi32, #tpu.memory_space<hbm>>) dst(%arg7 : memref<128xi32, #tpu.memory_space<vmem>>)
    %dma_start3A_148 = arith.constant 0 : i32
    %dma_start3A_149 = arith.constant 0 : i32
    %dma_start3A_150 = tpu.memref_slice %arg2[%dma_start3A_148, %dma_start3A_149] : memref<10000x128xf32, #tpu.memory_space<hbm>> -> memref<10000x128xf32, #tpu.memory_space<hbm>>
    tpu.enqueue_indirect_dma source(%dma_start3A_150 : memref<10000x128xf32, #tpu.memory_space<hbm>>) target(%arg12 : memref<128x128xf32, #tpu.memory_space<vmem>>) offsets(%arg6 : memref<128xi32, #tpu.memory_space<vmem>>) semaphore(%arg15 : memref<!tpu.dma_semaphore, #tpu.memory_space<semaphore_mem>>)
    %add3A_151 = arith.constant 128 : i32
    %add3A_152 = arith.addi %add3A, %add3A_151 : i32
    %dma_start3A_153 = tpu.memref_slice %arg3[%add3A_152] : memref<320000xi32, #tpu.memory_space<hbm>> -> memref<128xi32, #tpu.memory_space<hbm>>
    %dma_start3A_154 = tpu.memref_slice %arg3[%add3A_152] : memref<320000xi32, #tpu.memory_space<hbm>> -> memref<128xi32, #tpu.memory_space<hbm>>
    tpu.enqueue_dma source(%dma_start3A_154 : memref<128xi32, #tpu.memory_space<hbm>>) target(%arg8 : memref<128xi32, #tpu.memory_space<vmem>>) target_semaphore(%arg18 : memref<!tpu.dma_semaphore, #tpu.memory_space<semaphore_mem>>)
    %dma_start3A_155 = tpu.memref_slice %arg4[%add3A_152] : memref<320000xi32, #tpu.memory_space<hbm>> -> memref<128xi32, #tpu.memory_space<hbm>>
    %dma_start3A_156 = tpu.memref_slice %arg4[%add3A_152] : memref<320000xi32, #tpu.memory_space<hbm>> -> memref<128xi32, #tpu.memory_space<hbm>>
    tpu.enqueue_dma source(%dma_start3A_156 : memref<128xi32, #tpu.memory_space<hbm>>) target(%arg9 : memref<128xi32, #tpu.memory_space<vmem>>) target_semaphore(%arg18 : memref<!tpu.dma_semaphore, #tpu.memory_space<semaphore_mem>>)
    %scan3A_157 = arith.constant 0 : i32
    %scan3A_158 = arith.constant 0 : i32
    %scan3A_159 = arith.constant 39 : i32
    %scan3A_160 = arith.addi %scan3A_158, %scan3A_159 : i32
    %scan3A_161 = arith.constant 1 : i32
    scf.for %scan3A_315 = %scan3A_158 to %scan3A_160 step %scan3A_161  : i32 {
      %mul3A_316 = arith.constant 2 : i32
      %mul3A_317 = arith.muli %mul3A_316, %scan3A_315 : i32
      %add3A_318 = arith.constant 1 : i32
      %add3A_319 = arith.addi %mul3A_317, %add3A_318 : i32
      %mul3A_320 = arith.constant 128 : i32
      %mul3A_321 = arith.muli %add3A_319, %mul3A_320 : i32
      %add3A_322 = arith.addi %add3A, %mul3A_321 : i32
      %dma_wait3A_323 = tpu.memref_slice %arg3[%add3A_322] : memref<320000xi32, #tpu.memory_space<hbm>> -> memref<128xi32, #tpu.memory_space<hbm>>
      %dma_wait3A_324 = tpu.memref_slice %arg3[%add3A_322] : memref<320000xi32, #tpu.memory_space<hbm>> -> memref<128xi32, #tpu.memory_space<hbm>>
      tpu.wait_dma2 semaphore(%arg18 : memref<!tpu.dma_semaphore, #tpu.memory_space<semaphore_mem>>) src(%dma_wait3A_324 : memref<128xi32, #tpu.memory_space<hbm>>) dst(%arg8 : memref<128xi32, #tpu.memory_space<vmem>>)
      %dma_wait3A_325 = tpu.memref_slice %arg4[%add3A_322] : memref<320000xi32, #tpu.memory_space<hbm>> -> memref<128xi32, #tpu.memory_space<hbm>>
      %dma_wait3A_326 = tpu.memref_slice %arg4[%add3A_322] : memref<320000xi32, #tpu.memory_space<hbm>> -> memref<128xi32, #tpu.memory_space<hbm>>
      tpu.wait_dma2 semaphore(%arg18 : memref<!tpu.dma_semaphore, #tpu.memory_space<semaphore_mem>>) src(%dma_wait3A_326 : memref<128xi32, #tpu.memory_space<hbm>>) dst(%arg9 : memref<128xi32, #tpu.memory_space<vmem>>)
      %dma_start3A_327 = arith.constant 0 : i32
      %dma_start3A_328 = arith.constant 0 : i32
      %dma_start3A_329 = tpu.memref_slice %arg2[%dma_start3A_327, %dma_start3A_328] : memref<10000x128xf32, #tpu.memory_space<hbm>> -> memref<10000x128xf32, #tpu.memory_space<hbm>>
      tpu.enqueue_indirect_dma source(%dma_start3A_329 : memref<10000x128xf32, #tpu.memory_space<hbm>>) target(%arg13 : memref<128x128xf32, #tpu.memory_space<vmem>>) offsets(%arg8 : memref<128xi32, #tpu.memory_space<vmem>>) semaphore(%arg16 : memref<!tpu.dma_semaphore, #tpu.memory_space<semaphore_mem>>)
      %dma_wait3A_330 = arith.constant 0 : i32
      %dma_wait3A_331 = arith.constant 0 : i32
      %dma_wait3A_332 = tpu.memref_slice %arg2[%dma_wait3A_330, %dma_wait3A_331] : memref<10000x128xf32, #tpu.memory_space<hbm>> -> memref<10000x128xf32, #tpu.memory_space<hbm>>
      tpu.wait_indirect_dma semaphore(%arg15 : memref<!tpu.dma_semaphore, #tpu.memory_space<semaphore_mem>>) src(%dma_wait3A_332 : memref<10000x128xf32, #tpu.memory_space<hbm>>) dst(%arg12 : memref<128x128xf32, #tpu.memory_space<vmem>>)
      "tpu.region"() ({
        %run_scoped3A = tpu.sem_alloc : memref<!tpu.dma_semaphore, #tpu.memory_space<semaphore_mem>>
        %dma_start3A_346 = arith.constant 0 : i32
        %dma_start3A_347 = arith.constant 0 : i32
        %dma_start3A_348 = tpu.memref_slice %arg14[%dma_start3A_346, %dma_start3A_347] : memref<10000x128xf32, #tpu.memory_space<vmem_shared>> -> memref<10000x128xf32, #tpu.memory_space<vmem_shared>>
        tpu.enqueue_indirect_dma source(%arg12 : memref<128x128xf32, #tpu.memory_space<vmem>>) target(%dma_start3A_348 : memref<10000x128xf32, #tpu.memory_space<vmem_shared>>) offsets(%arg7 : memref<128xi32, #tpu.memory_space<vmem>>) semaphore(%run_scoped3A : memref<!tpu.dma_semaphore, #tpu.memory_space<semaphore_mem>>) {add = true}
        %dma_wait3A_349 = arith.constant 0 : i32
        %dma_wait3A_350 = arith.constant 0 : i32
        %dma_wait3A_351 = tpu.memref_slice %arg14[%dma_wait3A_349, %dma_wait3A_350] : memref<10000x128xf32, #tpu.memory_space<vmem_shared>> -> memref<10000x128xf32, #tpu.memory_space<vmem_shared>>
        tpu.wait_indirect_dma semaphore(%run_scoped3A : memref<!tpu.dma_semaphore, #tpu.memory_space<semaphore_mem>>) src(%arg12 : memref<128x128xf32, #tpu.memory_space<vmem>>) dst(%dma_wait3A_351 : memref<10000x128xf32, #tpu.memory_space<vmem_shared>>)
        tpu.yield
      }) : () -> ()
      %lt3A_333 = arith.constant 38 : i32
      %lt3A_334 = arith.cmpi slt, %scan3A_315, %lt3A_333 : i32
      %convert_element_type3A_335 = arith.extui %lt3A_334 : i1 to i32
      %cond3A_336 = arith.constant 0 : i32
      %cond3A_337 = arith.cmpi ne, %convert_element_type3A_335, %cond3A_336 : i32
      scf.if %cond3A_337 {
        %add3A_346 = arith.constant 2 : i32
        %add3A_347 = arith.addi %mul3A_317, %add3A_346 : i32
        %mul3A_348 = arith.constant 128 : i32
        %mul3A_349 = arith.muli %add3A_347, %mul3A_348 : i32
        %add3A_350 = arith.addi %add3A, %mul3A_349 : i32
        %dma_start3A_351 = tpu.memref_slice %arg3[%add3A_350] : memref<320000xi32, #tpu.memory_space<hbm>> -> memref<128xi32, #tpu.memory_space<hbm>>
        %dma_start3A_352 = tpu.memref_slice %arg3[%add3A_350] : memref<320000xi32, #tpu.memory_space<hbm>> -> memref<128xi32, #tpu.memory_space<hbm>>
        tpu.enqueue_dma source(%dma_start3A_352 : memref<128xi32, #tpu.memory_space<hbm>>) target(%arg6 : memref<128xi32, #tpu.memory_space<vmem>>) target_semaphore(%arg17 : memref<!tpu.dma_semaphore, #tpu.memory_space<semaphore_mem>>)
        %dma_start3A_353 = tpu.memref_slice %arg4[%add3A_350] : memref<320000xi32, #tpu.memory_space<hbm>> -> memref<128xi32, #tpu.memory_space<hbm>>
        %dma_start3A_354 = tpu.memref_slice %arg4[%add3A_350] : memref<320000xi32, #tpu.memory_space<hbm>> -> memref<128xi32, #tpu.memory_space<hbm>>
        tpu.enqueue_dma source(%dma_start3A_354 : memref<128xi32, #tpu.memory_space<hbm>>) target(%arg7 : memref<128xi32, #tpu.memory_space<vmem>>) target_semaphore(%arg17 : memref<!tpu.dma_semaphore, #tpu.memory_space<semaphore_mem>>)
      } else {
      }
      %dma_wait3A_338 = arith.constant 0 : i32
      %dma_wait3A_339 = arith.constant 0 : i32
      %dma_wait3A_340 = tpu.memref_slice %arg2[%dma_wait3A_338, %dma_wait3A_339] : memref<10000x128xf32, #tpu.memory_space<hbm>> -> memref<10000x128xf32, #tpu.memory_space<hbm>>
      tpu.wait_indirect_dma semaphore(%arg16 : memref<!tpu.dma_semaphore, #tpu.memory_space<semaphore_mem>>) src(%dma_wait3A_340 : memref<10000x128xf32, #tpu.memory_space<hbm>>) dst(%arg13 : memref<128x128xf32, #tpu.memory_space<vmem>>)
      "tpu.region"() ({
        %run_scoped3A = tpu.sem_alloc : memref<!tpu.dma_semaphore, #tpu.memory_space<semaphore_mem>>
        %dma_start3A_346 = arith.constant 0 : i32
        %dma_start3A_347 = arith.constant 0 : i32
        %dma_start3A_348 = tpu.memref_slice %arg14[%dma_start3A_346, %dma_start3A_347] : memref<10000x128xf32, #tpu.memory_space<vmem_shared>> -> memref<10000x128xf32, #tpu.memory_space<vmem_shared>>
        tpu.enqueue_indirect_dma source(%arg13 : memref<128x128xf32, #tpu.memory_space<vmem>>) target(%dma_start3A_348 : memref<10000x128xf32, #tpu.memory_space<vmem_shared>>) offsets(%arg9 : memref<128xi32, #tpu.memory_space<vmem>>) semaphore(%run_scoped3A : memref<!tpu.dma_semaphore, #tpu.memory_space<semaphore_mem>>) {add = true}
        %dma_wait3A_349 = arith.constant 0 : i32
        %dma_wait3A_350 = arith.constant 0 : i32
        %dma_wait3A_351 = tpu.memref_slice %arg14[%dma_wait3A_349, %dma_wait3A_350] : memref<10000x128xf32, #tpu.memory_space<vmem_shared>> -> memref<10000x128xf32, #tpu.memory_space<vmem_shared>>
        tpu.wait_indirect_dma semaphore(%run_scoped3A : memref<!tpu.dma_semaphore, #tpu.memory_space<semaphore_mem>>) src(%arg13 : memref<128x128xf32, #tpu.memory_space<vmem>>) dst(%dma_wait3A_351 : memref<10000x128xf32, #tpu.memory_space<vmem_shared>>)
        tpu.yield
      }) : () -> ()
      %lt3A_341 = arith.constant 38 : i32
      %lt3A_342 = arith.cmpi slt, %scan3A_315, %lt3A_341 : i32
      %convert_element_type3A_343 = arith.extui %lt3A_342 : i1 to i32
      %cond3A_344 = arith.constant 0 : i32
      %cond3A_345 = arith.cmpi ne, %convert_element_type3A_343, %cond3A_344 : i32
      scf.if %cond3A_345 {
        %add3A_346 = arith.constant 2 : i32
        %add3A_347 = arith.addi %mul3A_317, %add3A_346 : i32
        %mul3A_348 = arith.constant 128 : i32
        %mul3A_349 = arith.muli %add3A_347, %mul3A_348 : i32
        %add3A_350 = arith.addi %add3A, %mul3A_349 : i32
        %dma_wait3A_351 = tpu.memref_slice %arg3[%add3A_350] : memref<320000xi32, #tpu.memory_space<hbm>> -> memref<128xi32, #tpu.memory_space<hbm>>
        %dma_wait3A_352 = tpu.memref_slice %arg3[%add3A_350] : memref<320000xi32, #tpu.memory_space<hbm>> -> memref<128xi32, #tpu.memory_space<hbm>>
        tpu.wait_dma2 semaphore(%arg17 : memref<!tpu.dma_semaphore, #tpu.memory_space<semaphore_mem>>) src(%dma_wait3A_352 : memref<128xi32, #tpu.memory_space<hbm>>) dst(%arg6 : memref<128xi32, #tpu.memory_space<vmem>>)
        %dma_wait3A_353 = tpu.memref_slice %arg4[%add3A_350] : memref<320000xi32, #tpu.memory_space<hbm>> -> memref<128xi32, #tpu.memory_space<hbm>>
        %dma_wait3A_354 = tpu.memref_slice %arg4[%add3A_350] : memref<320000xi32, #tpu.memory_space<hbm>> -> memref<128xi32, #tpu.memory_space<hbm>>
        tpu.wait_dma2 semaphore(%arg17 : memref<!tpu.dma_semaphore, #tpu.memory_space<semaphore_mem>>) src(%dma_wait3A_354 : memref<128xi32, #tpu.memory_space<hbm>>) dst(%arg7 : memref<128xi32, #tpu.memory_space<vmem>>)
        %dma_start3A_355 = arith.constant 0 : i32
        %dma_start3A_356 = arith.constant 0 : i32
        %dma_start3A_357 = tpu.memref_slice %arg2[%dma_start3A_355, %dma_start3A_356] : memref<10000x128xf32, #tpu.memory_space<hbm>> -> memref<10000x128xf32, #tpu.memory_space<hbm>>
        tpu.enqueue_indirect_dma source(%dma_start3A_357 : memref<10000x128xf32, #tpu.memory_space<hbm>>) target(%arg12 : memref<128x128xf32, #tpu.memory_space<vmem>>) offsets(%arg6 : memref<128xi32, #tpu.memory_space<vmem>>) semaphore(%arg15 : memref<!tpu.dma_semaphore, #tpu.memory_space<semaphore_mem>>)
        %add3A_358 = arith.constant 2 : i32
        %add3A_359 = arith.addi %add3A_319, %add3A_358 : i32
        %mul3A_360 = arith.constant 128 : i32
        %mul3A_361 = arith.muli %add3A_359, %mul3A_360 : i32
        %add3A_362 = arith.addi %add3A, %mul3A_361 : i32
        %dma_start3A_363 = tpu.memref_slice %arg3[%add3A_362] : memref<320000xi32, #tpu.memory_space<hbm>> -> memref<128xi32, #tpu.memory_space<hbm>>
        %dma_start3A_364 = tpu.memref_slice %arg3[%add3A_362] : memref<320000xi32, #tpu.memory_space<hbm>> -> memref<128xi32, #tpu.memory_space<hbm>>
        tpu.enqueue_dma source(%dma_start3A_364 : memref<128xi32, #tpu.memory_space<hbm>>) target(%arg8 : memref<128xi32, #tpu.memory_space<vmem>>) target_semaphore(%arg18 : memref<!tpu.dma_semaphore, #tpu.memory_space<semaphore_mem>>)
        %dma_start3A_365 = tpu.memref_slice %arg4[%add3A_362] : memref<320000xi32, #tpu.memory_space<hbm>> -> memref<128xi32, #tpu.memory_space<hbm>>
        %dma_start3A_366 = tpu.memref_slice %arg4[%add3A_362] : memref<320000xi32, #tpu.memory_space<hbm>> -> memref<128xi32, #tpu.memory_space<hbm>>
        tpu.enqueue_dma source(%dma_start3A_366 : memref<128xi32, #tpu.memory_space<hbm>>) target(%arg9 : memref<128xi32, #tpu.memory_space<vmem>>) target_semaphore(%arg18 : memref<!tpu.dma_semaphore, #tpu.memory_space<semaphore_mem>>)
      } else {
      }
    }
    %scan3A_162 = arith.constant 39 : i32
    %add3A_163 = arith.constant 9984 : i32
    %add3A_164 = arith.addi %add3A, %add3A_163 : i32
    "tpu.region"() ({
      %run_scoped3A = tpu.sem_alloc : memref<!tpu.dma_semaphore, #tpu.memory_space<semaphore_mem>>
      %dma_start3A_315 = tpu.memref_slice %arg3[%add3A_164] : memref<320000xi32, #tpu.memory_space<hbm>> -> memref<16xi32, #tpu.memory_space<hbm>>
      %dma_start3A_316 = tpu.memref_slice %arg3[%add3A_164] : memref<320000xi32, #tpu.memory_space<hbm>> -> memref<16xi32, #tpu.memory_space<hbm>>
      tpu.enqueue_dma source(%dma_start3A_316 : memref<16xi32, #tpu.memory_space<hbm>>) target(%arg10 : memref<16xi32, #tpu.memory_space<vmem>>) target_semaphore(%run_scoped3A : memref<!tpu.dma_semaphore, #tpu.memory_space<semaphore_mem>>)
      %dma_wait3A_317 = tpu.memref_slice %arg3[%add3A_164] : memref<320000xi32, #tpu.memory_space<hbm>> -> memref<16xi32, #tpu.memory_space<hbm>>
      %dma_wait3A_318 = tpu.memref_slice %arg3[%add3A_164] : memref<320000xi32, #tpu.memory_space<hbm>> -> memref<16xi32, #tpu.memory_space<hbm>>
      tpu.wait_dma2 semaphore(%run_scoped3A : memref<!tpu.dma_semaphore, #tpu.memory_space<semaphore_mem>>) src(%dma_wait3A_318 : memref<16xi32, #tpu.memory_space<hbm>>) dst(%arg10 : memref<16xi32, #tpu.memory_space<vmem>>)
      tpu.yield
    }) : () -> ()
    %add3A_165 = arith.constant 9984 : i32
    %add3A_166 = arith.addi %add3A, %add3A_165 : i32
    "tpu.region"() ({
      %run_scoped3A = tpu.sem_alloc : memref<!tpu.dma_semaphore, #tpu.memory_space<semaphore_mem>>
      %dma_start3A_315 = tpu.memref_slice %arg4[%add3A_166] : memref<320000xi32, #tpu.memory_space<hbm>> -> memref<16xi32, #tpu.memory_space<hbm>>
      %dma_start3A_316 = tpu.memref_slice %arg4[%add3A_166] : memref<320000xi32, #tpu.memory_space<hbm>> -> memref<16xi32, #tpu.memory_space<hbm>>
      tpu.enqueue_dma source(%dma_start3A_316 : memref<16xi32, #tpu.memory_space<hbm>>) target(%arg11 : memref<16xi32, #tpu.memory_space<vmem>>) target_semaphore(%run_scoped3A : memref<!tpu.dma_semaphore, #tpu.memory_space<semaphore_mem>>)
      %dma_wait3A_317 = tpu.memref_slice %arg4[%add3A_166] : memref<320000xi32, #tpu.memory_space<hbm>> -> memref<16xi32, #tpu.memory_space<hbm>>
      %dma_wait3A_318 = tpu.memref_slice %arg4[%add3A_166] : memref<320000xi32, #tpu.memory_space<hbm>> -> memref<16xi32, #tpu.memory_space<hbm>>
      tpu.wait_dma2 semaphore(%run_scoped3A : memref<!tpu.dma_semaphore, #tpu.memory_space<semaphore_mem>>) src(%dma_wait3A_318 : memref<16xi32, #tpu.memory_space<hbm>>) dst(%arg11 : memref<16xi32, #tpu.memory_space<vmem>>)
      tpu.yield
    }) : () -> ()
    %dma_start3A_167 = arith.constant 0 : i32
    %dma_start3A_168 = arith.constant 0 : i32
    %dma_start3A_169 = tpu.memref_slice %arg12[%dma_start3A_167, %dma_start3A_168] : memref<128x128xf32, #tpu.memory_space<vmem>> -> memref<16x128xf32, #tpu.memory_space<vmem>>
    %dma_start3A_170 = arith.constant 0 : i32
    %dma_start3A_171 = arith.constant 0 : i32
    %dma_start3A_172 = tpu.memref_slice %arg2[%dma_start3A_170, %dma_start3A_171] : memref<10000x128xf32, #tpu.memory_space<hbm>> -> memref<10000x128xf32, #tpu.memory_space<hbm>>
    tpu.enqueue_indirect_dma source(%dma_start3A_172 : memref<10000x128xf32, #tpu.memory_space<hbm>>) target(%dma_start3A_169 : memref<16x128xf32, #tpu.memory_space<vmem>>) offsets(%arg10 : memref<16xi32, #tpu.memory_space<vmem>>) semaphore(%arg15 : memref<!tpu.dma_semaphore, #tpu.memory_space<semaphore_mem>>)
    %dma_wait3A_173 = arith.constant 0 : i32
    %dma_wait3A_174 = arith.constant 0 : i32
    %dma_wait3A_175 = tpu.memref_slice %arg12[%dma_wait3A_173, %dma_wait3A_174] : memref<128x128xf32, #tpu.memory_space<vmem>> -> memref<16x128xf32, #tpu.memory_space<vmem>>
    %dma_wait3A_176 = arith.constant 0 : i32
    %dma_wait3A_177 = arith.constant 0 : i32
    %dma_wait3A_178 = tpu.memref_slice %arg2[%dma_wait3A_176, %dma_wait3A_177] : memref<10000x128xf32, #tpu.memory_space<hbm>> -> memref<10000x128xf32, #tpu.memory_space<hbm>>
    tpu.wait_indirect_dma semaphore(%arg15 : memref<!tpu.dma_semaphore, #tpu.memory_space<semaphore_mem>>) src(%dma_wait3A_178 : memref<10000x128xf32, #tpu.memory_space<hbm>>) dst(%dma_wait3A_175 : memref<16x128xf32, #tpu.memory_space<vmem>>)
    "tpu.region"() ({
      %run_scoped3A = tpu.sem_alloc : memref<!tpu.dma_semaphore, #tpu.memory_space<semaphore_mem>>
      %dma_start3A_315 = arith.constant 0 : i32
      %dma_start3A_316 = arith.constant 0 : i32
      %dma_start3A_317 = tpu.memref_slice %arg12[%dma_start3A_315, %dma_start3A_316] : memref<128x128xf32, #tpu.memory_space<vmem>> -> memref<16x128xf32, #tpu.memory_space<vmem>>
      %dma_start3A_318 = arith.constant 0 : i32
      %dma_start3A_319 = arith.constant 0 : i32
      %dma_start3A_320 = tpu.memref_slice %arg14[%dma_start3A_318, %dma_start3A_319] : memref<10000x128xf32, #tpu.memory_space<vmem_shared>> -> memref<10000x128xf32, #tpu.memory_space<vmem_shared>>
      tpu.enqueue_indirect_dma source(%dma_start3A_317 : memref<16x128xf32, #tpu.memory_space<vmem>>) target(%dma_start3A_320 : memref<10000x128xf32, #tpu.memory_space<vmem_shared>>) offsets(%arg11 : memref<16xi32, #tpu.memory_space<vmem>>) semaphore(%run_scoped3A : memref<!tpu.dma_semaphore, #tpu.memory_space<semaphore_mem>>) {add = true}
      %dma_wait3A_321 = arith.constant 0 : i32
      %dma_wait3A_322 = arith.constant 0 : i32
      %dma_wait3A_323 = tpu.memref_slice %arg12[%dma_wait3A_321, %dma_wait3A_322] : memref<128x128xf32, #tpu.memory_space<vmem>> -> memref<16x128xf32, #tpu.memory_space<vmem>>
      %dma_wait3A_324 = arith.constant 0 : i32
      %dma_wait3A_325 = arith.constant 0 : i32
      %dma_wait3A_326 = tpu.memref_slice %arg14[%dma_wait3A_324, %dma_wait3A_325] : memref<10000x128xf32, #tpu.memory_space<vmem_shared>> -> memref<10000x128xf32, #tpu.memory_space<vmem_shared>>
      tpu.wait_indirect_dma semaphore(%run_scoped3A : memref<!tpu.dma_semaphore, #tpu.memory_space<semaphore_mem>>) src(%dma_wait3A_323 : memref<16x128xf32, #tpu.memory_space<vmem>>) dst(%dma_wait3A_326 : memref<10000x128xf32, #tpu.memory_space<vmem_shared>>)
      tpu.yield
    }) : () -> ()
    %barrier3A_179 = arith.constant 0 : index
    tpu.barrier barrier_id(%barrier3A_179)
    %add3A_180 = arith.constant 0 : i32
    %add3A_181 = arith.addi %mul3A_0, %add3A_180 : i32
    %add3A_182 = arith.constant 128 : i32
    %add3A_183 = arith.addi %mul3A_0, %add3A_182 : i32
    %add3A_184 = arith.constant 256 : i32
    %add3A_185 = arith.addi %mul3A_0, %add3A_184 : i32
    %add3A_186 = arith.constant 384 : i32
    %add3A_187 = arith.addi %mul3A_0, %add3A_186 : i32
    %add3A_188 = arith.constant 512 : i32
    %add3A_189 = arith.addi %mul3A_0, %add3A_188 : i32
    "tpu.region"() ({
      %run_scoped3A = tpu.sem_alloc : memref<!tpu.dma_semaphore, #tpu.memory_space<semaphore_mem>>
      %dma_start3A_315 = arith.constant 0 : i32
      %dma_start3A_316 = arith.constant 0 : i32
      %dma_start3A_317 = tpu.memref_slice %arg12[%dma_start3A_315, %dma_start3A_316] : memref<128x128xf32, #tpu.memory_space<vmem>> -> memref<128x128xf32, #tpu.memory_space<vmem>>
      %dma_start3A_318 = arith.constant 0 : i32
      %dma_start3A_319 = tpu.memref_slice %arg14[%add3A_181, %dma_start3A_318] : memref<10000x128xf32, #tpu.memory_space<vmem_shared>> -> memref<128x128xf32, #tpu.memory_space<vmem_shared>>
      %dma_start3A_320 = arith.constant 0 : i32
      %dma_start3A_321 = arith.constant 0 : i32
      %dma_start3A_322 = tpu.memref_slice %arg12[%dma_start3A_320, %dma_start3A_321] : memref<128x128xf32, #tpu.memory_space<vmem>> -> memref<128x128xf32, #tpu.memory_space<vmem>>
      %dma_start3A_323 = arith.constant 0 : i32
      %dma_start3A_324 = tpu.memref_slice %arg14[%add3A_181, %dma_start3A_323] : memref<10000x128xf32, #tpu.memory_space<vmem_shared>> -> memref<128x128xf32, #tpu.memory_space<vmem_shared>>
      tpu.enqueue_dma source(%dma_start3A_324 : memref<128x128xf32, #tpu.memory_space<vmem_shared>>) target(%dma_start3A_322 : memref<128x128xf32, #tpu.memory_space<vmem>>) target_semaphore(%run_scoped3A : memref<!tpu.dma_semaphore, #tpu.memory_space<semaphore_mem>>)
      %dma_wait3A_325 = arith.constant 0 : i32
      %dma_wait3A_326 = arith.constant 0 : i32
      %dma_wait3A_327 = tpu.memref_slice %arg12[%dma_wait3A_325, %dma_wait3A_326] : memref<128x128xf32, #tpu.memory_space<vmem>> -> memref<128x128xf32, #tpu.memory_space<vmem>>
      %dma_wait3A_328 = arith.constant 0 : i32
      %dma_wait3A_329 = tpu.memref_slice %arg14[%add3A_181, %dma_wait3A_328] : memref<10000x128xf32, #tpu.memory_space<vmem_shared>> -> memref<128x128xf32, #tpu.memory_space<vmem_shared>>
      %dma_wait3A_330 = arith.constant 0 : i32
      %dma_wait3A_331 = arith.constant 0 : i32
      %dma_wait3A_332 = tpu.memref_slice %arg12[%dma_wait3A_330, %dma_wait3A_331] : memref<128x128xf32, #tpu.memory_space<vmem>> -> memref<128x128xf32, #tpu.memory_space<vmem>>
      %dma_wait3A_333 = arith.constant 0 : i32
      %dma_wait3A_334 = tpu.memref_slice %arg14[%add3A_181, %dma_wait3A_333] : memref<10000x128xf32, #tpu.memory_space<vmem_shared>> -> memref<128x128xf32, #tpu.memory_space<vmem_shared>>
      tpu.wait_dma2 semaphore(%run_scoped3A : memref<!tpu.dma_semaphore, #tpu.memory_space<semaphore_mem>>) src(%dma_wait3A_334 : memref<128x128xf32, #tpu.memory_space<vmem_shared>>) dst(%dma_wait3A_332 : memref<128x128xf32, #tpu.memory_space<vmem>>)
      tpu.yield
    }) : () -> ()
    %dma_start3A_190 = arith.constant 0 : i32
    %dma_start3A_191 = arith.constant 0 : i32
    %dma_start3A_192 = tpu.memref_slice %arg12[%dma_start3A_190, %dma_start3A_191] : memref<128x128xf32, #tpu.memory_space<vmem>> -> memref<128x128xf32, #tpu.memory_space<vmem>>
    %dma_start3A_193 = arith.constant 0 : i32
    %dma_start3A_194 = tpu.memref_slice %arg5[%arg0, %add3A_181, %dma_start3A_193] : memref<2x10000x128xf32, #tpu.memory_space<hbm>> -> memref<1x128x128xf32, #tpu.memory_space<hbm>>
    %dma_start3A_195 = tpu.memref_squeeze %dma_start3A_194 : memref<1x128x128xf32, #tpu.memory_space<hbm>> -> memref<128x128xf32, #tpu.memory_space<hbm>>
    %dma_start3A_196 = arith.constant 0 : i32
    %dma_start3A_197 = tpu.memref_slice %arg5[%arg0, %add3A_181, %dma_start3A_196] : memref<2x10000x128xf32, #tpu.memory_space<hbm>> -> memref<1x128x128xf32, #tpu.memory_space<hbm>>
    %dma_start3A_198 = tpu.memref_squeeze %dma_start3A_197 : memref<1x128x128xf32, #tpu.memory_space<hbm>> -> memref<128x128xf32, #tpu.memory_space<hbm>>
    %dma_start3A_199 = arith.constant 0 : i32
    %dma_start3A_200 = arith.constant 0 : i32
    %dma_start3A_201 = tpu.memref_slice %arg12[%dma_start3A_199, %dma_start3A_200] : memref<128x128xf32, #tpu.memory_space<vmem>> -> memref<128x128xf32, #tpu.memory_space<vmem>>
    tpu.enqueue_dma source(%dma_start3A_201 : memref<128x128xf32, #tpu.memory_space<vmem>>) target(%dma_start3A_198 : memref<128x128xf32, #tpu.memory_space<hbm>>) target_semaphore(%arg15 : memref<!tpu.dma_semaphore, #tpu.memory_space<semaphore_mem>>)
    "tpu.region"() ({
      %run_scoped3A = tpu.sem_alloc : memref<!tpu.dma_semaphore, #tpu.memory_space<semaphore_mem>>
      %dma_start3A_315 = arith.constant 0 : i32
      %dma_start3A_316 = arith.constant 0 : i32
      %dma_start3A_317 = tpu.memref_slice %arg13[%dma_start3A_315, %dma_start3A_316] : memref<128x128xf32, #tpu.memory_space<vmem>> -> memref<128x128xf32, #tpu.memory_space<vmem>>
      %dma_start3A_318 = arith.constant 0 : i32
      %dma_start3A_319 = tpu.memref_slice %arg14[%add3A_183, %dma_start3A_318] : memref<10000x128xf32, #tpu.memory_space<vmem_shared>> -> memref<128x128xf32, #tpu.memory_space<vmem_shared>>
      %dma_start3A_320 = arith.constant 0 : i32
      %dma_start3A_321 = arith.constant 0 : i32
      %dma_start3A_322 = tpu.memref_slice %arg13[%dma_start3A_320, %dma_start3A_321] : memref<128x128xf32, #tpu.memory_space<vmem>> -> memref<128x128xf32, #tpu.memory_space<vmem>>
      %dma_start3A_323 = arith.constant 0 : i32
      %dma_start3A_324 = tpu.memref_slice %arg14[%add3A_183, %dma_start3A_323] : memref<10000x128xf32, #tpu.memory_space<vmem_shared>> -> memref<128x128xf32, #tpu.memory_space<vmem_shared>>
      tpu.enqueue_dma source(%dma_start3A_324 : memref<128x128xf32, #tpu.memory_space<vmem_shared>>) target(%dma_start3A_322 : memref<128x128xf32, #tpu.memory_space<vmem>>) target_semaphore(%run_scoped3A : memref<!tpu.dma_semaphore, #tpu.memory_space<semaphore_mem>>)
      %dma_wait3A_325 = arith.constant 0 : i32
      %dma_wait3A_326 = arith.constant 0 : i32
      %dma_wait3A_327 = tpu.memref_slice %arg13[%dma_wait3A_325, %dma_wait3A_326] : memref<128x128xf32, #tpu.memory_space<vmem>> -> memref<128x128xf32, #tpu.memory_space<vmem>>
      %dma_wait3A_328 = arith.constant 0 : i32
      %dma_wait3A_329 = tpu.memref_slice %arg14[%add3A_183, %dma_wait3A_328] : memref<10000x128xf32, #tpu.memory_space<vmem_shared>> -> memref<128x128xf32, #tpu.memory_space<vmem_shared>>
      %dma_wait3A_330 = arith.constant 0 : i32
      %dma_wait3A_331 = arith.constant 0 : i32
      %dma_wait3A_332 = tpu.memref_slice %arg13[%dma_wait3A_330, %dma_wait3A_331] : memref<128x128xf32, #tpu.memory_space<vmem>> -> memref<128x128xf32, #tpu.memory_space<vmem>>
      %dma_wait3A_333 = arith.constant 0 : i32
      %dma_wait3A_334 = tpu.memref_slice %arg14[%add3A_183, %dma_wait3A_333] : memref<10000x128xf32, #tpu.memory_space<vmem_shared>> -> memref<128x128xf32, #tpu.memory_space<vmem_shared>>
      tpu.wait_dma2 semaphore(%run_scoped3A : memref<!tpu.dma_semaphore, #tpu.memory_space<semaphore_mem>>) src(%dma_wait3A_334 : memref<128x128xf32, #tpu.memory_space<vmem_shared>>) dst(%dma_wait3A_332 : memref<128x128xf32, #tpu.memory_space<vmem>>)
      tpu.yield
    }) : () -> ()
    %dma_start3A_202 = arith.constant 0 : i32
    %dma_start3A_203 = arith.constant 0 : i32
    %dma_start3A_204 = tpu.memref_slice %arg13[%dma_start3A_202, %dma_start3A_203] : memref<128x128xf32, #tpu.memory_space<vmem>> -> memref<128x128xf32, #tpu.memory_space<vmem>>
    %dma_start3A_205 = arith.constant 0 : i32
    %dma_start3A_206 = tpu.memref_slice %arg5[%arg0, %add3A_183, %dma_start3A_205] : memref<2x10000x128xf32, #tpu.memory_space<hbm>> -> memref<1x128x128xf32, #tpu.memory_space<hbm>>
    %dma_start3A_207 = tpu.memref_squeeze %dma_start3A_206 : memref<1x128x128xf32, #tpu.memory_space<hbm>> -> memref<128x128xf32, #tpu.memory_space<hbm>>
    %dma_start3A_208 = arith.constant 0 : i32
    %dma_start3A_209 = tpu.memref_slice %arg5[%arg0, %add3A_183, %dma_start3A_208] : memref<2x10000x128xf32, #tpu.memory_space<hbm>> -> memref<1x128x128xf32, #tpu.memory_space<hbm>>
    %dma_start3A_210 = tpu.memref_squeeze %dma_start3A_209 : memref<1x128x128xf32, #tpu.memory_space<hbm>> -> memref<128x128xf32, #tpu.memory_space<hbm>>
    %dma_start3A_211 = arith.constant 0 : i32
    %dma_start3A_212 = arith.constant 0 : i32
    %dma_start3A_213 = tpu.memref_slice %arg13[%dma_start3A_211, %dma_start3A_212] : memref<128x128xf32, #tpu.memory_space<vmem>> -> memref<128x128xf32, #tpu.memory_space<vmem>>
    tpu.enqueue_dma source(%dma_start3A_213 : memref<128x128xf32, #tpu.memory_space<vmem>>) target(%dma_start3A_210 : memref<128x128xf32, #tpu.memory_space<hbm>>) target_semaphore(%arg16 : memref<!tpu.dma_semaphore, #tpu.memory_space<semaphore_mem>>)
    %dma_wait3A_214 = arith.constant 0 : i32
    %dma_wait3A_215 = arith.constant 0 : i32
    %dma_wait3A_216 = tpu.memref_slice %arg12[%dma_wait3A_214, %dma_wait3A_215] : memref<128x128xf32, #tpu.memory_space<vmem>> -> memref<128x128xf32, #tpu.memory_space<vmem>>
    %dma_wait3A_217 = arith.constant 0 : i32
    %dma_wait3A_218 = tpu.memref_slice %arg5[%arg0, %add3A_181, %dma_wait3A_217] : memref<2x10000x128xf32, #tpu.memory_space<hbm>> -> memref<1x128x128xf32, #tpu.memory_space<hbm>>
    %dma_wait3A_219 = tpu.memref_squeeze %dma_wait3A_218 : memref<1x128x128xf32, #tpu.memory_space<hbm>> -> memref<128x128xf32, #tpu.memory_space<hbm>>
    %dma_wait3A_220 = arith.constant 0 : i32
    %dma_wait3A_221 = tpu.memref_slice %arg5[%arg0, %add3A_181, %dma_wait3A_220] : memref<2x10000x128xf32, #tpu.memory_space<hbm>> -> memref<1x128x128xf32, #tpu.memory_space<hbm>>
    %dma_wait3A_222 = tpu.memref_squeeze %dma_wait3A_221 : memref<1x128x128xf32, #tpu.memory_space<hbm>> -> memref<128x128xf32, #tpu.memory_space<hbm>>
    %dma_wait3A_223 = arith.constant 0 : i32
    %dma_wait3A_224 = arith.constant 0 : i32
    %dma_wait3A_225 = tpu.memref_slice %arg12[%dma_wait3A_223, %dma_wait3A_224] : memref<128x128xf32, #tpu.memory_space<vmem>> -> memref<128x128xf32, #tpu.memory_space<vmem>>
    tpu.wait_dma2 semaphore(%arg15 : memref<!tpu.dma_semaphore, #tpu.memory_space<semaphore_mem>>) src(%dma_wait3A_225 : memref<128x128xf32, #tpu.memory_space<vmem>>) dst(%dma_wait3A_222 : memref<128x128xf32, #tpu.memory_space<hbm>>)
    "tpu.region"() ({
      %run_scoped3A = tpu.sem_alloc : memref<!tpu.dma_semaphore, #tpu.memory_space<semaphore_mem>>
      %dma_start3A_315 = arith.constant 0 : i32
      %dma_start3A_316 = arith.constant 0 : i32
      %dma_start3A_317 = tpu.memref_slice %arg12[%dma_start3A_315, %dma_start3A_316] : memref<128x128xf32, #tpu.memory_space<vmem>> -> memref<128x128xf32, #tpu.memory_space<vmem>>
      %dma_start3A_318 = arith.constant 0 : i32
      %dma_start3A_319 = tpu.memref_slice %arg14[%add3A_185, %dma_start3A_318] : memref<10000x128xf32, #tpu.memory_space<vmem_shared>> -> memref<128x128xf32, #tpu.memory_space<vmem_shared>>
      %dma_start3A_320 = arith.constant 0 : i32
      %dma_start3A_321 = arith.constant 0 : i32
      %dma_start3A_322 = tpu.memref_slice %arg12[%dma_start3A_320, %dma_start3A_321] : memref<128x128xf32, #tpu.memory_space<vmem>> -> memref<128x128xf32, #tpu.memory_space<vmem>>
      %dma_start3A_323 = arith.constant 0 : i32
      %dma_start3A_324 = tpu.memref_slice %arg14[%add3A_185, %dma_start3A_323] : memref<10000x128xf32, #tpu.memory_space<vmem_shared>> -> memref<128x128xf32, #tpu.memory_space<vmem_shared>>
      tpu.enqueue_dma source(%dma_start3A_324 : memref<128x128xf32, #tpu.memory_space<vmem_shared>>) target(%dma_start3A_322 : memref<128x128xf32, #tpu.memory_space<vmem>>) target_semaphore(%run_scoped3A : memref<!tpu.dma_semaphore, #tpu.memory_space<semaphore_mem>>)
      %dma_wait3A_325 = arith.constant 0 : i32
      %dma_wait3A_326 = arith.constant 0 : i32
      %dma_wait3A_327 = tpu.memref_slice %arg12[%dma_wait3A_325, %dma_wait3A_326] : memref<128x128xf32, #tpu.memory_space<vmem>> -> memref<128x128xf32, #tpu.memory_space<vmem>>
      %dma_wait3A_328 = arith.constant 0 : i32
      %dma_wait3A_329 = tpu.memref_slice %arg14[%add3A_185, %dma_wait3A_328] : memref<10000x128xf32, #tpu.memory_space<vmem_shared>> -> memref<128x128xf32, #tpu.memory_space<vmem_shared>>
      %dma_wait3A_330 = arith.constant 0 : i32
      %dma_wait3A_331 = arith.constant 0 : i32
      %dma_wait3A_332 = tpu.memref_slice %arg12[%dma_wait3A_330, %dma_wait3A_331] : memref<128x128xf32, #tpu.memory_space<vmem>> -> memref<128x128xf32, #tpu.memory_space<vmem>>
      %dma_wait3A_333 = arith.constant 0 : i32
      %dma_wait3A_334 = tpu.memref_slice %arg14[%add3A_185, %dma_wait3A_333] : memref<10000x128xf32, #tpu.memory_space<vmem_shared>> -> memref<128x128xf32, #tpu.memory_space<vmem_shared>>
      tpu.wait_dma2 semaphore(%run_scoped3A : memref<!tpu.dma_semaphore, #tpu.memory_space<semaphore_mem>>) src(%dma_wait3A_334 : memref<128x128xf32, #tpu.memory_space<vmem_shared>>) dst(%dma_wait3A_332 : memref<128x128xf32, #tpu.memory_space<vmem>>)
      tpu.yield
    }) : () -> ()
    %dma_start3A_226 = arith.constant 0 : i32
    %dma_start3A_227 = arith.constant 0 : i32
    %dma_start3A_228 = tpu.memref_slice %arg12[%dma_start3A_226, %dma_start3A_227] : memref<128x128xf32, #tpu.memory_space<vmem>> -> memref<128x128xf32, #tpu.memory_space<vmem>>
    %dma_start3A_229 = arith.constant 0 : i32
    %dma_start3A_230 = tpu.memref_slice %arg5[%arg0, %add3A_185, %dma_start3A_229] : memref<2x10000x128xf32, #tpu.memory_space<hbm>> -> memref<1x128x128xf32, #tpu.memory_space<hbm>>
    %dma_start3A_231 = tpu.memref_squeeze %dma_start3A_230 : memref<1x128x128xf32, #tpu.memory_space<hbm>> -> memref<128x128xf32, #tpu.memory_space<hbm>>
    %dma_start3A_232 = arith.constant 0 : i32
    %dma_start3A_233 = tpu.memref_slice %arg5[%arg0, %add3A_185, %dma_start3A_232] : memref<2x10000x128xf32, #tpu.memory_space<hbm>> -> memref<1x128x128xf32, #tpu.memory_space<hbm>>
    %dma_start3A_234 = tpu.memref_squeeze %dma_start3A_233 : memref<1x128x128xf32, #tpu.memory_space<hbm>> -> memref<128x128xf32, #tpu.memory_space<hbm>>
    %dma_start3A_235 = arith.constant 0 : i32
    %dma_start3A_236 = arith.constant 0 : i32
    %dma_start3A_237 = tpu.memref_slice %arg12[%dma_start3A_235, %dma_start3A_236] : memref<128x128xf32, #tpu.memory_space<vmem>> -> memref<128x128xf32, #tpu.memory_space<vmem>>
    tpu.enqueue_dma source(%dma_start3A_237 : memref<128x128xf32, #tpu.memory_space<vmem>>) target(%dma_start3A_234 : memref<128x128xf32, #tpu.memory_space<hbm>>) target_semaphore(%arg15 : memref<!tpu.dma_semaphore, #tpu.memory_space<semaphore_mem>>)
    %dma_wait3A_238 = arith.constant 0 : i32
    %dma_wait3A_239 = arith.constant 0 : i32
    %dma_wait3A_240 = tpu.memref_slice %arg13[%dma_wait3A_238, %dma_wait3A_239] : memref<128x128xf32, #tpu.memory_space<vmem>> -> memref<128x128xf32, #tpu.memory_space<vmem>>
    %dma_wait3A_241 = arith.constant 0 : i32
    %dma_wait3A_242 = tpu.memref_slice %arg5[%arg0, %add3A_183, %dma_wait3A_241] : memref<2x10000x128xf32, #tpu.memory_space<hbm>> -> memref<1x128x128xf32, #tpu.memory_space<hbm>>
    %dma_wait3A_243 = tpu.memref_squeeze %dma_wait3A_242 : memref<1x128x128xf32, #tpu.memory_space<hbm>> -> memref<128x128xf32, #tpu.memory_space<hbm>>
    %dma_wait3A_244 = arith.constant 0 : i32
    %dma_wait3A_245 = tpu.memref_slice %arg5[%arg0, %add3A_183, %dma_wait3A_244] : memref<2x10000x128xf32, #tpu.memory_space<hbm>> -> memref<1x128x128xf32, #tpu.memory_space<hbm>>
    %dma_wait3A_246 = tpu.memref_squeeze %dma_wait3A_245 : memref<1x128x128xf32, #tpu.memory_space<hbm>> -> memref<128x128xf32, #tpu.memory_space<hbm>>
    %dma_wait3A_247 = arith.constant 0 : i32
    %dma_wait3A_248 = arith.constant 0 : i32
    %dma_wait3A_249 = tpu.memref_slice %arg13[%dma_wait3A_247, %dma_wait3A_248] : memref<128x128xf32, #tpu.memory_space<vmem>> -> memref<128x128xf32, #tpu.memory_space<vmem>>
    tpu.wait_dma2 semaphore(%arg16 : memref<!tpu.dma_semaphore, #tpu.memory_space<semaphore_mem>>) src(%dma_wait3A_249 : memref<128x128xf32, #tpu.memory_space<vmem>>) dst(%dma_wait3A_246 : memref<128x128xf32, #tpu.memory_space<hbm>>)
    "tpu.region"() ({
      %run_scoped3A = tpu.sem_alloc : memref<!tpu.dma_semaphore, #tpu.memory_space<semaphore_mem>>
      %dma_start3A_315 = arith.constant 0 : i32
      %dma_start3A_316 = arith.constant 0 : i32
      %dma_start3A_317 = tpu.memref_slice %arg13[%dma_start3A_315, %dma_start3A_316] : memref<128x128xf32, #tpu.memory_space<vmem>> -> memref<128x128xf32, #tpu.memory_space<vmem>>
      %dma_start3A_318 = arith.constant 0 : i32
      %dma_start3A_319 = tpu.memref_slice %arg14[%add3A_187, %dma_start3A_318] : memref<10000x128xf32, #tpu.memory_space<vmem_shared>> -> memref<128x128xf32, #tpu.memory_space<vmem_shared>>
      %dma_start3A_320 = arith.constant 0 : i32
      %dma_start3A_321 = arith.constant 0 : i32
      %dma_start3A_322 = tpu.memref_slice %arg13[%dma_start3A_320, %dma_start3A_321] : memref<128x128xf32, #tpu.memory_space<vmem>> -> memref<128x128xf32, #tpu.memory_space<vmem>>
      %dma_start3A_323 = arith.constant 0 : i32
      %dma_start3A_324 = tpu.memref_slice %arg14[%add3A_187, %dma_start3A_323] : memref<10000x128xf32, #tpu.memory_space<vmem_shared>> -> memref<128x128xf32, #tpu.memory_space<vmem_shared>>
      tpu.enqueue_dma source(%dma_start3A_324 : memref<128x128xf32, #tpu.memory_space<vmem_shared>>) target(%dma_start3A_322 : memref<128x128xf32, #tpu.memory_space<vmem>>) target_semaphore(%run_scoped3A : memref<!tpu.dma_semaphore, #tpu.memory_space<semaphore_mem>>)
      %dma_wait3A_325 = arith.constant 0 : i32
      %dma_wait3A_326 = arith.constant 0 : i32
      %dma_wait3A_327 = tpu.memref_slice %arg13[%dma_wait3A_325, %dma_wait3A_326] : memref<128x128xf32, #tpu.memory_space<vmem>> -> memref<128x128xf32, #tpu.memory_space<vmem>>
      %dma_wait3A_328 = arith.constant 0 : i32
      %dma_wait3A_329 = tpu.memref_slice %arg14[%add3A_187, %dma_wait3A_328] : memref<10000x128xf32, #tpu.memory_space<vmem_shared>> -> memref<128x128xf32, #tpu.memory_space<vmem_shared>>
      %dma_wait3A_330 = arith.constant 0 : i32
      %dma_wait3A_331 = arith.constant 0 : i32
      %dma_wait3A_332 = tpu.memref_slice %arg13[%dma_wait3A_330, %dma_wait3A_331] : memref<128x128xf32, #tpu.memory_space<vmem>> -> memref<128x128xf32, #tpu.memory_space<vmem>>
      %dma_wait3A_333 = arith.constant 0 : i32
      %dma_wait3A_334 = tpu.memref_slice %arg14[%add3A_187, %dma_wait3A_333] : memref<10000x128xf32, #tpu.memory_space<vmem_shared>> -> memref<128x128xf32, #tpu.memory_space<vmem_shared>>
      tpu.wait_dma2 semaphore(%run_scoped3A : memref<!tpu.dma_semaphore, #tpu.memory_space<semaphore_mem>>) src(%dma_wait3A_334 : memref<128x128xf32, #tpu.memory_space<vmem_shared>>) dst(%dma_wait3A_332 : memref<128x128xf32, #tpu.memory_space<vmem>>)
      tpu.yield
    }) : () -> ()
    %dma_start3A_250 = arith.constant 0 : i32
    %dma_start3A_251 = arith.constant 0 : i32
    %dma_start3A_252 = tpu.memref_slice %arg13[%dma_start3A_250, %dma_start3A_251] : memref<128x128xf32, #tpu.memory_space<vmem>> -> memref<128x128xf32, #tpu.memory_space<vmem>>
    %dma_start3A_253 = arith.constant 0 : i32
    %dma_start3A_254 = tpu.memref_slice %arg5[%arg0, %add3A_187, %dma_start3A_253] : memref<2x10000x128xf32, #tpu.memory_space<hbm>> -> memref<1x128x128xf32, #tpu.memory_space<hbm>>
    %dma_start3A_255 = tpu.memref_squeeze %dma_start3A_254 : memref<1x128x128xf32, #tpu.memory_space<hbm>> -> memref<128x128xf32, #tpu.memory_space<hbm>>
    %dma_start3A_256 = arith.constant 0 : i32
    %dma_start3A_257 = tpu.memref_slice %arg5[%arg0, %add3A_187, %dma_start3A_256] : memref<2x10000x128xf32, #tpu.memory_space<hbm>> -> memref<1x128x128xf32, #tpu.memory_space<hbm>>
    %dma_start3A_258 = tpu.memref_squeeze %dma_start3A_257 : memref<1x128x128xf32, #tpu.memory_space<hbm>> -> memref<128x128xf32, #tpu.memory_space<hbm>>
    %dma_start3A_259 = arith.constant 0 : i32
    %dma_start3A_260 = arith.constant 0 : i32
    %dma_start3A_261 = tpu.memref_slice %arg13[%dma_start3A_259, %dma_start3A_260] : memref<128x128xf32, #tpu.memory_space<vmem>> -> memref<128x128xf32, #tpu.memory_space<vmem>>
    tpu.enqueue_dma source(%dma_start3A_261 : memref<128x128xf32, #tpu.memory_space<vmem>>) target(%dma_start3A_258 : memref<128x128xf32, #tpu.memory_space<hbm>>) target_semaphore(%arg16 : memref<!tpu.dma_semaphore, #tpu.memory_space<semaphore_mem>>)
    %dma_wait3A_262 = arith.constant 0 : i32
    %dma_wait3A_263 = arith.constant 0 : i32
    %dma_wait3A_264 = tpu.memref_slice %arg12[%dma_wait3A_262, %dma_wait3A_263] : memref<128x128xf32, #tpu.memory_space<vmem>> -> memref<128x128xf32, #tpu.memory_space<vmem>>
    %dma_wait3A_265 = arith.constant 0 : i32
    %dma_wait3A_266 = tpu.memref_slice %arg5[%arg0, %add3A_185, %dma_wait3A_265] : memref<2x10000x128xf32, #tpu.memory_space<hbm>> -> memref<1x128x128xf32, #tpu.memory_space<hbm>>
    %dma_wait3A_267 = tpu.memref_squeeze %dma_wait3A_266 : memref<1x128x128xf32, #tpu.memory_space<hbm>> -> memref<128x128xf32, #tpu.memory_space<hbm>>
    %dma_wait3A_268 = arith.constant 0 : i32
    %dma_wait3A_269 = tpu.memref_slice %arg5[%arg0, %add3A_185, %dma_wait3A_268] : memref<2x10000x128xf32, #tpu.memory_space<hbm>> -> memref<1x128x128xf32, #tpu.memory_space<hbm>>
    %dma_wait3A_270 = tpu.memref_squeeze %dma_wait3A_269 : memref<1x128x128xf32, #tpu.memory_space<hbm>> -> memref<128x128xf32, #tpu.memory_space<hbm>>
    %dma_wait3A_271 = arith.constant 0 : i32
    %dma_wait3A_272 = arith.constant 0 : i32
    %dma_wait3A_273 = tpu.memref_slice %arg12[%dma_wait3A_271, %dma_wait3A_272] : memref<128x128xf32, #tpu.memory_space<vmem>> -> memref<128x128xf32, #tpu.memory_space<vmem>>
    tpu.wait_dma2 semaphore(%arg15 : memref<!tpu.dma_semaphore, #tpu.memory_space<semaphore_mem>>) src(%dma_wait3A_273 : memref<128x128xf32, #tpu.memory_space<vmem>>) dst(%dma_wait3A_270 : memref<128x128xf32, #tpu.memory_space<hbm>>)
    "tpu.region"() ({
      %run_scoped3A = tpu.sem_alloc : memref<!tpu.dma_semaphore, #tpu.memory_space<semaphore_mem>>
      %dma_start3A_315 = arith.constant 0 : i32
      %dma_start3A_316 = arith.constant 0 : i32
      %dma_start3A_317 = tpu.memref_slice %arg12[%dma_start3A_315, %dma_start3A_316] : memref<128x128xf32, #tpu.memory_space<vmem>> -> memref<112x128xf32, #tpu.memory_space<vmem>>
      %dma_start3A_318 = arith.constant 0 : i32
      %dma_start3A_319 = tpu.memref_slice %arg14[%add3A_189, %dma_start3A_318] : memref<10000x128xf32, #tpu.memory_space<vmem_shared>> -> memref<112x128xf32, #tpu.memory_space<vmem_shared>>
      %dma_start3A_320 = arith.constant 0 : i32
      %dma_start3A_321 = arith.constant 0 : i32
      %dma_start3A_322 = tpu.memref_slice %arg12[%dma_start3A_320, %dma_start3A_321] : memref<128x128xf32, #tpu.memory_space<vmem>> -> memref<112x128xf32, #tpu.memory_space<vmem>>
      %dma_start3A_323 = arith.constant 0 : i32
      %dma_start3A_324 = tpu.memref_slice %arg14[%add3A_189, %dma_start3A_323] : memref<10000x128xf32, #tpu.memory_space<vmem_shared>> -> memref<112x128xf32, #tpu.memory_space<vmem_shared>>
      tpu.enqueue_dma source(%dma_start3A_324 : memref<112x128xf32, #tpu.memory_space<vmem_shared>>) target(%dma_start3A_322 : memref<112x128xf32, #tpu.memory_space<vmem>>) target_semaphore(%run_scoped3A : memref<!tpu.dma_semaphore, #tpu.memory_space<semaphore_mem>>)
      %dma_wait3A_325 = arith.constant 0 : i32
      %dma_wait3A_326 = arith.constant 0 : i32
      %dma_wait3A_327 = tpu.memref_slice %arg12[%dma_wait3A_325, %dma_wait3A_326] : memref<128x128xf32, #tpu.memory_space<vmem>> -> memref<112x128xf32, #tpu.memory_space<vmem>>
      %dma_wait3A_328 = arith.constant 0 : i32
      %dma_wait3A_329 = tpu.memref_slice %arg14[%add3A_189, %dma_wait3A_328] : memref<10000x128xf32, #tpu.memory_space<vmem_shared>> -> memref<112x128xf32, #tpu.memory_space<vmem_shared>>
      %dma_wait3A_330 = arith.constant 0 : i32
      %dma_wait3A_331 = arith.constant 0 : i32
      %dma_wait3A_332 = tpu.memref_slice %arg12[%dma_wait3A_330, %dma_wait3A_331] : memref<128x128xf32, #tpu.memory_space<vmem>> -> memref<112x128xf32, #tpu.memory_space<vmem>>
      %dma_wait3A_333 = arith.constant 0 : i32
      %dma_wait3A_334 = tpu.memref_slice %arg14[%add3A_189, %dma_wait3A_333] : memref<10000x128xf32, #tpu.memory_space<vmem_shared>> -> memref<112x128xf32, #tpu.memory_space<vmem_shared>>
      tpu.wait_dma2 semaphore(%run_scoped3A : memref<!tpu.dma_semaphore, #tpu.memory_space<semaphore_mem>>) src(%dma_wait3A_334 : memref<112x128xf32, #tpu.memory_space<vmem_shared>>) dst(%dma_wait3A_332 : memref<112x128xf32, #tpu.memory_space<vmem>>)
      tpu.yield
    }) : () -> ()
    %dma_start3A_274 = arith.constant 0 : i32
    %dma_start3A_275 = arith.constant 0 : i32
    %dma_start3A_276 = tpu.memref_slice %arg12[%dma_start3A_274, %dma_start3A_275] : memref<128x128xf32, #tpu.memory_space<vmem>> -> memref<112x128xf32, #tpu.memory_space<vmem>>
    %dma_start3A_277 = arith.constant 0 : i32
    %dma_start3A_278 = tpu.memref_slice %arg5[%arg0, %add3A_189, %dma_start3A_277] : memref<2x10000x128xf32, #tpu.memory_space<hbm>> -> memref<1x112x128xf32, #tpu.memory_space<hbm>>
    %dma_start3A_279 = tpu.memref_squeeze %dma_start3A_278 : memref<1x112x128xf32, #tpu.memory_space<hbm>> -> memref<112x128xf32, #tpu.memory_space<hbm>>
    %dma_start3A_280 = arith.constant 0 : i32
    %dma_start3A_281 = tpu.memref_slice %arg5[%arg0, %add3A_189, %dma_start3A_280] : memref<2x10000x128xf32, #tpu.memory_space<hbm>> -> memref<1x112x128xf32, #tpu.memory_space<hbm>>
    %dma_start3A_282 = tpu.memref_squeeze %dma_start3A_281 : memref<1x112x128xf32, #tpu.memory_space<hbm>> -> memref<112x128xf32, #tpu.memory_space<hbm>>
    %dma_start3A_283 = arith.constant 0 : i32
    %dma_start3A_284 = arith.constant 0 : i32
    %dma_start3A_285 = tpu.memref_slice %arg12[%dma_start3A_283, %dma_start3A_284] : memref<128x128xf32, #tpu.memory_space<vmem>> -> memref<112x128xf32, #tpu.memory_space<vmem>>
    tpu.enqueue_dma source(%dma_start3A_285 : memref<112x128xf32, #tpu.memory_space<vmem>>) target(%dma_start3A_282 : memref<112x128xf32, #tpu.memory_space<hbm>>) target_semaphore(%arg15 : memref<!tpu.dma_semaphore, #tpu.memory_space<semaphore_mem>>)
    %dma_wait3A_286 = arith.constant 0 : i32
    %dma_wait3A_287 = arith.constant 0 : i32
    %dma_wait3A_288 = tpu.memref_slice %arg13[%dma_wait3A_286, %dma_wait3A_287] : memref<128x128xf32, #tpu.memory_space<vmem>> -> memref<128x128xf32, #tpu.memory_space<vmem>>
    %dma_wait3A_289 = arith.constant 0 : i32
    %dma_wait3A_290 = tpu.memref_slice %arg5[%arg0, %add3A_187, %dma_wait3A_289] : memref<2x10000x128xf32, #tpu.memory_space<hbm>> -> memref<1x128x128xf32, #tpu.memory_space<hbm>>
    %dma_wait3A_291 = tpu.memref_squeeze %dma_wait3A_290 : memref<1x128x128xf32, #tpu.memory_space<hbm>> -> memref<128x128xf32, #tpu.memory_space<hbm>>
    %dma_wait3A_292 = arith.constant 0 : i32
    %dma_wait3A_293 = tpu.memref_slice %arg5[%arg0, %add3A_187, %dma_wait3A_292] : memref<2x10000x128xf32, #tpu.memory_space<hbm>> -> memref<1x128x128xf32, #tpu.memory_space<hbm>>
    %dma_wait3A_294 = tpu.memref_squeeze %dma_wait3A_293 : memref<1x128x128xf32, #tpu.memory_space<hbm>> -> memref<128x128xf32, #tpu.memory_space<hbm>>
    %dma_wait3A_295 = arith.constant 0 : i32
    %dma_wait3A_296 = arith.constant 0 : i32
    %dma_wait3A_297 = tpu.memref_slice %arg13[%dma_wait3A_295, %dma_wait3A_296] : memref<128x128xf32, #tpu.memory_space<vmem>> -> memref<128x128xf32, #tpu.memory_space<vmem>>
    tpu.wait_dma2 semaphore(%arg16 : memref<!tpu.dma_semaphore, #tpu.memory_space<semaphore_mem>>) src(%dma_wait3A_297 : memref<128x128xf32, #tpu.memory_space<vmem>>) dst(%dma_wait3A_294 : memref<128x128xf32, #tpu.memory_space<hbm>>)
    %dma_wait3A_298 = arith.constant 0 : i32
    %dma_wait3A_299 = arith.constant 0 : i32
    %dma_wait3A_300 = tpu.memref_slice %arg12[%dma_wait3A_298, %dma_wait3A_299] : memref<128x128xf32, #tpu.memory_space<vmem>> -> memref<112x128xf32, #tpu.memory_space<vmem>>
    %dma_wait3A_301 = arith.constant 0 : i32
    %dma_wait3A_302 = tpu.memref_slice %arg5[%arg0, %add3A_189, %dma_wait3A_301] : memref<2x10000x128xf32, #tpu.memory_space<hbm>> -> memref<1x112x128xf32, #tpu.memory_space<hbm>>
    %dma_wait3A_303 = tpu.memref_squeeze %dma_wait3A_302 : memref<1x112x128xf32, #tpu.memory_space<hbm>> -> memref<112x128xf32, #tpu.memory_space<hbm>>
    %dma_wait3A_304 = arith.constant 0 : i32
    %dma_wait3A_305 = tpu.memref_slice %arg5[%arg0, %add3A_189, %dma_wait3A_304] : memref<2x10000x128xf32, #tpu.memory_space<hbm>> -> memref<1x112x128xf32, #tpu.memory_space<hbm>>
    %dma_wait3A_306 = tpu.memref_squeeze %dma_wait3A_305 : memref<1x112x128xf32, #tpu.memory_space<hbm>> -> memref<112x128xf32, #tpu.memory_space<hbm>>
    %dma_wait3A_307 = arith.constant 0 : i32
    %dma_wait3A_308 = arith.constant 0 : i32
    %dma_wait3A_309 = tpu.memref_slice %arg12[%dma_wait3A_307, %dma_wait3A_308] : memref<128x128xf32, #tpu.memory_space<vmem>> -> memref<112x128xf32, #tpu.memory_space<vmem>>
    tpu.wait_dma2 semaphore(%arg15 : memref<!tpu.dma_semaphore, #tpu.memory_space<semaphore_mem>>) src(%dma_wait3A_309 : memref<112x128xf32, #tpu.memory_space<vmem>>) dst(%dma_wait3A_306 : memref<112x128xf32, #tpu.memory_space<hbm>>)
    %lt3A_310 = arith.constant 2 : i32
    %lt3A_311 = arith.cmpi slt, %arg1, %lt3A_310 : i32
    %convert_element_type3A_312 = arith.extui %lt3A_311 : i1 to i32
    %cond3A_313 = arith.constant 0 : i32
    %cond3A_314 = arith.cmpi ne, %convert_element_type3A_312, %cond3A_313 : i32
    scf.if %cond3A_314 {
      %mul3A_315 = arith.constant 8 : i32
      %mul3A_316 = arith.muli %arg1, %mul3A_315 : i32
      %add3A_317 = arith.constant 9984 : i32
      %add3A_318 = arith.addi %add3A_317, %mul3A_316 : i32
      "tpu.region"() ({
        %run_scoped3A = tpu.sem_alloc : memref<!tpu.dma_semaphore, #tpu.memory_space<semaphore_mem>>
        %dma_start3A_319 = arith.constant 0 : i32
        %dma_start3A_320 = arith.constant 0 : i32
        %dma_start3A_321 = tpu.memref_slice %arg12[%dma_start3A_319, %dma_start3A_320] : memref<128x128xf32, #tpu.memory_space<vmem>> -> memref<8x128xf32, #tpu.memory_space<vmem>>
        %dma_start3A_322 = arith.constant 0 : i32
        %dma_start3A_323 = tpu.memref_slice %arg14[%add3A_318, %dma_start3A_322] : memref<10000x128xf32, #tpu.memory_space<vmem_shared>> -> memref<8x128xf32, #tpu.memory_space<vmem_shared>>
        %dma_start3A_324 = arith.constant 0 : i32
        %dma_start3A_325 = arith.constant 0 : i32
        %dma_start3A_326 = tpu.memref_slice %arg12[%dma_start3A_324, %dma_start3A_325] : memref<128x128xf32, #tpu.memory_space<vmem>> -> memref<8x128xf32, #tpu.memory_space<vmem>>
        %dma_start3A_327 = arith.constant 0 : i32
        %dma_start3A_328 = tpu.memref_slice %arg14[%add3A_318, %dma_start3A_327] : memref<10000x128xf32, #tpu.memory_space<vmem_shared>> -> memref<8x128xf32, #tpu.memory_space<vmem_shared>>
        tpu.enqueue_dma source(%dma_start3A_328 : memref<8x128xf32, #tpu.memory_space<vmem_shared>>) target(%dma_start3A_326 : memref<8x128xf32, #tpu.memory_space<vmem>>) target_semaphore(%run_scoped3A : memref<!tpu.dma_semaphore, #tpu.memory_space<semaphore_mem>>)
        %dma_wait3A_329 = arith.constant 0 : i32
        %dma_wait3A_330 = arith.constant 0 : i32
        %dma_wait3A_331 = tpu.memref_slice %arg12[%dma_wait3A_329, %dma_wait3A_330] : memref<128x128xf32, #tpu.memory_space<vmem>> -> memref<8x128xf32, #tpu.memory_space<vmem>>
        %dma_wait3A_332 = arith.constant 0 : i32
        %dma_wait3A_333 = tpu.memref_slice %arg14[%add3A_318, %dma_wait3A_332] : memref<10000x128xf32, #tpu.memory_space<vmem_shared>> -> memref<8x128xf32, #tpu.memory_space<vmem_shared>>
        %dma_wait3A_334 = arith.constant 0 : i32
        %dma_wait3A_335 = arith.constant 0 : i32
        %dma_wait3A_336 = tpu.memref_slice %arg12[%dma_wait3A_334, %dma_wait3A_335] : memref<128x128xf32, #tpu.memory_space<vmem>> -> memref<8x128xf32, #tpu.memory_space<vmem>>
        %dma_wait3A_337 = arith.constant 0 : i32
        %dma_wait3A_338 = tpu.memref_slice %arg14[%add3A_318, %dma_wait3A_337] : memref<10000x128xf32, #tpu.memory_space<vmem_shared>> -> memref<8x128xf32, #tpu.memory_space<vmem_shared>>
        tpu.wait_dma2 semaphore(%run_scoped3A : memref<!tpu.dma_semaphore, #tpu.memory_space<semaphore_mem>>) src(%dma_wait3A_338 : memref<8x128xf32, #tpu.memory_space<vmem_shared>>) dst(%dma_wait3A_336 : memref<8x128xf32, #tpu.memory_space<vmem>>)
        tpu.yield
      }) : () -> ()
      "tpu.region"() ({
        %run_scoped3A = tpu.sem_alloc : memref<!tpu.dma_semaphore, #tpu.memory_space<semaphore_mem>>
        %dma_start3A_319 = arith.constant 0 : i32
        %dma_start3A_320 = arith.constant 0 : i32
        %dma_start3A_321 = tpu.memref_slice %arg12[%dma_start3A_319, %dma_start3A_320] : memref<128x128xf32, #tpu.memory_space<vmem>> -> memref<8x128xf32, #tpu.memory_space<vmem>>
        %dma_start3A_322 = arith.constant 0 : i32
        %dma_start3A_323 = tpu.memref_slice %arg5[%arg0, %add3A_318, %dma_start3A_322] : memref<2x10000x128xf32, #tpu.memory_space<hbm>> -> memref<1x8x128xf32, #tpu.memory_space<hbm>>
        %dma_start3A_324 = tpu.memref_squeeze %dma_start3A_323 : memref<1x8x128xf32, #tpu.memory_space<hbm>> -> memref<8x128xf32, #tpu.memory_space<hbm>>
        %dma_start3A_325 = arith.constant 0 : i32
        %dma_start3A_326 = tpu.memref_slice %arg5[%arg0, %add3A_318, %dma_start3A_325] : memref<2x10000x128xf32, #tpu.memory_space<hbm>> -> memref<1x8x128xf32, #tpu.memory_space<hbm>>
        %dma_start3A_327 = tpu.memref_squeeze %dma_start3A_326 : memref<1x8x128xf32, #tpu.memory_space<hbm>> -> memref<8x128xf32, #tpu.memory_space<hbm>>
        %dma_start3A_328 = arith.constant 0 : i32
        %dma_start3A_329 = arith.constant 0 : i32
        %dma_start3A_330 = tpu.memref_slice %arg12[%dma_start3A_328, %dma_start3A_329] : memref<128x128xf32, #tpu.memory_space<vmem>> -> memref<8x128xf32, #tpu.memory_space<vmem>>
        tpu.enqueue_dma source(%dma_start3A_330 : memref<8x128xf32, #tpu.memory_space<vmem>>) target(%dma_start3A_327 : memref<8x128xf32, #tpu.memory_space<hbm>>) target_semaphore(%run_scoped3A : memref<!tpu.dma_semaphore, #tpu.memory_space<semaphore_mem>>)
        %dma_wait3A_331 = arith.constant 0 : i32
        %dma_wait3A_332 = arith.constant 0 : i32
        %dma_wait3A_333 = tpu.memref_slice %arg12[%dma_wait3A_331, %dma_wait3A_332] : memref<128x128xf32, #tpu.memory_space<vmem>> -> memref<8x128xf32, #tpu.memory_space<vmem>>
        %dma_wait3A_334 = arith.constant 0 : i32
        %dma_wait3A_335 = tpu.memref_slice %arg5[%arg0, %add3A_318, %dma_wait3A_334] : memref<2x10000x128xf32, #tpu.memory_space<hbm>> -> memref<1x8x128xf32, #tpu.memory_space<hbm>>
        %dma_wait3A_336 = tpu.memref_squeeze %dma_wait3A_335 : memref<1x8x128xf32, #tpu.memory_space<hbm>> -> memref<8x128xf32, #tpu.memory_space<hbm>>
        %dma_wait3A_337 = arith.constant 0 : i32
        %dma_wait3A_338 = tpu.memref_slice %arg5[%arg0, %add3A_318, %dma_wait3A_337] : memref<2x10000x128xf32, #tpu.memory_space<hbm>> -> memref<1x8x128xf32, #tpu.memory_space<hbm>>
        %dma_wait3A_339 = tpu.memref_squeeze %dma_wait3A_338 : memref<1x8x128xf32, #tpu.memory_space<hbm>> -> memref<8x128xf32, #tpu.memory_space<hbm>>
        %dma_wait3A_340 = arith.constant 0 : i32
        %dma_wait3A_341 = arith.constant 0 : i32
        %dma_wait3A_342 = tpu.memref_slice %arg12[%dma_wait3A_340, %dma_wait3A_341] : memref<128x128xf32, #tpu.memory_space<vmem>> -> memref<8x128xf32, #tpu.memory_space<vmem>>
        tpu.wait_dma2 semaphore(%run_scoped3A : memref<!tpu.dma_semaphore, #tpu.memory_space<semaphore_mem>>) src(%dma_wait3A_342 : memref<8x128xf32, #tpu.memory_space<vmem>>) dst(%dma_wait3A_339 : memref<8x128xf32, #tpu.memory_space<hbm>>)
        tpu.yield
      }) : () -> ()
    } else {
    }
    return
  }
}

#map = affine_map<(d0, d1) -> (0, 0)>
#map1 = affine_map<(d0, d1) -> (0)>
#map2 = affine_map<(d0, d1) -> (0, 0, 0)>
module attributes {stable_mosaic.version = 14 : i64} {
  func.func @body(%arg0: i32, %arg1: i32, %arg2: memref<10000x128xf32, #tpu.memory_space<hbm>>, %arg3: memref<320000xi32, #tpu.memory_space<hbm>>, %arg4: memref<320000xi32, #tpu.memory_space<hbm>>, %arg5: memref<2x10000x128xf32, #tpu.memory_space<hbm>>, %arg6: memref<128xi32, #tpu.memory_space<vmem>>, %arg7: memref<128xi32, #tpu.memory_space<vmem>>, %arg8: memref<128xi32, #tpu.memory_space<vmem>>, %arg9: memref<128xi32, #tpu.memory_space<vmem>>, %arg10: memref<16xi32, #tpu.memory_space<vmem>>, %arg11: memref<16xi32, #tpu.memory_space<vmem>>, %arg12: memref<128x128xf32, #tpu.memory_space<vmem>>, %arg13: memref<128x128xf32, #tpu.memory_space<vmem>>, %arg14: memref<10000x128xf32, #tpu.memory_space<vmem_shared>>, %arg15: memref<!tpu.dma_semaphore, #tpu.memory_space<semaphore_mem>>, %arg16: memref<!tpu.dma_semaphore, #tpu.memory_space<semaphore_mem>>, %arg17: memref<!tpu.dma_semaphore, #tpu.memory_space<semaphore_mem>>, %arg18: memref<!tpu.dma_semaphore, #tpu.memory_space<semaphore_mem>>) attributes {dimension_semantics = [#tpu.dimension_semantics<core_parallel>, #tpu.dimension_semantics<subcore_parallel>], iteration_bounds = array<i64: 2, 16>, scalar_prefetch = 0 : i64, scratch_operands = 13 : i64, tpu.core_type = #tpu.core_type<sc_vector_subcore>, window_params = [{transform_indices = #map}, {transform_indices = #map1}, {transform_indices = #map1}, {transform_indices = #map2}]} {
    %mul3A = arith.constant 624 : i32
    %mul3A_0 = arith.muli %arg1, %mul3A : i32
    %mul3A_1 = arith.constant 160000 : i32
    %mul3A_2 = arith.muli %arg0, %mul3A_1 : i32
    %mul3A_3 = arith.constant 10000 : i32
    %mul3A_4 = arith.muli %arg1, %mul3A_3 : i32
    %add3A = arith.addi %mul3A_2, %mul3A_4 : i32
    %broadcast_in_dim3A = arith.constant 0.000000e+00 : f32
    %broadcast_in_dim3A_5 = vector.broadcast %broadcast_in_dim3A : f32 to vector<16xf32>
    %scan3A = arith.constant 0 : i32
    %scan3A_6 = arith.constant 0 : i32
    %scan3A_7 = arith.constant 128 : i32
    %scan3A_8 = arith.addi %scan3A_6, %scan3A_7 : i32
    %scan3A_9 = arith.constant 1 : i32
    scf.for %scan3A_315 = %scan3A_6 to %scan3A_8 step %scan3A_9  : i32 {
      %swap3A = arith.index_cast %scan3A_315 : i32 to index
      %swap3A_316 = arith.constant 0 : index
      %swap3A_317 = tpu.vector_load %arg12[%swap3A, %swap3A_316] {strides = array<i32>} : memref<128x128xf32, #tpu.memory_space<vmem>>, vector<1x16xf32>,
      %swap3A_318 = vector.shape_cast %swap3A_317 : vector<1x16xf32> to vector<16xf32>
      %swap3A_319 = vector.shape_cast %broadcast_in_dim3A_5 : vector<16xf32> to vector<1x16xf32>
      tpu.vector_store %arg12[%swap3A, %swap3A_316], %swap3A_319 {strides = array<i32>} : memref<128x128xf32, #tpu.memory_space<vmem>>, vector<1x16xf32>,
      %swap3A_320 = arith.index_cast %scan3A_315 : i32 to index
      %swap3A_321 = arith.constant 16 : index
      %swap3A_322 = tpu.vector_load %arg12[%swap3A_320, %swap3A_321] {strides = array<i32>} : memref<128x128xf32, #tpu.memory_space<vmem>>, vector<1x16xf32>,
      %swap3A_323 = vector.shape_cast %swap3A_322 : vector<1x16xf32> to vector<16xf32>
      %swap3A_324 = vector.shape_cast %broadcast_in_dim3A_5 : vector<16xf32> to vector<1x16xf32>
      tpu.vector_store %arg12[%swap3A_320, %swap3A_321], %swap3A_324 {strides = array<i32>} : memref<128x128xf32, #tpu.memory_space<vmem>>, vector<1x16xf32>,
      %swap3A_325 = arith.index_cast %scan3A_315 : i32 to index
      %swap3A_326 = arith.constant 32 : index
      %swap3A_327 = tpu.vector_load %arg12[%swap3A_325, %swap3A_326] {strides = array<i32>} : memref<128x128xf32, #tpu.memory_space<vmem>>, vector<1x16xf32>,
      %swap3A_328 = vector.shape_cast %swap3A_327 : vector<1x16xf32> to vector<16xf32>
      %swap3A_329 = vector.shape_cast %broadcast_in_dim3A_5 : vector<16xf32> to vector<1x16xf32>
      tpu.vector_store %arg12[%swap3A_325, %swap3A_326], %swap3A_329 {strides = array<i32>} : memref<128x128xf32, #tpu.memory_space<vmem>>, vector<1x16xf32>,
      %swap3A_330 = arith.index_cast %scan3A_315 : i32 to index
      %swap3A_331 = arith.constant 48 : index
      %swap3A_332 = tpu.vector_load %arg12[%swap3A_330, %swap3A_331] {strides = array<i32>} : memref<128x128xf32, #tpu.memory_space<vmem>>, vector<1x16xf32>,
      %swap3A_333 = vector.shape_cast %swap3A_332 : vector<1x16xf32> to vector<16xf32>
      %swap3A_334 = vector.shape_cast %broadcast_in_dim3A_5 : vector<16xf32> to vector<1x16xf32>
      tpu.vector_store %arg12[%swap3A_330, %swap3A_331], %swap3A_334 {strides = array<i32>} : memref<128x128xf32, #tpu.memory_space<vmem>>, vector<1x16xf32>,
      %swap3A_335 = arith.index_cast %scan3A_315 : i32 to index
      %swap3A_336 = arith.constant 64 : index
      %swap3A_337 = tpu.vector_load %arg12[%swap3A_335, %swap3A_336] {strides = array<i32>} : memref<128x128xf32, #tpu.memory_space<vmem>>, vector<1x16xf32>,
      %swap3A_338 = vector.shape_cast %swap3A_337 : vector<1x16xf32> to vector<16xf32>
      %swap3A_339 = vector.shape_cast %broadcast_in_dim3A_5 : vector<16xf32> to vector<1x16xf32>
      tpu.vector_store %arg12[%swap3A_335, %swap3A_336], %swap3A_339 {strides = array<i32>} : memref<128x128xf32, #tpu.memory_space<vmem>>, vector<1x16xf32>,
      %swap3A_340 = arith.index_cast %scan3A_315 : i32 to index
      %swap3A_341 = arith.constant 80 : index
      %swap3A_342 = tpu.vector_load %arg12[%swap3A_340, %swap3A_341] {strides = array<i32>} : memref<128x128xf32, #tpu.memory_space<vmem>>, vector<1x16xf32>,
      %swap3A_343 = vector.shape_cast %swap3A_342 : vector<1x16xf32> to vector<16xf32>
      %swap3A_344 = vector.shape_cast %broadcast_in_dim3A_5 : vector<16xf32> to vector<1x16xf32>
      tpu.vector_store %arg12[%swap3A_340, %swap3A_341], %swap3A_344 {strides = array<i32>} : memref<128x128xf32, #tpu.memory_space<vmem>>, vector<1x16xf32>,
      %swap3A_345 = arith.index_cast %scan3A_315 : i32 to index
      %swap3A_346 = arith.constant 96 : index
      %swap3A_347 = tpu.vector_load %arg12[%swap3A_345, %swap3A_346] {strides = array<i32>} : memref<128x128xf32, #tpu.memory_space<vmem>>, vector<1x16xf32>,
      %swap3A_348 = vector.shape_cast %swap3A_347 : vector<1x16xf32> to vector<16xf32>
      %swap3A_349 = vector.shape_cast %broadcast_in_dim3A_5 : vector<16xf32> to vector<1x16xf32>
      tpu.vector_store %arg12[%swap3A_345, %swap3A_346], %swap3A_349 {strides = array<i32>} : memref<128x128xf32, #tpu.memory_space<vmem>>, vector<1x16xf32>,
      %swap3A_350 = arith.index_cast %scan3A_315 : i32 to index
      %swap3A_351 = arith.constant 112 : index
      %swap3A_352 = tpu.vector_load %arg12[%swap3A_350, %swap3A_351] {strides = array<i32>} : memref<128x128xf32, #tpu.memory_space<vmem>>, vector<1x16xf32>,
      %swap3A_353 = vector.shape_cast %swap3A_352 : vector<1x16xf32> to vector<16xf32>
      %swap3A_354 = vector.shape_cast %broadcast_in_dim3A_5 : vector<16xf32> to vector<1x16xf32>
      tpu.vector_store %arg12[%swap3A_350, %swap3A_351], %swap3A_354 {strides = array<i32>} : memref<128x128xf32, #tpu.memory_space<vmem>>, vector<1x16xf32>,
    }
    %scan3A_10 = arith.constant 128 : i32
    %add3A_11 = arith.constant 0 : i32
    %add3A_12 = arith.addi %mul3A_0, %add3A_11 : i32
    %add3A_13 = arith.constant 128 : i32
    %add3A_14 = arith.addi %mul3A_0, %add3A_13 : i32
    %add3A_15 = arith.constant 256 : i32
    %add3A_16 = arith.addi %mul3A_0, %add3A_15 : i32
    %add3A_17 = arith.constant 384 : i32
    %add3A_18 = arith.addi %mul3A_0, %add3A_17 : i32
    %add3A_19 = arith.constant 512 : i32
    %add3A_20 = arith.addi %mul3A_0, %add3A_19 : i32
    %dma_start3A = arith.constant 0 : i32
    %dma_start3A_21 = arith.constant 0 : i32
    %dma_start3A_22 = tpu.memref_slice %arg12[%dma_start3A, %dma_start3A_21] : memref<128x128xf32, #tpu.memory_space<vmem>> -> memref<128x128xf32, #tpu.memory_space<vmem>>
    %dma_start3A_23 = arith.constant 0 : i32
    %dma_start3A_24 = tpu.memref_slice %arg14[%add3A_12, %dma_start3A_23] : memref<10000x128xf32, #tpu.memory_space<vmem_shared>> -> memref<128x128xf32, #tpu.memory_space<vmem_shared>>
    %dma_start3A_25 = arith.constant 0 : i32
    %dma_start3A_26 = tpu.memref_slice %arg14[%add3A_12, %dma_start3A_25] : memref<10000x128xf32, #tpu.memory_space<vmem_shared>> -> memref<128x128xf32, #tpu.memory_space<vmem_shared>>
    %dma_start3A_27 = arith.constant 0 : i32
    %dma_start3A_28 = arith.constant 0 : i32
    %dma_start3A_29 = tpu.memref_slice %arg12[%dma_start3A_27, %dma_start3A_28] : memref<128x128xf32, #tpu.memory_space<vmem>> -> memref<128x128xf32, #tpu.memory_space<vmem>>
    tpu.enqueue_dma source(%dma_start3A_29 : memref<128x128xf32, #tpu.memory_space<vmem>>) target(%dma_start3A_26 : memref<128x128xf32, #tpu.memory_space<vmem_shared>>) target_semaphore(%arg15 : memref<!tpu.dma_semaphore, #tpu.memory_space<semaphore_mem>>)
    %dma_start3A_30 = arith.constant 0 : i32
    %dma_start3A_31 = arith.constant 0 : i32
    %dma_start3A_32 = tpu.memref_slice %arg12[%dma_start3A_30, %dma_start3A_31] : memref<128x128xf32, #tpu.memory_space<vmem>> -> memref<128x128xf32, #tpu.memory_space<vmem>>
    %dma_start3A_33 = arith.constant 0 : i32
    %dma_start3A_34 = tpu.memref_slice %arg14[%add3A_14, %dma_start3A_33] : memref<10000x128xf32, #tpu.memory_space<vmem_shared>> -> memref<128x128xf32, #tpu.memory_space<vmem_shared>>
    %dma_start3A_35 = arith.constant 0 : i32
    %dma_start3A_36 = tpu.memref_slice %arg14[%add3A_14, %dma_start3A_35] : memref<10000x128xf32, #tpu.memory_space<vmem_shared>> -> memref<128x128xf32, #tpu.memory_space<vmem_shared>>
    %dma_start3A_37 = arith.constant 0 : i32
    %dma_start3A_38 = arith.constant 0 : i32
    %dma_start3A_39 = tpu.memref_slice %arg12[%dma_start3A_37, %dma_start3A_38] : memref<128x128xf32, #tpu.memory_space<vmem>> -> memref<128x128xf32, #tpu.memory_space<vmem>>
    tpu.enqueue_dma source(%dma_start3A_39 : memref<128x128xf32, #tpu.memory_space<vmem>>) target(%dma_start3A_36 : memref<128x128xf32, #tpu.memory_space<vmem_shared>>) target_semaphore(%arg15 : memref<!tpu.dma_semaphore, #tpu.memory_space<semaphore_mem>>)
    %dma_start3A_40 = arith.constant 0 : i32
    %dma_start3A_41 = arith.constant 0 : i32
    %dma_start3A_42 = tpu.memref_slice %arg12[%dma_start3A_40, %dma_start3A_41] : memref<128x128xf32, #tpu.memory_space<vmem>> -> memref<128x128xf32, #tpu.memory_space<vmem>>
    %dma_start3A_43 = arith.constant 0 : i32
    %dma_start3A_44 = tpu.memref_slice %arg14[%add3A_16, %dma_start3A_43] : memref<10000x128xf32, #tpu.memory_space<vmem_shared>> -> memref<128x128xf32, #tpu.memory_space<vmem_shared>>
    %dma_start3A_45 = arith.constant 0 : i32
    %dma_start3A_46 = tpu.memref_slice %arg14[%add3A_16, %dma_start3A_45] : memref<10000x128xf32, #tpu.memory_space<vmem_shared>> -> memref<128x128xf32, #tpu.memory_space<vmem_shared>>
    %dma_start3A_47 = arith.constant 0 : i32
    %dma_start3A_48 = arith.constant 0 : i32
    %dma_start3A_49 = tpu.memref_slice %arg12[%dma_start3A_47, %dma_start3A_48] : memref<128x128xf32, #tpu.memory_space<vmem>> -> memref<128x128xf32, #tpu.memory_space<vmem>>
    tpu.enqueue_dma source(%dma_start3A_49 : memref<128x128xf32, #tpu.memory_space<vmem>>) target(%dma_start3A_46 : memref<128x128xf32, #tpu.memory_space<vmem_shared>>) target_semaphore(%arg15 : memref<!tpu.dma_semaphore, #tpu.memory_space<semaphore_mem>>)
    %dma_start3A_50 = arith.constant 0 : i32
    %dma_start3A_51 = arith.constant 0 : i32
    %dma_start3A_52 = tpu.memref_slice %arg12[%dma_start3A_50, %dma_start3A_51] : memref<128x128xf32, #tpu.memory_space<vmem>> -> memref<128x128xf32, #tpu.memory_space<vmem>>
    %dma_start3A_53 = arith.constant 0 : i32
    %dma_start3A_54 = tpu.memref_slice %arg14[%add3A_18, %dma_start3A_53] : memref<10000x128xf32, #tpu.memory_space<vmem_shared>> -> memref<128x128xf32, #tpu.memory_space<vmem_shared>>
    %dma_start3A_55 = arith.constant 0 : i32
    %dma_start3A_56 = tpu.memref_slice %arg14[%add3A_18, %dma_start3A_55] : memref<10000x128xf32, #tpu.memory_space<vmem_shared>> -> memref<128x128xf32, #tpu.memory_space<vmem_shared>>
    %dma_start3A_57 = arith.constant 0 : i32
    %dma_start3A_58 = arith.constant 0 : i32
    %dma_start3A_59 = tpu.memref_slice %arg12[%dma_start3A_57, %dma_start3A_58] : memref<128x128xf32, #tpu.memory_space<vmem>> -> memref<128x128xf32, #tpu.memory_space<vmem>>
    tpu.enqueue_dma source(%dma_start3A_59 : memref<128x128xf32, #tpu.memory_space<vmem>>) target(%dma_start3A_56 : memref<128x128xf32, #tpu.memory_space<vmem_shared>>) target_semaphore(%arg15 : memref<!tpu.dma_semaphore, #tpu.memory_space<semaphore_mem>>)
    %dma_start3A_60 = arith.constant 0 : i32
    %dma_start3A_61 = arith.constant 0 : i32
    %dma_start3A_62 = tpu.memref_slice %arg12[%dma_start3A_60, %dma_start3A_61] : memref<128x128xf32, #tpu.memory_space<vmem>> -> memref<112x128xf32, #tpu.memory_space<vmem>>
    %dma_start3A_63 = arith.constant 0 : i32
    %dma_start3A_64 = tpu.memref_slice %arg14[%add3A_20, %dma_start3A_63] : memref<10000x128xf32, #tpu.memory_space<vmem_shared>> -> memref<112x128xf32, #tpu.memory_space<vmem_shared>>
    %dma_start3A_65 = arith.constant 0 : i32
    %dma_start3A_66 = tpu.memref_slice %arg14[%add3A_20, %dma_start3A_65] : memref<10000x128xf32, #tpu.memory_space<vmem_shared>> -> memref<112x128xf32, #tpu.memory_space<vmem_shared>>
    %dma_start3A_67 = arith.constant 0 : i32
    %dma_start3A_68 = arith.constant 0 : i32
    %dma_start3A_69 = tpu.memref_slice %arg12[%dma_start3A_67, %dma_start3A_68] : memref<128x128xf32, #tpu.memory_space<vmem>> -> memref<112x128xf32, #tpu.memory_space<vmem>>
    tpu.enqueue_dma source(%dma_start3A_69 : memref<112x128xf32, #tpu.memory_space<vmem>>) target(%dma_start3A_66 : memref<112x128xf32, #tpu.memory_space<vmem_shared>>) target_semaphore(%arg15 : memref<!tpu.dma_semaphore, #tpu.memory_space<semaphore_mem>>)
    %lt3A = arith.constant 2 : i32
    %lt3A_70 = arith.cmpi slt, %arg1, %lt3A : i32
    %convert_element_type3A = arith.extui %lt3A_70 : i1 to i32
    %cond3A = arith.constant 0 : i32
    %cond3A_71 = arith.cmpi ne, %convert_element_type3A, %cond3A : i32
    scf.if %cond3A_71 {
      %mul3A_315 = arith.constant 8 : i32
      %mul3A_316 = arith.muli %arg1, %mul3A_315 : i32
      %add3A_317 = arith.constant 9984 : i32
      %add3A_318 = arith.addi %add3A_317, %mul3A_316 : i32
      %dma_start3A_319 = arith.constant 0 : i32
      %dma_start3A_320 = arith.constant 0 : i32
      %dma_start3A_321 = tpu.memref_slice %arg12[%dma_start3A_319, %dma_start3A_320] : memref<128x128xf32, #tpu.memory_space<vmem>> -> memref<8x128xf32, #tpu.memory_space<vmem>>
      %dma_start3A_322 = arith.constant 0 : i32
      %dma_start3A_323 = tpu.memref_slice %arg14[%add3A_318, %dma_start3A_322] : memref<10000x128xf32, #tpu.memory_space<vmem_shared>> -> memref<8x128xf32, #tpu.memory_space<vmem_shared>>
      %dma_start3A_324 = arith.constant 0 : i32
      %dma_start3A_325 = tpu.memref_slice %arg14[%add3A_318, %dma_start3A_324] : memref<10000x128xf32, #tpu.memory_space<vmem_shared>> -> memref<8x128xf32, #tpu.memory_space<vmem_shared>>
      %dma_start3A_326 = arith.constant 0 : i32
      %dma_start3A_327 = arith.constant 0 : i32
      %dma_start3A_328 = tpu.memref_slice %arg12[%dma_start3A_326, %dma_start3A_327] : memref<128x128xf32, #tpu.memory_space<vmem>> -> memref<8x128xf32, #tpu.memory_space<vmem>>
      tpu.enqueue_dma source(%dma_start3A_328 : memref<8x128xf32, #tpu.memory_space<vmem>>) target(%dma_start3A_325 : memref<8x128xf32, #tpu.memory_space<vmem_shared>>) target_semaphore(%arg15 : memref<!tpu.dma_semaphore, #tpu.memory_space<semaphore_mem>>)
    } else {
    }
    %add3A_72 = arith.constant 0 : i32
    %add3A_73 = arith.addi %mul3A_0, %add3A_72 : i32
    %add3A_74 = arith.constant 128 : i32
    %add3A_75 = arith.addi %mul3A_0, %add3A_74 : i32
    %add3A_76 = arith.constant 256 : i32
    %add3A_77 = arith.addi %mul3A_0, %add3A_76 : i32
    %add3A_78 = arith.constant 384 : i32
    %add3A_79 = arith.addi %mul3A_0, %add3A_78 : i32
    %add3A_80 = arith.constant 512 : i32
    %add3A_81 = arith.addi %mul3A_0, %add3A_80 : i32
    %dma_wait3A = arith.constant 0 : i32
    %dma_wait3A_82 = arith.constant 0 : i32
    %dma_wait3A_83 = tpu.memref_slice %arg12[%dma_wait3A, %dma_wait3A_82] : memref<128x128xf32, #tpu.memory_space<vmem>> -> memref<128x128xf32, #tpu.memory_space<vmem>>
    %dma_wait3A_84 = arith.constant 0 : i32
    %dma_wait3A_85 = tpu.memref_slice %arg14[%add3A_73, %dma_wait3A_84] : memref<10000x128xf32, #tpu.memory_space<vmem_shared>> -> memref<128x128xf32, #tpu.memory_space<vmem_shared>>
    %dma_wait3A_86 = arith.constant 0 : i32
    %dma_wait3A_87 = tpu.memref_slice %arg14[%add3A_73, %dma_wait3A_86] : memref<10000x128xf32, #tpu.memory_space<vmem_shared>> -> memref<128x128xf32, #tpu.memory_space<vmem_shared>>
    %dma_wait3A_88 = arith.constant 0 : i32
    %dma_wait3A_89 = arith.constant 0 : i32
    %dma_wait3A_90 = tpu.memref_slice %arg12[%dma_wait3A_88, %dma_wait3A_89] : memref<128x128xf32, #tpu.memory_space<vmem>> -> memref<128x128xf32, #tpu.memory_space<vmem>>
    tpu.wait_dma2 semaphore(%arg15 : memref<!tpu.dma_semaphore, #tpu.memory_space<semaphore_mem>>) src(%dma_wait3A_90 : memref<128x128xf32, #tpu.memory_space<vmem>>) dst(%dma_wait3A_87 : memref<128x128xf32, #tpu.memory_space<vmem_shared>>)
    %dma_wait3A_91 = arith.constant 0 : i32
    %dma_wait3A_92 = arith.constant 0 : i32
    %dma_wait3A_93 = tpu.memref_slice %arg12[%dma_wait3A_91, %dma_wait3A_92] : memref<128x128xf32, #tpu.memory_space<vmem>> -> memref<128x128xf32, #tpu.memory_space<vmem>>
    %dma_wait3A_94 = arith.constant 0 : i32
    %dma_wait3A_95 = tpu.memref_slice %arg14[%add3A_75, %dma_wait3A_94] : memref<10000x128xf32, #tpu.memory_space<vmem_shared>> -> memref<128x128xf32, #tpu.memory_space<vmem_shared>>
    %dma_wait3A_96 = arith.constant 0 : i32
    %dma_wait3A_97 = tpu.memref_slice %arg14[%add3A_75, %dma_wait3A_96] : memref<10000x128xf32, #tpu.memory_space<vmem_shared>> -> memref<128x128xf32, #tpu.memory_space<vmem_shared>>
    %dma_wait3A_98 = arith.constant 0 : i32
    %dma_wait3A_99 = arith.constant 0 : i32
    %dma_wait3A_100 = tpu.memref_slice %arg12[%dma_wait3A_98, %dma_wait3A_99] : memref<128x128xf32, #tpu.memory_space<vmem>> -> memref<128x128xf32, #tpu.memory_space<vmem>>
    tpu.wait_dma2 semaphore(%arg15 : memref<!tpu.dma_semaphore, #tpu.memory_space<semaphore_mem>>) src(%dma_wait3A_100 : memref<128x128xf32, #tpu.memory_space<vmem>>) dst(%dma_wait3A_97 : memref<128x128xf32, #tpu.memory_space<vmem_shared>>)
    %dma_wait3A_101 = arith.constant 0 : i32
    %dma_wait3A_102 = arith.constant 0 : i32
    %dma_wait3A_103 = tpu.memref_slice %arg12[%dma_wait3A_101, %dma_wait3A_102] : memref<128x128xf32, #tpu.memory_space<vmem>> -> memref<128x128xf32, #tpu.memory_space<vmem>>
    %dma_wait3A_104 = arith.constant 0 : i32
    %dma_wait3A_105 = tpu.memref_slice %arg14[%add3A_77, %dma_wait3A_104] : memref<10000x128xf32, #tpu.memory_space<vmem_shared>> -> memref<128x128xf32, #tpu.memory_space<vmem_shared>>
    %dma_wait3A_106 = arith.constant 0 : i32
    %dma_wait3A_107 = tpu.memref_slice %arg14[%add3A_77, %dma_wait3A_106] : memref<10000x128xf32, #tpu.memory_space<vmem_shared>> -> memref<128x128xf32, #tpu.memory_space<vmem_shared>>
    %dma_wait3A_108 = arith.constant 0 : i32
    %dma_wait3A_109 = arith.constant 0 : i32
    %dma_wait3A_110 = tpu.memref_slice %arg12[%dma_wait3A_108, %dma_wait3A_109] : memref<128x128xf32, #tpu.memory_space<vmem>> -> memref<128x128xf32, #tpu.memory_space<vmem>>
    tpu.wait_dma2 semaphore(%arg15 : memref<!tpu.dma_semaphore, #tpu.memory_space<semaphore_mem>>) src(%dma_wait3A_110 : memref<128x128xf32, #tpu.memory_space<vmem>>) dst(%dma_wait3A_107 : memref<128x128xf32, #tpu.memory_space<vmem_shared>>)
    %dma_wait3A_111 = arith.constant 0 : i32
    %dma_wait3A_112 = arith.constant 0 : i32
    %dma_wait3A_113 = tpu.memref_slice %arg12[%dma_wait3A_111, %dma_wait3A_112] : memref<128x128xf32, #tpu.memory_space<vmem>> -> memref<128x128xf32, #tpu.memory_space<vmem>>
    %dma_wait3A_114 = arith.constant 0 : i32
    %dma_wait3A_115 = tpu.memref_slice %arg14[%add3A_79, %dma_wait3A_114] : memref<10000x128xf32, #tpu.memory_space<vmem_shared>> -> memref<128x128xf32, #tpu.memory_space<vmem_shared>>
    %dma_wait3A_116 = arith.constant 0 : i32
    %dma_wait3A_117 = tpu.memref_slice %arg14[%add3A_79, %dma_wait3A_116] : memref<10000x128xf32, #tpu.memory_space<vmem_shared>> -> memref<128x128xf32, #tpu.memory_space<vmem_shared>>
    %dma_wait3A_118 = arith.constant 0 : i32
    %dma_wait3A_119 = arith.constant 0 : i32
    %dma_wait3A_120 = tpu.memref_slice %arg12[%dma_wait3A_118, %dma_wait3A_119] : memref<128x128xf32, #tpu.memory_space<vmem>> -> memref<128x128xf32, #tpu.memory_space<vmem>>
    tpu.wait_dma2 semaphore(%arg15 : memref<!tpu.dma_semaphore, #tpu.memory_space<semaphore_mem>>) src(%dma_wait3A_120 : memref<128x128xf32, #tpu.memory_space<vmem>>) dst(%dma_wait3A_117 : memref<128x128xf32, #tpu.memory_space<vmem_shared>>)
    %dma_wait3A_121 = arith.constant 0 : i32
    %dma_wait3A_122 = arith.constant 0 : i32
    %dma_wait3A_123 = tpu.memref_slice %arg12[%dma_wait3A_121, %dma_wait3A_122] : memref<128x128xf32, #tpu.memory_space<vmem>> -> memref<112x128xf32, #tpu.memory_space<vmem>>
    %dma_wait3A_124 = arith.constant 0 : i32
    %dma_wait3A_125 = tpu.memref_slice %arg14[%add3A_81, %dma_wait3A_124] : memref<10000x128xf32, #tpu.memory_space<vmem_shared>> -> memref<112x128xf32, #tpu.memory_space<vmem_shared>>
    %dma_wait3A_126 = arith.constant 0 : i32
    %dma_wait3A_127 = tpu.memref_slice %arg14[%add3A_81, %dma_wait3A_126] : memref<10000x128xf32, #tpu.memory_space<vmem_shared>> -> memref<112x128xf32, #tpu.memory_space<vmem_shared>>
    %dma_wait3A_128 = arith.constant 0 : i32
    %dma_wait3A_129 = arith.constant 0 : i32
    %dma_wait3A_130 = tpu.memref_slice %arg12[%dma_wait3A_128, %dma_wait3A_129] : memref<128x128xf32, #tpu.memory_space<vmem>> -> memref<112x128xf32, #tpu.memory_space<vmem>>
    tpu.wait_dma2 semaphore(%arg15 : memref<!tpu.dma_semaphore, #tpu.memory_space<semaphore_mem>>) src(%dma_wait3A_130 : memref<112x128xf32, #tpu.memory_space<vmem>>) dst(%dma_wait3A_127 : memref<112x128xf32, #tpu.memory_space<vmem_shared>>)
    %lt3A_131 = arith.constant 2 : i32
    %lt3A_132 = arith.cmpi slt, %arg1, %lt3A_131 : i32
    %convert_element_type3A_133 = arith.extui %lt3A_132 : i1 to i32
    %cond3A_134 = arith.constant 0 : i32
    %cond3A_135 = arith.cmpi ne, %convert_element_type3A_133, %cond3A_134 : i32
    scf.if %cond3A_135 {
      %mul3A_315 = arith.constant 8 : i32
      %mul3A_316 = arith.muli %arg1, %mul3A_315 : i32
      %add3A_317 = arith.constant 9984 : i32
      %add3A_318 = arith.addi %add3A_317, %mul3A_316 : i32
      %dma_wait3A_319 = arith.constant 0 : i32
      %dma_wait3A_320 = arith.constant 0 : i32
      %dma_wait3A_321 = tpu.memref_slice %arg12[%dma_wait3A_319, %dma_wait3A_320] : memref<128x128xf32, #tpu.memory_space<vmem>> -> memref<8x128xf32, #tpu.memory_space<vmem>>
      %dma_wait3A_322 = arith.constant 0 : i32
      %dma_wait3A_323 = tpu.memref_slice %arg14[%add3A_318, %dma_wait3A_322] : memref<10000x128xf32, #tpu.memory_space<vmem_shared>> -> memref<8x128xf32, #tpu.memory_space<vmem_shared>>
      %dma_wait3A_324 = arith.constant 0 : i32
      %dma_wait3A_325 = tpu.memref_slice %arg14[%add3A_318, %dma_wait3A_324] : memref<10000x128xf32, #tpu.memory_space<vmem_shared>> -> memref<8x128xf32, #tpu.memory_space<vmem_shared>>
      %dma_wait3A_326 = arith.constant 0 : i32
      %dma_wait3A_327 = arith.constant 0 : i32
      %dma_wait3A_328 = tpu.memref_slice %arg12[%dma_wait3A_326, %dma_wait3A_327] : memref<128x128xf32, #tpu.memory_space<vmem>> -> memref<8x128xf32, #tpu.memory_space<vmem>>
      tpu.wait_dma2 semaphore(%arg15 : memref<!tpu.dma_semaphore, #tpu.memory_space<semaphore_mem>>) src(%dma_wait3A_328 : memref<8x128xf32, #tpu.memory_space<vmem>>) dst(%dma_wait3A_325 : memref<8x128xf32, #tpu.memory_space<vmem_shared>>)
    } else {
    }
    %barrier3A = arith.constant 0 : index
    tpu.barrier barrier_id(%barrier3A)
    %add3A_136 = arith.constant 0 : i32
    %add3A_137 = arith.addi %add3A, %add3A_136 : i32
    %dma_start3A_138 = tpu.memref_slice %arg3[%add3A_137] : memref<320000xi32, #tpu.memory_space<hbm>> -> memref<128xi32, #tpu.memory_space<hbm>>
    %dma_start3A_139 = tpu.memref_slice %arg3[%add3A_137] : memref<320000xi32, #tpu.memory_space<hbm>> -> memref<128xi32, #tpu.memory_space<hbm>>
    tpu.enqueue_dma source(%dma_start3A_139 : memref<128xi32, #tpu.memory_space<hbm>>) target(%arg6 : memref<128xi32, #tpu.memory_space<vmem>>) target_semaphore(%arg17 : memref<!tpu.dma_semaphore, #tpu.memory_space<semaphore_mem>>)
    %dma_start3A_140 = tpu.memref_slice %arg4[%add3A_137] : memref<320000xi32, #tpu.memory_space<hbm>> -> memref<128xi32, #tpu.memory_space<hbm>>
    %dma_start3A_141 = tpu.memref_slice %arg4[%add3A_137] : memref<320000xi32, #tpu.memory_space<hbm>> -> memref<128xi32, #tpu.memory_space<hbm>>
    tpu.enqueue_dma source(%dma_start3A_141 : memref<128xi32, #tpu.memory_space<hbm>>) target(%arg7 : memref<128xi32, #tpu.memory_space<vmem>>) target_semaphore(%arg17 : memref<!tpu.dma_semaphore, #tpu.memory_space<semaphore_mem>>)
    %add3A_142 = arith.constant 0 : i32
    %add3A_143 = arith.addi %add3A, %add3A_142 : i32
    %dma_wait3A_144 = tpu.memref_slice %arg3[%add3A_143] : memref<320000xi32, #tpu.memory_space<hbm>> -> memref<128xi32, #tpu.memory_space<hbm>>
    %dma_wait3A_145 = tpu.memref_slice %arg3[%add3A_143] : memref<320000xi32, #tpu.memory_space<hbm>> -> memref<128xi32, #tpu.memory_space<hbm>>
    tpu.wait_dma2 semaphore(%arg17 : memref<!tpu.dma_semaphore, #tpu.memory_space<semaphore_mem>>) src(%dma_wait3A_145 : memref<128xi32, #tpu.memory_space<hbm>>) dst(%arg6 : memref<128xi32, #tpu.memory_space<vmem>>)
    %dma_wait3A_146 = tpu.memref_slice %arg4[%add3A_143] : memref<320000xi32, #tpu.memory_space<hbm>> -> memref<128xi32, #tpu.memory_space<hbm>>
    %dma_wait3A_147 = tpu.memref_slice %arg4[%add3A_143] : memref<320000xi32, #tpu.memory_space<hbm>> -> memref<128xi32, #tpu.memory_space<hbm>>
    tpu.wait_dma2 semaphore(%arg17 : memref<!tpu.dma_semaphore, #tpu.memory_space<semaphore_mem>>) src(%dma_wait3A_147 : memref<128xi32, #tpu.memory_space<hbm>>) dst(%arg7 : memref<128xi32, #tpu.memory_space<vmem>>)
    %dma_start3A_148 = arith.constant 0 : i32
    %dma_start3A_149 = arith.constant 0 : i32
    %dma_start3A_150 = tpu.memref_slice %arg2[%dma_start3A_148, %dma_start3A_149] : memref<10000x128xf32, #tpu.memory_space<hbm>> -> memref<10000x128xf32, #tpu.memory_space<hbm>>
    tpu.enqueue_indirect_dma source(%dma_start3A_150 : memref<10000x128xf32, #tpu.memory_space<hbm>>) target(%arg12 : memref<128x128xf32, #tpu.memory_space<vmem>>) offsets(%arg6 : memref<128xi32, #tpu.memory_space<vmem>>) semaphore(%arg15 : memref<!tpu.dma_semaphore, #tpu.memory_space<semaphore_mem>>)
    %add3A_151 = arith.constant 128 : i32
    %add3A_152 = arith.addi %add3A, %add3A_151 : i32
    %dma_start3A_153 = tpu.memref_slice %arg3[%add3A_152] : memref<320000xi32, #tpu.memory_space<hbm>> -> memref<128xi32, #tpu.memory_space<hbm>>
    %dma_start3A_154 = tpu.memref_slice %arg3[%add3A_152] : memref<320000xi32, #tpu.memory_space<hbm>> -> memref<128xi32, #tpu.memory_space<hbm>>
    tpu.enqueue_dma source(%dma_start3A_154 : memref<128xi32, #tpu.memory_space<hbm>>) target(%arg8 : memref<128xi32, #tpu.memory_space<vmem>>) target_semaphore(%arg18 : memref<!tpu.dma_semaphore, #tpu.memory_space<semaphore_mem>>)
    %dma_start3A_155 = tpu.memref_slice %arg4[%add3A_152] : memref<320000xi32, #tpu.memory_space<hbm>> -> memref<128xi32, #tpu.memory_space<hbm>>
    %dma_start3A_156 = tpu.memref_slice %arg4[%add3A_152] : memref<320000xi32, #tpu.memory_space<hbm>> -> memref<128xi32, #tpu.memory_space<hbm>>
    tpu.enqueue_dma source(%dma_start3A_156 : memref<128xi32, #tpu.memory_space<hbm>>) target(%arg9 : memref<128xi32, #tpu.memory_space<vmem>>) target_semaphore(%arg18 : memref<!tpu.dma_semaphore, #tpu.memory_space<semaphore_mem>>)
    %scan3A_157 = arith.constant 0 : i32
    %scan3A_158 = arith.constant 0 : i32
    %scan3A_159 = arith.constant 39 : i32
    %scan3A_160 = arith.addi %scan3A_158, %scan3A_159 : i32
    %scan3A_161 = arith.constant 1 : i32
    scf.for %scan3A_315 = %scan3A_158 to %scan3A_160 step %scan3A_161  : i32 {
      %mul3A_316 = arith.constant 2 : i32
      %mul3A_317 = arith.muli %mul3A_316, %scan3A_315 : i32
      %add3A_318 = arith.constant 1 : i32
      %add3A_319 = arith.addi %mul3A_317, %add3A_318 : i32
      %mul3A_320 = arith.constant 128 : i32
      %mul3A_321 = arith.muli %add3A_319, %mul3A_320 : i32
      %add3A_322 = arith.addi %add3A, %mul3A_321 : i32
      %dma_wait3A_323 = tpu.memref_slice %arg3[%add3A_322] : memref<320000xi32, #tpu.memory_space<hbm>> -> memref<128xi32, #tpu.memory_space<hbm>>
      %dma_wait3A_324 = tpu.memref_slice %arg3[%add3A_322] : memref<320000xi32, #tpu.memory_space<hbm>> -> memref<128xi32, #tpu.memory_space<hbm>>
      tpu.wait_dma2 semaphore(%arg18 : memref<!tpu.dma_semaphore, #tpu.memory_space<semaphore_mem>>) src(%dma_wait3A_324 : memref<128xi32, #tpu.memory_space<hbm>>) dst(%arg8 : memref<128xi32, #tpu.memory_space<vmem>>)
      %dma_wait3A_325 = tpu.memref_slice %arg4[%add3A_322] : memref<320000xi32, #tpu.memory_space<hbm>> -> memref<128xi32, #tpu.memory_space<hbm>>
      %dma_wait3A_326 = tpu.memref_slice %arg4[%add3A_322] : memref<320000xi32, #tpu.memory_space<hbm>> -> memref<128xi32, #tpu.memory_space<hbm>>
      tpu.wait_dma2 semaphore(%arg18 : memref<!tpu.dma_semaphore, #tpu.memory_space<semaphore_mem>>) src(%dma_wait3A_326 : memref<128xi32, #tpu.memory_space<hbm>>) dst(%arg9 : memref<128xi32, #tpu.memory_space<vmem>>)
      %dma_start3A_327 = arith.constant 0 : i32
      %dma_start3A_328 = arith.constant 0 : i32
      %dma_start3A_329 = tpu.memref_slice %arg2[%dma_start3A_327, %dma_start3A_328] : memref<10000x128xf32, #tpu.memory_space<hbm>> -> memref<10000x128xf32, #tpu.memory_space<hbm>>
      tpu.enqueue_indirect_dma source(%dma_start3A_329 : memref<10000x128xf32, #tpu.memory_space<hbm>>) target(%arg13 : memref<128x128xf32, #tpu.memory_space<vmem>>) offsets(%arg8 : memref<128xi32, #tpu.memory_space<vmem>>) semaphore(%arg16 : memref<!tpu.dma_semaphore, #tpu.memory_space<semaphore_mem>>)
      %dma_wait3A_330 = arith.constant 0 : i32
      %dma_wait3A_331 = arith.constant 0 : i32
      %dma_wait3A_332 = tpu.memref_slice %arg2[%dma_wait3A_330, %dma_wait3A_331] : memref<10000x128xf32, #tpu.memory_space<hbm>> -> memref<10000x128xf32, #tpu.memory_space<hbm>>
      tpu.wait_indirect_dma semaphore(%arg15 : memref<!tpu.dma_semaphore, #tpu.memory_space<semaphore_mem>>) src(%dma_wait3A_332 : memref<10000x128xf32, #tpu.memory_space<hbm>>) dst(%arg12 : memref<128x128xf32, #tpu.memory_space<vmem>>)
      "tpu.region"() ({
        %run_scoped3A = tpu.sem_alloc : memref<!tpu.dma_semaphore, #tpu.memory_space<semaphore_mem>>
        %dma_start3A_346 = arith.constant 0 : i32
        %dma_start3A_347 = arith.constant 0 : i32
        %dma_start3A_348 = tpu.memref_slice %arg14[%dma_start3A_346, %dma_start3A_347] : memref<10000x128xf32, #tpu.memory_space<vmem_shared>> -> memref<10000x128xf32, #tpu.memory_space<vmem_shared>>
        tpu.enqueue_indirect_dma source(%arg12 : memref<128x128xf32, #tpu.memory_space<vmem>>) target(%dma_start3A_348 : memref<10000x128xf32, #tpu.memory_space<vmem_shared>>) offsets(%arg7 : memref<128xi32, #tpu.memory_space<vmem>>) semaphore(%run_scoped3A : memref<!tpu.dma_semaphore, #tpu.memory_space<semaphore_mem>>) {add = true}
        %dma_wait3A_349 = arith.constant 0 : i32
        %dma_wait3A_350 = arith.constant 0 : i32
        %dma_wait3A_351 = tpu.memref_slice %arg14[%dma_wait3A_349, %dma_wait3A_350] : memref<10000x128xf32, #tpu.memory_space<vmem_shared>> -> memref<10000x128xf32, #tpu.memory_space<vmem_shared>>
        tpu.wait_indirect_dma semaphore(%run_scoped3A : memref<!tpu.dma_semaphore, #tpu.memory_space<semaphore_mem>>) src(%arg12 : memref<128x128xf32, #tpu.memory_space<vmem>>) dst(%dma_wait3A_351 : memref<10000x128xf32, #tpu.memory_space<vmem_shared>>)
        tpu.yield
      }) : () -> ()
      %lt3A_333 = arith.constant 38 : i32
      %lt3A_334 = arith.cmpi slt, %scan3A_315, %lt3A_333 : i32
      %convert_element_type3A_335 = arith.extui %lt3A_334 : i1 to i32
      %cond3A_336 = arith.constant 0 : i32
      %cond3A_337 = arith.cmpi ne, %convert_element_type3A_335, %cond3A_336 : i32
      scf.if %cond3A_337 {
        %add3A_346 = arith.constant 2 : i32
        %add3A_347 = arith.addi %mul3A_317, %add3A_346 : i32
        %mul3A_348 = arith.constant 128 : i32
        %mul3A_349 = arith.muli %add3A_347, %mul3A_348 : i32
        %add3A_350 = arith.addi %add3A, %mul3A_349 : i32
        %dma_start3A_351 = tpu.memref_slice %arg3[%add3A_350] : memref<320000xi32, #tpu.memory_space<hbm>> -> memref<128xi32, #tpu.memory_space<hbm>>
        %dma_start3A_352 = tpu.memref_slice %arg3[%add3A_350] : memref<320000xi32, #tpu.memory_space<hbm>> -> memref<128xi32, #tpu.memory_space<hbm>>
        tpu.enqueue_dma source(%dma_start3A_352 : memref<128xi32, #tpu.memory_space<hbm>>) target(%arg6 : memref<128xi32, #tpu.memory_space<vmem>>) target_semaphore(%arg17 : memref<!tpu.dma_semaphore, #tpu.memory_space<semaphore_mem>>)
        %dma_start3A_353 = tpu.memref_slice %arg4[%add3A_350] : memref<320000xi32, #tpu.memory_space<hbm>> -> memref<128xi32, #tpu.memory_space<hbm>>
        %dma_start3A_354 = tpu.memref_slice %arg4[%add3A_350] : memref<320000xi32, #tpu.memory_space<hbm>> -> memref<128xi32, #tpu.memory_space<hbm>>
        tpu.enqueue_dma source(%dma_start3A_354 : memref<128xi32, #tpu.memory_space<hbm>>) target(%arg7 : memref<128xi32, #tpu.memory_space<vmem>>) target_semaphore(%arg17 : memref<!tpu.dma_semaphore, #tpu.memory_space<semaphore_mem>>)
      } else {
      }
      %dma_wait3A_338 = arith.constant 0 : i32
      %dma_wait3A_339 = arith.constant 0 : i32
      %dma_wait3A_340 = tpu.memref_slice %arg2[%dma_wait3A_338, %dma_wait3A_339] : memref<10000x128xf32, #tpu.memory_space<hbm>> -> memref<10000x128xf32, #tpu.memory_space<hbm>>
      tpu.wait_indirect_dma semaphore(%arg16 : memref<!tpu.dma_semaphore, #tpu.memory_space<semaphore_mem>>) src(%dma_wait3A_340 : memref<10000x128xf32, #tpu.memory_space<hbm>>) dst(%arg13 : memref<128x128xf32, #tpu.memory_space<vmem>>)
      "tpu.region"() ({
        %run_scoped3A = tpu.sem_alloc : memref<!tpu.dma_semaphore, #tpu.memory_space<semaphore_mem>>
        %dma_start3A_346 = arith.constant 0 : i32
        %dma_start3A_347 = arith.constant 0 : i32
        %dma_start3A_348 = tpu.memref_slice %arg14[%dma_start3A_346, %dma_start3A_347] : memref<10000x128xf32, #tpu.memory_space<vmem_shared>> -> memref<10000x128xf32, #tpu.memory_space<vmem_shared>>
        tpu.enqueue_indirect_dma source(%arg13 : memref<128x128xf32, #tpu.memory_space<vmem>>) target(%dma_start3A_348 : memref<10000x128xf32, #tpu.memory_space<vmem_shared>>) offsets(%arg9 : memref<128xi32, #tpu.memory_space<vmem>>) semaphore(%run_scoped3A : memref<!tpu.dma_semaphore, #tpu.memory_space<semaphore_mem>>) {add = true}
        %dma_wait3A_349 = arith.constant 0 : i32
        %dma_wait3A_350 = arith.constant 0 : i32
        %dma_wait3A_351 = tpu.memref_slice %arg14[%dma_wait3A_349, %dma_wait3A_350] : memref<10000x128xf32, #tpu.memory_space<vmem_shared>> -> memref<10000x128xf32, #tpu.memory_space<vmem_shared>>
        tpu.wait_indirect_dma semaphore(%run_scoped3A : memref<!tpu.dma_semaphore, #tpu.memory_space<semaphore_mem>>) src(%arg13 : memref<128x128xf32, #tpu.memory_space<vmem>>) dst(%dma_wait3A_351 : memref<10000x128xf32, #tpu.memory_space<vmem_shared>>)
        tpu.yield
      }) : () -> ()
      %lt3A_341 = arith.constant 38 : i32
      %lt3A_342 = arith.cmpi slt, %scan3A_315, %lt3A_341 : i32
      %convert_element_type3A_343 = arith.extui %lt3A_342 : i1 to i32
      %cond3A_344 = arith.constant 0 : i32
      %cond3A_345 = arith.cmpi ne, %convert_element_type3A_343, %cond3A_344 : i32
      scf.if %cond3A_345 {
        %add3A_346 = arith.constant 2 : i32
        %add3A_347 = arith.addi %mul3A_317, %add3A_346 : i32
        %mul3A_348 = arith.constant 128 : i32
        %mul3A_349 = arith.muli %add3A_347, %mul3A_348 : i32
        %add3A_350 = arith.addi %add3A, %mul3A_349 : i32
        %dma_wait3A_351 = tpu.memref_slice %arg3[%add3A_350] : memref<320000xi32, #tpu.memory_space<hbm>> -> memref<128xi32, #tpu.memory_space<hbm>>
        %dma_wait3A_352 = tpu.memref_slice %arg3[%add3A_350] : memref<320000xi32, #tpu.memory_space<hbm>> -> memref<128xi32, #tpu.memory_space<hbm>>
        tpu.wait_dma2 semaphore(%arg17 : memref<!tpu.dma_semaphore, #tpu.memory_space<semaphore_mem>>) src(%dma_wait3A_352 : memref<128xi32, #tpu.memory_space<hbm>>) dst(%arg6 : memref<128xi32, #tpu.memory_space<vmem>>)
        %dma_wait3A_353 = tpu.memref_slice %arg4[%add3A_350] : memref<320000xi32, #tpu.memory_space<hbm>> -> memref<128xi32, #tpu.memory_space<hbm>>
        %dma_wait3A_354 = tpu.memref_slice %arg4[%add3A_350] : memref<320000xi32, #tpu.memory_space<hbm>> -> memref<128xi32, #tpu.memory_space<hbm>>
        tpu.wait_dma2 semaphore(%arg17 : memref<!tpu.dma_semaphore, #tpu.memory_space<semaphore_mem>>) src(%dma_wait3A_354 : memref<128xi32, #tpu.memory_space<hbm>>) dst(%arg7 : memref<128xi32, #tpu.memory_space<vmem>>)
        %dma_start3A_355 = arith.constant 0 : i32
        %dma_start3A_356 = arith.constant 0 : i32
        %dma_start3A_357 = tpu.memref_slice %arg2[%dma_start3A_355, %dma_start3A_356] : memref<10000x128xf32, #tpu.memory_space<hbm>> -> memref<10000x128xf32, #tpu.memory_space<hbm>>
        tpu.enqueue_indirect_dma source(%dma_start3A_357 : memref<10000x128xf32, #tpu.memory_space<hbm>>) target(%arg12 : memref<128x128xf32, #tpu.memory_space<vmem>>) offsets(%arg6 : memref<128xi32, #tpu.memory_space<vmem>>) semaphore(%arg15 : memref<!tpu.dma_semaphore, #tpu.memory_space<semaphore_mem>>)
        %add3A_358 = arith.constant 2 : i32
        %add3A_359 = arith.addi %add3A_319, %add3A_358 : i32
        %mul3A_360 = arith.constant 128 : i32
        %mul3A_361 = arith.muli %add3A_359, %mul3A_360 : i32
        %add3A_362 = arith.addi %add3A, %mul3A_361 : i32
        %dma_start3A_363 = tpu.memref_slice %arg3[%add3A_362] : memref<320000xi32, #tpu.memory_space<hbm>> -> memref<128xi32, #tpu.memory_space<hbm>>
        %dma_start3A_364 = tpu.memref_slice %arg3[%add3A_362] : memref<320000xi32, #tpu.memory_space<hbm>> -> memref<128xi32, #tpu.memory_space<hbm>>
        tpu.enqueue_dma source(%dma_start3A_364 : memref<128xi32, #tpu.memory_space<hbm>>) target(%arg8 : memref<128xi32, #tpu.memory_space<vmem>>) target_semaphore(%arg18 : memref<!tpu.dma_semaphore, #tpu.memory_space<semaphore_mem>>)
        %dma_start3A_365 = tpu.memref_slice %arg4[%add3A_362] : memref<320000xi32, #tpu.memory_space<hbm>> -> memref<128xi32, #tpu.memory_space<hbm>>
        %dma_start3A_366 = tpu.memref_slice %arg4[%add3A_362] : memref<320000xi32, #tpu.memory_space<hbm>> -> memref<128xi32, #tpu.memory_space<hbm>>
        tpu.enqueue_dma source(%dma_start3A_366 : memref<128xi32, #tpu.memory_space<hbm>>) target(%arg9 : memref<128xi32, #tpu.memory_space<vmem>>) target_semaphore(%arg18 : memref<!tpu.dma_semaphore, #tpu.memory_space<semaphore_mem>>)
      } else {
      }
    }
    %scan3A_162 = arith.constant 39 : i32
    %add3A_163 = arith.constant 9984 : i32
    %add3A_164 = arith.addi %add3A, %add3A_163 : i32
    "tpu.region"() ({
      %run_scoped3A = tpu.sem_alloc : memref<!tpu.dma_semaphore, #tpu.memory_space<semaphore_mem>>
      %dma_start3A_315 = tpu.memref_slice %arg3[%add3A_164] : memref<320000xi32, #tpu.memory_space<hbm>> -> memref<16xi32, #tpu.memory_space<hbm>>
      %dma_start3A_316 = tpu.memref_slice %arg3[%add3A_164] : memref<320000xi32, #tpu.memory_space<hbm>> -> memref<16xi32, #tpu.memory_space<hbm>>
      tpu.enqueue_dma source(%dma_start3A_316 : memref<16xi32, #tpu.memory_space<hbm>>) target(%arg10 : memref<16xi32, #tpu.memory_space<vmem>>) target_semaphore(%run_scoped3A : memref<!tpu.dma_semaphore, #tpu.memory_space<semaphore_mem>>)
      %dma_wait3A_317 = tpu.memref_slice %arg3[%add3A_164] : memref<320000xi32, #tpu.memory_space<hbm>> -> memref<16xi32, #tpu.memory_space<hbm>>
      %dma_wait3A_318 = tpu.memref_slice %arg3[%add3A_164] : memref<320000xi32, #tpu.memory_space<hbm>> -> memref<16xi32, #tpu.memory_space<hbm>>
      tpu.wait_dma2 semaphore(%run_scoped3A : memref<!tpu.dma_semaphore, #tpu.memory_space<semaphore_mem>>) src(%dma_wait3A_318 : memref<16xi32, #tpu.memory_space<hbm>>) dst(%arg10 : memref<16xi32, #tpu.memory_space<vmem>>)
      tpu.yield
    }) : () -> ()
    %add3A_165 = arith.constant 9984 : i32
    %add3A_166 = arith.addi %add3A, %add3A_165 : i32
    "tpu.region"() ({
      %run_scoped3A = tpu.sem_alloc : memref<!tpu.dma_semaphore, #tpu.memory_space<semaphore_mem>>
      %dma_start3A_315 = tpu.memref_slice %arg4[%add3A_166] : memref<320000xi32, #tpu.memory_space<hbm>> -> memref<16xi32, #tpu.memory_space<hbm>>
      %dma_start3A_316 = tpu.memref_slice %arg4[%add3A_166] : memref<320000xi32, #tpu.memory_space<hbm>> -> memref<16xi32, #tpu.memory_space<hbm>>
      tpu.enqueue_dma source(%dma_start3A_316 : memref<16xi32, #tpu.memory_space<hbm>>) target(%arg11 : memref<16xi32, #tpu.memory_space<vmem>>) target_semaphore(%run_scoped3A : memref<!tpu.dma_semaphore, #tpu.memory_space<semaphore_mem>>)
      %dma_wait3A_317 = tpu.memref_slice %arg4[%add3A_166] : memref<320000xi32, #tpu.memory_space<hbm>> -> memref<16xi32, #tpu.memory_space<hbm>>
      %dma_wait3A_318 = tpu.memref_slice %arg4[%add3A_166] : memref<320000xi32, #tpu.memory_space<hbm>> -> memref<16xi32, #tpu.memory_space<hbm>>
      tpu.wait_dma2 semaphore(%run_scoped3A : memref<!tpu.dma_semaphore, #tpu.memory_space<semaphore_mem>>) src(%dma_wait3A_318 : memref<16xi32, #tpu.memory_space<hbm>>) dst(%arg11 : memref<16xi32, #tpu.memory_space<vmem>>)
      tpu.yield
    }) : () -> ()
    %dma_start3A_167 = arith.constant 0 : i32
    %dma_start3A_168 = arith.constant 0 : i32
    %dma_start3A_169 = tpu.memref_slice %arg12[%dma_start3A_167, %dma_start3A_168] : memref<128x128xf32, #tpu.memory_space<vmem>> -> memref<16x128xf32, #tpu.memory_space<vmem>>
    %dma_start3A_170 = arith.constant 0 : i32
    %dma_start3A_171 = arith.constant 0 : i32
    %dma_start3A_172 = tpu.memref_slice %arg2[%dma_start3A_170, %dma_start3A_171] : memref<10000x128xf32, #tpu.memory_space<hbm>> -> memref<10000x128xf32, #tpu.memory_space<hbm>>
    tpu.enqueue_indirect_dma source(%dma_start3A_172 : memref<10000x128xf32, #tpu.memory_space<hbm>>) target(%dma_start3A_169 : memref<16x128xf32, #tpu.memory_space<vmem>>) offsets(%arg10 : memref<16xi32, #tpu.memory_space<vmem>>) semaphore(%arg15 : memref<!tpu.dma_semaphore, #tpu.memory_space<semaphore_mem>>)
    %dma_wait3A_173 = arith.constant 0 : i32
    %dma_wait3A_174 = arith.constant 0 : i32
    %dma_wait3A_175 = tpu.memref_slice %arg12[%dma_wait3A_173, %dma_wait3A_174] : memref<128x128xf32, #tpu.memory_space<vmem>> -> memref<16x128xf32, #tpu.memory_space<vmem>>
    %dma_wait3A_176 = arith.constant 0 : i32
    %dma_wait3A_177 = arith.constant 0 : i32
    %dma_wait3A_178 = tpu.memref_slice %arg2[%dma_wait3A_176, %dma_wait3A_177] : memref<10000x128xf32, #tpu.memory_space<hbm>> -> memref<10000x128xf32, #tpu.memory_space<hbm>>
    tpu.wait_indirect_dma semaphore(%arg15 : memref<!tpu.dma_semaphore, #tpu.memory_space<semaphore_mem>>) src(%dma_wait3A_178 : memref<10000x128xf32, #tpu.memory_space<hbm>>) dst(%dma_wait3A_175 : memref<16x128xf32, #tpu.memory_space<vmem>>)
    "tpu.region"() ({
      %run_scoped3A = tpu.sem_alloc : memref<!tpu.dma_semaphore, #tpu.memory_space<semaphore_mem>>
      %dma_start3A_315 = arith.constant 0 : i32
      %dma_start3A_316 = arith.constant 0 : i32
      %dma_start3A_317 = tpu.memref_slice %arg12[%dma_start3A_315, %dma_start3A_316] : memref<128x128xf32, #tpu.memory_space<vmem>> -> memref<16x128xf32, #tpu.memory_space<vmem>>
      %dma_start3A_318 = arith.constant 0 : i32
      %dma_start3A_319 = arith.constant 0 : i32
      %dma_start3A_320 = tpu.memref_slice %arg14[%dma_start3A_318, %dma_start3A_319] : memref<10000x128xf32, #tpu.memory_space<vmem_shared>> -> memref<10000x128xf32, #tpu.memory_space<vmem_shared>>
      tpu.enqueue_indirect_dma source(%dma_start3A_317 : memref<16x128xf32, #tpu.memory_space<vmem>>) target(%dma_start3A_320 : memref<10000x128xf32, #tpu.memory_space<vmem_shared>>) offsets(%arg11 : memref<16xi32, #tpu.memory_space<vmem>>) semaphore(%run_scoped3A : memref<!tpu.dma_semaphore, #tpu.memory_space<semaphore_mem>>) {add = true}
      %dma_wait3A_321 = arith.constant 0 : i32
      %dma_wait3A_322 = arith.constant 0 : i32
      %dma_wait3A_323 = tpu.memref_slice %arg12[%dma_wait3A_321, %dma_wait3A_322] : memref<128x128xf32, #tpu.memory_space<vmem>> -> memref<16x128xf32, #tpu.memory_space<vmem>>
      %dma_wait3A_324 = arith.constant 0 : i32
      %dma_wait3A_325 = arith.constant 0 : i32
      %dma_wait3A_326 = tpu.memref_slice %arg14[%dma_wait3A_324, %dma_wait3A_325] : memref<10000x128xf32, #tpu.memory_space<vmem_shared>> -> memref<10000x128xf32, #tpu.memory_space<vmem_shared>>
      tpu.wait_indirect_dma semaphore(%run_scoped3A : memref<!tpu.dma_semaphore, #tpu.memory_space<semaphore_mem>>) src(%dma_wait3A_323 : memref<16x128xf32, #tpu.memory_space<vmem>>) dst(%dma_wait3A_326 : memref<10000x128xf32, #tpu.memory_space<vmem_shared>>)
      tpu.yield
    }) : () -> ()
    %barrier3A_179 = arith.constant 0 : index
    tpu.barrier barrier_id(%barrier3A_179)
    %add3A_180 = arith.constant 0 : i32
    %add3A_181 = arith.addi %mul3A_0, %add3A_180 : i32
    %add3A_182 = arith.constant 128 : i32
    %add3A_183 = arith.addi %mul3A_0, %add3A_182 : i32
    %add3A_184 = arith.constant 256 : i32
    %add3A_185 = arith.addi %mul3A_0, %add3A_184 : i32
    %add3A_186 = arith.constant 384 : i32
    %add3A_187 = arith.addi %mul3A_0, %add3A_186 : i32
    %add3A_188 = arith.constant 512 : i32
    %add3A_189 = arith.addi %mul3A_0, %add3A_188 : i32
    "tpu.region"() ({
      %run_scoped3A = tpu.sem_alloc : memref<!tpu.dma_semaphore, #tpu.memory_space<semaphore_mem>>
      %dma_start3A_315 = arith.constant 0 : i32
      %dma_start3A_316 = arith.constant 0 : i32
      %dma_start3A_317 = tpu.memref_slice %arg12[%dma_start3A_315, %dma_start3A_316] : memref<128x128xf32, #tpu.memory_space<vmem>> -> memref<128x128xf32, #tpu.memory_space<vmem>>
      %dma_start3A_318 = arith.constant 0 : i32
      %dma_start3A_319 = tpu.memref_slice %arg14[%add3A_181, %dma_start3A_318] : memref<10000x128xf32, #tpu.memory_space<vmem_shared>> -> memref<128x128xf32, #tpu.memory_space<vmem_shared>>
      %dma_start3A_320 = arith.constant 0 : i32
      %dma_start3A_321 = arith.constant 0 : i32
      %dma_start3A_322 = tpu.memref_slice %arg12[%dma_start3A_320, %dma_start3A_321] : memref<128x128xf32, #tpu.memory_space<vmem>> -> memref<128x128xf32, #tpu.memory_space<vmem>>
      %dma_start3A_323 = arith.constant 0 : i32
      %dma_start3A_324 = tpu.memref_slice %arg14[%add3A_181, %dma_start3A_323] : memref<10000x128xf32, #tpu.memory_space<vmem_shared>> -> memref<128x128xf32, #tpu.memory_space<vmem_shared>>
      tpu.enqueue_dma source(%dma_start3A_324 : memref<128x128xf32, #tpu.memory_space<vmem_shared>>) target(%dma_start3A_322 : memref<128x128xf32, #tpu.memory_space<vmem>>) target_semaphore(%run_scoped3A : memref<!tpu.dma_semaphore, #tpu.memory_space<semaphore_mem>>)
      %dma_wait3A_325 = arith.constant 0 : i32
      %dma_wait3A_326 = arith.constant 0 : i32
      %dma_wait3A_327 = tpu.memref_slice %arg12[%dma_wait3A_325, %dma_wait3A_326] : memref<128x128xf32, #tpu.memory_space<vmem>> -> memref<128x128xf32, #tpu.memory_space<vmem>>
      %dma_wait3A_328 = arith.constant 0 : i32
      %dma_wait3A_329 = tpu.memref_slice %arg14[%add3A_181, %dma_wait3A_328] : memref<10000x128xf32, #tpu.memory_space<vmem_shared>> -> memref<128x128xf32, #tpu.memory_space<vmem_shared>>
      %dma_wait3A_330 = arith.constant 0 : i32
      %dma_wait3A_331 = arith.constant 0 : i32
      %dma_wait3A_332 = tpu.memref_slice %arg12[%dma_wait3A_330, %dma_wait3A_331] : memref<128x128xf32, #tpu.memory_space<vmem>> -> memref<128x128xf32, #tpu.memory_space<vmem>>
      %dma_wait3A_333 = arith.constant 0 : i32
      %dma_wait3A_334 = tpu.memref_slice %arg14[%add3A_181, %dma_wait3A_333] : memref<10000x128xf32, #tpu.memory_space<vmem_shared>> -> memref<128x128xf32, #tpu.memory_space<vmem_shared>>
      tpu.wait_dma2 semaphore(%run_scoped3A : memref<!tpu.dma_semaphore, #tpu.memory_space<semaphore_mem>>) src(%dma_wait3A_334 : memref<128x128xf32, #tpu.memory_space<vmem_shared>>) dst(%dma_wait3A_332 : memref<128x128xf32, #tpu.memory_space<vmem>>)
      tpu.yield
    }) : () -> ()
    %dma_start3A_190 = arith.constant 0 : i32
    %dma_start3A_191 = arith.constant 0 : i32
    %dma_start3A_192 = tpu.memref_slice %arg12[%dma_start3A_190, %dma_start3A_191] : memref<128x128xf32, #tpu.memory_space<vmem>> -> memref<128x128xf32, #tpu.memory_space<vmem>>
    %dma_start3A_193 = arith.constant 0 : i32
    %dma_start3A_194 = tpu.memref_slice %arg5[%arg0, %add3A_181, %dma_start3A_193] : memref<2x10000x128xf32, #tpu.memory_space<hbm>> -> memref<1x128x128xf32, #tpu.memory_space<hbm>>
    %dma_start3A_195 = tpu.memref_squeeze %dma_start3A_194 : memref<1x128x128xf32, #tpu.memory_space<hbm>> -> memref<128x128xf32, #tpu.memory_space<hbm>>
    %dma_start3A_196 = arith.constant 0 : i32
    %dma_start3A_197 = tpu.memref_slice %arg5[%arg0, %add3A_181, %dma_start3A_196] : memref<2x10000x128xf32, #tpu.memory_space<hbm>> -> memref<1x128x128xf32, #tpu.memory_space<hbm>>
    %dma_start3A_198 = tpu.memref_squeeze %dma_start3A_197 : memref<1x128x128xf32, #tpu.memory_space<hbm>> -> memref<128x128xf32, #tpu.memory_space<hbm>>
    %dma_start3A_199 = arith.constant 0 : i32
    %dma_start3A_200 = arith.constant 0 : i32
    %dma_start3A_201 = tpu.memref_slice %arg12[%dma_start3A_199, %dma_start3A_200] : memref<128x128xf32, #tpu.memory_space<vmem>> -> memref<128x128xf32, #tpu.memory_space<vmem>>
    tpu.enqueue_dma source(%dma_start3A_201 : memref<128x128xf32, #tpu.memory_space<vmem>>) target(%dma_start3A_198 : memref<128x128xf32, #tpu.memory_space<hbm>>) target_semaphore(%arg15 : memref<!tpu.dma_semaphore, #tpu.memory_space<semaphore_mem>>)
    "tpu.region"() ({
      %run_scoped3A = tpu.sem_alloc : memref<!tpu.dma_semaphore, #tpu.memory_space<semaphore_mem>>
      %dma_start3A_315 = arith.constant 0 : i32
      %dma_start3A_316 = arith.constant 0 : i32
      %dma_start3A_317 = tpu.memref_slice %arg13[%dma_start3A_315, %dma_start3A_316] : memref<128x128xf32, #tpu.memory_space<vmem>> -> memref<128x128xf32, #tpu.memory_space<vmem>>
      %dma_start3A_318 = arith.constant 0 : i32
      %dma_start3A_319 = tpu.memref_slice %arg14[%add3A_183, %dma_start3A_318] : memref<10000x128xf32, #tpu.memory_space<vmem_shared>> -> memref<128x128xf32, #tpu.memory_space<vmem_shared>>
      %dma_start3A_320 = arith.constant 0 : i32
      %dma_start3A_321 = arith.constant 0 : i32
      %dma_start3A_322 = tpu.memref_slice %arg13[%dma_start3A_320, %dma_start3A_321] : memref<128x128xf32, #tpu.memory_space<vmem>> -> memref<128x128xf32, #tpu.memory_space<vmem>>
      %dma_start3A_323 = arith.constant 0 : i32
      %dma_start3A_324 = tpu.memref_slice %arg14[%add3A_183, %dma_start3A_323] : memref<10000x128xf32, #tpu.memory_space<vmem_shared>> -> memref<128x128xf32, #tpu.memory_space<vmem_shared>>
      tpu.enqueue_dma source(%dma_start3A_324 : memref<128x128xf32, #tpu.memory_space<vmem_shared>>) target(%dma_start3A_322 : memref<128x128xf32, #tpu.memory_space<vmem>>) target_semaphore(%run_scoped3A : memref<!tpu.dma_semaphore, #tpu.memory_space<semaphore_mem>>)
      %dma_wait3A_325 = arith.constant 0 : i32
      %dma_wait3A_326 = arith.constant 0 : i32
      %dma_wait3A_327 = tpu.memref_slice %arg13[%dma_wait3A_325, %dma_wait3A_326] : memref<128x128xf32, #tpu.memory_space<vmem>> -> memref<128x128xf32, #tpu.memory_space<vmem>>
      %dma_wait3A_328 = arith.constant 0 : i32
      %dma_wait3A_329 = tpu.memref_slice %arg14[%add3A_183, %dma_wait3A_328] : memref<10000x128xf32, #tpu.memory_space<vmem_shared>> -> memref<128x128xf32, #tpu.memory_space<vmem_shared>>
      %dma_wait3A_330 = arith.constant 0 : i32
      %dma_wait3A_331 = arith.constant 0 : i32
      %dma_wait3A_332 = tpu.memref_slice %arg13[%dma_wait3A_330, %dma_wait3A_331] : memref<128x128xf32, #tpu.memory_space<vmem>> -> memref<128x128xf32, #tpu.memory_space<vmem>>
      %dma_wait3A_333 = arith.constant 0 : i32
      %dma_wait3A_334 = tpu.memref_slice %arg14[%add3A_183, %dma_wait3A_333] : memref<10000x128xf32, #tpu.memory_space<vmem_shared>> -> memref<128x128xf32, #tpu.memory_space<vmem_shared>>
      tpu.wait_dma2 semaphore(%run_scoped3A : memref<!tpu.dma_semaphore, #tpu.memory_space<semaphore_mem>>) src(%dma_wait3A_334 : memref<128x128xf32, #tpu.memory_space<vmem_shared>>) dst(%dma_wait3A_332 : memref<128x128xf32, #tpu.memory_space<vmem>>)
      tpu.yield
    }) : () -> ()
    %dma_start3A_202 = arith.constant 0 : i32
    %dma_start3A_203 = arith.constant 0 : i32
    %dma_start3A_204 = tpu.memref_slice %arg13[%dma_start3A_202, %dma_start3A_203] : memref<128x128xf32, #tpu.memory_space<vmem>> -> memref<128x128xf32, #tpu.memory_space<vmem>>
    %dma_start3A_205 = arith.constant 0 : i32
    %dma_start3A_206 = tpu.memref_slice %arg5[%arg0, %add3A_183, %dma_start3A_205] : memref<2x10000x128xf32, #tpu.memory_space<hbm>> -> memref<1x128x128xf32, #tpu.memory_space<hbm>>
    %dma_start3A_207 = tpu.memref_squeeze %dma_start3A_206 : memref<1x128x128xf32, #tpu.memory_space<hbm>> -> memref<128x128xf32, #tpu.memory_space<hbm>>
    %dma_start3A_208 = arith.constant 0 : i32
    %dma_start3A_209 = tpu.memref_slice %arg5[%arg0, %add3A_183, %dma_start3A_208] : memref<2x10000x128xf32, #tpu.memory_space<hbm>> -> memref<1x128x128xf32, #tpu.memory_space<hbm>>
    %dma_start3A_210 = tpu.memref_squeeze %dma_start3A_209 : memref<1x128x128xf32, #tpu.memory_space<hbm>> -> memref<128x128xf32, #tpu.memory_space<hbm>>
    %dma_start3A_211 = arith.constant 0 : i32
    %dma_start3A_212 = arith.constant 0 : i32
    %dma_start3A_213 = tpu.memref_slice %arg13[%dma_start3A_211, %dma_start3A_212] : memref<128x128xf32, #tpu.memory_space<vmem>> -> memref<128x128xf32, #tpu.memory_space<vmem>>
    tpu.enqueue_dma source(%dma_start3A_213 : memref<128x128xf32, #tpu.memory_space<vmem>>) target(%dma_start3A_210 : memref<128x128xf32, #tpu.memory_space<hbm>>) target_semaphore(%arg16 : memref<!tpu.dma_semaphore, #tpu.memory_space<semaphore_mem>>)
    %dma_wait3A_214 = arith.constant 0 : i32
    %dma_wait3A_215 = arith.constant 0 : i32
    %dma_wait3A_216 = tpu.memref_slice %arg12[%dma_wait3A_214, %dma_wait3A_215] : memref<128x128xf32, #tpu.memory_space<vmem>> -> memref<128x128xf32, #tpu.memory_space<vmem>>
    %dma_wait3A_217 = arith.constant 0 : i32
    %dma_wait3A_218 = tpu.memref_slice %arg5[%arg0, %add3A_181, %dma_wait3A_217] : memref<2x10000x128xf32, #tpu.memory_space<hbm>> -> memref<1x128x128xf32, #tpu.memory_space<hbm>>
    %dma_wait3A_219 = tpu.memref_squeeze %dma_wait3A_218 : memref<1x128x128xf32, #tpu.memory_space<hbm>> -> memref<128x128xf32, #tpu.memory_space<hbm>>
    %dma_wait3A_220 = arith.constant 0 : i32
    %dma_wait3A_221 = tpu.memref_slice %arg5[%arg0, %add3A_181, %dma_wait3A_220] : memref<2x10000x128xf32, #tpu.memory_space<hbm>> -> memref<1x128x128xf32, #tpu.memory_space<hbm>>
    %dma_wait3A_222 = tpu.memref_squeeze %dma_wait3A_221 : memref<1x128x128xf32, #tpu.memory_space<hbm>> -> memref<128x128xf32, #tpu.memory_space<hbm>>
    %dma_wait3A_223 = arith.constant 0 : i32
    %dma_wait3A_224 = arith.constant 0 : i32
    %dma_wait3A_225 = tpu.memref_slice %arg12[%dma_wait3A_223, %dma_wait3A_224] : memref<128x128xf32, #tpu.memory_space<vmem>> -> memref<128x128xf32, #tpu.memory_space<vmem>>
    tpu.wait_dma2 semaphore(%arg15 : memref<!tpu.dma_semaphore, #tpu.memory_space<semaphore_mem>>) src(%dma_wait3A_225 : memref<128x128xf32, #tpu.memory_space<vmem>>) dst(%dma_wait3A_222 : memref<128x128xf32, #tpu.memory_space<hbm>>)
    "tpu.region"() ({
      %run_scoped3A = tpu.sem_alloc : memref<!tpu.dma_semaphore, #tpu.memory_space<semaphore_mem>>
      %dma_start3A_315 = arith.constant 0 : i32
      %dma_start3A_316 = arith.constant 0 : i32
      %dma_start3A_317 = tpu.memref_slice %arg12[%dma_start3A_315, %dma_start3A_316] : memref<128x128xf32, #tpu.memory_space<vmem>> -> memref<128x128xf32, #tpu.memory_space<vmem>>
      %dma_start3A_318 = arith.constant 0 : i32
      %dma_start3A_319 = tpu.memref_slice %arg14[%add3A_185, %dma_start3A_318] : memref<10000x128xf32, #tpu.memory_space<vmem_shared>> -> memref<128x128xf32, #tpu.memory_space<vmem_shared>>
      %dma_start3A_320 = arith.constant 0 : i32
      %dma_start3A_321 = arith.constant 0 : i32
      %dma_start3A_322 = tpu.memref_slice %arg12[%dma_start3A_320, %dma_start3A_321] : memref<128x128xf32, #tpu.memory_space<vmem>> -> memref<128x128xf32, #tpu.memory_space<vmem>>
      %dma_start3A_323 = arith.constant 0 : i32
      %dma_start3A_324 = tpu.memref_slice %arg14[%add3A_185, %dma_start3A_323] : memref<10000x128xf32, #tpu.memory_space<vmem_shared>> -> memref<128x128xf32, #tpu.memory_space<vmem_shared>>
      tpu.enqueue_dma source(%dma_start3A_324 : memref<128x128xf32, #tpu.memory_space<vmem_shared>>) target(%dma_start3A_322 : memref<128x128xf32, #tpu.memory_space<vmem>>) target_semaphore(%run_scoped3A : memref<!tpu.dma_semaphore, #tpu.memory_space<semaphore_mem>>)
      %dma_wait3A_325 = arith.constant 0 : i32
      %dma_wait3A_326 = arith.constant 0 : i32
      %dma_wait3A_327 = tpu.memref_slice %arg12[%dma_wait3A_325, %dma_wait3A_326] : memref<128x128xf32, #tpu.memory_space<vmem>> -> memref<128x128xf32, #tpu.memory_space<vmem>>
      %dma_wait3A_328 = arith.constant 0 : i32
      %dma_wait3A_329 = tpu.memref_slice %arg14[%add3A_185, %dma_wait3A_328] : memref<10000x128xf32, #tpu.memory_space<vmem_shared>> -> memref<128x128xf32, #tpu.memory_space<vmem_shared>>
      %dma_wait3A_330 = arith.constant 0 : i32
      %dma_wait3A_331 = arith.constant 0 : i32
      %dma_wait3A_332 = tpu.memref_slice %arg12[%dma_wait3A_330, %dma_wait3A_331] : memref<128x128xf32, #tpu.memory_space<vmem>> -> memref<128x128xf32, #tpu.memory_space<vmem>>
      %dma_wait3A_333 = arith.constant 0 : i32
      %dma_wait3A_334 = tpu.memref_slice %arg14[%add3A_185, %dma_wait3A_333] : memref<10000x128xf32, #tpu.memory_space<vmem_shared>> -> memref<128x128xf32, #tpu.memory_space<vmem_shared>>
      tpu.wait_dma2 semaphore(%run_scoped3A : memref<!tpu.dma_semaphore, #tpu.memory_space<semaphore_mem>>) src(%dma_wait3A_334 : memref<128x128xf32, #tpu.memory_space<vmem_shared>>) dst(%dma_wait3A_332 : memref<128x128xf32, #tpu.memory_space<vmem>>)
      tpu.yield
    }) : () -> ()
    %dma_start3A_226 = arith.constant 0 : i32
    %dma_start3A_227 = arith.constant 0 : i32
    %dma_start3A_228 = tpu.memref_slice %arg12[%dma_start3A_226, %dma_start3A_227] : memref<128x128xf32, #tpu.memory_space<vmem>> -> memref<128x128xf32, #tpu.memory_space<vmem>>
    %dma_start3A_229 = arith.constant 0 : i32
    %dma_start3A_230 = tpu.memref_slice %arg5[%arg0, %add3A_185, %dma_start3A_229] : memref<2x10000x128xf32, #tpu.memory_space<hbm>> -> memref<1x128x128xf32, #tpu.memory_space<hbm>>
    %dma_start3A_231 = tpu.memref_squeeze %dma_start3A_230 : memref<1x128x128xf32, #tpu.memory_space<hbm>> -> memref<128x128xf32, #tpu.memory_space<hbm>>
    %dma_start3A_232 = arith.constant 0 : i32
    %dma_start3A_233 = tpu.memref_slice %arg5[%arg0, %add3A_185, %dma_start3A_232] : memref<2x10000x128xf32, #tpu.memory_space<hbm>> -> memref<1x128x128xf32, #tpu.memory_space<hbm>>
    %dma_start3A_234 = tpu.memref_squeeze %dma_start3A_233 : memref<1x128x128xf32, #tpu.memory_space<hbm>> -> memref<128x128xf32, #tpu.memory_space<hbm>>
    %dma_start3A_235 = arith.constant 0 : i32
    %dma_start3A_236 = arith.constant 0 : i32
    %dma_start3A_237 = tpu.memref_slice %arg12[%dma_start3A_235, %dma_start3A_236] : memref<128x128xf32, #tpu.memory_space<vmem>> -> memref<128x128xf32, #tpu.memory_space<vmem>>
    tpu.enqueue_dma source(%dma_start3A_237 : memref<128x128xf32, #tpu.memory_space<vmem>>) target(%dma_start3A_234 : memref<128x128xf32, #tpu.memory_space<hbm>>) target_semaphore(%arg15 : memref<!tpu.dma_semaphore, #tpu.memory_space<semaphore_mem>>)
    %dma_wait3A_238 = arith.constant 0 : i32
    %dma_wait3A_239 = arith.constant 0 : i32
    %dma_wait3A_240 = tpu.memref_slice %arg13[%dma_wait3A_238, %dma_wait3A_239] : memref<128x128xf32, #tpu.memory_space<vmem>> -> memref<128x128xf32, #tpu.memory_space<vmem>>
    %dma_wait3A_241 = arith.constant 0 : i32
    %dma_wait3A_242 = tpu.memref_slice %arg5[%arg0, %add3A_183, %dma_wait3A_241] : memref<2x10000x128xf32, #tpu.memory_space<hbm>> -> memref<1x128x128xf32, #tpu.memory_space<hbm>>
    %dma_wait3A_243 = tpu.memref_squeeze %dma_wait3A_242 : memref<1x128x128xf32, #tpu.memory_space<hbm>> -> memref<128x128xf32, #tpu.memory_space<hbm>>
    %dma_wait3A_244 = arith.constant 0 : i32
    %dma_wait3A_245 = tpu.memref_slice %arg5[%arg0, %add3A_183, %dma_wait3A_244] : memref<2x10000x128xf32, #tpu.memory_space<hbm>> -> memref<1x128x128xf32, #tpu.memory_space<hbm>>
    %dma_wait3A_246 = tpu.memref_squeeze %dma_wait3A_245 : memref<1x128x128xf32, #tpu.memory_space<hbm>> -> memref<128x128xf32, #tpu.memory_space<hbm>>
    %dma_wait3A_247 = arith.constant 0 : i32
    %dma_wait3A_248 = arith.constant 0 : i32
    %dma_wait3A_249 = tpu.memref_slice %arg13[%dma_wait3A_247, %dma_wait3A_248] : memref<128x128xf32, #tpu.memory_space<vmem>> -> memref<128x128xf32, #tpu.memory_space<vmem>>
    tpu.wait_dma2 semaphore(%arg16 : memref<!tpu.dma_semaphore, #tpu.memory_space<semaphore_mem>>) src(%dma_wait3A_249 : memref<128x128xf32, #tpu.memory_space<vmem>>) dst(%dma_wait3A_246 : memref<128x128xf32, #tpu.memory_space<hbm>>)
    "tpu.region"() ({
      %run_scoped3A = tpu.sem_alloc : memref<!tpu.dma_semaphore, #tpu.memory_space<semaphore_mem>>
      %dma_start3A_315 = arith.constant 0 : i32
      %dma_start3A_316 = arith.constant 0 : i32
      %dma_start3A_317 = tpu.memref_slice %arg13[%dma_start3A_315, %dma_start3A_316] : memref<128x128xf32, #tpu.memory_space<vmem>> -> memref<128x128xf32, #tpu.memory_space<vmem>>
      %dma_start3A_318 = arith.constant 0 : i32
      %dma_start3A_319 = tpu.memref_slice %arg14[%add3A_187, %dma_start3A_318] : memref<10000x128xf32, #tpu.memory_space<vmem_shared>> -> memref<128x128xf32, #tpu.memory_space<vmem_shared>>
      %dma_start3A_320 = arith.constant 0 : i32
      %dma_start3A_321 = arith.constant 0 : i32
      %dma_start3A_322 = tpu.memref_slice %arg13[%dma_start3A_320, %dma_start3A_321] : memref<128x128xf32, #tpu.memory_space<vmem>> -> memref<128x128xf32, #tpu.memory_space<vmem>>
      %dma_start3A_323 = arith.constant 0 : i32
      %dma_start3A_324 = tpu.memref_slice %arg14[%add3A_187, %dma_start3A_323] : memref<10000x128xf32, #tpu.memory_space<vmem_shared>> -> memref<128x128xf32, #tpu.memory_space<vmem_shared>>
      tpu.enqueue_dma source(%dma_start3A_324 : memref<128x128xf32, #tpu.memory_space<vmem_shared>>) target(%dma_start3A_322 : memref<128x128xf32, #tpu.memory_space<vmem>>) target_semaphore(%run_scoped3A : memref<!tpu.dma_semaphore, #tpu.memory_space<semaphore_mem>>)
      %dma_wait3A_325 = arith.constant 0 : i32
      %dma_wait3A_326 = arith.constant 0 : i32
      %dma_wait3A_327 = tpu.memref_slice %arg13[%dma_wait3A_325, %dma_wait3A_326] : memref<128x128xf32, #tpu.memory_space<vmem>> -> memref<128x128xf32, #tpu.memory_space<vmem>>
      %dma_wait3A_328 = arith.constant 0 : i32
      %dma_wait3A_329 = tpu.memref_slice %arg14[%add3A_187, %dma_wait3A_328] : memref<10000x128xf32, #tpu.memory_space<vmem_shared>> -> memref<128x128xf32, #tpu.memory_space<vmem_shared>>
      %dma_wait3A_330 = arith.constant 0 : i32
      %dma_wait3A_331 = arith.constant 0 : i32
      %dma_wait3A_332 = tpu.memref_slice %arg13[%dma_wait3A_330, %dma_wait3A_331] : memref<128x128xf32, #tpu.memory_space<vmem>> -> memref<128x128xf32, #tpu.memory_space<vmem>>
      %dma_wait3A_333 = arith.constant 0 : i32
      %dma_wait3A_334 = tpu.memref_slice %arg14[%add3A_187, %dma_wait3A_333] : memref<10000x128xf32, #tpu.memory_space<vmem_shared>> -> memref<128x128xf32, #tpu.memory_space<vmem_shared>>
      tpu.wait_dma2 semaphore(%run_scoped3A : memref<!tpu.dma_semaphore, #tpu.memory_space<semaphore_mem>>) src(%dma_wait3A_334 : memref<128x128xf32, #tpu.memory_space<vmem_shared>>) dst(%dma_wait3A_332 : memref<128x128xf32, #tpu.memory_space<vmem>>)
      tpu.yield
    }) : () -> ()
    %dma_start3A_250 = arith.constant 0 : i32
    %dma_start3A_251 = arith.constant 0 : i32
    %dma_start3A_252 = tpu.memref_slice %arg13[%dma_start3A_250, %dma_start3A_251] : memref<128x128xf32, #tpu.memory_space<vmem>> -> memref<128x128xf32, #tpu.memory_space<vmem>>
    %dma_start3A_253 = arith.constant 0 : i32
    %dma_start3A_254 = tpu.memref_slice %arg5[%arg0, %add3A_187, %dma_start3A_253] : memref<2x10000x128xf32, #tpu.memory_space<hbm>> -> memref<1x128x128xf32, #tpu.memory_space<hbm>>
    %dma_start3A_255 = tpu.memref_squeeze %dma_start3A_254 : memref<1x128x128xf32, #tpu.memory_space<hbm>> -> memref<128x128xf32, #tpu.memory_space<hbm>>
    %dma_start3A_256 = arith.constant 0 : i32
    %dma_start3A_257 = tpu.memref_slice %arg5[%arg0, %add3A_187, %dma_start3A_256] : memref<2x10000x128xf32, #tpu.memory_space<hbm>> -> memref<1x128x128xf32, #tpu.memory_space<hbm>>
    %dma_start3A_258 = tpu.memref_squeeze %dma_start3A_257 : memref<1x128x128xf32, #tpu.memory_space<hbm>> -> memref<128x128xf32, #tpu.memory_space<hbm>>
    %dma_start3A_259 = arith.constant 0 : i32
    %dma_start3A_260 = arith.constant 0 : i32
    %dma_start3A_261 = tpu.memref_slice %arg13[%dma_start3A_259, %dma_start3A_260] : memref<128x128xf32, #tpu.memory_space<vmem>> -> memref<128x128xf32, #tpu.memory_space<vmem>>
    tpu.enqueue_dma source(%dma_start3A_261 : memref<128x128xf32, #tpu.memory_space<vmem>>) target(%dma_start3A_258 : memref<128x128xf32, #tpu.memory_space<hbm>>) target_semaphore(%arg16 : memref<!tpu.dma_semaphore, #tpu.memory_space<semaphore_mem>>)
    %dma_wait3A_262 = arith.constant 0 : i32
    %dma_wait3A_263 = arith.constant 0 : i32
    %dma_wait3A_264 = tpu.memref_slice %arg12[%dma_wait3A_262, %dma_wait3A_263] : memref<128x128xf32, #tpu.memory_space<vmem>> -> memref<128x128xf32, #tpu.memory_space<vmem>>
    %dma_wait3A_265 = arith.constant 0 : i32
    %dma_wait3A_266 = tpu.memref_slice %arg5[%arg0, %add3A_185, %dma_wait3A_265] : memref<2x10000x128xf32, #tpu.memory_space<hbm>> -> memref<1x128x128xf32, #tpu.memory_space<hbm>>
    %dma_wait3A_267 = tpu.memref_squeeze %dma_wait3A_266 : memref<1x128x128xf32, #tpu.memory_space<hbm>> -> memref<128x128xf32, #tpu.memory_space<hbm>>
    %dma_wait3A_268 = arith.constant 0 : i32
    %dma_wait3A_269 = tpu.memref_slice %arg5[%arg0, %add3A_185, %dma_wait3A_268] : memref<2x10000x128xf32, #tpu.memory_space<hbm>> -> memref<1x128x128xf32, #tpu.memory_space<hbm>>
    %dma_wait3A_270 = tpu.memref_squeeze %dma_wait3A_269 : memref<1x128x128xf32, #tpu.memory_space<hbm>> -> memref<128x128xf32, #tpu.memory_space<hbm>>
    %dma_wait3A_271 = arith.constant 0 : i32
    %dma_wait3A_272 = arith.constant 0 : i32
    %dma_wait3A_273 = tpu.memref_slice %arg12[%dma_wait3A_271, %dma_wait3A_272] : memref<128x128xf32, #tpu.memory_space<vmem>> -> memref<128x128xf32, #tpu.memory_space<vmem>>
    tpu.wait_dma2 semaphore(%arg15 : memref<!tpu.dma_semaphore, #tpu.memory_space<semaphore_mem>>) src(%dma_wait3A_273 : memref<128x128xf32, #tpu.memory_space<vmem>>) dst(%dma_wait3A_270 : memref<128x128xf32, #tpu.memory_space<hbm>>)
    "tpu.region"() ({
      %run_scoped3A = tpu.sem_alloc : memref<!tpu.dma_semaphore, #tpu.memory_space<semaphore_mem>>
      %dma_start3A_315 = arith.constant 0 : i32
      %dma_start3A_316 = arith.constant 0 : i32
      %dma_start3A_317 = tpu.memref_slice %arg12[%dma_start3A_315, %dma_start3A_316] : memref<128x128xf32, #tpu.memory_space<vmem>> -> memref<112x128xf32, #tpu.memory_space<vmem>>
      %dma_start3A_318 = arith.constant 0 : i32
      %dma_start3A_319 = tpu.memref_slice %arg14[%add3A_189, %dma_start3A_318] : memref<10000x128xf32, #tpu.memory_space<vmem_shared>> -> memref<112x128xf32, #tpu.memory_space<vmem_shared>>
      %dma_start3A_320 = arith.constant 0 : i32
      %dma_start3A_321 = arith.constant 0 : i32
      %dma_start3A_322 = tpu.memref_slice %arg12[%dma_start3A_320, %dma_start3A_321] : memref<128x128xf32, #tpu.memory_space<vmem>> -> memref<112x128xf32, #tpu.memory_space<vmem>>
      %dma_start3A_323 = arith.constant 0 : i32
      %dma_start3A_324 = tpu.memref_slice %arg14[%add3A_189, %dma_start3A_323] : memref<10000x128xf32, #tpu.memory_space<vmem_shared>> -> memref<112x128xf32, #tpu.memory_space<vmem_shared>>
      tpu.enqueue_dma source(%dma_start3A_324 : memref<112x128xf32, #tpu.memory_space<vmem_shared>>) target(%dma_start3A_322 : memref<112x128xf32, #tpu.memory_space<vmem>>) target_semaphore(%run_scoped3A : memref<!tpu.dma_semaphore, #tpu.memory_space<semaphore_mem>>)
      %dma_wait3A_325 = arith.constant 0 : i32
      %dma_wait3A_326 = arith.constant 0 : i32
      %dma_wait3A_327 = tpu.memref_slice %arg12[%dma_wait3A_325, %dma_wait3A_326] : memref<128x128xf32, #tpu.memory_space<vmem>> -> memref<112x128xf32, #tpu.memory_space<vmem>>
      %dma_wait3A_328 = arith.constant 0 : i32
      %dma_wait3A_329 = tpu.memref_slice %arg14[%add3A_189, %dma_wait3A_328] : memref<10000x128xf32, #tpu.memory_space<vmem_shared>> -> memref<112x128xf32, #tpu.memory_space<vmem_shared>>
      %dma_wait3A_330 = arith.constant 0 : i32
      %dma_wait3A_331 = arith.constant 0 : i32
      %dma_wait3A_332 = tpu.memref_slice %arg12[%dma_wait3A_330, %dma_wait3A_331] : memref<128x128xf32, #tpu.memory_space<vmem>> -> memref<112x128xf32, #tpu.memory_space<vmem>>
      %dma_wait3A_333 = arith.constant 0 : i32
      %dma_wait3A_334 = tpu.memref_slice %arg14[%add3A_189, %dma_wait3A_333] : memref<10000x128xf32, #tpu.memory_space<vmem_shared>> -> memref<112x128xf32, #tpu.memory_space<vmem_shared>>
      tpu.wait_dma2 semaphore(%run_scoped3A : memref<!tpu.dma_semaphore, #tpu.memory_space<semaphore_mem>>) src(%dma_wait3A_334 : memref<112x128xf32, #tpu.memory_space<vmem_shared>>) dst(%dma_wait3A_332 : memref<112x128xf32, #tpu.memory_space<vmem>>)
      tpu.yield
    }) : () -> ()
    %dma_start3A_274 = arith.constant 0 : i32
    %dma_start3A_275 = arith.constant 0 : i32
    %dma_start3A_276 = tpu.memref_slice %arg12[%dma_start3A_274, %dma_start3A_275] : memref<128x128xf32, #tpu.memory_space<vmem>> -> memref<112x128xf32, #tpu.memory_space<vmem>>
    %dma_start3A_277 = arith.constant 0 : i32
    %dma_start3A_278 = tpu.memref_slice %arg5[%arg0, %add3A_189, %dma_start3A_277] : memref<2x10000x128xf32, #tpu.memory_space<hbm>> -> memref<1x112x128xf32, #tpu.memory_space<hbm>>
    %dma_start3A_279 = tpu.memref_squeeze %dma_start3A_278 : memref<1x112x128xf32, #tpu.memory_space<hbm>> -> memref<112x128xf32, #tpu.memory_space<hbm>>
    %dma_start3A_280 = arith.constant 0 : i32
    %dma_start3A_281 = tpu.memref_slice %arg5[%arg0, %add3A_189, %dma_start3A_280] : memref<2x10000x128xf32, #tpu.memory_space<hbm>> -> memref<1x112x128xf32, #tpu.memory_space<hbm>>
    %dma_start3A_282 = tpu.memref_squeeze %dma_start3A_281 : memref<1x112x128xf32, #tpu.memory_space<hbm>> -> memref<112x128xf32, #tpu.memory_space<hbm>>
    %dma_start3A_283 = arith.constant 0 : i32
    %dma_start3A_284 = arith.constant 0 : i32
    %dma_start3A_285 = tpu.memref_slice %arg12[%dma_start3A_283, %dma_start3A_284] : memref<128x128xf32, #tpu.memory_space<vmem>> -> memref<112x128xf32, #tpu.memory_space<vmem>>
    tpu.enqueue_dma source(%dma_start3A_285 : memref<112x128xf32, #tpu.memory_space<vmem>>) target(%dma_start3A_282 : memref<112x128xf32, #tpu.memory_space<hbm>>) target_semaphore(%arg15 : memref<!tpu.dma_semaphore, #tpu.memory_space<semaphore_mem>>)
    %dma_wait3A_286 = arith.constant 0 : i32
    %dma_wait3A_287 = arith.constant 0 : i32
    %dma_wait3A_288 = tpu.memref_slice %arg13[%dma_wait3A_286, %dma_wait3A_287] : memref<128x128xf32, #tpu.memory_space<vmem>> -> memref<128x128xf32, #tpu.memory_space<vmem>>
    %dma_wait3A_289 = arith.constant 0 : i32
    %dma_wait3A_290 = tpu.memref_slice %arg5[%arg0, %add3A_187, %dma_wait3A_289] : memref<2x10000x128xf32, #tpu.memory_space<hbm>> -> memref<1x128x128xf32, #tpu.memory_space<hbm>>
    %dma_wait3A_291 = tpu.memref_squeeze %dma_wait3A_290 : memref<1x128x128xf32, #tpu.memory_space<hbm>> -> memref<128x128xf32, #tpu.memory_space<hbm>>
    %dma_wait3A_292 = arith.constant 0 : i32
    %dma_wait3A_293 = tpu.memref_slice %arg5[%arg0, %add3A_187, %dma_wait3A_292] : memref<2x10000x128xf32, #tpu.memory_space<hbm>> -> memref<1x128x128xf32, #tpu.memory_space<hbm>>
    %dma_wait3A_294 = tpu.memref_squeeze %dma_wait3A_293 : memref<1x128x128xf32, #tpu.memory_space<hbm>> -> memref<128x128xf32, #tpu.memory_space<hbm>>
    %dma_wait3A_295 = arith.constant 0 : i32
    %dma_wait3A_296 = arith.constant 0 : i32
    %dma_wait3A_297 = tpu.memref_slice %arg13[%dma_wait3A_295, %dma_wait3A_296] : memref<128x128xf32, #tpu.memory_space<vmem>> -> memref<128x128xf32, #tpu.memory_space<vmem>>
    tpu.wait_dma2 semaphore(%arg16 : memref<!tpu.dma_semaphore, #tpu.memory_space<semaphore_mem>>) src(%dma_wait3A_297 : memref<128x128xf32, #tpu.memory_space<vmem>>) dst(%dma_wait3A_294 : memref<128x128xf32, #tpu.memory_space<hbm>>)
    %dma_wait3A_298 = arith.constant 0 : i32
    %dma_wait3A_299 = arith.constant 0 : i32
    %dma_wait3A_300 = tpu.memref_slice %arg12[%dma_wait3A_298, %dma_wait3A_299] : memref<128x128xf32, #tpu.memory_space<vmem>> -> memref<112x128xf32, #tpu.memory_space<vmem>>
    %dma_wait3A_301 = arith.constant 0 : i32
    %dma_wait3A_302 = tpu.memref_slice %arg5[%arg0, %add3A_189, %dma_wait3A_301] : memref<2x10000x128xf32, #tpu.memory_space<hbm>> -> memref<1x112x128xf32, #tpu.memory_space<hbm>>
    %dma_wait3A_303 = tpu.memref_squeeze %dma_wait3A_302 : memref<1x112x128xf32, #tpu.memory_space<hbm>> -> memref<112x128xf32, #tpu.memory_space<hbm>>
    %dma_wait3A_304 = arith.constant 0 : i32
    %dma_wait3A_305 = tpu.memref_slice %arg5[%arg0, %add3A_189, %dma_wait3A_304] : memref<2x10000x128xf32, #tpu.memory_space<hbm>> -> memref<1x112x128xf32, #tpu.memory_space<hbm>>
    %dma_wait3A_306 = tpu.memref_squeeze %dma_wait3A_305 : memref<1x112x128xf32, #tpu.memory_space<hbm>> -> memref<112x128xf32, #tpu.memory_space<hbm>>
    %dma_wait3A_307 = arith.constant 0 : i32
    %dma_wait3A_308 = arith.constant 0 : i32
    %dma_wait3A_309 = tpu.memref_slice %arg12[%dma_wait3A_307, %dma_wait3A_308] : memref<128x128xf32, #tpu.memory_space<vmem>> -> memref<112x128xf32, #tpu.memory_space<vmem>>
    tpu.wait_dma2 semaphore(%arg15 : memref<!tpu.dma_semaphore, #tpu.memory_space<semaphore_mem>>) src(%dma_wait3A_309 : memref<112x128xf32, #tpu.memory_space<vmem>>) dst(%dma_wait3A_306 : memref<112x128xf32, #tpu.memory_space<hbm>>)
    %lt3A_310 = arith.constant 2 : i32
    %lt3A_311 = arith.cmpi slt, %arg1, %lt3A_310 : i32
    %convert_element_type3A_312 = arith.extui %lt3A_311 : i1 to i32
    %cond3A_313 = arith.constant 0 : i32
    %cond3A_314 = arith.cmpi ne, %convert_element_type3A_312, %cond3A_313 : i32
    scf.if %cond3A_314 {
      %mul3A_315 = arith.constant 8 : i32
      %mul3A_316 = arith.muli %arg1, %mul3A_315 : i32
      %add3A_317 = arith.constant 9984 : i32
      %add3A_318 = arith.addi %add3A_317, %mul3A_316 : i32
      "tpu.region"() ({
        %run_scoped3A = tpu.sem_alloc : memref<!tpu.dma_semaphore, #tpu.memory_space<semaphore_mem>>
        %dma_start3A_319 = arith.constant 0 : i32
        %dma_start3A_320 = arith.constant 0 : i32
        %dma_start3A_321 = tpu.memref_slice %arg12[%dma_start3A_319, %dma_start3A_320] : memref<128x128xf32, #tpu.memory_space<vmem>> -> memref<8x128xf32, #tpu.memory_space<vmem>>
        %dma_start3A_322 = arith.constant 0 : i32
        %dma_start3A_323 = tpu.memref_slice %arg14[%add3A_318, %dma_start3A_322] : memref<10000x128xf32, #tpu.memory_space<vmem_shared>> -> memref<8x128xf32, #tpu.memory_space<vmem_shared>>
        %dma_start3A_324 = arith.constant 0 : i32
        %dma_start3A_325 = arith.constant 0 : i32
        %dma_start3A_326 = tpu.memref_slice %arg12[%dma_start3A_324, %dma_start3A_325] : memref<128x128xf32, #tpu.memory_space<vmem>> -> memref<8x128xf32, #tpu.memory_space<vmem>>
        %dma_start3A_327 = arith.constant 0 : i32
        %dma_start3A_328 = tpu.memref_slice %arg14[%add3A_318, %dma_start3A_327] : memref<10000x128xf32, #tpu.memory_space<vmem_shared>> -> memref<8x128xf32, #tpu.memory_space<vmem_shared>>
        tpu.enqueue_dma source(%dma_start3A_328 : memref<8x128xf32, #tpu.memory_space<vmem_shared>>) target(%dma_start3A_326 : memref<8x128xf32, #tpu.memory_space<vmem>>) target_semaphore(%run_scoped3A : memref<!tpu.dma_semaphore, #tpu.memory_space<semaphore_mem>>)
        %dma_wait3A_329 = arith.constant 0 : i32
        %dma_wait3A_330 = arith.constant 0 : i32
        %dma_wait3A_331 = tpu.memref_slice %arg12[%dma_wait3A_329, %dma_wait3A_330] : memref<128x128xf32, #tpu.memory_space<vmem>> -> memref<8x128xf32, #tpu.memory_space<vmem>>
        %dma_wait3A_332 = arith.constant 0 : i32
        %dma_wait3A_333 = tpu.memref_slice %arg14[%add3A_318, %dma_wait3A_332] : memref<10000x128xf32, #tpu.memory_space<vmem_shared>> -> memref<8x128xf32, #tpu.memory_space<vmem_shared>>
        %dma_wait3A_334 = arith.constant 0 : i32
        %dma_wait3A_335 = arith.constant 0 : i32
        %dma_wait3A_336 = tpu.memref_slice %arg12[%dma_wait3A_334, %dma_wait3A_335] : memref<128x128xf32, #tpu.memory_space<vmem>> -> memref<8x128xf32, #tpu.memory_space<vmem>>
        %dma_wait3A_337 = arith.constant 0 : i32
        %dma_wait3A_338 = tpu.memref_slice %arg14[%add3A_318, %dma_wait3A_337] : memref<10000x128xf32, #tpu.memory_space<vmem_shared>> -> memref<8x128xf32, #tpu.memory_space<vmem_shared>>
        tpu.wait_dma2 semaphore(%run_scoped3A : memref<!tpu.dma_semaphore, #tpu.memory_space<semaphore_mem>>) src(%dma_wait3A_338 : memref<8x128xf32, #tpu.memory_space<vmem_shared>>) dst(%dma_wait3A_336 : memref<8x128xf32, #tpu.memory_space<vmem>>)
        tpu.yield
      }) : () -> ()
      "tpu.region"() ({
        %run_scoped3A = tpu.sem_alloc : memref<!tpu.dma_semaphore, #tpu.memory_space<semaphore_mem>>
        %dma_start3A_319 = arith.constant 0 : i32
        %dma_start3A_320 = arith.constant 0 : i32
        %dma_start3A_321 = tpu.memref_slice %arg12[%dma_start3A_319, %dma_start3A_320] : memref<128x128xf32, #tpu.memory_space<vmem>> -> memref<8x128xf32, #tpu.memory_space<vmem>>
        %dma_start3A_322 = arith.constant 0 : i32
        %dma_start3A_323 = tpu.memref_slice %arg5[%arg0, %add3A_318, %dma_start3A_322] : memref<2x10000x128xf32, #tpu.memory_space<hbm>> -> memref<1x8x128xf32, #tpu.memory_space<hbm>>
        %dma_start3A_324 = tpu.memref_squeeze %dma_start3A_323 : memref<1x8x128xf32, #tpu.memory_space<hbm>> -> memref<8x128xf32, #tpu.memory_space<hbm>>
        %dma_start3A_325 = arith.constant 0 : i32
        %dma_start3A_326 = tpu.memref_slice %arg5[%arg0, %add3A_318, %dma_start3A_325] : memref<2x10000x128xf32, #tpu.memory_space<hbm>> -> memref<1x8x128xf32, #tpu.memory_space<hbm>>
        %dma_start3A_327 = tpu.memref_squeeze %dma_start3A_326 : memref<1x8x128xf32, #tpu.memory_space<hbm>> -> memref<8x128xf32, #tpu.memory_space<hbm>>
        %dma_start3A_328 = arith.constant 0 : i32
        %dma_start3A_329 = arith.constant 0 : i32
        %dma_start3A_330 = tpu.memref_slice %arg12[%dma_start3A_328, %dma_start3A_329] : memref<128x128xf32, #tpu.memory_space<vmem>> -> memref<8x128xf32, #tpu.memory_space<vmem>>
        tpu.enqueue_dma source(%dma_start3A_330 : memref<8x128xf32, #tpu.memory_space<vmem>>) target(%dma_start3A_327 : memref<8x128xf32, #tpu.memory_space<hbm>>) target_semaphore(%run_scoped3A : memref<!tpu.dma_semaphore, #tpu.memory_space<semaphore_mem>>)
        %dma_wait3A_331 = arith.constant 0 : i32
        %dma_wait3A_332 = arith.constant 0 : i32
        %dma_wait3A_333 = tpu.memref_slice %arg12[%dma_wait3A_331, %dma_wait3A_332] : memref<128x128xf32, #tpu.memory_space<vmem>> -> memref<8x128xf32, #tpu.memory_space<vmem>>
        %dma_wait3A_334 = arith.constant 0 : i32
        %dma_wait3A_335 = tpu.memref_slice %arg5[%arg0, %add3A_318, %dma_wait3A_334] : memref<2x10000x128xf32, #tpu.memory_space<hbm>> -> memref<1x8x128xf32, #tpu.memory_space<hbm>>
        %dma_wait3A_336 = tpu.memref_squeeze %dma_wait3A_335 : memref<1x8x128xf32, #tpu.memory_space<hbm>> -> memref<8x128xf32, #tpu.memory_space<hbm>>
        %dma_wait3A_337 = arith.constant 0 : i32
        %dma_wait3A_338 = tpu.memref_slice %arg5[%arg0, %add3A_318, %dma_wait3A_337] : memref<2x10000x128xf32, #tpu.memory_space<hbm>> -> memref<1x8x128xf32, #tpu.memory_space<hbm>>
        %dma_wait3A_339 = tpu.memref_squeeze %dma_wait3A_338 : memref<1x8x128xf32, #tpu.memory_space<hbm>> -> memref<8x128xf32, #tpu.memory_space<hbm>>
        %dma_wait3A_340 = arith.constant 0 : i32
        %dma_wait3A_341 = arith.constant 0 : i32
        %dma_wait3A_342 = tpu.memref_slice %arg12[%dma_wait3A_340, %dma_wait3A_341] : memref<128x128xf32, #tpu.memory_space<vmem>> -> memref<8x128xf32, #tpu.memory_space<vmem>>
        tpu.wait_dma2 semaphore(%run_scoped3A : memref<!tpu.dma_semaphore, #tpu.memory_space<semaphore_mem>>) src(%dma_wait3A_342 : memref<8x128xf32, #tpu.memory_space<vmem>>) dst(%dma_wait3A_339 : memref<8x128xf32, #tpu.memory_space<hbm>>)
        tpu.yield
      }) : () -> ()
    } else {
    }
    return
  }
}

#map = affine_map<(d0, d1) -> (0, 0)>
#map1 = affine_map<(d0, d1) -> (0)>
#map2 = affine_map<(d0, d1) -> (0, 0, 0)>
module attributes {stable_mosaic.version = 14 : i64} {
  func.func @body(%arg0: i32, %arg1: i32, %arg2: memref<10000x128xf32, #tpu.memory_space<hbm>>, %arg3: memref<320000xi32, #tpu.memory_space<hbm>>, %arg4: memref<320000xi32, #tpu.memory_space<hbm>>, %arg5: memref<2x10000x128xf32, #tpu.memory_space<hbm>>, %arg6: memref<128xi32, #tpu.memory_space<vmem>>, %arg7: memref<128xi32, #tpu.memory_space<vmem>>, %arg8: memref<128xi32, #tpu.memory_space<vmem>>, %arg9: memref<128xi32, #tpu.memory_space<vmem>>, %arg10: memref<16xi32, #tpu.memory_space<vmem>>, %arg11: memref<16xi32, #tpu.memory_space<vmem>>, %arg12: memref<128x128xf32, #tpu.memory_space<vmem>>, %arg13: memref<128x128xf32, #tpu.memory_space<vmem>>, %arg14: memref<10000x128xf32, #tpu.memory_space<vmem_shared>>, %arg15: memref<!tpu.dma_semaphore, #tpu.memory_space<semaphore_mem>>, %arg16: memref<!tpu.dma_semaphore, #tpu.memory_space<semaphore_mem>>, %arg17: memref<!tpu.dma_semaphore, #tpu.memory_space<semaphore_mem>>, %arg18: memref<!tpu.dma_semaphore, #tpu.memory_space<semaphore_mem>>) attributes {dimension_semantics = [#tpu.dimension_semantics<core_parallel>, #tpu.dimension_semantics<subcore_parallel>], iteration_bounds = array<i64: 2, 16>, scalar_prefetch = 0 : i64, scratch_operands = 13 : i64, tpu.core_type = #tpu.core_type<sc_vector_subcore>, window_params = [{transform_indices = #map}, {transform_indices = #map1}, {transform_indices = #map1}, {transform_indices = #map2}]} {
    %mul3A = arith.constant 624 : i32
    %mul3A_0 = arith.muli %arg1, %mul3A : i32
    %mul3A_1 = arith.constant 160000 : i32
    %mul3A_2 = arith.muli %arg0, %mul3A_1 : i32
    %mul3A_3 = arith.constant 10000 : i32
    %mul3A_4 = arith.muli %arg1, %mul3A_3 : i32
    %add3A = arith.addi %mul3A_2, %mul3A_4 : i32
    %broadcast_in_dim3A = arith.constant 0.000000e+00 : f32
    %broadcast_in_dim3A_5 = vector.broadcast %broadcast_in_dim3A : f32 to vector<16xf32>
    %scan3A = arith.constant 0 : i32
    %scan3A_6 = arith.constant 0 : i32
    %scan3A_7 = arith.constant 128 : i32
    %scan3A_8 = arith.addi %scan3A_6, %scan3A_7 : i32
    %scan3A_9 = arith.constant 1 : i32
    scf.for %scan3A_315 = %scan3A_6 to %scan3A_8 step %scan3A_9  : i32 {
      %swap3A = arith.index_cast %scan3A_315 : i32 to index
      %swap3A_316 = arith.constant 0 : index
      %swap3A_317 = tpu.vector_load %arg12[%swap3A, %swap3A_316] {strides = array<i32>} : memref<128x128xf32, #tpu.memory_space<vmem>>, vector<1x16xf32>,
      %swap3A_318 = vector.shape_cast %swap3A_317 : vector<1x16xf32> to vector<16xf32>
      %swap3A_319 = vector.shape_cast %broadcast_in_dim3A_5 : vector<16xf32> to vector<1x16xf32>
      tpu.vector_store %arg12[%swap3A, %swap3A_316], %swap3A_319 {strides = array<i32>} : memref<128x128xf32, #tpu.memory_space<vmem>>, vector<1x16xf32>,
      %swap3A_320 = arith.index_cast %scan3A_315 : i32 to index
      %swap3A_321 = arith.constant 16 : index
      %swap3A_322 = tpu.vector_load %arg12[%swap3A_320, %swap3A_321] {strides = array<i32>} : memref<128x128xf32, #tpu.memory_space<vmem>>, vector<1x16xf32>,
      %swap3A_323 = vector.shape_cast %swap3A_322 : vector<1x16xf32> to vector<16xf32>
      %swap3A_324 = vector.shape_cast %broadcast_in_dim3A_5 : vector<16xf32> to vector<1x16xf32>
      tpu.vector_store %arg12[%swap3A_320, %swap3A_321], %swap3A_324 {strides = array<i32>} : memref<128x128xf32, #tpu.memory_space<vmem>>, vector<1x16xf32>,
      %swap3A_325 = arith.index_cast %scan3A_315 : i32 to index
      %swap3A_326 = arith.constant 32 : index
      %swap3A_327 = tpu.vector_load %arg12[%swap3A_325, %swap3A_326] {strides = array<i32>} : memref<128x128xf32, #tpu.memory_space<vmem>>, vector<1x16xf32>,
      %swap3A_328 = vector.shape_cast %swap3A_327 : vector<1x16xf32> to vector<16xf32>
      %swap3A_329 = vector.shape_cast %broadcast_in_dim3A_5 : vector<16xf32> to vector<1x16xf32>
      tpu.vector_store %arg12[%swap3A_325, %swap3A_326], %swap3A_329 {strides = array<i32>} : memref<128x128xf32, #tpu.memory_space<vmem>>, vector<1x16xf32>,
      %swap3A_330 = arith.index_cast %scan3A_315 : i32 to index
      %swap3A_331 = arith.constant 48 : index
      %swap3A_332 = tpu.vector_load %arg12[%swap3A_330, %swap3A_331] {strides = array<i32>} : memref<128x128xf32, #tpu.memory_space<vmem>>, vector<1x16xf32>,
      %swap3A_333 = vector.shape_cast %swap3A_332 : vector<1x16xf32> to vector<16xf32>
      %swap3A_334 = vector.shape_cast %broadcast_in_dim3A_5 : vector<16xf32> to vector<1x16xf32>
      tpu.vector_store %arg12[%swap3A_330, %swap3A_331], %swap3A_334 {strides = array<i32>} : memref<128x128xf32, #tpu.memory_space<vmem>>, vector<1x16xf32>,
      %swap3A_335 = arith.index_cast %scan3A_315 : i32 to index
      %swap3A_336 = arith.constant 64 : index
      %swap3A_337 = tpu.vector_load %arg12[%swap3A_335, %swap3A_336] {strides = array<i32>} : memref<128x128xf32, #tpu.memory_space<vmem>>, vector<1x16xf32>,
      %swap3A_338 = vector.shape_cast %swap3A_337 : vector<1x16xf32> to vector<16xf32>
      %swap3A_339 = vector.shape_cast %broadcast_in_dim3A_5 : vector<16xf32> to vector<1x16xf32>
      tpu.vector_store %arg12[%swap3A_335, %swap3A_336], %swap3A_339 {strides = array<i32>} : memref<128x128xf32, #tpu.memory_space<vmem>>, vector<1x16xf32>,
      %swap3A_340 = arith.index_cast %scan3A_315 : i32 to index
      %swap3A_341 = arith.constant 80 : index
      %swap3A_342 = tpu.vector_load %arg12[%swap3A_340, %swap3A_341] {strides = array<i32>} : memref<128x128xf32, #tpu.memory_space<vmem>>, vector<1x16xf32>,
      %swap3A_343 = vector.shape_cast %swap3A_342 : vector<1x16xf32> to vector<16xf32>
      %swap3A_344 = vector.shape_cast %broadcast_in_dim3A_5 : vector<16xf32> to vector<1x16xf32>
      tpu.vector_store %arg12[%swap3A_340, %swap3A_341], %swap3A_344 {strides = array<i32>} : memref<128x128xf32, #tpu.memory_space<vmem>>, vector<1x16xf32>,
      %swap3A_345 = arith.index_cast %scan3A_315 : i32 to index
      %swap3A_346 = arith.constant 96 : index
      %swap3A_347 = tpu.vector_load %arg12[%swap3A_345, %swap3A_346] {strides = array<i32>} : memref<128x128xf32, #tpu.memory_space<vmem>>, vector<1x16xf32>,
      %swap3A_348 = vector.shape_cast %swap3A_347 : vector<1x16xf32> to vector<16xf32>
      %swap3A_349 = vector.shape_cast %broadcast_in_dim3A_5 : vector<16xf32> to vector<1x16xf32>
      tpu.vector_store %arg12[%swap3A_345, %swap3A_346], %swap3A_349 {strides = array<i32>} : memref<128x128xf32, #tpu.memory_space<vmem>>, vector<1x16xf32>,
      %swap3A_350 = arith.index_cast %scan3A_315 : i32 to index
      %swap3A_351 = arith.constant 112 : index
      %swap3A_352 = tpu.vector_load %arg12[%swap3A_350, %swap3A_351] {strides = array<i32>} : memref<128x128xf32, #tpu.memory_space<vmem>>, vector<1x16xf32>,
      %swap3A_353 = vector.shape_cast %swap3A_352 : vector<1x16xf32> to vector<16xf32>
      %swap3A_354 = vector.shape_cast %broadcast_in_dim3A_5 : vector<16xf32> to vector<1x16xf32>
      tpu.vector_store %arg12[%swap3A_350, %swap3A_351], %swap3A_354 {strides = array<i32>} : memref<128x128xf32, #tpu.memory_space<vmem>>, vector<1x16xf32>,
    }
    %scan3A_10 = arith.constant 128 : i32
    %add3A_11 = arith.constant 0 : i32
    %add3A_12 = arith.addi %mul3A_0, %add3A_11 : i32
    %add3A_13 = arith.constant 128 : i32
    %add3A_14 = arith.addi %mul3A_0, %add3A_13 : i32
    %add3A_15 = arith.constant 256 : i32
    %add3A_16 = arith.addi %mul3A_0, %add3A_15 : i32
    %add3A_17 = arith.constant 384 : i32
    %add3A_18 = arith.addi %mul3A_0, %add3A_17 : i32
    %add3A_19 = arith.constant 512 : i32
    %add3A_20 = arith.addi %mul3A_0, %add3A_19 : i32
    %dma_start3A = arith.constant 0 : i32
    %dma_start3A_21 = arith.constant 0 : i32
    %dma_start3A_22 = tpu.memref_slice %arg12[%dma_start3A, %dma_start3A_21] : memref<128x128xf32, #tpu.memory_space<vmem>> -> memref<128x128xf32, #tpu.memory_space<vmem>>
    %dma_start3A_23 = arith.constant 0 : i32
    %dma_start3A_24 = tpu.memref_slice %arg14[%add3A_12, %dma_start3A_23] : memref<10000x128xf32, #tpu.memory_space<vmem_shared>> -> memref<128x128xf32, #tpu.memory_space<vmem_shared>>
    %dma_start3A_25 = arith.constant 0 : i32
    %dma_start3A_26 = tpu.memref_slice %arg14[%add3A_12, %dma_start3A_25] : memref<10000x128xf32, #tpu.memory_space<vmem_shared>> -> memref<128x128xf32, #tpu.memory_space<vmem_shared>>
    %dma_start3A_27 = arith.constant 0 : i32
    %dma_start3A_28 = arith.constant 0 : i32
    %dma_start3A_29 = tpu.memref_slice %arg12[%dma_start3A_27, %dma_start3A_28] : memref<128x128xf32, #tpu.memory_space<vmem>> -> memref<128x128xf32, #tpu.memory_space<vmem>>
    tpu.enqueue_dma source(%dma_start3A_29 : memref<128x128xf32, #tpu.memory_space<vmem>>) target(%dma_start3A_26 : memref<128x128xf32, #tpu.memory_space<vmem_shared>>) target_semaphore(%arg15 : memref<!tpu.dma_semaphore, #tpu.memory_space<semaphore_mem>>)
    %dma_start3A_30 = arith.constant 0 : i32
    %dma_start3A_31 = arith.constant 0 : i32
    %dma_start3A_32 = tpu.memref_slice %arg12[%dma_start3A_30, %dma_start3A_31] : memref<128x128xf32, #tpu.memory_space<vmem>> -> memref<128x128xf32, #tpu.memory_space<vmem>>
    %dma_start3A_33 = arith.constant 0 : i32
    %dma_start3A_34 = tpu.memref_slice %arg14[%add3A_14, %dma_start3A_33] : memref<10000x128xf32, #tpu.memory_space<vmem_shared>> -> memref<128x128xf32, #tpu.memory_space<vmem_shared>>
    %dma_start3A_35 = arith.constant 0 : i32
    %dma_start3A_36 = tpu.memref_slice %arg14[%add3A_14, %dma_start3A_35] : memref<10000x128xf32, #tpu.memory_space<vmem_shared>> -> memref<128x128xf32, #tpu.memory_space<vmem_shared>>
    %dma_start3A_37 = arith.constant 0 : i32
    %dma_start3A_38 = arith.constant 0 : i32
    %dma_start3A_39 = tpu.memref_slice %arg12[%dma_start3A_37, %dma_start3A_38] : memref<128x128xf32, #tpu.memory_space<vmem>> -> memref<128x128xf32, #tpu.memory_space<vmem>>
    tpu.enqueue_dma source(%dma_start3A_39 : memref<128x128xf32, #tpu.memory_space<vmem>>) target(%dma_start3A_36 : memref<128x128xf32, #tpu.memory_space<vmem_shared>>) target_semaphore(%arg15 : memref<!tpu.dma_semaphore, #tpu.memory_space<semaphore_mem>>)
    %dma_start3A_40 = arith.constant 0 : i32
    %dma_start3A_41 = arith.constant 0 : i32
    %dma_start3A_42 = tpu.memref_slice %arg12[%dma_start3A_40, %dma_start3A_41] : memref<128x128xf32, #tpu.memory_space<vmem>> -> memref<128x128xf32, #tpu.memory_space<vmem>>
    %dma_start3A_43 = arith.constant 0 : i32
    %dma_start3A_44 = tpu.memref_slice %arg14[%add3A_16, %dma_start3A_43] : memref<10000x128xf32, #tpu.memory_space<vmem_shared>> -> memref<128x128xf32, #tpu.memory_space<vmem_shared>>
    %dma_start3A_45 = arith.constant 0 : i32
    %dma_start3A_46 = tpu.memref_slice %arg14[%add3A_16, %dma_start3A_45] : memref<10000x128xf32, #tpu.memory_space<vmem_shared>> -> memref<128x128xf32, #tpu.memory_space<vmem_shared>>
    %dma_start3A_47 = arith.constant 0 : i32
    %dma_start3A_48 = arith.constant 0 : i32
    %dma_start3A_49 = tpu.memref_slice %arg12[%dma_start3A_47, %dma_start3A_48] : memref<128x128xf32, #tpu.memory_space<vmem>> -> memref<128x128xf32, #tpu.memory_space<vmem>>
    tpu.enqueue_dma source(%dma_start3A_49 : memref<128x128xf32, #tpu.memory_space<vmem>>) target(%dma_start3A_46 : memref<128x128xf32, #tpu.memory_space<vmem_shared>>) target_semaphore(%arg15 : memref<!tpu.dma_semaphore, #tpu.memory_space<semaphore_mem>>)
    %dma_start3A_50 = arith.constant 0 : i32
    %dma_start3A_51 = arith.constant 0 : i32
    %dma_start3A_52 = tpu.memref_slice %arg12[%dma_start3A_50, %dma_start3A_51] : memref<128x128xf32, #tpu.memory_space<vmem>> -> memref<128x128xf32, #tpu.memory_space<vmem>>
    %dma_start3A_53 = arith.constant 0 : i32
    %dma_start3A_54 = tpu.memref_slice %arg14[%add3A_18, %dma_start3A_53] : memref<10000x128xf32, #tpu.memory_space<vmem_shared>> -> memref<128x128xf32, #tpu.memory_space<vmem_shared>>
    %dma_start3A_55 = arith.constant 0 : i32
    %dma_start3A_56 = tpu.memref_slice %arg14[%add3A_18, %dma_start3A_55] : memref<10000x128xf32, #tpu.memory_space<vmem_shared>> -> memref<128x128xf32, #tpu.memory_space<vmem_shared>>
    %dma_start3A_57 = arith.constant 0 : i32
    %dma_start3A_58 = arith.constant 0 : i32
    %dma_start3A_59 = tpu.memref_slice %arg12[%dma_start3A_57, %dma_start3A_58] : memref<128x128xf32, #tpu.memory_space<vmem>> -> memref<128x128xf32, #tpu.memory_space<vmem>>
    tpu.enqueue_dma source(%dma_start3A_59 : memref<128x128xf32, #tpu.memory_space<vmem>>) target(%dma_start3A_56 : memref<128x128xf32, #tpu.memory_space<vmem_shared>>) target_semaphore(%arg15 : memref<!tpu.dma_semaphore, #tpu.memory_space<semaphore_mem>>)
    %dma_start3A_60 = arith.constant 0 : i32
    %dma_start3A_61 = arith.constant 0 : i32
    %dma_start3A_62 = tpu.memref_slice %arg12[%dma_start3A_60, %dma_start3A_61] : memref<128x128xf32, #tpu.memory_space<vmem>> -> memref<112x128xf32, #tpu.memory_space<vmem>>
    %dma_start3A_63 = arith.constant 0 : i32
    %dma_start3A_64 = tpu.memref_slice %arg14[%add3A_20, %dma_start3A_63] : memref<10000x128xf32, #tpu.memory_space<vmem_shared>> -> memref<112x128xf32, #tpu.memory_space<vmem_shared>>
    %dma_start3A_65 = arith.constant 0 : i32
    %dma_start3A_66 = tpu.memref_slice %arg14[%add3A_20, %dma_start3A_65] : memref<10000x128xf32, #tpu.memory_space<vmem_shared>> -> memref<112x128xf32, #tpu.memory_space<vmem_shared>>
    %dma_start3A_67 = arith.constant 0 : i32
    %dma_start3A_68 = arith.constant 0 : i32
    %dma_start3A_69 = tpu.memref_slice %arg12[%dma_start3A_67, %dma_start3A_68] : memref<128x128xf32, #tpu.memory_space<vmem>> -> memref<112x128xf32, #tpu.memory_space<vmem>>
    tpu.enqueue_dma source(%dma_start3A_69 : memref<112x128xf32, #tpu.memory_space<vmem>>) target(%dma_start3A_66 : memref<112x128xf32, #tpu.memory_space<vmem_shared>>) target_semaphore(%arg15 : memref<!tpu.dma_semaphore, #tpu.memory_space<semaphore_mem>>)
    %lt3A = arith.constant 2 : i32
    %lt3A_70 = arith.cmpi slt, %arg1, %lt3A : i32
    %convert_element_type3A = arith.extui %lt3A_70 : i1 to i32
    %cond3A = arith.constant 0 : i32
    %cond3A_71 = arith.cmpi ne, %convert_element_type3A, %cond3A : i32
    scf.if %cond3A_71 {
      %mul3A_315 = arith.constant 8 : i32
      %mul3A_316 = arith.muli %arg1, %mul3A_315 : i32
      %add3A_317 = arith.constant 9984 : i32
      %add3A_318 = arith.addi %add3A_317, %mul3A_316 : i32
      %dma_start3A_319 = arith.constant 0 : i32
      %dma_start3A_320 = arith.constant 0 : i32
      %dma_start3A_321 = tpu.memref_slice %arg12[%dma_start3A_319, %dma_start3A_320] : memref<128x128xf32, #tpu.memory_space<vmem>> -> memref<8x128xf32, #tpu.memory_space<vmem>>
      %dma_start3A_322 = arith.constant 0 : i32
      %dma_start3A_323 = tpu.memref_slice %arg14[%add3A_318, %dma_start3A_322] : memref<10000x128xf32, #tpu.memory_space<vmem_shared>> -> memref<8x128xf32, #tpu.memory_space<vmem_shared>>
      %dma_start3A_324 = arith.constant 0 : i32
      %dma_start3A_325 = tpu.memref_slice %arg14[%add3A_318, %dma_start3A_324] : memref<10000x128xf32, #tpu.memory_space<vmem_shared>> -> memref<8x128xf32, #tpu.memory_space<vmem_shared>>
      %dma_start3A_326 = arith.constant 0 : i32
      %dma_start3A_327 = arith.constant 0 : i32
      %dma_start3A_328 = tpu.memref_slice %arg12[%dma_start3A_326, %dma_start3A_327] : memref<128x128xf32, #tpu.memory_space<vmem>> -> memref<8x128xf32, #tpu.memory_space<vmem>>
      tpu.enqueue_dma source(%dma_start3A_328 : memref<8x128xf32, #tpu.memory_space<vmem>>) target(%dma_start3A_325 : memref<8x128xf32, #tpu.memory_space<vmem_shared>>) target_semaphore(%arg15 : memref<!tpu.dma_semaphore, #tpu.memory_space<semaphore_mem>>)
    } else {
    }
    %add3A_72 = arith.constant 0 : i32
    %add3A_73 = arith.addi %mul3A_0, %add3A_72 : i32
    %add3A_74 = arith.constant 128 : i32
    %add3A_75 = arith.addi %mul3A_0, %add3A_74 : i32
    %add3A_76 = arith.constant 256 : i32
    %add3A_77 = arith.addi %mul3A_0, %add3A_76 : i32
    %add3A_78 = arith.constant 384 : i32
    %add3A_79 = arith.addi %mul3A_0, %add3A_78 : i32
    %add3A_80 = arith.constant 512 : i32
    %add3A_81 = arith.addi %mul3A_0, %add3A_80 : i32
    %dma_wait3A = arith.constant 0 : i32
    %dma_wait3A_82 = arith.constant 0 : i32
    %dma_wait3A_83 = tpu.memref_slice %arg12[%dma_wait3A, %dma_wait3A_82] : memref<128x128xf32, #tpu.memory_space<vmem>> -> memref<128x128xf32, #tpu.memory_space<vmem>>
    %dma_wait3A_84 = arith.constant 0 : i32
    %dma_wait3A_85 = tpu.memref_slice %arg14[%add3A_73, %dma_wait3A_84] : memref<10000x128xf32, #tpu.memory_space<vmem_shared>> -> memref<128x128xf32, #tpu.memory_space<vmem_shared>>
    %dma_wait3A_86 = arith.constant 0 : i32
    %dma_wait3A_87 = tpu.memref_slice %arg14[%add3A_73, %dma_wait3A_86] : memref<10000x128xf32, #tpu.memory_space<vmem_shared>> -> memref<128x128xf32, #tpu.memory_space<vmem_shared>>
    %dma_wait3A_88 = arith.constant 0 : i32
    %dma_wait3A_89 = arith.constant 0 : i32
    %dma_wait3A_90 = tpu.memref_slice %arg12[%dma_wait3A_88, %dma_wait3A_89] : memref<128x128xf32, #tpu.memory_space<vmem>> -> memref<128x128xf32, #tpu.memory_space<vmem>>
    tpu.wait_dma2 semaphore(%arg15 : memref<!tpu.dma_semaphore, #tpu.memory_space<semaphore_mem>>) src(%dma_wait3A_90 : memref<128x128xf32, #tpu.memory_space<vmem>>) dst(%dma_wait3A_87 : memref<128x128xf32, #tpu.memory_space<vmem_shared>>)
    %dma_wait3A_91 = arith.constant 0 : i32
    %dma_wait3A_92 = arith.constant 0 : i32
    %dma_wait3A_93 = tpu.memref_slice %arg12[%dma_wait3A_91, %dma_wait3A_92] : memref<128x128xf32, #tpu.memory_space<vmem>> -> memref<128x128xf32, #tpu.memory_space<vmem>>
    %dma_wait3A_94 = arith.constant 0 : i32
    %dma_wait3A_95 = tpu.memref_slice %arg14[%add3A_75, %dma_wait3A_94] : memref<10000x128xf32, #tpu.memory_space<vmem_shared>> -> memref<128x128xf32, #tpu.memory_space<vmem_shared>>
    %dma_wait3A_96 = arith.constant 0 : i32
    %dma_wait3A_97 = tpu.memref_slice %arg14[%add3A_75, %dma_wait3A_96] : memref<10000x128xf32, #tpu.memory_space<vmem_shared>> -> memref<128x128xf32, #tpu.memory_space<vmem_shared>>
    %dma_wait3A_98 = arith.constant 0 : i32
    %dma_wait3A_99 = arith.constant 0 : i32
    %dma_wait3A_100 = tpu.memref_slice %arg12[%dma_wait3A_98, %dma_wait3A_99] : memref<128x128xf32, #tpu.memory_space<vmem>> -> memref<128x128xf32, #tpu.memory_space<vmem>>
    tpu.wait_dma2 semaphore(%arg15 : memref<!tpu.dma_semaphore, #tpu.memory_space<semaphore_mem>>) src(%dma_wait3A_100 : memref<128x128xf32, #tpu.memory_space<vmem>>) dst(%dma_wait3A_97 : memref<128x128xf32, #tpu.memory_space<vmem_shared>>)
    %dma_wait3A_101 = arith.constant 0 : i32
    %dma_wait3A_102 = arith.constant 0 : i32
    %dma_wait3A_103 = tpu.memref_slice %arg12[%dma_wait3A_101, %dma_wait3A_102] : memref<128x128xf32, #tpu.memory_space<vmem>> -> memref<128x128xf32, #tpu.memory_space<vmem>>
    %dma_wait3A_104 = arith.constant 0 : i32
    %dma_wait3A_105 = tpu.memref_slice %arg14[%add3A_77, %dma_wait3A_104] : memref<10000x128xf32, #tpu.memory_space<vmem_shared>> -> memref<128x128xf32, #tpu.memory_space<vmem_shared>>
    %dma_wait3A_106 = arith.constant 0 : i32
    %dma_wait3A_107 = tpu.memref_slice %arg14[%add3A_77, %dma_wait3A_106] : memref<10000x128xf32, #tpu.memory_space<vmem_shared>> -> memref<128x128xf32, #tpu.memory_space<vmem_shared>>
    %dma_wait3A_108 = arith.constant 0 : i32
    %dma_wait3A_109 = arith.constant 0 : i32
    %dma_wait3A_110 = tpu.memref_slice %arg12[%dma_wait3A_108, %dma_wait3A_109] : memref<128x128xf32, #tpu.memory_space<vmem>> -> memref<128x128xf32, #tpu.memory_space<vmem>>
    tpu.wait_dma2 semaphore(%arg15 : memref<!tpu.dma_semaphore, #tpu.memory_space<semaphore_mem>>) src(%dma_wait3A_110 : memref<128x128xf32, #tpu.memory_space<vmem>>) dst(%dma_wait3A_107 : memref<128x128xf32, #tpu.memory_space<vmem_shared>>)
    %dma_wait3A_111 = arith.constant 0 : i32
    %dma_wait3A_112 = arith.constant 0 : i32
    %dma_wait3A_113 = tpu.memref_slice %arg12[%dma_wait3A_111, %dma_wait3A_112] : memref<128x128xf32, #tpu.memory_space<vmem>> -> memref<128x128xf32, #tpu.memory_space<vmem>>
    %dma_wait3A_114 = arith.constant 0 : i32
    %dma_wait3A_115 = tpu.memref_slice %arg14[%add3A_79, %dma_wait3A_114] : memref<10000x128xf32, #tpu.memory_space<vmem_shared>> -> memref<128x128xf32, #tpu.memory_space<vmem_shared>>
    %dma_wait3A_116 = arith.constant 0 : i32
    %dma_wait3A_117 = tpu.memref_slice %arg14[%add3A_79, %dma_wait3A_116] : memref<10000x128xf32, #tpu.memory_space<vmem_shared>> -> memref<128x128xf32, #tpu.memory_space<vmem_shared>>
    %dma_wait3A_118 = arith.constant 0 : i32
    %dma_wait3A_119 = arith.constant 0 : i32
    %dma_wait3A_120 = tpu.memref_slice %arg12[%dma_wait3A_118, %dma_wait3A_119] : memref<128x128xf32, #tpu.memory_space<vmem>> -> memref<128x128xf32, #tpu.memory_space<vmem>>
    tpu.wait_dma2 semaphore(%arg15 : memref<!tpu.dma_semaphore, #tpu.memory_space<semaphore_mem>>) src(%dma_wait3A_120 : memref<128x128xf32, #tpu.memory_space<vmem>>) dst(%dma_wait3A_117 : memref<128x128xf32, #tpu.memory_space<vmem_shared>>)
    %dma_wait3A_121 = arith.constant 0 : i32
    %dma_wait3A_122 = arith.constant 0 : i32
    %dma_wait3A_123 = tpu.memref_slice %arg12[%dma_wait3A_121, %dma_wait3A_122] : memref<128x128xf32, #tpu.memory_space<vmem>> -> memref<112x128xf32, #tpu.memory_space<vmem>>
    %dma_wait3A_124 = arith.constant 0 : i32
    %dma_wait3A_125 = tpu.memref_slice %arg14[%add3A_81, %dma_wait3A_124] : memref<10000x128xf32, #tpu.memory_space<vmem_shared>> -> memref<112x128xf32, #tpu.memory_space<vmem_shared>>
    %dma_wait3A_126 = arith.constant 0 : i32
    %dma_wait3A_127 = tpu.memref_slice %arg14[%add3A_81, %dma_wait3A_126] : memref<10000x128xf32, #tpu.memory_space<vmem_shared>> -> memref<112x128xf32, #tpu.memory_space<vmem_shared>>
    %dma_wait3A_128 = arith.constant 0 : i32
    %dma_wait3A_129 = arith.constant 0 : i32
    %dma_wait3A_130 = tpu.memref_slice %arg12[%dma_wait3A_128, %dma_wait3A_129] : memref<128x128xf32, #tpu.memory_space<vmem>> -> memref<112x128xf32, #tpu.memory_space<vmem>>
    tpu.wait_dma2 semaphore(%arg15 : memref<!tpu.dma_semaphore, #tpu.memory_space<semaphore_mem>>) src(%dma_wait3A_130 : memref<112x128xf32, #tpu.memory_space<vmem>>) dst(%dma_wait3A_127 : memref<112x128xf32, #tpu.memory_space<vmem_shared>>)
    %lt3A_131 = arith.constant 2 : i32
    %lt3A_132 = arith.cmpi slt, %arg1, %lt3A_131 : i32
    %convert_element_type3A_133 = arith.extui %lt3A_132 : i1 to i32
    %cond3A_134 = arith.constant 0 : i32
    %cond3A_135 = arith.cmpi ne, %convert_element_type3A_133, %cond3A_134 : i32
    scf.if %cond3A_135 {
      %mul3A_315 = arith.constant 8 : i32
      %mul3A_316 = arith.muli %arg1, %mul3A_315 : i32
      %add3A_317 = arith.constant 9984 : i32
      %add3A_318 = arith.addi %add3A_317, %mul3A_316 : i32
      %dma_wait3A_319 = arith.constant 0 : i32
      %dma_wait3A_320 = arith.constant 0 : i32
      %dma_wait3A_321 = tpu.memref_slice %arg12[%dma_wait3A_319, %dma_wait3A_320] : memref<128x128xf32, #tpu.memory_space<vmem>> -> memref<8x128xf32, #tpu.memory_space<vmem>>
      %dma_wait3A_322 = arith.constant 0 : i32
      %dma_wait3A_323 = tpu.memref_slice %arg14[%add3A_318, %dma_wait3A_322] : memref<10000x128xf32, #tpu.memory_space<vmem_shared>> -> memref<8x128xf32, #tpu.memory_space<vmem_shared>>
      %dma_wait3A_324 = arith.constant 0 : i32
      %dma_wait3A_325 = tpu.memref_slice %arg14[%add3A_318, %dma_wait3A_324] : memref<10000x128xf32, #tpu.memory_space<vmem_shared>> -> memref<8x128xf32, #tpu.memory_space<vmem_shared>>
      %dma_wait3A_326 = arith.constant 0 : i32
      %dma_wait3A_327 = arith.constant 0 : i32
      %dma_wait3A_328 = tpu.memref_slice %arg12[%dma_wait3A_326, %dma_wait3A_327] : memref<128x128xf32, #tpu.memory_space<vmem>> -> memref<8x128xf32, #tpu.memory_space<vmem>>
      tpu.wait_dma2 semaphore(%arg15 : memref<!tpu.dma_semaphore, #tpu.memory_space<semaphore_mem>>) src(%dma_wait3A_328 : memref<8x128xf32, #tpu.memory_space<vmem>>) dst(%dma_wait3A_325 : memref<8x128xf32, #tpu.memory_space<vmem_shared>>)
    } else {
    }
    %barrier3A = arith.constant 0 : index
    tpu.barrier barrier_id(%barrier3A)
    %add3A_136 = arith.constant 0 : i32
    %add3A_137 = arith.addi %add3A, %add3A_136 : i32
    %dma_start3A_138 = tpu.memref_slice %arg3[%add3A_137] : memref<320000xi32, #tpu.memory_space<hbm>> -> memref<128xi32, #tpu.memory_space<hbm>>
    %dma_start3A_139 = tpu.memref_slice %arg3[%add3A_137] : memref<320000xi32, #tpu.memory_space<hbm>> -> memref<128xi32, #tpu.memory_space<hbm>>
    tpu.enqueue_dma source(%dma_start3A_139 : memref<128xi32, #tpu.memory_space<hbm>>) target(%arg6 : memref<128xi32, #tpu.memory_space<vmem>>) target_semaphore(%arg17 : memref<!tpu.dma_semaphore, #tpu.memory_space<semaphore_mem>>)
    %dma_start3A_140 = tpu.memref_slice %arg4[%add3A_137] : memref<320000xi32, #tpu.memory_space<hbm>> -> memref<128xi32, #tpu.memory_space<hbm>>
    %dma_start3A_141 = tpu.memref_slice %arg4[%add3A_137] : memref<320000xi32, #tpu.memory_space<hbm>> -> memref<128xi32, #tpu.memory_space<hbm>>
    tpu.enqueue_dma source(%dma_start3A_141 : memref<128xi32, #tpu.memory_space<hbm>>) target(%arg7 : memref<128xi32, #tpu.memory_space<vmem>>) target_semaphore(%arg17 : memref<!tpu.dma_semaphore, #tpu.memory_space<semaphore_mem>>)
    %add3A_142 = arith.constant 0 : i32
    %add3A_143 = arith.addi %add3A, %add3A_142 : i32
    %dma_wait3A_144 = tpu.memref_slice %arg3[%add3A_143] : memref<320000xi32, #tpu.memory_space<hbm>> -> memref<128xi32, #tpu.memory_space<hbm>>
    %dma_wait3A_145 = tpu.memref_slice %arg3[%add3A_143] : memref<320000xi32, #tpu.memory_space<hbm>> -> memref<128xi32, #tpu.memory_space<hbm>>
    tpu.wait_dma2 semaphore(%arg17 : memref<!tpu.dma_semaphore, #tpu.memory_space<semaphore_mem>>) src(%dma_wait3A_145 : memref<128xi32, #tpu.memory_space<hbm>>) dst(%arg6 : memref<128xi32, #tpu.memory_space<vmem>>)
    %dma_wait3A_146 = tpu.memref_slice %arg4[%add3A_143] : memref<320000xi32, #tpu.memory_space<hbm>> -> memref<128xi32, #tpu.memory_space<hbm>>
    %dma_wait3A_147 = tpu.memref_slice %arg4[%add3A_143] : memref<320000xi32, #tpu.memory_space<hbm>> -> memref<128xi32, #tpu.memory_space<hbm>>
    tpu.wait_dma2 semaphore(%arg17 : memref<!tpu.dma_semaphore, #tpu.memory_space<semaphore_mem>>) src(%dma_wait3A_147 : memref<128xi32, #tpu.memory_space<hbm>>) dst(%arg7 : memref<128xi32, #tpu.memory_space<vmem>>)
    %dma_start3A_148 = arith.constant 0 : i32
    %dma_start3A_149 = arith.constant 0 : i32
    %dma_start3A_150 = tpu.memref_slice %arg2[%dma_start3A_148, %dma_start3A_149] : memref<10000x128xf32, #tpu.memory_space<hbm>> -> memref<10000x128xf32, #tpu.memory_space<hbm>>
    tpu.enqueue_indirect_dma source(%dma_start3A_150 : memref<10000x128xf32, #tpu.memory_space<hbm>>) target(%arg12 : memref<128x128xf32, #tpu.memory_space<vmem>>) offsets(%arg6 : memref<128xi32, #tpu.memory_space<vmem>>) semaphore(%arg15 : memref<!tpu.dma_semaphore, #tpu.memory_space<semaphore_mem>>)
    %add3A_151 = arith.constant 128 : i32
    %add3A_152 = arith.addi %add3A, %add3A_151 : i32
    %dma_start3A_153 = tpu.memref_slice %arg3[%add3A_152] : memref<320000xi32, #tpu.memory_space<hbm>> -> memref<128xi32, #tpu.memory_space<hbm>>
    %dma_start3A_154 = tpu.memref_slice %arg3[%add3A_152] : memref<320000xi32, #tpu.memory_space<hbm>> -> memref<128xi32, #tpu.memory_space<hbm>>
    tpu.enqueue_dma source(%dma_start3A_154 : memref<128xi32, #tpu.memory_space<hbm>>) target(%arg8 : memref<128xi32, #tpu.memory_space<vmem>>) target_semaphore(%arg18 : memref<!tpu.dma_semaphore, #tpu.memory_space<semaphore_mem>>)
    %dma_start3A_155 = tpu.memref_slice %arg4[%add3A_152] : memref<320000xi32, #tpu.memory_space<hbm>> -> memref<128xi32, #tpu.memory_space<hbm>>
    %dma_start3A_156 = tpu.memref_slice %arg4[%add3A_152] : memref<320000xi32, #tpu.memory_space<hbm>> -> memref<128xi32, #tpu.memory_space<hbm>>
    tpu.enqueue_dma source(%dma_start3A_156 : memref<128xi32, #tpu.memory_space<hbm>>) target(%arg9 : memref<128xi32, #tpu.memory_space<vmem>>) target_semaphore(%arg18 : memref<!tpu.dma_semaphore, #tpu.memory_space<semaphore_mem>>)
    %scan3A_157 = arith.constant 0 : i32
    %scan3A_158 = arith.constant 0 : i32
    %scan3A_159 = arith.constant 39 : i32
    %scan3A_160 = arith.addi %scan3A_158, %scan3A_159 : i32
    %scan3A_161 = arith.constant 1 : i32
    scf.for %scan3A_315 = %scan3A_158 to %scan3A_160 step %scan3A_161  : i32 {
      %mul3A_316 = arith.constant 2 : i32
      %mul3A_317 = arith.muli %mul3A_316, %scan3A_315 : i32
      %add3A_318 = arith.constant 1 : i32
      %add3A_319 = arith.addi %mul3A_317, %add3A_318 : i32
      %mul3A_320 = arith.constant 128 : i32
      %mul3A_321 = arith.muli %add3A_319, %mul3A_320 : i32
      %add3A_322 = arith.addi %add3A, %mul3A_321 : i32
      %dma_wait3A_323 = tpu.memref_slice %arg3[%add3A_322] : memref<320000xi32, #tpu.memory_space<hbm>> -> memref<128xi32, #tpu.memory_space<hbm>>
      %dma_wait3A_324 = tpu.memref_slice %arg3[%add3A_322] : memref<320000xi32, #tpu.memory_space<hbm>> -> memref<128xi32, #tpu.memory_space<hbm>>
      tpu.wait_dma2 semaphore(%arg18 : memref<!tpu.dma_semaphore, #tpu.memory_space<semaphore_mem>>) src(%dma_wait3A_324 : memref<128xi32, #tpu.memory_space<hbm>>) dst(%arg8 : memref<128xi32, #tpu.memory_space<vmem>>)
      %dma_wait3A_325 = tpu.memref_slice %arg4[%add3A_322] : memref<320000xi32, #tpu.memory_space<hbm>> -> memref<128xi32, #tpu.memory_space<hbm>>
      %dma_wait3A_326 = tpu.memref_slice %arg4[%add3A_322] : memref<320000xi32, #tpu.memory_space<hbm>> -> memref<128xi32, #tpu.memory_space<hbm>>
      tpu.wait_dma2 semaphore(%arg18 : memref<!tpu.dma_semaphore, #tpu.memory_space<semaphore_mem>>) src(%dma_wait3A_326 : memref<128xi32, #tpu.memory_space<hbm>>) dst(%arg9 : memref<128xi32, #tpu.memory_space<vmem>>)
      %dma_start3A_327 = arith.constant 0 : i32
      %dma_start3A_328 = arith.constant 0 : i32
      %dma_start3A_329 = tpu.memref_slice %arg2[%dma_start3A_327, %dma_start3A_328] : memref<10000x128xf32, #tpu.memory_space<hbm>> -> memref<10000x128xf32, #tpu.memory_space<hbm>>
      tpu.enqueue_indirect_dma source(%dma_start3A_329 : memref<10000x128xf32, #tpu.memory_space<hbm>>) target(%arg13 : memref<128x128xf32, #tpu.memory_space<vmem>>) offsets(%arg8 : memref<128xi32, #tpu.memory_space<vmem>>) semaphore(%arg16 : memref<!tpu.dma_semaphore, #tpu.memory_space<semaphore_mem>>)
      %dma_wait3A_330 = arith.constant 0 : i32
      %dma_wait3A_331 = arith.constant 0 : i32
      %dma_wait3A_332 = tpu.memref_slice %arg2[%dma_wait3A_330, %dma_wait3A_331] : memref<10000x128xf32, #tpu.memory_space<hbm>> -> memref<10000x128xf32, #tpu.memory_space<hbm>>
      tpu.wait_indirect_dma semaphore(%arg15 : memref<!tpu.dma_semaphore, #tpu.memory_space<semaphore_mem>>) src(%dma_wait3A_332 : memref<10000x128xf32, #tpu.memory_space<hbm>>) dst(%arg12 : memref<128x128xf32, #tpu.memory_space<vmem>>)
      "tpu.region"() ({
        %run_scoped3A = tpu.sem_alloc : memref<!tpu.dma_semaphore, #tpu.memory_space<semaphore_mem>>
        %dma_start3A_346 = arith.constant 0 : i32
        %dma_start3A_347 = arith.constant 0 : i32
        %dma_start3A_348 = tpu.memref_slice %arg14[%dma_start3A_346, %dma_start3A_347] : memref<10000x128xf32, #tpu.memory_space<vmem_shared>> -> memref<10000x128xf32, #tpu.memory_space<vmem_shared>>
        tpu.enqueue_indirect_dma source(%arg12 : memref<128x128xf32, #tpu.memory_space<vmem>>) target(%dma_start3A_348 : memref<10000x128xf32, #tpu.memory_space<vmem_shared>>) offsets(%arg7 : memref<128xi32, #tpu.memory_space<vmem>>) semaphore(%run_scoped3A : memref<!tpu.dma_semaphore, #tpu.memory_space<semaphore_mem>>) {add = true}
        %dma_wait3A_349 = arith.constant 0 : i32
        %dma_wait3A_350 = arith.constant 0 : i32
        %dma_wait3A_351 = tpu.memref_slice %arg14[%dma_wait3A_349, %dma_wait3A_350] : memref<10000x128xf32, #tpu.memory_space<vmem_shared>> -> memref<10000x128xf32, #tpu.memory_space<vmem_shared>>
        tpu.wait_indirect_dma semaphore(%run_scoped3A : memref<!tpu.dma_semaphore, #tpu.memory_space<semaphore_mem>>) src(%arg12 : memref<128x128xf32, #tpu.memory_space<vmem>>) dst(%dma_wait3A_351 : memref<10000x128xf32, #tpu.memory_space<vmem_shared>>)
        tpu.yield
      }) : () -> ()
      %lt3A_333 = arith.constant 38 : i32
      %lt3A_334 = arith.cmpi slt, %scan3A_315, %lt3A_333 : i32
      %convert_element_type3A_335 = arith.extui %lt3A_334 : i1 to i32
      %cond3A_336 = arith.constant 0 : i32
      %cond3A_337 = arith.cmpi ne, %convert_element_type3A_335, %cond3A_336 : i32
      scf.if %cond3A_337 {
        %add3A_346 = arith.constant 2 : i32
        %add3A_347 = arith.addi %mul3A_317, %add3A_346 : i32
        %mul3A_348 = arith.constant 128 : i32
        %mul3A_349 = arith.muli %add3A_347, %mul3A_348 : i32
        %add3A_350 = arith.addi %add3A, %mul3A_349 : i32
        %dma_start3A_351 = tpu.memref_slice %arg3[%add3A_350] : memref<320000xi32, #tpu.memory_space<hbm>> -> memref<128xi32, #tpu.memory_space<hbm>>
        %dma_start3A_352 = tpu.memref_slice %arg3[%add3A_350] : memref<320000xi32, #tpu.memory_space<hbm>> -> memref<128xi32, #tpu.memory_space<hbm>>
        tpu.enqueue_dma source(%dma_start3A_352 : memref<128xi32, #tpu.memory_space<hbm>>) target(%arg6 : memref<128xi32, #tpu.memory_space<vmem>>) target_semaphore(%arg17 : memref<!tpu.dma_semaphore, #tpu.memory_space<semaphore_mem>>)
        %dma_start3A_353 = tpu.memref_slice %arg4[%add3A_350] : memref<320000xi32, #tpu.memory_space<hbm>> -> memref<128xi32, #tpu.memory_space<hbm>>
        %dma_start3A_354 = tpu.memref_slice %arg4[%add3A_350] : memref<320000xi32, #tpu.memory_space<hbm>> -> memref<128xi32, #tpu.memory_space<hbm>>
        tpu.enqueue_dma source(%dma_start3A_354 : memref<128xi32, #tpu.memory_space<hbm>>) target(%arg7 : memref<128xi32, #tpu.memory_space<vmem>>) target_semaphore(%arg17 : memref<!tpu.dma_semaphore, #tpu.memory_space<semaphore_mem>>)
      } else {
      }
      %dma_wait3A_338 = arith.constant 0 : i32
      %dma_wait3A_339 = arith.constant 0 : i32
      %dma_wait3A_340 = tpu.memref_slice %arg2[%dma_wait3A_338, %dma_wait3A_339] : memref<10000x128xf32, #tpu.memory_space<hbm>> -> memref<10000x128xf32, #tpu.memory_space<hbm>>
      tpu.wait_indirect_dma semaphore(%arg16 : memref<!tpu.dma_semaphore, #tpu.memory_space<semaphore_mem>>) src(%dma_wait3A_340 : memref<10000x128xf32, #tpu.memory_space<hbm>>) dst(%arg13 : memref<128x128xf32, #tpu.memory_space<vmem>>)
      "tpu.region"() ({
        %run_scoped3A = tpu.sem_alloc : memref<!tpu.dma_semaphore, #tpu.memory_space<semaphore_mem>>
        %dma_start3A_346 = arith.constant 0 : i32
        %dma_start3A_347 = arith.constant 0 : i32
        %dma_start3A_348 = tpu.memref_slice %arg14[%dma_start3A_346, %dma_start3A_347] : memref<10000x128xf32, #tpu.memory_space<vmem_shared>> -> memref<10000x128xf32, #tpu.memory_space<vmem_shared>>
        tpu.enqueue_indirect_dma source(%arg13 : memref<128x128xf32, #tpu.memory_space<vmem>>) target(%dma_start3A_348 : memref<10000x128xf32, #tpu.memory_space<vmem_shared>>) offsets(%arg9 : memref<128xi32, #tpu.memory_space<vmem>>) semaphore(%run_scoped3A : memref<!tpu.dma_semaphore, #tpu.memory_space<semaphore_mem>>) {add = true}
        %dma_wait3A_349 = arith.constant 0 : i32
        %dma_wait3A_350 = arith.constant 0 : i32
        %dma_wait3A_351 = tpu.memref_slice %arg14[%dma_wait3A_349, %dma_wait3A_350] : memref<10000x128xf32, #tpu.memory_space<vmem_shared>> -> memref<10000x128xf32, #tpu.memory_space<vmem_shared>>
        tpu.wait_indirect_dma semaphore(%run_scoped3A : memref<!tpu.dma_semaphore, #tpu.memory_space<semaphore_mem>>) src(%arg13 : memref<128x128xf32, #tpu.memory_space<vmem>>) dst(%dma_wait3A_351 : memref<10000x128xf32, #tpu.memory_space<vmem_shared>>)
        tpu.yield
      }) : () -> ()
      %lt3A_341 = arith.constant 38 : i32
      %lt3A_342 = arith.cmpi slt, %scan3A_315, %lt3A_341 : i32
      %convert_element_type3A_343 = arith.extui %lt3A_342 : i1 to i32
      %cond3A_344 = arith.constant 0 : i32
      %cond3A_345 = arith.cmpi ne, %convert_element_type3A_343, %cond3A_344 : i32
      scf.if %cond3A_345 {
        %add3A_346 = arith.constant 2 : i32
        %add3A_347 = arith.addi %mul3A_317, %add3A_346 : i32
        %mul3A_348 = arith.constant 128 : i32
        %mul3A_349 = arith.muli %add3A_347, %mul3A_348 : i32
        %add3A_350 = arith.addi %add3A, %mul3A_349 : i32
        %dma_wait3A_351 = tpu.memref_slice %arg3[%add3A_350] : memref<320000xi32, #tpu.memory_space<hbm>> -> memref<128xi32, #tpu.memory_space<hbm>>
        %dma_wait3A_352 = tpu.memref_slice %arg3[%add3A_350] : memref<320000xi32, #tpu.memory_space<hbm>> -> memref<128xi32, #tpu.memory_space<hbm>>
        tpu.wait_dma2 semaphore(%arg17 : memref<!tpu.dma_semaphore, #tpu.memory_space<semaphore_mem>>) src(%dma_wait3A_352 : memref<128xi32, #tpu.memory_space<hbm>>) dst(%arg6 : memref<128xi32, #tpu.memory_space<vmem>>)
        %dma_wait3A_353 = tpu.memref_slice %arg4[%add3A_350] : memref<320000xi32, #tpu.memory_space<hbm>> -> memref<128xi32, #tpu.memory_space<hbm>>
        %dma_wait3A_354 = tpu.memref_slice %arg4[%add3A_350] : memref<320000xi32, #tpu.memory_space<hbm>> -> memref<128xi32, #tpu.memory_space<hbm>>
        tpu.wait_dma2 semaphore(%arg17 : memref<!tpu.dma_semaphore, #tpu.memory_space<semaphore_mem>>) src(%dma_wait3A_354 : memref<128xi32, #tpu.memory_space<hbm>>) dst(%arg7 : memref<128xi32, #tpu.memory_space<vmem>>)
        %dma_start3A_355 = arith.constant 0 : i32
        %dma_start3A_356 = arith.constant 0 : i32
        %dma_start3A_357 = tpu.memref_slice %arg2[%dma_start3A_355, %dma_start3A_356] : memref<10000x128xf32, #tpu.memory_space<hbm>> -> memref<10000x128xf32, #tpu.memory_space<hbm>>
        tpu.enqueue_indirect_dma source(%dma_start3A_357 : memref<10000x128xf32, #tpu.memory_space<hbm>>) target(%arg12 : memref<128x128xf32, #tpu.memory_space<vmem>>) offsets(%arg6 : memref<128xi32, #tpu.memory_space<vmem>>) semaphore(%arg15 : memref<!tpu.dma_semaphore, #tpu.memory_space<semaphore_mem>>)
        %add3A_358 = arith.constant 2 : i32
        %add3A_359 = arith.addi %add3A_319, %add3A_358 : i32
        %mul3A_360 = arith.constant 128 : i32
        %mul3A_361 = arith.muli %add3A_359, %mul3A_360 : i32
        %add3A_362 = arith.addi %add3A, %mul3A_361 : i32
        %dma_start3A_363 = tpu.memref_slice %arg3[%add3A_362] : memref<320000xi32, #tpu.memory_space<hbm>> -> memref<128xi32, #tpu.memory_space<hbm>>
        %dma_start3A_364 = tpu.memref_slice %arg3[%add3A_362] : memref<320000xi32, #tpu.memory_space<hbm>> -> memref<128xi32, #tpu.memory_space<hbm>>
        tpu.enqueue_dma source(%dma_start3A_364 : memref<128xi32, #tpu.memory_space<hbm>>) target(%arg8 : memref<128xi32, #tpu.memory_space<vmem>>) target_semaphore(%arg18 : memref<!tpu.dma_semaphore, #tpu.memory_space<semaphore_mem>>)
        %dma_start3A_365 = tpu.memref_slice %arg4[%add3A_362] : memref<320000xi32, #tpu.memory_space<hbm>> -> memref<128xi32, #tpu.memory_space<hbm>>
        %dma_start3A_366 = tpu.memref_slice %arg4[%add3A_362] : memref<320000xi32, #tpu.memory_space<hbm>> -> memref<128xi32, #tpu.memory_space<hbm>>
        tpu.enqueue_dma source(%dma_start3A_366 : memref<128xi32, #tpu.memory_space<hbm>>) target(%arg9 : memref<128xi32, #tpu.memory_space<vmem>>) target_semaphore(%arg18 : memref<!tpu.dma_semaphore, #tpu.memory_space<semaphore_mem>>)
      } else {
      }
    }
    %scan3A_162 = arith.constant 39 : i32
    %add3A_163 = arith.constant 9984 : i32
    %add3A_164 = arith.addi %add3A, %add3A_163 : i32
    "tpu.region"() ({
      %run_scoped3A = tpu.sem_alloc : memref<!tpu.dma_semaphore, #tpu.memory_space<semaphore_mem>>
      %dma_start3A_315 = tpu.memref_slice %arg3[%add3A_164] : memref<320000xi32, #tpu.memory_space<hbm>> -> memref<16xi32, #tpu.memory_space<hbm>>
      %dma_start3A_316 = tpu.memref_slice %arg3[%add3A_164] : memref<320000xi32, #tpu.memory_space<hbm>> -> memref<16xi32, #tpu.memory_space<hbm>>
      tpu.enqueue_dma source(%dma_start3A_316 : memref<16xi32, #tpu.memory_space<hbm>>) target(%arg10 : memref<16xi32, #tpu.memory_space<vmem>>) target_semaphore(%run_scoped3A : memref<!tpu.dma_semaphore, #tpu.memory_space<semaphore_mem>>)
      %dma_wait3A_317 = tpu.memref_slice %arg3[%add3A_164] : memref<320000xi32, #tpu.memory_space<hbm>> -> memref<16xi32, #tpu.memory_space<hbm>>
      %dma_wait3A_318 = tpu.memref_slice %arg3[%add3A_164] : memref<320000xi32, #tpu.memory_space<hbm>> -> memref<16xi32, #tpu.memory_space<hbm>>
      tpu.wait_dma2 semaphore(%run_scoped3A : memref<!tpu.dma_semaphore, #tpu.memory_space<semaphore_mem>>) src(%dma_wait3A_318 : memref<16xi32, #tpu.memory_space<hbm>>) dst(%arg10 : memref<16xi32, #tpu.memory_space<vmem>>)
      tpu.yield
    }) : () -> ()
    %add3A_165 = arith.constant 9984 : i32
    %add3A_166 = arith.addi %add3A, %add3A_165 : i32
    "tpu.region"() ({
      %run_scoped3A = tpu.sem_alloc : memref<!tpu.dma_semaphore, #tpu.memory_space<semaphore_mem>>
      %dma_start3A_315 = tpu.memref_slice %arg4[%add3A_166] : memref<320000xi32, #tpu.memory_space<hbm>> -> memref<16xi32, #tpu.memory_space<hbm>>
      %dma_start3A_316 = tpu.memref_slice %arg4[%add3A_166] : memref<320000xi32, #tpu.memory_space<hbm>> -> memref<16xi32, #tpu.memory_space<hbm>>
      tpu.enqueue_dma source(%dma_start3A_316 : memref<16xi32, #tpu.memory_space<hbm>>) target(%arg11 : memref<16xi32, #tpu.memory_space<vmem>>) target_semaphore(%run_scoped3A : memref<!tpu.dma_semaphore, #tpu.memory_space<semaphore_mem>>)
      %dma_wait3A_317 = tpu.memref_slice %arg4[%add3A_166] : memref<320000xi32, #tpu.memory_space<hbm>> -> memref<16xi32, #tpu.memory_space<hbm>>
      %dma_wait3A_318 = tpu.memref_slice %arg4[%add3A_166] : memref<320000xi32, #tpu.memory_space<hbm>> -> memref<16xi32, #tpu.memory_space<hbm>>
      tpu.wait_dma2 semaphore(%run_scoped3A : memref<!tpu.dma_semaphore, #tpu.memory_space<semaphore_mem>>) src(%dma_wait3A_318 : memref<16xi32, #tpu.memory_space<hbm>>) dst(%arg11 : memref<16xi32, #tpu.memory_space<vmem>>)
      tpu.yield
    }) : () -> ()
    %dma_start3A_167 = arith.constant 0 : i32
    %dma_start3A_168 = arith.constant 0 : i32
    %dma_start3A_169 = tpu.memref_slice %arg12[%dma_start3A_167, %dma_start3A_168] : memref<128x128xf32, #tpu.memory_space<vmem>> -> memref<16x128xf32, #tpu.memory_space<vmem>>
    %dma_start3A_170 = arith.constant 0 : i32
    %dma_start3A_171 = arith.constant 0 : i32
    %dma_start3A_172 = tpu.memref_slice %arg2[%dma_start3A_170, %dma_start3A_171] : memref<10000x128xf32, #tpu.memory_space<hbm>> -> memref<10000x128xf32, #tpu.memory_space<hbm>>
    tpu.enqueue_indirect_dma source(%dma_start3A_172 : memref<10000x128xf32, #tpu.memory_space<hbm>>) target(%dma_start3A_169 : memref<16x128xf32, #tpu.memory_space<vmem>>) offsets(%arg10 : memref<16xi32, #tpu.memory_space<vmem>>) semaphore(%arg15 : memref<!tpu.dma_semaphore, #tpu.memory_space<semaphore_mem>>)
    %dma_wait3A_173 = arith.constant 0 : i32
    %dma_wait3A_174 = arith.constant 0 : i32
    %dma_wait3A_175 = tpu.memref_slice %arg12[%dma_wait3A_173, %dma_wait3A_174] : memref<128x128xf32, #tpu.memory_space<vmem>> -> memref<16x128xf32, #tpu.memory_space<vmem>>
    %dma_wait3A_176 = arith.constant 0 : i32
    %dma_wait3A_177 = arith.constant 0 : i32
    %dma_wait3A_178 = tpu.memref_slice %arg2[%dma_wait3A_176, %dma_wait3A_177] : memref<10000x128xf32, #tpu.memory_space<hbm>> -> memref<10000x128xf32, #tpu.memory_space<hbm>>
    tpu.wait_indirect_dma semaphore(%arg15 : memref<!tpu.dma_semaphore, #tpu.memory_space<semaphore_mem>>) src(%dma_wait3A_178 : memref<10000x128xf32, #tpu.memory_space<hbm>>) dst(%dma_wait3A_175 : memref<16x128xf32, #tpu.memory_space<vmem>>)
    "tpu.region"() ({
      %run_scoped3A = tpu.sem_alloc : memref<!tpu.dma_semaphore, #tpu.memory_space<semaphore_mem>>
      %dma_start3A_315 = arith.constant 0 : i32
      %dma_start3A_316 = arith.constant 0 : i32
      %dma_start3A_317 = tpu.memref_slice %arg12[%dma_start3A_315, %dma_start3A_316] : memref<128x128xf32, #tpu.memory_space<vmem>> -> memref<16x128xf32, #tpu.memory_space<vmem>>
      %dma_start3A_318 = arith.constant 0 : i32
      %dma_start3A_319 = arith.constant 0 : i32
      %dma_start3A_320 = tpu.memref_slice %arg14[%dma_start3A_318, %dma_start3A_319] : memref<10000x128xf32, #tpu.memory_space<vmem_shared>> -> memref<10000x128xf32, #tpu.memory_space<vmem_shared>>
      tpu.enqueue_indirect_dma source(%dma_start3A_317 : memref<16x128xf32, #tpu.memory_space<vmem>>) target(%dma_start3A_320 : memref<10000x128xf32, #tpu.memory_space<vmem_shared>>) offsets(%arg11 : memref<16xi32, #tpu.memory_space<vmem>>) semaphore(%run_scoped3A : memref<!tpu.dma_semaphore, #tpu.memory_space<semaphore_mem>>) {add = true}
      %dma_wait3A_321 = arith.constant 0 : i32
      %dma_wait3A_322 = arith.constant 0 : i32
      %dma_wait3A_323 = tpu.memref_slice %arg12[%dma_wait3A_321, %dma_wait3A_322] : memref<128x128xf32, #tpu.memory_space<vmem>> -> memref<16x128xf32, #tpu.memory_space<vmem>>
      %dma_wait3A_324 = arith.constant 0 : i32
      %dma_wait3A_325 = arith.constant 0 : i32
      %dma_wait3A_326 = tpu.memref_slice %arg14[%dma_wait3A_324, %dma_wait3A_325] : memref<10000x128xf32, #tpu.memory_space<vmem_shared>> -> memref<10000x128xf32, #tpu.memory_space<vmem_shared>>
      tpu.wait_indirect_dma semaphore(%run_scoped3A : memref<!tpu.dma_semaphore, #tpu.memory_space<semaphore_mem>>) src(%dma_wait3A_323 : memref<16x128xf32, #tpu.memory_space<vmem>>) dst(%dma_wait3A_326 : memref<10000x128xf32, #tpu.memory_space<vmem_shared>>)
      tpu.yield
    }) : () -> ()
    %barrier3A_179 = arith.constant 0 : index
    tpu.barrier barrier_id(%barrier3A_179)
    %add3A_180 = arith.constant 0 : i32
    %add3A_181 = arith.addi %mul3A_0, %add3A_180 : i32
    %add3A_182 = arith.constant 128 : i32
    %add3A_183 = arith.addi %mul3A_0, %add3A_182 : i32
    %add3A_184 = arith.constant 256 : i32
    %add3A_185 = arith.addi %mul3A_0, %add3A_184 : i32
    %add3A_186 = arith.constant 384 : i32
    %add3A_187 = arith.addi %mul3A_0, %add3A_186 : i32
    %add3A_188 = arith.constant 512 : i32
    %add3A_189 = arith.addi %mul3A_0, %add3A_188 : i32
    "tpu.region"() ({
      %run_scoped3A = tpu.sem_alloc : memref<!tpu.dma_semaphore, #tpu.memory_space<semaphore_mem>>
      %dma_start3A_315 = arith.constant 0 : i32
      %dma_start3A_316 = arith.constant 0 : i32
      %dma_start3A_317 = tpu.memref_slice %arg12[%dma_start3A_315, %dma_start3A_316] : memref<128x128xf32, #tpu.memory_space<vmem>> -> memref<128x128xf32, #tpu.memory_space<vmem>>
      %dma_start3A_318 = arith.constant 0 : i32
      %dma_start3A_319 = tpu.memref_slice %arg14[%add3A_181, %dma_start3A_318] : memref<10000x128xf32, #tpu.memory_space<vmem_shared>> -> memref<128x128xf32, #tpu.memory_space<vmem_shared>>
      %dma_start3A_320 = arith.constant 0 : i32
      %dma_start3A_321 = arith.constant 0 : i32
      %dma_start3A_322 = tpu.memref_slice %arg12[%dma_start3A_320, %dma_start3A_321] : memref<128x128xf32, #tpu.memory_space<vmem>> -> memref<128x128xf32, #tpu.memory_space<vmem>>
      %dma_start3A_323 = arith.constant 0 : i32
      %dma_start3A_324 = tpu.memref_slice %arg14[%add3A_181, %dma_start3A_323] : memref<10000x128xf32, #tpu.memory_space<vmem_shared>> -> memref<128x128xf32, #tpu.memory_space<vmem_shared>>
      tpu.enqueue_dma source(%dma_start3A_324 : memref<128x128xf32, #tpu.memory_space<vmem_shared>>) target(%dma_start3A_322 : memref<128x128xf32, #tpu.memory_space<vmem>>) target_semaphore(%run_scoped3A : memref<!tpu.dma_semaphore, #tpu.memory_space<semaphore_mem>>)
      %dma_wait3A_325 = arith.constant 0 : i32
      %dma_wait3A_326 = arith.constant 0 : i32
      %dma_wait3A_327 = tpu.memref_slice %arg12[%dma_wait3A_325, %dma_wait3A_326] : memref<128x128xf32, #tpu.memory_space<vmem>> -> memref<128x128xf32, #tpu.memory_space<vmem>>
      %dma_wait3A_328 = arith.constant 0 : i32
      %dma_wait3A_329 = tpu.memref_slice %arg14[%add3A_181, %dma_wait3A_328] : memref<10000x128xf32, #tpu.memory_space<vmem_shared>> -> memref<128x128xf32, #tpu.memory_space<vmem_shared>>
      %dma_wait3A_330 = arith.constant 0 : i32
      %dma_wait3A_331 = arith.constant 0 : i32
      %dma_wait3A_332 = tpu.memref_slice %arg12[%dma_wait3A_330, %dma_wait3A_331] : memref<128x128xf32, #tpu.memory_space<vmem>> -> memref<128x128xf32, #tpu.memory_space<vmem>>
      %dma_wait3A_333 = arith.constant 0 : i32
      %dma_wait3A_334 = tpu.memref_slice %arg14[%add3A_181, %dma_wait3A_333] : memref<10000x128xf32, #tpu.memory_space<vmem_shared>> -> memref<128x128xf32, #tpu.memory_space<vmem_shared>>
      tpu.wait_dma2 semaphore(%run_scoped3A : memref<!tpu.dma_semaphore, #tpu.memory_space<semaphore_mem>>) src(%dma_wait3A_334 : memref<128x128xf32, #tpu.memory_space<vmem_shared>>) dst(%dma_wait3A_332 : memref<128x128xf32, #tpu.memory_space<vmem>>)
      tpu.yield
    }) : () -> ()
    %dma_start3A_190 = arith.constant 0 : i32
    %dma_start3A_191 = arith.constant 0 : i32
    %dma_start3A_192 = tpu.memref_slice %arg12[%dma_start3A_190, %dma_start3A_191] : memref<128x128xf32, #tpu.memory_space<vmem>> -> memref<128x128xf32, #tpu.memory_space<vmem>>
    %dma_start3A_193 = arith.constant 0 : i32
    %dma_start3A_194 = tpu.memref_slice %arg5[%arg0, %add3A_181, %dma_start3A_193] : memref<2x10000x128xf32, #tpu.memory_space<hbm>> -> memref<1x128x128xf32, #tpu.memory_space<hbm>>
    %dma_start3A_195 = tpu.memref_squeeze %dma_start3A_194 : memref<1x128x128xf32, #tpu.memory_space<hbm>> -> memref<128x128xf32, #tpu.memory_space<hbm>>
    %dma_start3A_196 = arith.constant 0 : i32
    %dma_start3A_197 = tpu.memref_slice %arg5[%arg0, %add3A_181, %dma_start3A_196] : memref<2x10000x128xf32, #tpu.memory_space<hbm>> -> memref<1x128x128xf32, #tpu.memory_space<hbm>>
    %dma_start3A_198 = tpu.memref_squeeze %dma_start3A_197 : memref<1x128x128xf32, #tpu.memory_space<hbm>> -> memref<128x128xf32, #tpu.memory_space<hbm>>
    %dma_start3A_199 = arith.constant 0 : i32
    %dma_start3A_200 = arith.constant 0 : i32
    %dma_start3A_201 = tpu.memref_slice %arg12[%dma_start3A_199, %dma_start3A_200] : memref<128x128xf32, #tpu.memory_space<vmem>> -> memref<128x128xf32, #tpu.memory_space<vmem>>
    tpu.enqueue_dma source(%dma_start3A_201 : memref<128x128xf32, #tpu.memory_space<vmem>>) target(%dma_start3A_198 : memref<128x128xf32, #tpu.memory_space<hbm>>) target_semaphore(%arg15 : memref<!tpu.dma_semaphore, #tpu.memory_space<semaphore_mem>>)
    "tpu.region"() ({
      %run_scoped3A = tpu.sem_alloc : memref<!tpu.dma_semaphore, #tpu.memory_space<semaphore_mem>>
      %dma_start3A_315 = arith.constant 0 : i32
      %dma_start3A_316 = arith.constant 0 : i32
      %dma_start3A_317 = tpu.memref_slice %arg13[%dma_start3A_315, %dma_start3A_316] : memref<128x128xf32, #tpu.memory_space<vmem>> -> memref<128x128xf32, #tpu.memory_space<vmem>>
      %dma_start3A_318 = arith.constant 0 : i32
      %dma_start3A_319 = tpu.memref_slice %arg14[%add3A_183, %dma_start3A_318] : memref<10000x128xf32, #tpu.memory_space<vmem_shared>> -> memref<128x128xf32, #tpu.memory_space<vmem_shared>>
      %dma_start3A_320 = arith.constant 0 : i32
      %dma_start3A_321 = arith.constant 0 : i32
      %dma_start3A_322 = tpu.memref_slice %arg13[%dma_start3A_320, %dma_start3A_321] : memref<128x128xf32, #tpu.memory_space<vmem>> -> memref<128x128xf32, #tpu.memory_space<vmem>>
      %dma_start3A_323 = arith.constant 0 : i32
      %dma_start3A_324 = tpu.memref_slice %arg14[%add3A_183, %dma_start3A_323] : memref<10000x128xf32, #tpu.memory_space<vmem_shared>> -> memref<128x128xf32, #tpu.memory_space<vmem_shared>>
      tpu.enqueue_dma source(%dma_start3A_324 : memref<128x128xf32, #tpu.memory_space<vmem_shared>>) target(%dma_start3A_322 : memref<128x128xf32, #tpu.memory_space<vmem>>) target_semaphore(%run_scoped3A : memref<!tpu.dma_semaphore, #tpu.memory_space<semaphore_mem>>)
      %dma_wait3A_325 = arith.constant 0 : i32
      %dma_wait3A_326 = arith.constant 0 : i32
      %dma_wait3A_327 = tpu.memref_slice %arg13[%dma_wait3A_325, %dma_wait3A_326] : memref<128x128xf32, #tpu.memory_space<vmem>> -> memref<128x128xf32, #tpu.memory_space<vmem>>
      %dma_wait3A_328 = arith.constant 0 : i32
      %dma_wait3A_329 = tpu.memref_slice %arg14[%add3A_183, %dma_wait3A_328] : memref<10000x128xf32, #tpu.memory_space<vmem_shared>> -> memref<128x128xf32, #tpu.memory_space<vmem_shared>>
      %dma_wait3A_330 = arith.constant 0 : i32
      %dma_wait3A_331 = arith.constant 0 : i32
      %dma_wait3A_332 = tpu.memref_slice %arg13[%dma_wait3A_330, %dma_wait3A_331] : memref<128x128xf32, #tpu.memory_space<vmem>> -> memref<128x128xf32, #tpu.memory_space<vmem>>
      %dma_wait3A_333 = arith.constant 0 : i32
      %dma_wait3A_334 = tpu.memref_slice %arg14[%add3A_183, %dma_wait3A_333] : memref<10000x128xf32, #tpu.memory_space<vmem_shared>> -> memref<128x128xf32, #tpu.memory_space<vmem_shared>>
      tpu.wait_dma2 semaphore(%run_scoped3A : memref<!tpu.dma_semaphore, #tpu.memory_space<semaphore_mem>>) src(%dma_wait3A_334 : memref<128x128xf32, #tpu.memory_space<vmem_shared>>) dst(%dma_wait3A_332 : memref<128x128xf32, #tpu.memory_space<vmem>>)
      tpu.yield
    }) : () -> ()
    %dma_start3A_202 = arith.constant 0 : i32
    %dma_start3A_203 = arith.constant 0 : i32
    %dma_start3A_204 = tpu.memref_slice %arg13[%dma_start3A_202, %dma_start3A_203] : memref<128x128xf32, #tpu.memory_space<vmem>> -> memref<128x128xf32, #tpu.memory_space<vmem>>
    %dma_start3A_205 = arith.constant 0 : i32
    %dma_start3A_206 = tpu.memref_slice %arg5[%arg0, %add3A_183, %dma_start3A_205] : memref<2x10000x128xf32, #tpu.memory_space<hbm>> -> memref<1x128x128xf32, #tpu.memory_space<hbm>>
    %dma_start3A_207 = tpu.memref_squeeze %dma_start3A_206 : memref<1x128x128xf32, #tpu.memory_space<hbm>> -> memref<128x128xf32, #tpu.memory_space<hbm>>
    %dma_start3A_208 = arith.constant 0 : i32
    %dma_start3A_209 = tpu.memref_slice %arg5[%arg0, %add3A_183, %dma_start3A_208] : memref<2x10000x128xf32, #tpu.memory_space<hbm>> -> memref<1x128x128xf32, #tpu.memory_space<hbm>>
    %dma_start3A_210 = tpu.memref_squeeze %dma_start3A_209 : memref<1x128x128xf32, #tpu.memory_space<hbm>> -> memref<128x128xf32, #tpu.memory_space<hbm>>
    %dma_start3A_211 = arith.constant 0 : i32
    %dma_start3A_212 = arith.constant 0 : i32
    %dma_start3A_213 = tpu.memref_slice %arg13[%dma_start3A_211, %dma_start3A_212] : memref<128x128xf32, #tpu.memory_space<vmem>> -> memref<128x128xf32, #tpu.memory_space<vmem>>
    tpu.enqueue_dma source(%dma_start3A_213 : memref<128x128xf32, #tpu.memory_space<vmem>>) target(%dma_start3A_210 : memref<128x128xf32, #tpu.memory_space<hbm>>) target_semaphore(%arg16 : memref<!tpu.dma_semaphore, #tpu.memory_space<semaphore_mem>>)
    %dma_wait3A_214 = arith.constant 0 : i32
    %dma_wait3A_215 = arith.constant 0 : i32
    %dma_wait3A_216 = tpu.memref_slice %arg12[%dma_wait3A_214, %dma_wait3A_215] : memref<128x128xf32, #tpu.memory_space<vmem>> -> memref<128x128xf32, #tpu.memory_space<vmem>>
    %dma_wait3A_217 = arith.constant 0 : i32
    %dma_wait3A_218 = tpu.memref_slice %arg5[%arg0, %add3A_181, %dma_wait3A_217] : memref<2x10000x128xf32, #tpu.memory_space<hbm>> -> memref<1x128x128xf32, #tpu.memory_space<hbm>>
    %dma_wait3A_219 = tpu.memref_squeeze %dma_wait3A_218 : memref<1x128x128xf32, #tpu.memory_space<hbm>> -> memref<128x128xf32, #tpu.memory_space<hbm>>
    %dma_wait3A_220 = arith.constant 0 : i32
    %dma_wait3A_221 = tpu.memref_slice %arg5[%arg0, %add3A_181, %dma_wait3A_220] : memref<2x10000x128xf32, #tpu.memory_space<hbm>> -> memref<1x128x128xf32, #tpu.memory_space<hbm>>
    %dma_wait3A_222 = tpu.memref_squeeze %dma_wait3A_221 : memref<1x128x128xf32, #tpu.memory_space<hbm>> -> memref<128x128xf32, #tpu.memory_space<hbm>>
    %dma_wait3A_223 = arith.constant 0 : i32
    %dma_wait3A_224 = arith.constant 0 : i32
    %dma_wait3A_225 = tpu.memref_slice %arg12[%dma_wait3A_223, %dma_wait3A_224] : memref<128x128xf32, #tpu.memory_space<vmem>> -> memref<128x128xf32, #tpu.memory_space<vmem>>
    tpu.wait_dma2 semaphore(%arg15 : memref<!tpu.dma_semaphore, #tpu.memory_space<semaphore_mem>>) src(%dma_wait3A_225 : memref<128x128xf32, #tpu.memory_space<vmem>>) dst(%dma_wait3A_222 : memref<128x128xf32, #tpu.memory_space<hbm>>)
    "tpu.region"() ({
      %run_scoped3A = tpu.sem_alloc : memref<!tpu.dma_semaphore, #tpu.memory_space<semaphore_mem>>
      %dma_start3A_315 = arith.constant 0 : i32
      %dma_start3A_316 = arith.constant 0 : i32
      %dma_start3A_317 = tpu.memref_slice %arg12[%dma_start3A_315, %dma_start3A_316] : memref<128x128xf32, #tpu.memory_space<vmem>> -> memref<128x128xf32, #tpu.memory_space<vmem>>
      %dma_start3A_318 = arith.constant 0 : i32
      %dma_start3A_319 = tpu.memref_slice %arg14[%add3A_185, %dma_start3A_318] : memref<10000x128xf32, #tpu.memory_space<vmem_shared>> -> memref<128x128xf32, #tpu.memory_space<vmem_shared>>
      %dma_start3A_320 = arith.constant 0 : i32
      %dma_start3A_321 = arith.constant 0 : i32
      %dma_start3A_322 = tpu.memref_slice %arg12[%dma_start3A_320, %dma_start3A_321] : memref<128x128xf32, #tpu.memory_space<vmem>> -> memref<128x128xf32, #tpu.memory_space<vmem>>
      %dma_start3A_323 = arith.constant 0 : i32
      %dma_start3A_324 = tpu.memref_slice %arg14[%add3A_185, %dma_start3A_323] : memref<10000x128xf32, #tpu.memory_space<vmem_shared>> -> memref<128x128xf32, #tpu.memory_space<vmem_shared>>
      tpu.enqueue_dma source(%dma_start3A_324 : memref<128x128xf32, #tpu.memory_space<vmem_shared>>) target(%dma_start3A_322 : memref<128x128xf32, #tpu.memory_space<vmem>>) target_semaphore(%run_scoped3A : memref<!tpu.dma_semaphore, #tpu.memory_space<semaphore_mem>>)
      %dma_wait3A_325 = arith.constant 0 : i32
      %dma_wait3A_326 = arith.constant 0 : i32
      %dma_wait3A_327 = tpu.memref_slice %arg12[%dma_wait3A_325, %dma_wait3A_326] : memref<128x128xf32, #tpu.memory_space<vmem>> -> memref<128x128xf32, #tpu.memory_space<vmem>>
      %dma_wait3A_328 = arith.constant 0 : i32
      %dma_wait3A_329 = tpu.memref_slice %arg14[%add3A_185, %dma_wait3A_328] : memref<10000x128xf32, #tpu.memory_space<vmem_shared>> -> memref<128x128xf32, #tpu.memory_space<vmem_shared>>
      %dma_wait3A_330 = arith.constant 0 : i32
      %dma_wait3A_331 = arith.constant 0 : i32
      %dma_wait3A_332 = tpu.memref_slice %arg12[%dma_wait3A_330, %dma_wait3A_331] : memref<128x128xf32, #tpu.memory_space<vmem>> -> memref<128x128xf32, #tpu.memory_space<vmem>>
      %dma_wait3A_333 = arith.constant 0 : i32
      %dma_wait3A_334 = tpu.memref_slice %arg14[%add3A_185, %dma_wait3A_333] : memref<10000x128xf32, #tpu.memory_space<vmem_shared>> -> memref<128x128xf32, #tpu.memory_space<vmem_shared>>
      tpu.wait_dma2 semaphore(%run_scoped3A : memref<!tpu.dma_semaphore, #tpu.memory_space<semaphore_mem>>) src(%dma_wait3A_334 : memref<128x128xf32, #tpu.memory_space<vmem_shared>>) dst(%dma_wait3A_332 : memref<128x128xf32, #tpu.memory_space<vmem>>)
      tpu.yield
    }) : () -> ()
    %dma_start3A_226 = arith.constant 0 : i32
    %dma_start3A_227 = arith.constant 0 : i32
    %dma_start3A_228 = tpu.memref_slice %arg12[%dma_start3A_226, %dma_start3A_227] : memref<128x128xf32, #tpu.memory_space<vmem>> -> memref<128x128xf32, #tpu.memory_space<vmem>>
    %dma_start3A_229 = arith.constant 0 : i32
    %dma_start3A_230 = tpu.memref_slice %arg5[%arg0, %add3A_185, %dma_start3A_229] : memref<2x10000x128xf32, #tpu.memory_space<hbm>> -> memref<1x128x128xf32, #tpu.memory_space<hbm>>
    %dma_start3A_231 = tpu.memref_squeeze %dma_start3A_230 : memref<1x128x128xf32, #tpu.memory_space<hbm>> -> memref<128x128xf32, #tpu.memory_space<hbm>>
    %dma_start3A_232 = arith.constant 0 : i32
    %dma_start3A_233 = tpu.memref_slice %arg5[%arg0, %add3A_185, %dma_start3A_232] : memref<2x10000x128xf32, #tpu.memory_space<hbm>> -> memref<1x128x128xf32, #tpu.memory_space<hbm>>
    %dma_start3A_234 = tpu.memref_squeeze %dma_start3A_233 : memref<1x128x128xf32, #tpu.memory_space<hbm>> -> memref<128x128xf32, #tpu.memory_space<hbm>>
    %dma_start3A_235 = arith.constant 0 : i32
    %dma_start3A_236 = arith.constant 0 : i32
    %dma_start3A_237 = tpu.memref_slice %arg12[%dma_start3A_235, %dma_start3A_236] : memref<128x128xf32, #tpu.memory_space<vmem>> -> memref<128x128xf32, #tpu.memory_space<vmem>>
    tpu.enqueue_dma source(%dma_start3A_237 : memref<128x128xf32, #tpu.memory_space<vmem>>) target(%dma_start3A_234 : memref<128x128xf32, #tpu.memory_space<hbm>>) target_semaphore(%arg15 : memref<!tpu.dma_semaphore, #tpu.memory_space<semaphore_mem>>)
    %dma_wait3A_238 = arith.constant 0 : i32
    %dma_wait3A_239 = arith.constant 0 : i32
    %dma_wait3A_240 = tpu.memref_slice %arg13[%dma_wait3A_238, %dma_wait3A_239] : memref<128x128xf32, #tpu.memory_space<vmem>> -> memref<128x128xf32, #tpu.memory_space<vmem>>
    %dma_wait3A_241 = arith.constant 0 : i32
    %dma_wait3A_242 = tpu.memref_slice %arg5[%arg0, %add3A_183, %dma_wait3A_241] : memref<2x10000x128xf32, #tpu.memory_space<hbm>> -> memref<1x128x128xf32, #tpu.memory_space<hbm>>
    %dma_wait3A_243 = tpu.memref_squeeze %dma_wait3A_242 : memref<1x128x128xf32, #tpu.memory_space<hbm>> -> memref<128x128xf32, #tpu.memory_space<hbm>>
    %dma_wait3A_244 = arith.constant 0 : i32
    %dma_wait3A_245 = tpu.memref_slice %arg5[%arg0, %add3A_183, %dma_wait3A_244] : memref<2x10000x128xf32, #tpu.memory_space<hbm>> -> memref<1x128x128xf32, #tpu.memory_space<hbm>>
    %dma_wait3A_246 = tpu.memref_squeeze %dma_wait3A_245 : memref<1x128x128xf32, #tpu.memory_space<hbm>> -> memref<128x128xf32, #tpu.memory_space<hbm>>
    %dma_wait3A_247 = arith.constant 0 : i32
    %dma_wait3A_248 = arith.constant 0 : i32
    %dma_wait3A_249 = tpu.memref_slice %arg13[%dma_wait3A_247, %dma_wait3A_248] : memref<128x128xf32, #tpu.memory_space<vmem>> -> memref<128x128xf32, #tpu.memory_space<vmem>>
    tpu.wait_dma2 semaphore(%arg16 : memref<!tpu.dma_semaphore, #tpu.memory_space<semaphore_mem>>) src(%dma_wait3A_249 : memref<128x128xf32, #tpu.memory_space<vmem>>) dst(%dma_wait3A_246 : memref<128x128xf32, #tpu.memory_space<hbm>>)
    "tpu.region"() ({
      %run_scoped3A = tpu.sem_alloc : memref<!tpu.dma_semaphore, #tpu.memory_space<semaphore_mem>>
      %dma_start3A_315 = arith.constant 0 : i32
      %dma_start3A_316 = arith.constant 0 : i32
      %dma_start3A_317 = tpu.memref_slice %arg13[%dma_start3A_315, %dma_start3A_316] : memref<128x128xf32, #tpu.memory_space<vmem>> -> memref<128x128xf32, #tpu.memory_space<vmem>>
      %dma_start3A_318 = arith.constant 0 : i32
      %dma_start3A_319 = tpu.memref_slice %arg14[%add3A_187, %dma_start3A_318] : memref<10000x128xf32, #tpu.memory_space<vmem_shared>> -> memref<128x128xf32, #tpu.memory_space<vmem_shared>>
      %dma_start3A_320 = arith.constant 0 : i32
      %dma_start3A_321 = arith.constant 0 : i32
      %dma_start3A_322 = tpu.memref_slice %arg13[%dma_start3A_320, %dma_start3A_321] : memref<128x128xf32, #tpu.memory_space<vmem>> -> memref<128x128xf32, #tpu.memory_space<vmem>>
      %dma_start3A_323 = arith.constant 0 : i32
      %dma_start3A_324 = tpu.memref_slice %arg14[%add3A_187, %dma_start3A_323] : memref<10000x128xf32, #tpu.memory_space<vmem_shared>> -> memref<128x128xf32, #tpu.memory_space<vmem_shared>>
      tpu.enqueue_dma source(%dma_start3A_324 : memref<128x128xf32, #tpu.memory_space<vmem_shared>>) target(%dma_start3A_322 : memref<128x128xf32, #tpu.memory_space<vmem>>) target_semaphore(%run_scoped3A : memref<!tpu.dma_semaphore, #tpu.memory_space<semaphore_mem>>)
      %dma_wait3A_325 = arith.constant 0 : i32
      %dma_wait3A_326 = arith.constant 0 : i32
      %dma_wait3A_327 = tpu.memref_slice %arg13[%dma_wait3A_325, %dma_wait3A_326] : memref<128x128xf32, #tpu.memory_space<vmem>> -> memref<128x128xf32, #tpu.memory_space<vmem>>
      %dma_wait3A_328 = arith.constant 0 : i32
      %dma_wait3A_329 = tpu.memref_slice %arg14[%add3A_187, %dma_wait3A_328] : memref<10000x128xf32, #tpu.memory_space<vmem_shared>> -> memref<128x128xf32, #tpu.memory_space<vmem_shared>>
      %dma_wait3A_330 = arith.constant 0 : i32
      %dma_wait3A_331 = arith.constant 0 : i32
      %dma_wait3A_332 = tpu.memref_slice %arg13[%dma_wait3A_330, %dma_wait3A_331] : memref<128x128xf32, #tpu.memory_space<vmem>> -> memref<128x128xf32, #tpu.memory_space<vmem>>
      %dma_wait3A_333 = arith.constant 0 : i32
      %dma_wait3A_334 = tpu.memref_slice %arg14[%add3A_187, %dma_wait3A_333] : memref<10000x128xf32, #tpu.memory_space<vmem_shared>> -> memref<128x128xf32, #tpu.memory_space<vmem_shared>>
      tpu.wait_dma2 semaphore(%run_scoped3A : memref<!tpu.dma_semaphore, #tpu.memory_space<semaphore_mem>>) src(%dma_wait3A_334 : memref<128x128xf32, #tpu.memory_space<vmem_shared>>) dst(%dma_wait3A_332 : memref<128x128xf32, #tpu.memory_space<vmem>>)
      tpu.yield
    }) : () -> ()
    %dma_start3A_250 = arith.constant 0 : i32
    %dma_start3A_251 = arith.constant 0 : i32
    %dma_start3A_252 = tpu.memref_slice %arg13[%dma_start3A_250, %dma_start3A_251] : memref<128x128xf32, #tpu.memory_space<vmem>> -> memref<128x128xf32, #tpu.memory_space<vmem>>
    %dma_start3A_253 = arith.constant 0 : i32
    %dma_start3A_254 = tpu.memref_slice %arg5[%arg0, %add3A_187, %dma_start3A_253] : memref<2x10000x128xf32, #tpu.memory_space<hbm>> -> memref<1x128x128xf32, #tpu.memory_space<hbm>>
    %dma_start3A_255 = tpu.memref_squeeze %dma_start3A_254 : memref<1x128x128xf32, #tpu.memory_space<hbm>> -> memref<128x128xf32, #tpu.memory_space<hbm>>
    %dma_start3A_256 = arith.constant 0 : i32
    %dma_start3A_257 = tpu.memref_slice %arg5[%arg0, %add3A_187, %dma_start3A_256] : memref<2x10000x128xf32, #tpu.memory_space<hbm>> -> memref<1x128x128xf32, #tpu.memory_space<hbm>>
    %dma_start3A_258 = tpu.memref_squeeze %dma_start3A_257 : memref<1x128x128xf32, #tpu.memory_space<hbm>> -> memref<128x128xf32, #tpu.memory_space<hbm>>
    %dma_start3A_259 = arith.constant 0 : i32
    %dma_start3A_260 = arith.constant 0 : i32
    %dma_start3A_261 = tpu.memref_slice %arg13[%dma_start3A_259, %dma_start3A_260] : memref<128x128xf32, #tpu.memory_space<vmem>> -> memref<128x128xf32, #tpu.memory_space<vmem>>
    tpu.enqueue_dma source(%dma_start3A_261 : memref<128x128xf32, #tpu.memory_space<vmem>>) target(%dma_start3A_258 : memref<128x128xf32, #tpu.memory_space<hbm>>) target_semaphore(%arg16 : memref<!tpu.dma_semaphore, #tpu.memory_space<semaphore_mem>>)
    %dma_wait3A_262 = arith.constant 0 : i32
    %dma_wait3A_263 = arith.constant 0 : i32
    %dma_wait3A_264 = tpu.memref_slice %arg12[%dma_wait3A_262, %dma_wait3A_263] : memref<128x128xf32, #tpu.memory_space<vmem>> -> memref<128x128xf32, #tpu.memory_space<vmem>>
    %dma_wait3A_265 = arith.constant 0 : i32
    %dma_wait3A_266 = tpu.memref_slice %arg5[%arg0, %add3A_185, %dma_wait3A_265] : memref<2x10000x128xf32, #tpu.memory_space<hbm>> -> memref<1x128x128xf32, #tpu.memory_space<hbm>>
    %dma_wait3A_267 = tpu.memref_squeeze %dma_wait3A_266 : memref<1x128x128xf32, #tpu.memory_space<hbm>> -> memref<128x128xf32, #tpu.memory_space<hbm>>
    %dma_wait3A_268 = arith.constant 0 : i32
    %dma_wait3A_269 = tpu.memref_slice %arg5[%arg0, %add3A_185, %dma_wait3A_268] : memref<2x10000x128xf32, #tpu.memory_space<hbm>> -> memref<1x128x128xf32, #tpu.memory_space<hbm>>
    %dma_wait3A_270 = tpu.memref_squeeze %dma_wait3A_269 : memref<1x128x128xf32, #tpu.memory_space<hbm>> -> memref<128x128xf32, #tpu.memory_space<hbm>>
    %dma_wait3A_271 = arith.constant 0 : i32
    %dma_wait3A_272 = arith.constant 0 : i32
    %dma_wait3A_273 = tpu.memref_slice %arg12[%dma_wait3A_271, %dma_wait3A_272] : memref<128x128xf32, #tpu.memory_space<vmem>> -> memref<128x128xf32, #tpu.memory_space<vmem>>
    tpu.wait_dma2 semaphore(%arg15 : memref<!tpu.dma_semaphore, #tpu.memory_space<semaphore_mem>>) src(%dma_wait3A_273 : memref<128x128xf32, #tpu.memory_space<vmem>>) dst(%dma_wait3A_270 : memref<128x128xf32, #tpu.memory_space<hbm>>)
    "tpu.region"() ({
      %run_scoped3A = tpu.sem_alloc : memref<!tpu.dma_semaphore, #tpu.memory_space<semaphore_mem>>
      %dma_start3A_315 = arith.constant 0 : i32
      %dma_start3A_316 = arith.constant 0 : i32
      %dma_start3A_317 = tpu.memref_slice %arg12[%dma_start3A_315, %dma_start3A_316] : memref<128x128xf32, #tpu.memory_space<vmem>> -> memref<112x128xf32, #tpu.memory_space<vmem>>
      %dma_start3A_318 = arith.constant 0 : i32
      %dma_start3A_319 = tpu.memref_slice %arg14[%add3A_189, %dma_start3A_318] : memref<10000x128xf32, #tpu.memory_space<vmem_shared>> -> memref<112x128xf32, #tpu.memory_space<vmem_shared>>
      %dma_start3A_320 = arith.constant 0 : i32
      %dma_start3A_321 = arith.constant 0 : i32
      %dma_start3A_322 = tpu.memref_slice %arg12[%dma_start3A_320, %dma_start3A_321] : memref<128x128xf32, #tpu.memory_space<vmem>> -> memref<112x128xf32, #tpu.memory_space<vmem>>
      %dma_start3A_323 = arith.constant 0 : i32
      %dma_start3A_324 = tpu.memref_slice %arg14[%add3A_189, %dma_start3A_323] : memref<10000x128xf32, #tpu.memory_space<vmem_shared>> -> memref<112x128xf32, #tpu.memory_space<vmem_shared>>
      tpu.enqueue_dma source(%dma_start3A_324 : memref<112x128xf32, #tpu.memory_space<vmem_shared>>) target(%dma_start3A_322 : memref<112x128xf32, #tpu.memory_space<vmem>>) target_semaphore(%run_scoped3A : memref<!tpu.dma_semaphore, #tpu.memory_space<semaphore_mem>>)
      %dma_wait3A_325 = arith.constant 0 : i32
      %dma_wait3A_326 = arith.constant 0 : i32
      %dma_wait3A_327 = tpu.memref_slice %arg12[%dma_wait3A_325, %dma_wait3A_326] : memref<128x128xf32, #tpu.memory_space<vmem>> -> memref<112x128xf32, #tpu.memory_space<vmem>>
      %dma_wait3A_328 = arith.constant 0 : i32
      %dma_wait3A_329 = tpu.memref_slice %arg14[%add3A_189, %dma_wait3A_328] : memref<10000x128xf32, #tpu.memory_space<vmem_shared>> -> memref<112x128xf32, #tpu.memory_space<vmem_shared>>
      %dma_wait3A_330 = arith.constant 0 : i32
      %dma_wait3A_331 = arith.constant 0 : i32
      %dma_wait3A_332 = tpu.memref_slice %arg12[%dma_wait3A_330, %dma_wait3A_331] : memref<128x128xf32, #tpu.memory_space<vmem>> -> memref<112x128xf32, #tpu.memory_space<vmem>>
      %dma_wait3A_333 = arith.constant 0 : i32
      %dma_wait3A_334 = tpu.memref_slice %arg14[%add3A_189, %dma_wait3A_333] : memref<10000x128xf32, #tpu.memory_space<vmem_shared>> -> memref<112x128xf32, #tpu.memory_space<vmem_shared>>
      tpu.wait_dma2 semaphore(%run_scoped3A : memref<!tpu.dma_semaphore, #tpu.memory_space<semaphore_mem>>) src(%dma_wait3A_334 : memref<112x128xf32, #tpu.memory_space<vmem_shared>>) dst(%dma_wait3A_332 : memref<112x128xf32, #tpu.memory_space<vmem>>)
      tpu.yield
    }) : () -> ()
    %dma_start3A_274 = arith.constant 0 : i32
    %dma_start3A_275 = arith.constant 0 : i32
    %dma_start3A_276 = tpu.memref_slice %arg12[%dma_start3A_274, %dma_start3A_275] : memref<128x128xf32, #tpu.memory_space<vmem>> -> memref<112x128xf32, #tpu.memory_space<vmem>>
    %dma_start3A_277 = arith.constant 0 : i32
    %dma_start3A_278 = tpu.memref_slice %arg5[%arg0, %add3A_189, %dma_start3A_277] : memref<2x10000x128xf32, #tpu.memory_space<hbm>> -> memref<1x112x128xf32, #tpu.memory_space<hbm>>
    %dma_start3A_279 = tpu.memref_squeeze %dma_start3A_278 : memref<1x112x128xf32, #tpu.memory_space<hbm>> -> memref<112x128xf32, #tpu.memory_space<hbm>>
    %dma_start3A_280 = arith.constant 0 : i32
    %dma_start3A_281 = tpu.memref_slice %arg5[%arg0, %add3A_189, %dma_start3A_280] : memref<2x10000x128xf32, #tpu.memory_space<hbm>> -> memref<1x112x128xf32, #tpu.memory_space<hbm>>
    %dma_start3A_282 = tpu.memref_squeeze %dma_start3A_281 : memref<1x112x128xf32, #tpu.memory_space<hbm>> -> memref<112x128xf32, #tpu.memory_space<hbm>>
    %dma_start3A_283 = arith.constant 0 : i32
    %dma_start3A_284 = arith.constant 0 : i32
    %dma_start3A_285 = tpu.memref_slice %arg12[%dma_start3A_283, %dma_start3A_284] : memref<128x128xf32, #tpu.memory_space<vmem>> -> memref<112x128xf32, #tpu.memory_space<vmem>>
    tpu.enqueue_dma source(%dma_start3A_285 : memref<112x128xf32, #tpu.memory_space<vmem>>) target(%dma_start3A_282 : memref<112x128xf32, #tpu.memory_space<hbm>>) target_semaphore(%arg15 : memref<!tpu.dma_semaphore, #tpu.memory_space<semaphore_mem>>)
    %dma_wait3A_286 = arith.constant 0 : i32
    %dma_wait3A_287 = arith.constant 0 : i32
    %dma_wait3A_288 = tpu.memref_slice %arg13[%dma_wait3A_286, %dma_wait3A_287] : memref<128x128xf32, #tpu.memory_space<vmem>> -> memref<128x128xf32, #tpu.memory_space<vmem>>
    %dma_wait3A_289 = arith.constant 0 : i32
    %dma_wait3A_290 = tpu.memref_slice %arg5[%arg0, %add3A_187, %dma_wait3A_289] : memref<2x10000x128xf32, #tpu.memory_space<hbm>> -> memref<1x128x128xf32, #tpu.memory_space<hbm>>
    %dma_wait3A_291 = tpu.memref_squeeze %dma_wait3A_290 : memref<1x128x128xf32, #tpu.memory_space<hbm>> -> memref<128x128xf32, #tpu.memory_space<hbm>>
    %dma_wait3A_292 = arith.constant 0 : i32
    %dma_wait3A_293 = tpu.memref_slice %arg5[%arg0, %add3A_187, %dma_wait3A_292] : memref<2x10000x128xf32, #tpu.memory_space<hbm>> -> memref<1x128x128xf32, #tpu.memory_space<hbm>>
    %dma_wait3A_294 = tpu.memref_squeeze %dma_wait3A_293 : memref<1x128x128xf32, #tpu.memory_space<hbm>> -> memref<128x128xf32, #tpu.memory_space<hbm>>
    %dma_wait3A_295 = arith.constant 0 : i32
    %dma_wait3A_296 = arith.constant 0 : i32
    %dma_wait3A_297 = tpu.memref_slice %arg13[%dma_wait3A_295, %dma_wait3A_296] : memref<128x128xf32, #tpu.memory_space<vmem>> -> memref<128x128xf32, #tpu.memory_space<vmem>>
    tpu.wait_dma2 semaphore(%arg16 : memref<!tpu.dma_semaphore, #tpu.memory_space<semaphore_mem>>) src(%dma_wait3A_297 : memref<128x128xf32, #tpu.memory_space<vmem>>) dst(%dma_wait3A_294 : memref<128x128xf32, #tpu.memory_space<hbm>>)
    %dma_wait3A_298 = arith.constant 0 : i32
    %dma_wait3A_299 = arith.constant 0 : i32
    %dma_wait3A_300 = tpu.memref_slice %arg12[%dma_wait3A_298, %dma_wait3A_299] : memref<128x128xf32, #tpu.memory_space<vmem>> -> memref<112x128xf32, #tpu.memory_space<vmem>>
    %dma_wait3A_301 = arith.constant 0 : i32
    %dma_wait3A_302 = tpu.memref_slice %arg5[%arg0, %add3A_189, %dma_wait3A_301] : memref<2x10000x128xf32, #tpu.memory_space<hbm>> -> memref<1x112x128xf32, #tpu.memory_space<hbm>>
    %dma_wait3A_303 = tpu.memref_squeeze %dma_wait3A_302 : memref<1x112x128xf32, #tpu.memory_space<hbm>> -> memref<112x128xf32, #tpu.memory_space<hbm>>
    %dma_wait3A_304 = arith.constant 0 : i32
    %dma_wait3A_305 = tpu.memref_slice %arg5[%arg0, %add3A_189, %dma_wait3A_304] : memref<2x10000x128xf32, #tpu.memory_space<hbm>> -> memref<1x112x128xf32, #tpu.memory_space<hbm>>
    %dma_wait3A_306 = tpu.memref_squeeze %dma_wait3A_305 : memref<1x112x128xf32, #tpu.memory_space<hbm>> -> memref<112x128xf32, #tpu.memory_space<hbm>>
    %dma_wait3A_307 = arith.constant 0 : i32
    %dma_wait3A_308 = arith.constant 0 : i32
    %dma_wait3A_309 = tpu.memref_slice %arg12[%dma_wait3A_307, %dma_wait3A_308] : memref<128x128xf32, #tpu.memory_space<vmem>> -> memref<112x128xf32, #tpu.memory_space<vmem>>
    tpu.wait_dma2 semaphore(%arg15 : memref<!tpu.dma_semaphore, #tpu.memory_space<semaphore_mem>>) src(%dma_wait3A_309 : memref<112x128xf32, #tpu.memory_space<vmem>>) dst(%dma_wait3A_306 : memref<112x128xf32, #tpu.memory_space<hbm>>)
    %lt3A_310 = arith.constant 2 : i32
    %lt3A_311 = arith.cmpi slt, %arg1, %lt3A_310 : i32
    %convert_element_type3A_312 = arith.extui %lt3A_311 : i1 to i32
    %cond3A_313 = arith.constant 0 : i32
    %cond3A_314 = arith.cmpi ne, %convert_element_type3A_312, %cond3A_313 : i32
    scf.if %cond3A_314 {
      %mul3A_315 = arith.constant 8 : i32
      %mul3A_316 = arith.muli %arg1, %mul3A_315 : i32
      %add3A_317 = arith.constant 9984 : i32
      %add3A_318 = arith.addi %add3A_317, %mul3A_316 : i32
      "tpu.region"() ({
        %run_scoped3A = tpu.sem_alloc : memref<!tpu.dma_semaphore, #tpu.memory_space<semaphore_mem>>
        %dma_start3A_319 = arith.constant 0 : i32
        %dma_start3A_320 = arith.constant 0 : i32
        %dma_start3A_321 = tpu.memref_slice %arg12[%dma_start3A_319, %dma_start3A_320] : memref<128x128xf32, #tpu.memory_space<vmem>> -> memref<8x128xf32, #tpu.memory_space<vmem>>
        %dma_start3A_322 = arith.constant 0 : i32
        %dma_start3A_323 = tpu.memref_slice %arg14[%add3A_318, %dma_start3A_322] : memref<10000x128xf32, #tpu.memory_space<vmem_shared>> -> memref<8x128xf32, #tpu.memory_space<vmem_shared>>
        %dma_start3A_324 = arith.constant 0 : i32
        %dma_start3A_325 = arith.constant 0 : i32
        %dma_start3A_326 = tpu.memref_slice %arg12[%dma_start3A_324, %dma_start3A_325] : memref<128x128xf32, #tpu.memory_space<vmem>> -> memref<8x128xf32, #tpu.memory_space<vmem>>
        %dma_start3A_327 = arith.constant 0 : i32
        %dma_start3A_328 = tpu.memref_slice %arg14[%add3A_318, %dma_start3A_327] : memref<10000x128xf32, #tpu.memory_space<vmem_shared>> -> memref<8x128xf32, #tpu.memory_space<vmem_shared>>
        tpu.enqueue_dma source(%dma_start3A_328 : memref<8x128xf32, #tpu.memory_space<vmem_shared>>) target(%dma_start3A_326 : memref<8x128xf32, #tpu.memory_space<vmem>>) target_semaphore(%run_scoped3A : memref<!tpu.dma_semaphore, #tpu.memory_space<semaphore_mem>>)
        %dma_wait3A_329 = arith.constant 0 : i32
        %dma_wait3A_330 = arith.constant 0 : i32
        %dma_wait3A_331 = tpu.memref_slice %arg12[%dma_wait3A_329, %dma_wait3A_330] : memref<128x128xf32, #tpu.memory_space<vmem>> -> memref<8x128xf32, #tpu.memory_space<vmem>>
        %dma_wait3A_332 = arith.constant 0 : i32
        %dma_wait3A_333 = tpu.memref_slice %arg14[%add3A_318, %dma_wait3A_332] : memref<10000x128xf32, #tpu.memory_space<vmem_shared>> -> memref<8x128xf32, #tpu.memory_space<vmem_shared>>
        %dma_wait3A_334 = arith.constant 0 : i32
        %dma_wait3A_335 = arith.constant 0 : i32
        %dma_wait3A_336 = tpu.memref_slice %arg12[%dma_wait3A_334, %dma_wait3A_335] : memref<128x128xf32, #tpu.memory_space<vmem>> -> memref<8x128xf32, #tpu.memory_space<vmem>>
        %dma_wait3A_337 = arith.constant 0 : i32
        %dma_wait3A_338 = tpu.memref_slice %arg14[%add3A_318, %dma_wait3A_337] : memref<10000x128xf32, #tpu.memory_space<vmem_shared>> -> memref<8x128xf32, #tpu.memory_space<vmem_shared>>
        tpu.wait_dma2 semaphore(%run_scoped3A : memref<!tpu.dma_semaphore, #tpu.memory_space<semaphore_mem>>) src(%dma_wait3A_338 : memref<8x128xf32, #tpu.memory_space<vmem_shared>>) dst(%dma_wait3A_336 : memref<8x128xf32, #tpu.memory_space<vmem>>)
        tpu.yield
      }) : () -> ()
      "tpu.region"() ({
        %run_scoped3A = tpu.sem_alloc : memref<!tpu.dma_semaphore, #tpu.memory_space<semaphore_mem>>
        %dma_start3A_319 = arith.constant 0 : i32
        %dma_start3A_320 = arith.constant 0 : i32
        %dma_start3A_321 = tpu.memref_slice %arg12[%dma_start3A_319, %dma_start3A_320] : memref<128x128xf32, #tpu.memory_space<vmem>> -> memref<8x128xf32, #tpu.memory_space<vmem>>
        %dma_start3A_322 = arith.constant 0 : i32
        %dma_start3A_323 = tpu.memref_slice %arg5[%arg0, %add3A_318, %dma_start3A_322] : memref<2x10000x128xf32, #tpu.memory_space<hbm>> -> memref<1x8x128xf32, #tpu.memory_space<hbm>>
        %dma_start3A_324 = tpu.memref_squeeze %dma_start3A_323 : memref<1x8x128xf32, #tpu.memory_space<hbm>> -> memref<8x128xf32, #tpu.memory_space<hbm>>
        %dma_start3A_325 = arith.constant 0 : i32
        %dma_start3A_326 = tpu.memref_slice %arg5[%arg0, %add3A_318, %dma_start3A_325] : memref<2x10000x128xf32, #tpu.memory_space<hbm>> -> memref<1x8x128xf32, #tpu.memory_space<hbm>>
        %dma_start3A_327 = tpu.memref_squeeze %dma_start3A_326 : memref<1x8x128xf32, #tpu.memory_space<hbm>> -> memref<8x128xf32, #tpu.memory_space<hbm>>
        %dma_start3A_328 = arith.constant 0 : i32
        %dma_start3A_329 = arith.constant 0 : i32
        %dma_start3A_330 = tpu.memref_slice %arg12[%dma_start3A_328, %dma_start3A_329] : memref<128x128xf32, #tpu.memory_space<vmem>> -> memref<8x128xf32, #tpu.memory_space<vmem>>
        tpu.enqueue_dma source(%dma_start3A_330 : memref<8x128xf32, #tpu.memory_space<vmem>>) target(%dma_start3A_327 : memref<8x128xf32, #tpu.memory_space<hbm>>) target_semaphore(%run_scoped3A : memref<!tpu.dma_semaphore, #tpu.memory_space<semaphore_mem>>)
        %dma_wait3A_331 = arith.constant 0 : i32
        %dma_wait3A_332 = arith.constant 0 : i32
        %dma_wait3A_333 = tpu.memref_slice %arg12[%dma_wait3A_331, %dma_wait3A_332] : memref<128x128xf32, #tpu.memory_space<vmem>> -> memref<8x128xf32, #tpu.memory_space<vmem>>
        %dma_wait3A_334 = arith.constant 0 : i32
        %dma_wait3A_335 = tpu.memref_slice %arg5[%arg0, %add3A_318, %dma_wait3A_334] : memref<2x10000x128xf32, #tpu.memory_space<hbm>> -> memref<1x8x128xf32, #tpu.memory_space<hbm>>
        %dma_wait3A_336 = tpu.memref_squeeze %dma_wait3A_335 : memref<1x8x128xf32, #tpu.memory_space<hbm>> -> memref<8x128xf32, #tpu.memory_space<hbm>>
        %dma_wait3A_337 = arith.constant 0 : i32
        %dma_wait3A_338 = tpu.memref_slice %arg5[%arg0, %add3A_318, %dma_wait3A_337] : memref<2x10000x128xf32, #tpu.memory_space<hbm>> -> memref<1x8x128xf32, #tpu.memory_space<hbm>>
        %dma_wait3A_339 = tpu.memref_squeeze %dma_wait3A_338 : memref<1x8x128xf32, #tpu.memory_space<hbm>> -> memref<8x128xf32, #tpu.memory_space<hbm>>
        %dma_wait3A_340 = arith.constant 0 : i32
        %dma_wait3A_341 = arith.constant 0 : i32
        %dma_wait3A_342 = tpu.memref_slice %arg12[%dma_wait3A_340, %dma_wait3A_341] : memref<128x128xf32, #tpu.memory_space<vmem>> -> memref<8x128xf32, #tpu.memory_space<vmem>>
        tpu.wait_dma2 semaphore(%run_scoped3A : memref<!tpu.dma_semaphore, #tpu.memory_space<semaphore_mem>>) src(%dma_wait3A_342 : memref<8x128xf32, #tpu.memory_space<vmem>>) dst(%dma_wait3A_339 : memref<8x128xf32, #tpu.memory_space<hbm>>)
        tpu.yield
      }) : () -> ()
    } else {
    }
    return
  }
}

#map = affine_map<(d0, d1) -> (0)>
#map1 = affine_map<(d0, d1) -> (0, 0, 0)>
module attributes {stable_mosaic.version = 14 : i64} {
  func.func @body(%arg0: i32, %arg1: i32, %arg2: memref<320000xi32, #tpu.memory_space<hbm>>, %arg3: memref<2x10000x128xf32, #tpu.memory_space<hbm>>, %arg4: memref<128x128xf32, #tpu.memory_space<vmem>>, %arg5: memref<9984xi32, #tpu.memory_space<vmem>>, %arg6: memref<78x128xi32, #tpu.memory_space<vmem>>, %arg7: memref<16xi32, #tpu.memory_space<vmem>>, %arg8: memref<10000x128xf32, #tpu.memory_space<vmem_shared>>, %arg9: memref<!tpu.dma_semaphore, #tpu.memory_space<semaphore_mem>>) attributes {dimension_semantics = [#tpu.dimension_semantics<core_parallel>, #tpu.dimension_semantics<subcore_parallel>], iteration_bounds = array<i64: 2, 16>, scalar_prefetch = 0 : i64, scratch_operands = 6 : i64, tpu.core_type = #tpu.core_type<sc_vector_subcore>, window_params = [{transform_indices = #map}, {transform_indices = #map1}]} {
    %mul3A = arith.constant 624 : i32
    %mul3A_0 = arith.muli %arg1, %mul3A : i32
    %mul3A_1 = arith.constant 160000 : i32
    %mul3A_2 = arith.muli %arg0, %mul3A_1 : i32
    %mul3A_3 = arith.constant 10000 : i32
    %mul3A_4 = arith.muli %arg1, %mul3A_3 : i32
    %add3A = arith.addi %mul3A_2, %mul3A_4 : i32
    "tpu.region"() ({
      %run_scoped3A = tpu.sem_alloc : memref<!tpu.dma_semaphore, #tpu.memory_space<semaphore_mem>>
      %dma_start3A_192 = tpu.memref_slice %arg2[%add3A] : memref<320000xi32, #tpu.memory_space<hbm>> -> memref<9984xi32, #tpu.memory_space<hbm>>
      %dma_start3A_193 = tpu.memref_slice %arg2[%add3A] : memref<320000xi32, #tpu.memory_space<hbm>> -> memref<9984xi32, #tpu.memory_space<hbm>>
      tpu.enqueue_dma source(%dma_start3A_193 : memref<9984xi32, #tpu.memory_space<hbm>>) target(%arg5 : memref<9984xi32, #tpu.memory_space<vmem>>) target_semaphore(%run_scoped3A : memref<!tpu.dma_semaphore, #tpu.memory_space<semaphore_mem>>)
      %dma_wait3A_194 = tpu.memref_slice %arg2[%add3A] : memref<320000xi32, #tpu.memory_space<hbm>> -> memref<9984xi32, #tpu.memory_space<hbm>>
      %dma_wait3A_195 = tpu.memref_slice %arg2[%add3A] : memref<320000xi32, #tpu.memory_space<hbm>> -> memref<9984xi32, #tpu.memory_space<hbm>>
      tpu.wait_dma2 semaphore(%run_scoped3A : memref<!tpu.dma_semaphore, #tpu.memory_space<semaphore_mem>>) src(%dma_wait3A_195 : memref<9984xi32, #tpu.memory_space<hbm>>) dst(%arg5 : memref<9984xi32, #tpu.memory_space<vmem>>)
      tpu.yield
    }) : () -> ()
    %scan3A = arith.constant 0 : i32
    %scan3A_5 = arith.constant 0 : i32
    %scan3A_6 = arith.constant 78 : i32
    %scan3A_7 = arith.addi %scan3A_5, %scan3A_6 : i32
    %scan3A_8 = arith.constant 1 : i32
    scf.for %scan3A_192 = %scan3A_5 to %scan3A_7 step %scan3A_8  : i32 {
      %mul3A_193 = arith.constant 128 : i32
      %mul3A_194 = arith.muli %scan3A_192, %mul3A_193 : i32
      %add3A_195 = arith.constant 0 : i32
      %add3A_196 = arith.addi %mul3A_194, %add3A_195 : i32
      %get3A = arith.index_cast %add3A_196 : i32 to index
      %get3A_197 = tpu.vector_load %arg5[%get3A] {strides = array<i32>} : memref<9984xi32, #tpu.memory_space<vmem>>, vector<16xi32>,
      %get3A_198 = vector.shape_cast %get3A_197 : vector<16xi32> to vector<16xi32>
      %swap3A = arith.index_cast %scan3A_192 : i32 to index
      %swap3A_199 = arith.constant 0 : index
      %swap3A_200 = tpu.vector_load %arg6[%swap3A, %swap3A_199] {strides = array<i32>} : memref<78x128xi32, #tpu.memory_space<vmem>>, vector<1x16xi32>,
      %swap3A_201 = vector.shape_cast %swap3A_200 : vector<1x16xi32> to vector<16xi32>
      %swap3A_202 = vector.shape_cast %get3A_198 : vector<16xi32> to vector<1x16xi32>
      tpu.vector_store %arg6[%swap3A, %swap3A_199], %swap3A_202 {strides = array<i32>} : memref<78x128xi32, #tpu.memory_space<vmem>>, vector<1x16xi32>,
      %mul3A_203 = arith.constant 128 : i32
      %mul3A_204 = arith.muli %scan3A_192, %mul3A_203 : i32
      %add3A_205 = arith.constant 16 : i32
      %add3A_206 = arith.addi %mul3A_204, %add3A_205 : i32
      %get3A_207 = arith.index_cast %add3A_206 : i32 to index
      %get3A_208 = tpu.vector_load %arg5[%get3A_207] {strides = array<i32>} : memref<9984xi32, #tpu.memory_space<vmem>>, vector<16xi32>,
      %get3A_209 = vector.shape_cast %get3A_208 : vector<16xi32> to vector<16xi32>
      %swap3A_210 = arith.index_cast %scan3A_192 : i32 to index
      %swap3A_211 = arith.constant 16 : index
      %swap3A_212 = tpu.vector_load %arg6[%swap3A_210, %swap3A_211] {strides = array<i32>} : memref<78x128xi32, #tpu.memory_space<vmem>>, vector<1x16xi32>,
      %swap3A_213 = vector.shape_cast %swap3A_212 : vector<1x16xi32> to vector<16xi32>
      %swap3A_214 = vector.shape_cast %get3A_209 : vector<16xi32> to vector<1x16xi32>
      tpu.vector_store %arg6[%swap3A_210, %swap3A_211], %swap3A_214 {strides = array<i32>} : memref<78x128xi32, #tpu.memory_space<vmem>>, vector<1x16xi32>,
      %mul3A_215 = arith.constant 128 : i32
      %mul3A_216 = arith.muli %scan3A_192, %mul3A_215 : i32
      %add3A_217 = arith.constant 32 : i32
      %add3A_218 = arith.addi %mul3A_216, %add3A_217 : i32
      %get3A_219 = arith.index_cast %add3A_218 : i32 to index
      %get3A_220 = tpu.vector_load %arg5[%get3A_219] {strides = array<i32>} : memref<9984xi32, #tpu.memory_space<vmem>>, vector<16xi32>,
      %get3A_221 = vector.shape_cast %get3A_220 : vector<16xi32> to vector<16xi32>
      %swap3A_222 = arith.index_cast %scan3A_192 : i32 to index
      %swap3A_223 = arith.constant 32 : index
      %swap3A_224 = tpu.vector_load %arg6[%swap3A_222, %swap3A_223] {strides = array<i32>} : memref<78x128xi32, #tpu.memory_space<vmem>>, vector<1x16xi32>,
      %swap3A_225 = vector.shape_cast %swap3A_224 : vector<1x16xi32> to vector<16xi32>
      %swap3A_226 = vector.shape_cast %get3A_221 : vector<16xi32> to vector<1x16xi32>
      tpu.vector_store %arg6[%swap3A_222, %swap3A_223], %swap3A_226 {strides = array<i32>} : memref<78x128xi32, #tpu.memory_space<vmem>>, vector<1x16xi32>,
      %mul3A_227 = arith.constant 128 : i32
      %mul3A_228 = arith.muli %scan3A_192, %mul3A_227 : i32
      %add3A_229 = arith.constant 48 : i32
      %add3A_230 = arith.addi %mul3A_228, %add3A_229 : i32
      %get3A_231 = arith.index_cast %add3A_230 : i32 to index
      %get3A_232 = tpu.vector_load %arg5[%get3A_231] {strides = array<i32>} : memref<9984xi32, #tpu.memory_space<vmem>>, vector<16xi32>,
      %get3A_233 = vector.shape_cast %get3A_232 : vector<16xi32> to vector<16xi32>
      %swap3A_234 = arith.index_cast %scan3A_192 : i32 to index
      %swap3A_235 = arith.constant 48 : index
      %swap3A_236 = tpu.vector_load %arg6[%swap3A_234, %swap3A_235] {strides = array<i32>} : memref<78x128xi32, #tpu.memory_space<vmem>>, vector<1x16xi32>,
      %swap3A_237 = vector.shape_cast %swap3A_236 : vector<1x16xi32> to vector<16xi32>
      %swap3A_238 = vector.shape_cast %get3A_233 : vector<16xi32> to vector<1x16xi32>
      tpu.vector_store %arg6[%swap3A_234, %swap3A_235], %swap3A_238 {strides = array<i32>} : memref<78x128xi32, #tpu.memory_space<vmem>>, vector<1x16xi32>,
      %mul3A_239 = arith.constant 128 : i32
      %mul3A_240 = arith.muli %scan3A_192, %mul3A_239 : i32
      %add3A_241 = arith.constant 64 : i32
      %add3A_242 = arith.addi %mul3A_240, %add3A_241 : i32
      %get3A_243 = arith.index_cast %add3A_242 : i32 to index
      %get3A_244 = tpu.vector_load %arg5[%get3A_243] {strides = array<i32>} : memref<9984xi32, #tpu.memory_space<vmem>>, vector<16xi32>,
      %get3A_245 = vector.shape_cast %get3A_244 : vector<16xi32> to vector<16xi32>
      %swap3A_246 = arith.index_cast %scan3A_192 : i32 to index
      %swap3A_247 = arith.constant 64 : index
      %swap3A_248 = tpu.vector_load %arg6[%swap3A_246, %swap3A_247] {strides = array<i32>} : memref<78x128xi32, #tpu.memory_space<vmem>>, vector<1x16xi32>,
      %swap3A_249 = vector.shape_cast %swap3A_248 : vector<1x16xi32> to vector<16xi32>
      %swap3A_250 = vector.shape_cast %get3A_245 : vector<16xi32> to vector<1x16xi32>
      tpu.vector_store %arg6[%swap3A_246, %swap3A_247], %swap3A_250 {strides = array<i32>} : memref<78x128xi32, #tpu.memory_space<vmem>>, vector<1x16xi32>,
      %mul3A_251 = arith.constant 128 : i32
      %mul3A_252 = arith.muli %scan3A_192, %mul3A_251 : i32
      %add3A_253 = arith.constant 80 : i32
      %add3A_254 = arith.addi %mul3A_252, %add3A_253 : i32
      %get3A_255 = arith.index_cast %add3A_254 : i32 to index
      %get3A_256 = tpu.vector_load %arg5[%get3A_255] {strides = array<i32>} : memref<9984xi32, #tpu.memory_space<vmem>>, vector<16xi32>,
      %get3A_257 = vector.shape_cast %get3A_256 : vector<16xi32> to vector<16xi32>
      %swap3A_258 = arith.index_cast %scan3A_192 : i32 to index
      %swap3A_259 = arith.constant 80 : index
      %swap3A_260 = tpu.vector_load %arg6[%swap3A_258, %swap3A_259] {strides = array<i32>} : memref<78x128xi32, #tpu.memory_space<vmem>>, vector<1x16xi32>,
      %swap3A_261 = vector.shape_cast %swap3A_260 : vector<1x16xi32> to vector<16xi32>
      %swap3A_262 = vector.shape_cast %get3A_257 : vector<16xi32> to vector<1x16xi32>
      tpu.vector_store %arg6[%swap3A_258, %swap3A_259], %swap3A_262 {strides = array<i32>} : memref<78x128xi32, #tpu.memory_space<vmem>>, vector<1x16xi32>,
      %mul3A_263 = arith.constant 128 : i32
      %mul3A_264 = arith.muli %scan3A_192, %mul3A_263 : i32
      %add3A_265 = arith.constant 96 : i32
      %add3A_266 = arith.addi %mul3A_264, %add3A_265 : i32
      %get3A_267 = arith.index_cast %add3A_266 : i32 to index
      %get3A_268 = tpu.vector_load %arg5[%get3A_267] {strides = array<i32>} : memref<9984xi32, #tpu.memory_space<vmem>>, vector<16xi32>,
      %get3A_269 = vector.shape_cast %get3A_268 : vector<16xi32> to vector<16xi32>
      %swap3A_270 = arith.index_cast %scan3A_192 : i32 to index
      %swap3A_271 = arith.constant 96 : index
      %swap3A_272 = tpu.vector_load %arg6[%swap3A_270, %swap3A_271] {strides = array<i32>} : memref<78x128xi32, #tpu.memory_space<vmem>>, vector<1x16xi32>,
      %swap3A_273 = vector.shape_cast %swap3A_272 : vector<1x16xi32> to vector<16xi32>
      %swap3A_274 = vector.shape_cast %get3A_269 : vector<16xi32> to vector<1x16xi32>
      tpu.vector_store %arg6[%swap3A_270, %swap3A_271], %swap3A_274 {strides = array<i32>} : memref<78x128xi32, #tpu.memory_space<vmem>>, vector<1x16xi32>,
      %mul3A_275 = arith.constant 128 : i32
      %mul3A_276 = arith.muli %scan3A_192, %mul3A_275 : i32
      %add3A_277 = arith.constant 112 : i32
      %add3A_278 = arith.addi %mul3A_276, %add3A_277 : i32
      %get3A_279 = arith.index_cast %add3A_278 : i32 to index
      %get3A_280 = tpu.vector_load %arg5[%get3A_279] {strides = array<i32>} : memref<9984xi32, #tpu.memory_space<vmem>>, vector<16xi32>,
      %get3A_281 = vector.shape_cast %get3A_280 : vector<16xi32> to vector<16xi32>
      %swap3A_282 = arith.index_cast %scan3A_192 : i32 to index
      %swap3A_283 = arith.constant 112 : index
      %swap3A_284 = tpu.vector_load %arg6[%swap3A_282, %swap3A_283] {strides = array<i32>} : memref<78x128xi32, #tpu.memory_space<vmem>>, vector<1x16xi32>,
      %swap3A_285 = vector.shape_cast %swap3A_284 : vector<1x16xi32> to vector<16xi32>
      %swap3A_286 = vector.shape_cast %get3A_281 : vector<16xi32> to vector<1x16xi32>
      tpu.vector_store %arg6[%swap3A_282, %swap3A_283], %swap3A_286 {strides = array<i32>} : memref<78x128xi32, #tpu.memory_space<vmem>>, vector<1x16xi32>,
    }
    %scan3A_9 = arith.constant 78 : i32
    %add3A_10 = arith.constant 9984 : i32
    %add3A_11 = arith.addi %add3A, %add3A_10 : i32
    "tpu.region"() ({
      %run_scoped3A = tpu.sem_alloc : memref<!tpu.dma_semaphore, #tpu.memory_space<semaphore_mem>>
      %dma_start3A_192 = tpu.memref_slice %arg2[%add3A_11] : memref<320000xi32, #tpu.memory_space<hbm>> -> memref<16xi32, #tpu.memory_space<hbm>>
      %dma_start3A_193 = tpu.memref_slice %arg2[%add3A_11] : memref<320000xi32, #tpu.memory_space<hbm>> -> memref<16xi32, #tpu.memory_space<hbm>>
      tpu.enqueue_dma source(%dma_start3A_193 : memref<16xi32, #tpu.memory_space<hbm>>) target(%arg7 : memref<16xi32, #tpu.memory_space<vmem>>) target_semaphore(%run_scoped3A : memref<!tpu.dma_semaphore, #tpu.memory_space<semaphore_mem>>)
      %dma_wait3A_194 = tpu.memref_slice %arg2[%add3A_11] : memref<320000xi32, #tpu.memory_space<hbm>> -> memref<16xi32, #tpu.memory_space<hbm>>
      %dma_wait3A_195 = tpu.memref_slice %arg2[%add3A_11] : memref<320000xi32, #tpu.memory_space<hbm>> -> memref<16xi32, #tpu.memory_space<hbm>>
      tpu.wait_dma2 semaphore(%run_scoped3A : memref<!tpu.dma_semaphore, #tpu.memory_space<semaphore_mem>>) src(%dma_wait3A_195 : memref<16xi32, #tpu.memory_space<hbm>>) dst(%arg7 : memref<16xi32, #tpu.memory_space<vmem>>)
      tpu.yield
    }) : () -> ()
    %broadcast_in_dim3A = arith.constant 0.000000e+00 : f32
    %broadcast_in_dim3A_12 = vector.broadcast %broadcast_in_dim3A : f32 to vector<16xf32>
    %scan3A_13 = arith.constant 0 : i32
    %scan3A_14 = arith.constant 0 : i32
    %scan3A_15 = arith.constant 128 : i32
    %scan3A_16 = arith.addi %scan3A_14, %scan3A_15 : i32
    %scan3A_17 = arith.constant 1 : i32
    scf.for %scan3A_192 = %scan3A_14 to %scan3A_16 step %scan3A_17  : i32 {
      %swap3A = arith.index_cast %scan3A_192 : i32 to index
      %swap3A_193 = arith.constant 0 : index
      %swap3A_194 = tpu.vector_load %arg4[%swap3A, %swap3A_193] {strides = array<i32>} : memref<128x128xf32, #tpu.memory_space<vmem>>, vector<1x16xf32>,
      %swap3A_195 = vector.shape_cast %swap3A_194 : vector<1x16xf32> to vector<16xf32>
      %swap3A_196 = vector.shape_cast %broadcast_in_dim3A_12 : vector<16xf32> to vector<1x16xf32>
      tpu.vector_store %arg4[%swap3A, %swap3A_193], %swap3A_196 {strides = array<i32>} : memref<128x128xf32, #tpu.memory_space<vmem>>, vector<1x16xf32>,
      %swap3A_197 = arith.index_cast %scan3A_192 : i32 to index
      %swap3A_198 = arith.constant 16 : index
      %swap3A_199 = tpu.vector_load %arg4[%swap3A_197, %swap3A_198] {strides = array<i32>} : memref<128x128xf32, #tpu.memory_space<vmem>>, vector<1x16xf32>,
      %swap3A_200 = vector.shape_cast %swap3A_199 : vector<1x16xf32> to vector<16xf32>
      %swap3A_201 = vector.shape_cast %broadcast_in_dim3A_12 : vector<16xf32> to vector<1x16xf32>
      tpu.vector_store %arg4[%swap3A_197, %swap3A_198], %swap3A_201 {strides = array<i32>} : memref<128x128xf32, #tpu.memory_space<vmem>>, vector<1x16xf32>,
      %swap3A_202 = arith.index_cast %scan3A_192 : i32 to index
      %swap3A_203 = arith.constant 32 : index
      %swap3A_204 = tpu.vector_load %arg4[%swap3A_202, %swap3A_203] {strides = array<i32>} : memref<128x128xf32, #tpu.memory_space<vmem>>, vector<1x16xf32>,
      %swap3A_205 = vector.shape_cast %swap3A_204 : vector<1x16xf32> to vector<16xf32>
      %swap3A_206 = vector.shape_cast %broadcast_in_dim3A_12 : vector<16xf32> to vector<1x16xf32>
      tpu.vector_store %arg4[%swap3A_202, %swap3A_203], %swap3A_206 {strides = array<i32>} : memref<128x128xf32, #tpu.memory_space<vmem>>, vector<1x16xf32>,
      %swap3A_207 = arith.index_cast %scan3A_192 : i32 to index
      %swap3A_208 = arith.constant 48 : index
      %swap3A_209 = tpu.vector_load %arg4[%swap3A_207, %swap3A_208] {strides = array<i32>} : memref<128x128xf32, #tpu.memory_space<vmem>>, vector<1x16xf32>,
      %swap3A_210 = vector.shape_cast %swap3A_209 : vector<1x16xf32> to vector<16xf32>
      %swap3A_211 = vector.shape_cast %broadcast_in_dim3A_12 : vector<16xf32> to vector<1x16xf32>
      tpu.vector_store %arg4[%swap3A_207, %swap3A_208], %swap3A_211 {strides = array<i32>} : memref<128x128xf32, #tpu.memory_space<vmem>>, vector<1x16xf32>,
      %swap3A_212 = arith.index_cast %scan3A_192 : i32 to index
      %swap3A_213 = arith.constant 64 : index
      %swap3A_214 = tpu.vector_load %arg4[%swap3A_212, %swap3A_213] {strides = array<i32>} : memref<128x128xf32, #tpu.memory_space<vmem>>, vector<1x16xf32>,
      %swap3A_215 = vector.shape_cast %swap3A_214 : vector<1x16xf32> to vector<16xf32>
      %swap3A_216 = vector.shape_cast %broadcast_in_dim3A_12 : vector<16xf32> to vector<1x16xf32>
      tpu.vector_store %arg4[%swap3A_212, %swap3A_213], %swap3A_216 {strides = array<i32>} : memref<128x128xf32, #tpu.memory_space<vmem>>, vector<1x16xf32>,
      %swap3A_217 = arith.index_cast %scan3A_192 : i32 to index
      %swap3A_218 = arith.constant 80 : index
      %swap3A_219 = tpu.vector_load %arg4[%swap3A_217, %swap3A_218] {strides = array<i32>} : memref<128x128xf32, #tpu.memory_space<vmem>>, vector<1x16xf32>,
      %swap3A_220 = vector.shape_cast %swap3A_219 : vector<1x16xf32> to vector<16xf32>
      %swap3A_221 = vector.shape_cast %broadcast_in_dim3A_12 : vector<16xf32> to vector<1x16xf32>
      tpu.vector_store %arg4[%swap3A_217, %swap3A_218], %swap3A_221 {strides = array<i32>} : memref<128x128xf32, #tpu.memory_space<vmem>>, vector<1x16xf32>,
      %swap3A_222 = arith.index_cast %scan3A_192 : i32 to index
      %swap3A_223 = arith.constant 96 : index
      %swap3A_224 = tpu.vector_load %arg4[%swap3A_222, %swap3A_223] {strides = array<i32>} : memref<128x128xf32, #tpu.memory_space<vmem>>, vector<1x16xf32>,
      %swap3A_225 = vector.shape_cast %swap3A_224 : vector<1x16xf32> to vector<16xf32>
      %swap3A_226 = vector.shape_cast %broadcast_in_dim3A_12 : vector<16xf32> to vector<1x16xf32>
      tpu.vector_store %arg4[%swap3A_222, %swap3A_223], %swap3A_226 {strides = array<i32>} : memref<128x128xf32, #tpu.memory_space<vmem>>, vector<1x16xf32>,
      %swap3A_227 = arith.index_cast %scan3A_192 : i32 to index
      %swap3A_228 = arith.constant 112 : index
      %swap3A_229 = tpu.vector_load %arg4[%swap3A_227, %swap3A_228] {strides = array<i32>} : memref<128x128xf32, #tpu.memory_space<vmem>>, vector<1x16xf32>,
      %swap3A_230 = vector.shape_cast %swap3A_229 : vector<1x16xf32> to vector<16xf32>
      %swap3A_231 = vector.shape_cast %broadcast_in_dim3A_12 : vector<16xf32> to vector<1x16xf32>
      tpu.vector_store %arg4[%swap3A_227, %swap3A_228], %swap3A_231 {strides = array<i32>} : memref<128x128xf32, #tpu.memory_space<vmem>>, vector<1x16xf32>,
    }
    %scan3A_18 = arith.constant 128 : i32
    %add3A_19 = arith.constant 0 : i32
    %add3A_20 = arith.addi %mul3A_0, %add3A_19 : i32
    %add3A_21 = arith.constant 128 : i32
    %add3A_22 = arith.addi %mul3A_0, %add3A_21 : i32
    %add3A_23 = arith.constant 256 : i32
    %add3A_24 = arith.addi %mul3A_0, %add3A_23 : i32
    %add3A_25 = arith.constant 384 : i32
    %add3A_26 = arith.addi %mul3A_0, %add3A_25 : i32
    %add3A_27 = arith.constant 512 : i32
    %add3A_28 = arith.addi %mul3A_0, %add3A_27 : i32
    %dma_start3A = arith.constant 0 : i32
    %dma_start3A_29 = arith.constant 0 : i32
    %dma_start3A_30 = tpu.memref_slice %arg4[%dma_start3A, %dma_start3A_29] : memref<128x128xf32, #tpu.memory_space<vmem>> -> memref<128x128xf32, #tpu.memory_space<vmem>>
    %dma_start3A_31 = arith.constant 0 : i32
    %dma_start3A_32 = tpu.memref_slice %arg8[%add3A_20, %dma_start3A_31] : memref<10000x128xf32, #tpu.memory_space<vmem_shared>> -> memref<128x128xf32, #tpu.memory_space<vmem_shared>>
    %dma_start3A_33 = arith.constant 0 : i32
    %dma_start3A_34 = tpu.memref_slice %arg8[%add3A_20, %dma_start3A_33] : memref<10000x128xf32, #tpu.memory_space<vmem_shared>> -> memref<128x128xf32, #tpu.memory_space<vmem_shared>>
    %dma_start3A_35 = arith.constant 0 : i32
    %dma_start3A_36 = arith.constant 0 : i32
    %dma_start3A_37 = tpu.memref_slice %arg4[%dma_start3A_35, %dma_start3A_36] : memref<128x128xf32, #tpu.memory_space<vmem>> -> memref<128x128xf32, #tpu.memory_space<vmem>>
    tpu.enqueue_dma source(%dma_start3A_37 : memref<128x128xf32, #tpu.memory_space<vmem>>) target(%dma_start3A_34 : memref<128x128xf32, #tpu.memory_space<vmem_shared>>) target_semaphore(%arg9 : memref<!tpu.dma_semaphore, #tpu.memory_space<semaphore_mem>>)
    %dma_start3A_38 = arith.constant 0 : i32
    %dma_start3A_39 = arith.constant 0 : i32
    %dma_start3A_40 = tpu.memref_slice %arg4[%dma_start3A_38, %dma_start3A_39] : memref<128x128xf32, #tpu.memory_space<vmem>> -> memref<128x128xf32, #tpu.memory_space<vmem>>
    %dma_start3A_41 = arith.constant 0 : i32
    %dma_start3A_42 = tpu.memref_slice %arg8[%add3A_22, %dma_start3A_41] : memref<10000x128xf32, #tpu.memory_space<vmem_shared>> -> memref<128x128xf32, #tpu.memory_space<vmem_shared>>
    %dma_start3A_43 = arith.constant 0 : i32
    %dma_start3A_44 = tpu.memref_slice %arg8[%add3A_22, %dma_start3A_43] : memref<10000x128xf32, #tpu.memory_space<vmem_shared>> -> memref<128x128xf32, #tpu.memory_space<vmem_shared>>
    %dma_start3A_45 = arith.constant 0 : i32
    %dma_start3A_46 = arith.constant 0 : i32
    %dma_start3A_47 = tpu.memref_slice %arg4[%dma_start3A_45, %dma_start3A_46] : memref<128x128xf32, #tpu.memory_space<vmem>> -> memref<128x128xf32, #tpu.memory_space<vmem>>
    tpu.enqueue_dma source(%dma_start3A_47 : memref<128x128xf32, #tpu.memory_space<vmem>>) target(%dma_start3A_44 : memref<128x128xf32, #tpu.memory_space<vmem_shared>>) target_semaphore(%arg9 : memref<!tpu.dma_semaphore, #tpu.memory_space<semaphore_mem>>)
    %dma_start3A_48 = arith.constant 0 : i32
    %dma_start3A_49 = arith.constant 0 : i32
    %dma_start3A_50 = tpu.memref_slice %arg4[%dma_start3A_48, %dma_start3A_49] : memref<128x128xf32, #tpu.memory_space<vmem>> -> memref<128x128xf32, #tpu.memory_space<vmem>>
    %dma_start3A_51 = arith.constant 0 : i32
    %dma_start3A_52 = tpu.memref_slice %arg8[%add3A_24, %dma_start3A_51] : memref<10000x128xf32, #tpu.memory_space<vmem_shared>> -> memref<128x128xf32, #tpu.memory_space<vmem_shared>>
    %dma_start3A_53 = arith.constant 0 : i32
    %dma_start3A_54 = tpu.memref_slice %arg8[%add3A_24, %dma_start3A_53] : memref<10000x128xf32, #tpu.memory_space<vmem_shared>> -> memref<128x128xf32, #tpu.memory_space<vmem_shared>>
    %dma_start3A_55 = arith.constant 0 : i32
    %dma_start3A_56 = arith.constant 0 : i32
    %dma_start3A_57 = tpu.memref_slice %arg4[%dma_start3A_55, %dma_start3A_56] : memref<128x128xf32, #tpu.memory_space<vmem>> -> memref<128x128xf32, #tpu.memory_space<vmem>>
    tpu.enqueue_dma source(%dma_start3A_57 : memref<128x128xf32, #tpu.memory_space<vmem>>) target(%dma_start3A_54 : memref<128x128xf32, #tpu.memory_space<vmem_shared>>) target_semaphore(%arg9 : memref<!tpu.dma_semaphore, #tpu.memory_space<semaphore_mem>>)
    %dma_start3A_58 = arith.constant 0 : i32
    %dma_start3A_59 = arith.constant 0 : i32
    %dma_start3A_60 = tpu.memref_slice %arg4[%dma_start3A_58, %dma_start3A_59] : memref<128x128xf32, #tpu.memory_space<vmem>> -> memref<128x128xf32, #tpu.memory_space<vmem>>
    %dma_start3A_61 = arith.constant 0 : i32
    %dma_start3A_62 = tpu.memref_slice %arg8[%add3A_26, %dma_start3A_61] : memref<10000x128xf32, #tpu.memory_space<vmem_shared>> -> memref<128x128xf32, #tpu.memory_space<vmem_shared>>
    %dma_start3A_63 = arith.constant 0 : i32
    %dma_start3A_64 = tpu.memref_slice %arg8[%add3A_26, %dma_start3A_63] : memref<10000x128xf32, #tpu.memory_space<vmem_shared>> -> memref<128x128xf32, #tpu.memory_space<vmem_shared>>
    %dma_start3A_65 = arith.constant 0 : i32
    %dma_start3A_66 = arith.constant 0 : i32
    %dma_start3A_67 = tpu.memref_slice %arg4[%dma_start3A_65, %dma_start3A_66] : memref<128x128xf32, #tpu.memory_space<vmem>> -> memref<128x128xf32, #tpu.memory_space<vmem>>
    tpu.enqueue_dma source(%dma_start3A_67 : memref<128x128xf32, #tpu.memory_space<vmem>>) target(%dma_start3A_64 : memref<128x128xf32, #tpu.memory_space<vmem_shared>>) target_semaphore(%arg9 : memref<!tpu.dma_semaphore, #tpu.memory_space<semaphore_mem>>)
    %dma_start3A_68 = arith.constant 0 : i32
    %dma_start3A_69 = arith.constant 0 : i32
    %dma_start3A_70 = tpu.memref_slice %arg4[%dma_start3A_68, %dma_start3A_69] : memref<128x128xf32, #tpu.memory_space<vmem>> -> memref<112x128xf32, #tpu.memory_space<vmem>>
    %dma_start3A_71 = arith.constant 0 : i32
    %dma_start3A_72 = tpu.memref_slice %arg8[%add3A_28, %dma_start3A_71] : memref<10000x128xf32, #tpu.memory_space<vmem_shared>> -> memref<112x128xf32, #tpu.memory_space<vmem_shared>>
    %dma_start3A_73 = arith.constant 0 : i32
    %dma_start3A_74 = tpu.memref_slice %arg8[%add3A_28, %dma_start3A_73] : memref<10000x128xf32, #tpu.memory_space<vmem_shared>> -> memref<112x128xf32, #tpu.memory_space<vmem_shared>>
    %dma_start3A_75 = arith.constant 0 : i32
    %dma_start3A_76 = arith.constant 0 : i32
    %dma_start3A_77 = tpu.memref_slice %arg4[%dma_start3A_75, %dma_start3A_76] : memref<128x128xf32, #tpu.memory_space<vmem>> -> memref<112x128xf32, #tpu.memory_space<vmem>>
    tpu.enqueue_dma source(%dma_start3A_77 : memref<112x128xf32, #tpu.memory_space<vmem>>) target(%dma_start3A_74 : memref<112x128xf32, #tpu.memory_space<vmem_shared>>) target_semaphore(%arg9 : memref<!tpu.dma_semaphore, #tpu.memory_space<semaphore_mem>>)
    %lt3A = arith.constant 2 : i32
    %lt3A_78 = arith.cmpi slt, %arg1, %lt3A : i32
    %convert_element_type3A = arith.extui %lt3A_78 : i1 to i32
    %cond3A = arith.constant 0 : i32
    %cond3A_79 = arith.cmpi ne, %convert_element_type3A, %cond3A : i32
    scf.if %cond3A_79 {
      %mul3A_192 = arith.constant 8 : i32
      %mul3A_193 = arith.muli %arg1, %mul3A_192 : i32
      %add3A_194 = arith.constant 9984 : i32
      %add3A_195 = arith.addi %add3A_194, %mul3A_193 : i32
      %dma_start3A_196 = arith.constant 0 : i32
      %dma_start3A_197 = arith.constant 0 : i32
      %dma_start3A_198 = tpu.memref_slice %arg4[%dma_start3A_196, %dma_start3A_197] : memref<128x128xf32, #tpu.memory_space<vmem>> -> memref<8x128xf32, #tpu.memory_space<vmem>>
      %dma_start3A_199 = arith.constant 0 : i32
      %dma_start3A_200 = tpu.memref_slice %arg8[%add3A_195, %dma_start3A_199] : memref<10000x128xf32, #tpu.memory_space<vmem_shared>> -> memref<8x128xf32, #tpu.memory_space<vmem_shared>>
      %dma_start3A_201 = arith.constant 0 : i32
      %dma_start3A_202 = tpu.memref_slice %arg8[%add3A_195, %dma_start3A_201] : memref<10000x128xf32, #tpu.memory_space<vmem_shared>> -> memref<8x128xf32, #tpu.memory_space<vmem_shared>>
      %dma_start3A_203 = arith.constant 0 : i32
      %dma_start3A_204 = arith.constant 0 : i32
      %dma_start3A_205 = tpu.memref_slice %arg4[%dma_start3A_203, %dma_start3A_204] : memref<128x128xf32, #tpu.memory_space<vmem>> -> memref<8x128xf32, #tpu.memory_space<vmem>>
      tpu.enqueue_dma source(%dma_start3A_205 : memref<8x128xf32, #tpu.memory_space<vmem>>) target(%dma_start3A_202 : memref<8x128xf32, #tpu.memory_space<vmem_shared>>) target_semaphore(%arg9 : memref<!tpu.dma_semaphore, #tpu.memory_space<semaphore_mem>>)
    } else {
    }
    %add3A_80 = arith.constant 0 : i32
    %add3A_81 = arith.addi %mul3A_0, %add3A_80 : i32
    %add3A_82 = arith.constant 128 : i32
    %add3A_83 = arith.addi %mul3A_0, %add3A_82 : i32
    %add3A_84 = arith.constant 256 : i32
    %add3A_85 = arith.addi %mul3A_0, %add3A_84 : i32
    %add3A_86 = arith.constant 384 : i32
    %add3A_87 = arith.addi %mul3A_0, %add3A_86 : i32
    %add3A_88 = arith.constant 512 : i32
    %add3A_89 = arith.addi %mul3A_0, %add3A_88 : i32
    %dma_wait3A = arith.constant 0 : i32
    %dma_wait3A_90 = arith.constant 0 : i32
    %dma_wait3A_91 = tpu.memref_slice %arg4[%dma_wait3A, %dma_wait3A_90] : memref<128x128xf32, #tpu.memory_space<vmem>> -> memref<128x128xf32, #tpu.memory_space<vmem>>
    %dma_wait3A_92 = arith.constant 0 : i32
    %dma_wait3A_93 = tpu.memref_slice %arg8[%add3A_81, %dma_wait3A_92] : memref<10000x128xf32, #tpu.memory_space<vmem_shared>> -> memref<128x128xf32, #tpu.memory_space<vmem_shared>>
    %dma_wait3A_94 = arith.constant 0 : i32
    %dma_wait3A_95 = tpu.memref_slice %arg8[%add3A_81, %dma_wait3A_94] : memref<10000x128xf32, #tpu.memory_space<vmem_shared>> -> memref<128x128xf32, #tpu.memory_space<vmem_shared>>
    %dma_wait3A_96 = arith.constant 0 : i32
    %dma_wait3A_97 = arith.constant 0 : i32
    %dma_wait3A_98 = tpu.memref_slice %arg4[%dma_wait3A_96, %dma_wait3A_97] : memref<128x128xf32, #tpu.memory_space<vmem>> -> memref<128x128xf32, #tpu.memory_space<vmem>>
    tpu.wait_dma2 semaphore(%arg9 : memref<!tpu.dma_semaphore, #tpu.memory_space<semaphore_mem>>) src(%dma_wait3A_98 : memref<128x128xf32, #tpu.memory_space<vmem>>) dst(%dma_wait3A_95 : memref<128x128xf32, #tpu.memory_space<vmem_shared>>)
    %dma_wait3A_99 = arith.constant 0 : i32
    %dma_wait3A_100 = arith.constant 0 : i32
    %dma_wait3A_101 = tpu.memref_slice %arg4[%dma_wait3A_99, %dma_wait3A_100] : memref<128x128xf32, #tpu.memory_space<vmem>> -> memref<128x128xf32, #tpu.memory_space<vmem>>
    %dma_wait3A_102 = arith.constant 0 : i32
    %dma_wait3A_103 = tpu.memref_slice %arg8[%add3A_83, %dma_wait3A_102] : memref<10000x128xf32, #tpu.memory_space<vmem_shared>> -> memref<128x128xf32, #tpu.memory_space<vmem_shared>>
    %dma_wait3A_104 = arith.constant 0 : i32
    %dma_wait3A_105 = tpu.memref_slice %arg8[%add3A_83, %dma_wait3A_104] : memref<10000x128xf32, #tpu.memory_space<vmem_shared>> -> memref<128x128xf32, #tpu.memory_space<vmem_shared>>
    %dma_wait3A_106 = arith.constant 0 : i32
    %dma_wait3A_107 = arith.constant 0 : i32
    %dma_wait3A_108 = tpu.memref_slice %arg4[%dma_wait3A_106, %dma_wait3A_107] : memref<128x128xf32, #tpu.memory_space<vmem>> -> memref<128x128xf32, #tpu.memory_space<vmem>>
    tpu.wait_dma2 semaphore(%arg9 : memref<!tpu.dma_semaphore, #tpu.memory_space<semaphore_mem>>) src(%dma_wait3A_108 : memref<128x128xf32, #tpu.memory_space<vmem>>) dst(%dma_wait3A_105 : memref<128x128xf32, #tpu.memory_space<vmem_shared>>)
    %dma_wait3A_109 = arith.constant 0 : i32
    %dma_wait3A_110 = arith.constant 0 : i32
    %dma_wait3A_111 = tpu.memref_slice %arg4[%dma_wait3A_109, %dma_wait3A_110] : memref<128x128xf32, #tpu.memory_space<vmem>> -> memref<128x128xf32, #tpu.memory_space<vmem>>
    %dma_wait3A_112 = arith.constant 0 : i32
    %dma_wait3A_113 = tpu.memref_slice %arg8[%add3A_85, %dma_wait3A_112] : memref<10000x128xf32, #tpu.memory_space<vmem_shared>> -> memref<128x128xf32, #tpu.memory_space<vmem_shared>>
    %dma_wait3A_114 = arith.constant 0 : i32
    %dma_wait3A_115 = tpu.memref_slice %arg8[%add3A_85, %dma_wait3A_114] : memref<10000x128xf32, #tpu.memory_space<vmem_shared>> -> memref<128x128xf32, #tpu.memory_space<vmem_shared>>
    %dma_wait3A_116 = arith.constant 0 : i32
    %dma_wait3A_117 = arith.constant 0 : i32
    %dma_wait3A_118 = tpu.memref_slice %arg4[%dma_wait3A_116, %dma_wait3A_117] : memref<128x128xf32, #tpu.memory_space<vmem>> -> memref<128x128xf32, #tpu.memory_space<vmem>>
    tpu.wait_dma2 semaphore(%arg9 : memref<!tpu.dma_semaphore, #tpu.memory_space<semaphore_mem>>) src(%dma_wait3A_118 : memref<128x128xf32, #tpu.memory_space<vmem>>) dst(%dma_wait3A_115 : memref<128x128xf32, #tpu.memory_space<vmem_shared>>)
    %dma_wait3A_119 = arith.constant 0 : i32
    %dma_wait3A_120 = arith.constant 0 : i32
    %dma_wait3A_121 = tpu.memref_slice %arg4[%dma_wait3A_119, %dma_wait3A_120] : memref<128x128xf32, #tpu.memory_space<vmem>> -> memref<128x128xf32, #tpu.memory_space<vmem>>
    %dma_wait3A_122 = arith.constant 0 : i32
    %dma_wait3A_123 = tpu.memref_slice %arg8[%add3A_87, %dma_wait3A_122] : memref<10000x128xf32, #tpu.memory_space<vmem_shared>> -> memref<128x128xf32, #tpu.memory_space<vmem_shared>>
    %dma_wait3A_124 = arith.constant 0 : i32
    %dma_wait3A_125 = tpu.memref_slice %arg8[%add3A_87, %dma_wait3A_124] : memref<10000x128xf32, #tpu.memory_space<vmem_shared>> -> memref<128x128xf32, #tpu.memory_space<vmem_shared>>
    %dma_wait3A_126 = arith.constant 0 : i32
    %dma_wait3A_127 = arith.constant 0 : i32
    %dma_wait3A_128 = tpu.memref_slice %arg4[%dma_wait3A_126, %dma_wait3A_127] : memref<128x128xf32, #tpu.memory_space<vmem>> -> memref<128x128xf32, #tpu.memory_space<vmem>>
    tpu.wait_dma2 semaphore(%arg9 : memref<!tpu.dma_semaphore, #tpu.memory_space<semaphore_mem>>) src(%dma_wait3A_128 : memref<128x128xf32, #tpu.memory_space<vmem>>) dst(%dma_wait3A_125 : memref<128x128xf32, #tpu.memory_space<vmem_shared>>)
    %dma_wait3A_129 = arith.constant 0 : i32
    %dma_wait3A_130 = arith.constant 0 : i32
    %dma_wait3A_131 = tpu.memref_slice %arg4[%dma_wait3A_129, %dma_wait3A_130] : memref<128x128xf32, #tpu.memory_space<vmem>> -> memref<112x128xf32, #tpu.memory_space<vmem>>
    %dma_wait3A_132 = arith.constant 0 : i32
    %dma_wait3A_133 = tpu.memref_slice %arg8[%add3A_89, %dma_wait3A_132] : memref<10000x128xf32, #tpu.memory_space<vmem_shared>> -> memref<112x128xf32, #tpu.memory_space<vmem_shared>>
    %dma_wait3A_134 = arith.constant 0 : i32
    %dma_wait3A_135 = tpu.memref_slice %arg8[%add3A_89, %dma_wait3A_134] : memref<10000x128xf32, #tpu.memory_space<vmem_shared>> -> memref<112x128xf32, #tpu.memory_space<vmem_shared>>
    %dma_wait3A_136 = arith.constant 0 : i32
    %dma_wait3A_137 = arith.constant 0 : i32
    %dma_wait3A_138 = tpu.memref_slice %arg4[%dma_wait3A_136, %dma_wait3A_137] : memref<128x128xf32, #tpu.memory_space<vmem>> -> memref<112x128xf32, #tpu.memory_space<vmem>>
    tpu.wait_dma2 semaphore(%arg9 : memref<!tpu.dma_semaphore, #tpu.memory_space<semaphore_mem>>) src(%dma_wait3A_138 : memref<112x128xf32, #tpu.memory_space<vmem>>) dst(%dma_wait3A_135 : memref<112x128xf32, #tpu.memory_space<vmem_shared>>)
    %lt3A_139 = arith.constant 2 : i32
    %lt3A_140 = arith.cmpi slt, %arg1, %lt3A_139 : i32
    %convert_element_type3A_141 = arith.extui %lt3A_140 : i1 to i32
    %cond3A_142 = arith.constant 0 : i32
    %cond3A_143 = arith.cmpi ne, %convert_element_type3A_141, %cond3A_142 : i32
    scf.if %cond3A_143 {
      %mul3A_192 = arith.constant 8 : i32
      %mul3A_193 = arith.muli %arg1, %mul3A_192 : i32
      %add3A_194 = arith.constant 9984 : i32
      %add3A_195 = arith.addi %add3A_194, %mul3A_193 : i32
      %dma_wait3A_196 = arith.constant 0 : i32
      %dma_wait3A_197 = arith.constant 0 : i32
      %dma_wait3A_198 = tpu.memref_slice %arg4[%dma_wait3A_196, %dma_wait3A_197] : memref<128x128xf32, #tpu.memory_space<vmem>> -> memref<8x128xf32, #tpu.memory_space<vmem>>
      %dma_wait3A_199 = arith.constant 0 : i32
      %dma_wait3A_200 = tpu.memref_slice %arg8[%add3A_195, %dma_wait3A_199] : memref<10000x128xf32, #tpu.memory_space<vmem_shared>> -> memref<8x128xf32, #tpu.memory_space<vmem_shared>>
      %dma_wait3A_201 = arith.constant 0 : i32
      %dma_wait3A_202 = tpu.memref_slice %arg8[%add3A_195, %dma_wait3A_201] : memref<10000x128xf32, #tpu.memory_space<vmem_shared>> -> memref<8x128xf32, #tpu.memory_space<vmem_shared>>
      %dma_wait3A_203 = arith.constant 0 : i32
      %dma_wait3A_204 = arith.constant 0 : i32
      %dma_wait3A_205 = tpu.memref_slice %arg4[%dma_wait3A_203, %dma_wait3A_204] : memref<128x128xf32, #tpu.memory_space<vmem>> -> memref<8x128xf32, #tpu.memory_space<vmem>>
      tpu.wait_dma2 semaphore(%arg9 : memref<!tpu.dma_semaphore, #tpu.memory_space<semaphore_mem>>) src(%dma_wait3A_205 : memref<8x128xf32, #tpu.memory_space<vmem>>) dst(%dma_wait3A_202 : memref<8x128xf32, #tpu.memory_space<vmem_shared>>)
    } else {
    }
    %broadcast_in_dim3A_144 = arith.constant 1.000000e+00 : f32
    %broadcast_in_dim3A_145 = vector.broadcast %broadcast_in_dim3A_144 : f32 to vector<16xf32>
    %scan3A_146 = arith.constant 0 : i32
    %scan3A_147 = arith.constant 0 : i32
    %scan3A_148 = arith.constant 128 : i32
    %scan3A_149 = arith.addi %scan3A_147, %scan3A_148 : i32
    %scan3A_150 = arith.constant 1 : i32
    scf.for %scan3A_192 = %scan3A_147 to %scan3A_149 step %scan3A_150  : i32 {
      %swap3A = arith.index_cast %scan3A_192 : i32 to index
      %swap3A_193 = arith.constant 0 : index
      %swap3A_194 = tpu.vector_load %arg4[%swap3A, %swap3A_193] {strides = array<i32>} : memref<128x128xf32, #tpu.memory_space<vmem>>, vector<1x16xf32>,
      %swap3A_195 = vector.shape_cast %swap3A_194 : vector<1x16xf32> to vector<16xf32>
      %swap3A_196 = vector.shape_cast %broadcast_in_dim3A_145 : vector<16xf32> to vector<1x16xf32>
      tpu.vector_store %arg4[%swap3A, %swap3A_193], %swap3A_196 {strides = array<i32>} : memref<128x128xf32, #tpu.memory_space<vmem>>, vector<1x16xf32>,
      %swap3A_197 = arith.index_cast %scan3A_192 : i32 to index
      %swap3A_198 = arith.constant 16 : index
      %swap3A_199 = tpu.vector_load %arg4[%swap3A_197, %swap3A_198] {strides = array<i32>} : memref<128x128xf32, #tpu.memory_space<vmem>>, vector<1x16xf32>,
      %swap3A_200 = vector.shape_cast %swap3A_199 : vector<1x16xf32> to vector<16xf32>
      %swap3A_201 = vector.shape_cast %broadcast_in_dim3A_145 : vector<16xf32> to vector<1x16xf32>
      tpu.vector_store %arg4[%swap3A_197, %swap3A_198], %swap3A_201 {strides = array<i32>} : memref<128x128xf32, #tpu.memory_space<vmem>>, vector<1x16xf32>,
      %swap3A_202 = arith.index_cast %scan3A_192 : i32 to index
      %swap3A_203 = arith.constant 32 : index
      %swap3A_204 = tpu.vector_load %arg4[%swap3A_202, %swap3A_203] {strides = array<i32>} : memref<128x128xf32, #tpu.memory_space<vmem>>, vector<1x16xf32>,
      %swap3A_205 = vector.shape_cast %swap3A_204 : vector<1x16xf32> to vector<16xf32>
      %swap3A_206 = vector.shape_cast %broadcast_in_dim3A_145 : vector<16xf32> to vector<1x16xf32>
      tpu.vector_store %arg4[%swap3A_202, %swap3A_203], %swap3A_206 {strides = array<i32>} : memref<128x128xf32, #tpu.memory_space<vmem>>, vector<1x16xf32>,
      %swap3A_207 = arith.index_cast %scan3A_192 : i32 to index
      %swap3A_208 = arith.constant 48 : index
      %swap3A_209 = tpu.vector_load %arg4[%swap3A_207, %swap3A_208] {strides = array<i32>} : memref<128x128xf32, #tpu.memory_space<vmem>>, vector<1x16xf32>,
      %swap3A_210 = vector.shape_cast %swap3A_209 : vector<1x16xf32> to vector<16xf32>
      %swap3A_211 = vector.shape_cast %broadcast_in_dim3A_145 : vector<16xf32> to vector<1x16xf32>
      tpu.vector_store %arg4[%swap3A_207, %swap3A_208], %swap3A_211 {strides = array<i32>} : memref<128x128xf32, #tpu.memory_space<vmem>>, vector<1x16xf32>,
      %swap3A_212 = arith.index_cast %scan3A_192 : i32 to index
      %swap3A_213 = arith.constant 64 : index
      %swap3A_214 = tpu.vector_load %arg4[%swap3A_212, %swap3A_213] {strides = array<i32>} : memref<128x128xf32, #tpu.memory_space<vmem>>, vector<1x16xf32>,
      %swap3A_215 = vector.shape_cast %swap3A_214 : vector<1x16xf32> to vector<16xf32>
      %swap3A_216 = vector.shape_cast %broadcast_in_dim3A_145 : vector<16xf32> to vector<1x16xf32>
      tpu.vector_store %arg4[%swap3A_212, %swap3A_213], %swap3A_216 {strides = array<i32>} : memref<128x128xf32, #tpu.memory_space<vmem>>, vector<1x16xf32>,
      %swap3A_217 = arith.index_cast %scan3A_192 : i32 to index
      %swap3A_218 = arith.constant 80 : index
      %swap3A_219 = tpu.vector_load %arg4[%swap3A_217, %swap3A_218] {strides = array<i32>} : memref<128x128xf32, #tpu.memory_space<vmem>>, vector<1x16xf32>,
      %swap3A_220 = vector.shape_cast %swap3A_219 : vector<1x16xf32> to vector<16xf32>
      %swap3A_221 = vector.shape_cast %broadcast_in_dim3A_145 : vector<16xf32> to vector<1x16xf32>
      tpu.vector_store %arg4[%swap3A_217, %swap3A_218], %swap3A_221 {strides = array<i32>} : memref<128x128xf32, #tpu.memory_space<vmem>>, vector<1x16xf32>,
      %swap3A_222 = arith.index_cast %scan3A_192 : i32 to index
      %swap3A_223 = arith.constant 96 : index
      %swap3A_224 = tpu.vector_load %arg4[%swap3A_222, %swap3A_223] {strides = array<i32>} : memref<128x128xf32, #tpu.memory_space<vmem>>, vector<1x16xf32>,
      %swap3A_225 = vector.shape_cast %swap3A_224 : vector<1x16xf32> to vector<16xf32>
      %swap3A_226 = vector.shape_cast %broadcast_in_dim3A_145 : vector<16xf32> to vector<1x16xf32>
      tpu.vector_store %arg4[%swap3A_222, %swap3A_223], %swap3A_226 {strides = array<i32>} : memref<128x128xf32, #tpu.memory_space<vmem>>, vector<1x16xf32>,
      %swap3A_227 = arith.index_cast %scan3A_192 : i32 to index
      %swap3A_228 = arith.constant 112 : index
      %swap3A_229 = tpu.vector_load %arg4[%swap3A_227, %swap3A_228] {strides = array<i32>} : memref<128x128xf32, #tpu.memory_space<vmem>>, vector<1x16xf32>,
      %swap3A_230 = vector.shape_cast %swap3A_229 : vector<1x16xf32> to vector<16xf32>
      %swap3A_231 = vector.shape_cast %broadcast_in_dim3A_145 : vector<16xf32> to vector<1x16xf32>
      tpu.vector_store %arg4[%swap3A_227, %swap3A_228], %swap3A_231 {strides = array<i32>} : memref<128x128xf32, #tpu.memory_space<vmem>>, vector<1x16xf32>,
    }
    %scan3A_151 = arith.constant 128 : i32
    %barrier3A = arith.constant 0 : index
    tpu.barrier barrier_id(%barrier3A)
    %scan3A_152 = arith.constant 0 : i32
    %scan3A_153 = arith.constant 0 : i32
    %scan3A_154 = arith.constant 78 : i32
    %scan3A_155 = arith.addi %scan3A_153, %scan3A_154 : i32
    %scan3A_156 = arith.constant 1 : i32
    scf.for %scan3A_192 = %scan3A_153 to %scan3A_155 step %scan3A_156  : i32 {
      %dma_start3A_193 = arith.constant 0 : i32
      %dma_start3A_194 = tpu.memref_slice %arg6[%scan3A_192, %dma_start3A_193] : memref<78x128xi32, #tpu.memory_space<vmem>> -> memref<1x128xi32, #tpu.memory_space<vmem>>
      %dma_start3A_195 = tpu.memref_squeeze %dma_start3A_194 : memref<1x128xi32, #tpu.memory_space<vmem>> -> memref<128xi32, #tpu.memory_space<vmem>>
      %dma_start3A_196 = arith.constant 0 : i32
      %dma_start3A_197 = arith.constant 0 : i32
      %dma_start3A_198 = tpu.memref_slice %arg8[%dma_start3A_196, %dma_start3A_197] : memref<10000x128xf32, #tpu.memory_space<vmem_shared>> -> memref<10000x128xf32, #tpu.memory_space<vmem_shared>>
      tpu.enqueue_indirect_dma source(%arg4 : memref<128x128xf32, #tpu.memory_space<vmem>>) target(%dma_start3A_198 : memref<10000x128xf32, #tpu.memory_space<vmem_shared>>) offsets(%dma_start3A_195 : memref<128xi32, #tpu.memory_space<vmem>>) semaphore(%arg9 : memref<!tpu.dma_semaphore, #tpu.memory_space<semaphore_mem>>) {add = true}
    }
    %scan3A_157 = arith.constant 78 : i32
    %scan3A_158 = arith.constant 0 : i32
    %scan3A_159 = arith.constant 0 : i32
    %scan3A_160 = arith.constant 78 : i32
    %scan3A_161 = arith.addi %scan3A_159, %scan3A_160 : i32
    %scan3A_162 = arith.constant 1 : i32
    scf.for %scan3A_192 = %scan3A_159 to %scan3A_161 step %scan3A_162  : i32 {
      %dma_wait3A_193 = arith.constant 0 : i32
      %dma_wait3A_194 = tpu.memref_slice %arg6[%scan3A_192, %dma_wait3A_193] : memref<78x128xi32, #tpu.memory_space<vmem>> -> memref<1x128xi32, #tpu.memory_space<vmem>>
      %dma_wait3A_195 = tpu.memref_squeeze %dma_wait3A_194 : memref<1x128xi32, #tpu.memory_space<vmem>> -> memref<128xi32, #tpu.memory_space<vmem>>
      %dma_wait3A_196 = arith.constant 0 : i32
      %dma_wait3A_197 = arith.constant 0 : i32
      %dma_wait3A_198 = tpu.memref_slice %arg8[%dma_wait3A_196, %dma_wait3A_197] : memref<10000x128xf32, #tpu.memory_space<vmem_shared>> -> memref<10000x128xf32, #tpu.memory_space<vmem_shared>>
      tpu.wait_indirect_dma semaphore(%arg9 : memref<!tpu.dma_semaphore, #tpu.memory_space<semaphore_mem>>) src(%arg4 : memref<128x128xf32, #tpu.memory_space<vmem>>) dst(%dma_wait3A_198 : memref<10000x128xf32, #tpu.memory_space<vmem_shared>>)
    }
    %scan3A_163 = arith.constant 78 : i32
    %dma_start3A_164 = arith.constant 0 : i32
    %dma_start3A_165 = arith.constant 0 : i32
    %dma_start3A_166 = tpu.memref_slice %arg4[%dma_start3A_164, %dma_start3A_165] : memref<128x128xf32, #tpu.memory_space<vmem>> -> memref<16x128xf32, #tpu.memory_space<vmem>>
    %dma_start3A_167 = arith.constant 0 : i32
    %dma_start3A_168 = arith.constant 0 : i32
    %dma_start3A_169 = tpu.memref_slice %arg8[%dma_start3A_167, %dma_start3A_168] : memref<10000x128xf32, #tpu.memory_space<vmem_shared>> -> memref<10000x128xf32, #tpu.memory_space<vmem_shared>>
    tpu.enqueue_indirect_dma source(%dma_start3A_166 : memref<16x128xf32, #tpu.memory_space<vmem>>) target(%dma_start3A_169 : memref<10000x128xf32, #tpu.memory_space<vmem_shared>>) offsets(%arg7 : memref<16xi32, #tpu.memory_space<vmem>>) semaphore(%arg9 : memref<!tpu.dma_semaphore, #tpu.memory_space<semaphore_mem>>) {add = true}
    %dma_wait3A_170 = arith.constant 0 : i32
    %dma_wait3A_171 = arith.constant 0 : i32
    %dma_wait3A_172 = tpu.memref_slice %arg4[%dma_wait3A_170, %dma_wait3A_171] : memref<128x128xf32, #tpu.memory_space<vmem>> -> memref<16x128xf32, #tpu.memory_space<vmem>>
    %dma_wait3A_173 = arith.constant 0 : i32
    %dma_wait3A_174 = arith.constant 0 : i32
    %dma_wait3A_175 = tpu.memref_slice %arg8[%dma_wait3A_173, %dma_wait3A_174] : memref<10000x128xf32, #tpu.memory_space<vmem_shared>> -> memref<10000x128xf32, #tpu.memory_space<vmem_shared>>
    tpu.wait_indirect_dma semaphore(%arg9 : memref<!tpu.dma_semaphore, #tpu.memory_space<semaphore_mem>>) src(%dma_wait3A_172 : memref<16x128xf32, #tpu.memory_space<vmem>>) dst(%dma_wait3A_175 : memref<10000x128xf32, #tpu.memory_space<vmem_shared>>)
    %barrier3A_176 = arith.constant 0 : index
    tpu.barrier barrier_id(%barrier3A_176)
    %add3A_177 = arith.constant 0 : i32
    %add3A_178 = arith.addi %mul3A_0, %add3A_177 : i32
    %add3A_179 = arith.constant 128 : i32
    %add3A_180 = arith.addi %mul3A_0, %add3A_179 : i32
    %add3A_181 = arith.constant 256 : i32
    %add3A_182 = arith.addi %mul3A_0, %add3A_181 : i32
    %add3A_183 = arith.constant 384 : i32
    %add3A_184 = arith.addi %mul3A_0, %add3A_183 : i32
    %add3A_185 = arith.constant 512 : i32
    %add3A_186 = arith.addi %mul3A_0, %add3A_185 : i32
    "tpu.region"() ({
      %run_scoped3A = tpu.sem_alloc : memref<!tpu.dma_semaphore, #tpu.memory_space<semaphore_mem>>
      %dma_start3A_192 = arith.constant 0 : i32
      %dma_start3A_193 = arith.constant 0 : i32
      %dma_start3A_194 = tpu.memref_slice %arg4[%dma_start3A_192, %dma_start3A_193] : memref<128x128xf32, #tpu.memory_space<vmem>> -> memref<128x128xf32, #tpu.memory_space<vmem>>
      %dma_start3A_195 = arith.constant 0 : i32
      %dma_start3A_196 = tpu.memref_slice %arg8[%add3A_178, %dma_start3A_195] : memref<10000x128xf32, #tpu.memory_space<vmem_shared>> -> memref<128x128xf32, #tpu.memory_space<vmem_shared>>
      %dma_start3A_197 = arith.constant 0 : i32
      %dma_start3A_198 = arith.constant 0 : i32
      %dma_start3A_199 = tpu.memref_slice %arg4[%dma_start3A_197, %dma_start3A_198] : memref<128x128xf32, #tpu.memory_space<vmem>> -> memref<128x128xf32, #tpu.memory_space<vmem>>
      %dma_start3A_200 = arith.constant 0 : i32
      %dma_start3A_201 = tpu.memref_slice %arg8[%add3A_178, %dma_start3A_200] : memref<10000x128xf32, #tpu.memory_space<vmem_shared>> -> memref<128x128xf32, #tpu.memory_space<vmem_shared>>
      tpu.enqueue_dma source(%dma_start3A_201 : memref<128x128xf32, #tpu.memory_space<vmem_shared>>) target(%dma_start3A_199 : memref<128x128xf32, #tpu.memory_space<vmem>>) target_semaphore(%run_scoped3A : memref<!tpu.dma_semaphore, #tpu.memory_space<semaphore_mem>>)
      %dma_wait3A_202 = arith.constant 0 : i32
      %dma_wait3A_203 = arith.constant 0 : i32
      %dma_wait3A_204 = tpu.memref_slice %arg4[%dma_wait3A_202, %dma_wait3A_203] : memref<128x128xf32, #tpu.memory_space<vmem>> -> memref<128x128xf32, #tpu.memory_space<vmem>>
      %dma_wait3A_205 = arith.constant 0 : i32
      %dma_wait3A_206 = tpu.memref_slice %arg8[%add3A_178, %dma_wait3A_205] : memref<10000x128xf32, #tpu.memory_space<vmem_shared>> -> memref<128x128xf32, #tpu.memory_space<vmem_shared>>
      %dma_wait3A_207 = arith.constant 0 : i32
      %dma_wait3A_208 = arith.constant 0 : i32
      %dma_wait3A_209 = tpu.memref_slice %arg4[%dma_wait3A_207, %dma_wait3A_208] : memref<128x128xf32, #tpu.memory_space<vmem>> -> memref<128x128xf32, #tpu.memory_space<vmem>>
      %dma_wait3A_210 = arith.constant 0 : i32
      %dma_wait3A_211 = tpu.memref_slice %arg8[%add3A_178, %dma_wait3A_210] : memref<10000x128xf32, #tpu.memory_space<vmem_shared>> -> memref<128x128xf32, #tpu.memory_space<vmem_shared>>
      tpu.wait_dma2 semaphore(%run_scoped3A : memref<!tpu.dma_semaphore, #tpu.memory_space<semaphore_mem>>) src(%dma_wait3A_211 : memref<128x128xf32, #tpu.memory_space<vmem_shared>>) dst(%dma_wait3A_209 : memref<128x128xf32, #tpu.memory_space<vmem>>)
      tpu.yield
    }) : () -> ()
    "tpu.region"() ({
      %run_scoped3A = tpu.sem_alloc : memref<!tpu.dma_semaphore, #tpu.memory_space<semaphore_mem>>
      %dma_start3A_192 = arith.constant 0 : i32
      %dma_start3A_193 = arith.constant 0 : i32
      %dma_start3A_194 = tpu.memref_slice %arg4[%dma_start3A_192, %dma_start3A_193] : memref<128x128xf32, #tpu.memory_space<vmem>> -> memref<128x128xf32, #tpu.memory_space<vmem>>
      %dma_start3A_195 = arith.constant 0 : i32
      %dma_start3A_196 = tpu.memref_slice %arg3[%arg0, %add3A_178, %dma_start3A_195] : memref<2x10000x128xf32, #tpu.memory_space<hbm>> -> memref<1x128x128xf32, #tpu.memory_space<hbm>>
      %dma_start3A_197 = tpu.memref_squeeze %dma_start3A_196 : memref<1x128x128xf32, #tpu.memory_space<hbm>> -> memref<128x128xf32, #tpu.memory_space<hbm>>
      %dma_start3A_198 = arith.constant 0 : i32
      %dma_start3A_199 = tpu.memref_slice %arg3[%arg0, %add3A_178, %dma_start3A_198] : memref<2x10000x128xf32, #tpu.memory_space<hbm>> -> memref<1x128x128xf32, #tpu.memory_space<hbm>>
      %dma_start3A_200 = tpu.memref_squeeze %dma_start3A_199 : memref<1x128x128xf32, #tpu.memory_space<hbm>> -> memref<128x128xf32, #tpu.memory_space<hbm>>
      %dma_start3A_201 = arith.constant 0 : i32
      %dma_start3A_202 = arith.constant 0 : i32
      %dma_start3A_203 = tpu.memref_slice %arg4[%dma_start3A_201, %dma_start3A_202] : memref<128x128xf32, #tpu.memory_space<vmem>> -> memref<128x128xf32, #tpu.memory_space<vmem>>
      tpu.enqueue_dma source(%dma_start3A_203 : memref<128x128xf32, #tpu.memory_space<vmem>>) target(%dma_start3A_200 : memref<128x128xf32, #tpu.memory_space<hbm>>) target_semaphore(%run_scoped3A : memref<!tpu.dma_semaphore, #tpu.memory_space<semaphore_mem>>)
      %dma_wait3A_204 = arith.constant 0 : i32
      %dma_wait3A_205 = arith.constant 0 : i32
      %dma_wait3A_206 = tpu.memref_slice %arg4[%dma_wait3A_204, %dma_wait3A_205] : memref<128x128xf32, #tpu.memory_space<vmem>> -> memref<128x128xf32, #tpu.memory_space<vmem>>
      %dma_wait3A_207 = arith.constant 0 : i32
      %dma_wait3A_208 = tpu.memref_slice %arg3[%arg0, %add3A_178, %dma_wait3A_207] : memref<2x10000x128xf32, #tpu.memory_space<hbm>> -> memref<1x128x128xf32, #tpu.memory_space<hbm>>
      %dma_wait3A_209 = tpu.memref_squeeze %dma_wait3A_208 : memref<1x128x128xf32, #tpu.memory_space<hbm>> -> memref<128x128xf32, #tpu.memory_space<hbm>>
      %dma_wait3A_210 = arith.constant 0 : i32
      %dma_wait3A_211 = tpu.memref_slice %arg3[%arg0, %add3A_178, %dma_wait3A_210] : memref<2x10000x128xf32, #tpu.memory_space<hbm>> -> memref<1x128x128xf32, #tpu.memory_space<hbm>>
      %dma_wait3A_212 = tpu.memref_squeeze %dma_wait3A_211 : memref<1x128x128xf32, #tpu.memory_space<hbm>> -> memref<128x128xf32, #tpu.memory_space<hbm>>
      %dma_wait3A_213 = arith.constant 0 : i32
      %dma_wait3A_214 = arith.constant 0 : i32
      %dma_wait3A_215 = tpu.memref_slice %arg4[%dma_wait3A_213, %dma_wait3A_214] : memref<128x128xf32, #tpu.memory_space<vmem>> -> memref<128x128xf32, #tpu.memory_space<vmem>>
      tpu.wait_dma2 semaphore(%run_scoped3A : memref<!tpu.dma_semaphore, #tpu.memory_space<semaphore_mem>>) src(%dma_wait3A_215 : memref<128x128xf32, #tpu.memory_space<vmem>>) dst(%dma_wait3A_212 : memref<128x128xf32, #tpu.memory_space<hbm>>)
      tpu.yield
    }) : () -> ()
    "tpu.region"() ({
      %run_scoped3A = tpu.sem_alloc : memref<!tpu.dma_semaphore, #tpu.memory_space<semaphore_mem>>
      %dma_start3A_192 = arith.constant 0 : i32
      %dma_start3A_193 = arith.constant 0 : i32
      %dma_start3A_194 = tpu.memref_slice %arg4[%dma_start3A_192, %dma_start3A_193] : memref<128x128xf32, #tpu.memory_space<vmem>> -> memref<128x128xf32, #tpu.memory_space<vmem>>
      %dma_start3A_195 = arith.constant 0 : i32
      %dma_start3A_196 = tpu.memref_slice %arg8[%add3A_180, %dma_start3A_195] : memref<10000x128xf32, #tpu.memory_space<vmem_shared>> -> memref<128x128xf32, #tpu.memory_space<vmem_shared>>
      %dma_start3A_197 = arith.constant 0 : i32
      %dma_start3A_198 = arith.constant 0 : i32
      %dma_start3A_199 = tpu.memref_slice %arg4[%dma_start3A_197, %dma_start3A_198] : memref<128x128xf32, #tpu.memory_space<vmem>> -> memref<128x128xf32, #tpu.memory_space<vmem>>
      %dma_start3A_200 = arith.constant 0 : i32
      %dma_start3A_201 = tpu.memref_slice %arg8[%add3A_180, %dma_start3A_200] : memref<10000x128xf32, #tpu.memory_space<vmem_shared>> -> memref<128x128xf32, #tpu.memory_space<vmem_shared>>
      tpu.enqueue_dma source(%dma_start3A_201 : memref<128x128xf32, #tpu.memory_space<vmem_shared>>) target(%dma_start3A_199 : memref<128x128xf32, #tpu.memory_space<vmem>>) target_semaphore(%run_scoped3A : memref<!tpu.dma_semaphore, #tpu.memory_space<semaphore_mem>>)
      %dma_wait3A_202 = arith.constant 0 : i32
      %dma_wait3A_203 = arith.constant 0 : i32
      %dma_wait3A_204 = tpu.memref_slice %arg4[%dma_wait3A_202, %dma_wait3A_203] : memref<128x128xf32, #tpu.memory_space<vmem>> -> memref<128x128xf32, #tpu.memory_space<vmem>>
      %dma_wait3A_205 = arith.constant 0 : i32
      %dma_wait3A_206 = tpu.memref_slice %arg8[%add3A_180, %dma_wait3A_205] : memref<10000x128xf32, #tpu.memory_space<vmem_shared>> -> memref<128x128xf32, #tpu.memory_space<vmem_shared>>
      %dma_wait3A_207 = arith.constant 0 : i32
      %dma_wait3A_208 = arith.constant 0 : i32
      %dma_wait3A_209 = tpu.memref_slice %arg4[%dma_wait3A_207, %dma_wait3A_208] : memref<128x128xf32, #tpu.memory_space<vmem>> -> memref<128x128xf32, #tpu.memory_space<vmem>>
      %dma_wait3A_210 = arith.constant 0 : i32
      %dma_wait3A_211 = tpu.memref_slice %arg8[%add3A_180, %dma_wait3A_210] : memref<10000x128xf32, #tpu.memory_space<vmem_shared>> -> memref<128x128xf32, #tpu.memory_space<vmem_shared>>
      tpu.wait_dma2 semaphore(%run_scoped3A : memref<!tpu.dma_semaphore, #tpu.memory_space<semaphore_mem>>) src(%dma_wait3A_211 : memref<128x128xf32, #tpu.memory_space<vmem_shared>>) dst(%dma_wait3A_209 : memref<128x128xf32, #tpu.memory_space<vmem>>)
      tpu.yield
    }) : () -> ()
    "tpu.region"() ({
      %run_scoped3A = tpu.sem_alloc : memref<!tpu.dma_semaphore, #tpu.memory_space<semaphore_mem>>
      %dma_start3A_192 = arith.constant 0 : i32
      %dma_start3A_193 = arith.constant 0 : i32
      %dma_start3A_194 = tpu.memref_slice %arg4[%dma_start3A_192, %dma_start3A_193] : memref<128x128xf32, #tpu.memory_space<vmem>> -> memref<128x128xf32, #tpu.memory_space<vmem>>
      %dma_start3A_195 = arith.constant 0 : i32
      %dma_start3A_196 = tpu.memref_slice %arg3[%arg0, %add3A_180, %dma_start3A_195] : memref<2x10000x128xf32, #tpu.memory_space<hbm>> -> memref<1x128x128xf32, #tpu.memory_space<hbm>>
      %dma_start3A_197 = tpu.memref_squeeze %dma_start3A_196 : memref<1x128x128xf32, #tpu.memory_space<hbm>> -> memref<128x128xf32, #tpu.memory_space<hbm>>
      %dma_start3A_198 = arith.constant 0 : i32
      %dma_start3A_199 = tpu.memref_slice %arg3[%arg0, %add3A_180, %dma_start3A_198] : memref<2x10000x128xf32, #tpu.memory_space<hbm>> -> memref<1x128x128xf32, #tpu.memory_space<hbm>>
      %dma_start3A_200 = tpu.memref_squeeze %dma_start3A_199 : memref<1x128x128xf32, #tpu.memory_space<hbm>> -> memref<128x128xf32, #tpu.memory_space<hbm>>
      %dma_start3A_201 = arith.constant 0 : i32
      %dma_start3A_202 = arith.constant 0 : i32
      %dma_start3A_203 = tpu.memref_slice %arg4[%dma_start3A_201, %dma_start3A_202] : memref<128x128xf32, #tpu.memory_space<vmem>> -> memref<128x128xf32, #tpu.memory_space<vmem>>
      tpu.enqueue_dma source(%dma_start3A_203 : memref<128x128xf32, #tpu.memory_space<vmem>>) target(%dma_start3A_200 : memref<128x128xf32, #tpu.memory_space<hbm>>) target_semaphore(%run_scoped3A : memref<!tpu.dma_semaphore, #tpu.memory_space<semaphore_mem>>)
      %dma_wait3A_204 = arith.constant 0 : i32
      %dma_wait3A_205 = arith.constant 0 : i32
      %dma_wait3A_206 = tpu.memref_slice %arg4[%dma_wait3A_204, %dma_wait3A_205] : memref<128x128xf32, #tpu.memory_space<vmem>> -> memref<128x128xf32, #tpu.memory_space<vmem>>
      %dma_wait3A_207 = arith.constant 0 : i32
      %dma_wait3A_208 = tpu.memref_slice %arg3[%arg0, %add3A_180, %dma_wait3A_207] : memref<2x10000x128xf32, #tpu.memory_space<hbm>> -> memref<1x128x128xf32, #tpu.memory_space<hbm>>
      %dma_wait3A_209 = tpu.memref_squeeze %dma_wait3A_208 : memref<1x128x128xf32, #tpu.memory_space<hbm>> -> memref<128x128xf32, #tpu.memory_space<hbm>>
      %dma_wait3A_210 = arith.constant 0 : i32
      %dma_wait3A_211 = tpu.memref_slice %arg3[%arg0, %add3A_180, %dma_wait3A_210] : memref<2x10000x128xf32, #tpu.memory_space<hbm>> -> memref<1x128x128xf32, #tpu.memory_space<hbm>>
      %dma_wait3A_212 = tpu.memref_squeeze %dma_wait3A_211 : memref<1x128x128xf32, #tpu.memory_space<hbm>> -> memref<128x128xf32, #tpu.memory_space<hbm>>
      %dma_wait3A_213 = arith.constant 0 : i32
      %dma_wait3A_214 = arith.constant 0 : i32
      %dma_wait3A_215 = tpu.memref_slice %arg4[%dma_wait3A_213, %dma_wait3A_214] : memref<128x128xf32, #tpu.memory_space<vmem>> -> memref<128x128xf32, #tpu.memory_space<vmem>>
      tpu.wait_dma2 semaphore(%run_scoped3A : memref<!tpu.dma_semaphore, #tpu.memory_space<semaphore_mem>>) src(%dma_wait3A_215 : memref<128x128xf32, #tpu.memory_space<vmem>>) dst(%dma_wait3A_212 : memref<128x128xf32, #tpu.memory_space<hbm>>)
      tpu.yield
    }) : () -> ()
    "tpu.region"() ({
      %run_scoped3A = tpu.sem_alloc : memref<!tpu.dma_semaphore, #tpu.memory_space<semaphore_mem>>
      %dma_start3A_192 = arith.constant 0 : i32
      %dma_start3A_193 = arith.constant 0 : i32
      %dma_start3A_194 = tpu.memref_slice %arg4[%dma_start3A_192, %dma_start3A_193] : memref<128x128xf32, #tpu.memory_space<vmem>> -> memref<128x128xf32, #tpu.memory_space<vmem>>
      %dma_start3A_195 = arith.constant 0 : i32
      %dma_start3A_196 = tpu.memref_slice %arg8[%add3A_182, %dma_start3A_195] : memref<10000x128xf32, #tpu.memory_space<vmem_shared>> -> memref<128x128xf32, #tpu.memory_space<vmem_shared>>
      %dma_start3A_197 = arith.constant 0 : i32
      %dma_start3A_198 = arith.constant 0 : i32
      %dma_start3A_199 = tpu.memref_slice %arg4[%dma_start3A_197, %dma_start3A_198] : memref<128x128xf32, #tpu.memory_space<vmem>> -> memref<128x128xf32, #tpu.memory_space<vmem>>
      %dma_start3A_200 = arith.constant 0 : i32
      %dma_start3A_201 = tpu.memref_slice %arg8[%add3A_182, %dma_start3A_200] : memref<10000x128xf32, #tpu.memory_space<vmem_shared>> -> memref<128x128xf32, #tpu.memory_space<vmem_shared>>
      tpu.enqueue_dma source(%dma_start3A_201 : memref<128x128xf32, #tpu.memory_space<vmem_shared>>) target(%dma_start3A_199 : memref<128x128xf32, #tpu.memory_space<vmem>>) target_semaphore(%run_scoped3A : memref<!tpu.dma_semaphore, #tpu.memory_space<semaphore_mem>>)
      %dma_wait3A_202 = arith.constant 0 : i32
      %dma_wait3A_203 = arith.constant 0 : i32
      %dma_wait3A_204 = tpu.memref_slice %arg4[%dma_wait3A_202, %dma_wait3A_203] : memref<128x128xf32, #tpu.memory_space<vmem>> -> memref<128x128xf32, #tpu.memory_space<vmem>>
      %dma_wait3A_205 = arith.constant 0 : i32
      %dma_wait3A_206 = tpu.memref_slice %arg8[%add3A_182, %dma_wait3A_205] : memref<10000x128xf32, #tpu.memory_space<vmem_shared>> -> memref<128x128xf32, #tpu.memory_space<vmem_shared>>
      %dma_wait3A_207 = arith.constant 0 : i32
      %dma_wait3A_208 = arith.constant 0 : i32
      %dma_wait3A_209 = tpu.memref_slice %arg4[%dma_wait3A_207, %dma_wait3A_208] : memref<128x128xf32, #tpu.memory_space<vmem>> -> memref<128x128xf32, #tpu.memory_space<vmem>>
      %dma_wait3A_210 = arith.constant 0 : i32
      %dma_wait3A_211 = tpu.memref_slice %arg8[%add3A_182, %dma_wait3A_210] : memref<10000x128xf32, #tpu.memory_space<vmem_shared>> -> memref<128x128xf32, #tpu.memory_space<vmem_shared>>
      tpu.wait_dma2 semaphore(%run_scoped3A : memref<!tpu.dma_semaphore, #tpu.memory_space<semaphore_mem>>) src(%dma_wait3A_211 : memref<128x128xf32, #tpu.memory_space<vmem_shared>>) dst(%dma_wait3A_209 : memref<128x128xf32, #tpu.memory_space<vmem>>)
      tpu.yield
    }) : () -> ()
    "tpu.region"() ({
      %run_scoped3A = tpu.sem_alloc : memref<!tpu.dma_semaphore, #tpu.memory_space<semaphore_mem>>
      %dma_start3A_192 = arith.constant 0 : i32
      %dma_start3A_193 = arith.constant 0 : i32
      %dma_start3A_194 = tpu.memref_slice %arg4[%dma_start3A_192, %dma_start3A_193] : memref<128x128xf32, #tpu.memory_space<vmem>> -> memref<128x128xf32, #tpu.memory_space<vmem>>
      %dma_start3A_195 = arith.constant 0 : i32
      %dma_start3A_196 = tpu.memref_slice %arg3[%arg0, %add3A_182, %dma_start3A_195] : memref<2x10000x128xf32, #tpu.memory_space<hbm>> -> memref<1x128x128xf32, #tpu.memory_space<hbm>>
      %dma_start3A_197 = tpu.memref_squeeze %dma_start3A_196 : memref<1x128x128xf32, #tpu.memory_space<hbm>> -> memref<128x128xf32, #tpu.memory_space<hbm>>
      %dma_start3A_198 = arith.constant 0 : i32
      %dma_start3A_199 = tpu.memref_slice %arg3[%arg0, %add3A_182, %dma_start3A_198] : memref<2x10000x128xf32, #tpu.memory_space<hbm>> -> memref<1x128x128xf32, #tpu.memory_space<hbm>>
      %dma_start3A_200 = tpu.memref_squeeze %dma_start3A_199 : memref<1x128x128xf32, #tpu.memory_space<hbm>> -> memref<128x128xf32, #tpu.memory_space<hbm>>
      %dma_start3A_201 = arith.constant 0 : i32
      %dma_start3A_202 = arith.constant 0 : i32
      %dma_start3A_203 = tpu.memref_slice %arg4[%dma_start3A_201, %dma_start3A_202] : memref<128x128xf32, #tpu.memory_space<vmem>> -> memref<128x128xf32, #tpu.memory_space<vmem>>
      tpu.enqueue_dma source(%dma_start3A_203 : memref<128x128xf32, #tpu.memory_space<vmem>>) target(%dma_start3A_200 : memref<128x128xf32, #tpu.memory_space<hbm>>) target_semaphore(%run_scoped3A : memref<!tpu.dma_semaphore, #tpu.memory_space<semaphore_mem>>)
      %dma_wait3A_204 = arith.constant 0 : i32
      %dma_wait3A_205 = arith.constant 0 : i32
      %dma_wait3A_206 = tpu.memref_slice %arg4[%dma_wait3A_204, %dma_wait3A_205] : memref<128x128xf32, #tpu.memory_space<vmem>> -> memref<128x128xf32, #tpu.memory_space<vmem>>
      %dma_wait3A_207 = arith.constant 0 : i32
      %dma_wait3A_208 = tpu.memref_slice %arg3[%arg0, %add3A_182, %dma_wait3A_207] : memref<2x10000x128xf32, #tpu.memory_space<hbm>> -> memref<1x128x128xf32, #tpu.memory_space<hbm>>
      %dma_wait3A_209 = tpu.memref_squeeze %dma_wait3A_208 : memref<1x128x128xf32, #tpu.memory_space<hbm>> -> memref<128x128xf32, #tpu.memory_space<hbm>>
      %dma_wait3A_210 = arith.constant 0 : i32
      %dma_wait3A_211 = tpu.memref_slice %arg3[%arg0, %add3A_182, %dma_wait3A_210] : memref<2x10000x128xf32, #tpu.memory_space<hbm>> -> memref<1x128x128xf32, #tpu.memory_space<hbm>>
      %dma_wait3A_212 = tpu.memref_squeeze %dma_wait3A_211 : memref<1x128x128xf32, #tpu.memory_space<hbm>> -> memref<128x128xf32, #tpu.memory_space<hbm>>
      %dma_wait3A_213 = arith.constant 0 : i32
      %dma_wait3A_214 = arith.constant 0 : i32
      %dma_wait3A_215 = tpu.memref_slice %arg4[%dma_wait3A_213, %dma_wait3A_214] : memref<128x128xf32, #tpu.memory_space<vmem>> -> memref<128x128xf32, #tpu.memory_space<vmem>>
      tpu.wait_dma2 semaphore(%run_scoped3A : memref<!tpu.dma_semaphore, #tpu.memory_space<semaphore_mem>>) src(%dma_wait3A_215 : memref<128x128xf32, #tpu.memory_space<vmem>>) dst(%dma_wait3A_212 : memref<128x128xf32, #tpu.memory_space<hbm>>)
      tpu.yield
    }) : () -> ()
    "tpu.region"() ({
      %run_scoped3A = tpu.sem_alloc : memref<!tpu.dma_semaphore, #tpu.memory_space<semaphore_mem>>
      %dma_start3A_192 = arith.constant 0 : i32
      %dma_start3A_193 = arith.constant 0 : i32
      %dma_start3A_194 = tpu.memref_slice %arg4[%dma_start3A_192, %dma_start3A_193] : memref<128x128xf32, #tpu.memory_space<vmem>> -> memref<128x128xf32, #tpu.memory_space<vmem>>
      %dma_start3A_195 = arith.constant 0 : i32
      %dma_start3A_196 = tpu.memref_slice %arg8[%add3A_184, %dma_start3A_195] : memref<10000x128xf32, #tpu.memory_space<vmem_shared>> -> memref<128x128xf32, #tpu.memory_space<vmem_shared>>
      %dma_start3A_197 = arith.constant 0 : i32
      %dma_start3A_198 = arith.constant 0 : i32
      %dma_start3A_199 = tpu.memref_slice %arg4[%dma_start3A_197, %dma_start3A_198] : memref<128x128xf32, #tpu.memory_space<vmem>> -> memref<128x128xf32, #tpu.memory_space<vmem>>
      %dma_start3A_200 = arith.constant 0 : i32
      %dma_start3A_201 = tpu.memref_slice %arg8[%add3A_184, %dma_start3A_200] : memref<10000x128xf32, #tpu.memory_space<vmem_shared>> -> memref<128x128xf32, #tpu.memory_space<vmem_shared>>
      tpu.enqueue_dma source(%dma_start3A_201 : memref<128x128xf32, #tpu.memory_space<vmem_shared>>) target(%dma_start3A_199 : memref<128x128xf32, #tpu.memory_space<vmem>>) target_semaphore(%run_scoped3A : memref<!tpu.dma_semaphore, #tpu.memory_space<semaphore_mem>>)
      %dma_wait3A_202 = arith.constant 0 : i32
      %dma_wait3A_203 = arith.constant 0 : i32
      %dma_wait3A_204 = tpu.memref_slice %arg4[%dma_wait3A_202, %dma_wait3A_203] : memref<128x128xf32, #tpu.memory_space<vmem>> -> memref<128x128xf32, #tpu.memory_space<vmem>>
      %dma_wait3A_205 = arith.constant 0 : i32
      %dma_wait3A_206 = tpu.memref_slice %arg8[%add3A_184, %dma_wait3A_205] : memref<10000x128xf32, #tpu.memory_space<vmem_shared>> -> memref<128x128xf32, #tpu.memory_space<vmem_shared>>
      %dma_wait3A_207 = arith.constant 0 : i32
      %dma_wait3A_208 = arith.constant 0 : i32
      %dma_wait3A_209 = tpu.memref_slice %arg4[%dma_wait3A_207, %dma_wait3A_208] : memref<128x128xf32, #tpu.memory_space<vmem>> -> memref<128x128xf32, #tpu.memory_space<vmem>>
      %dma_wait3A_210 = arith.constant 0 : i32
      %dma_wait3A_211 = tpu.memref_slice %arg8[%add3A_184, %dma_wait3A_210] : memref<10000x128xf32, #tpu.memory_space<vmem_shared>> -> memref<128x128xf32, #tpu.memory_space<vmem_shared>>
      tpu.wait_dma2 semaphore(%run_scoped3A : memref<!tpu.dma_semaphore, #tpu.memory_space<semaphore_mem>>) src(%dma_wait3A_211 : memref<128x128xf32, #tpu.memory_space<vmem_shared>>) dst(%dma_wait3A_209 : memref<128x128xf32, #tpu.memory_space<vmem>>)
      tpu.yield
    }) : () -> ()
    "tpu.region"() ({
      %run_scoped3A = tpu.sem_alloc : memref<!tpu.dma_semaphore, #tpu.memory_space<semaphore_mem>>
      %dma_start3A_192 = arith.constant 0 : i32
      %dma_start3A_193 = arith.constant 0 : i32
      %dma_start3A_194 = tpu.memref_slice %arg4[%dma_start3A_192, %dma_start3A_193] : memref<128x128xf32, #tpu.memory_space<vmem>> -> memref<128x128xf32, #tpu.memory_space<vmem>>
      %dma_start3A_195 = arith.constant 0 : i32
      %dma_start3A_196 = tpu.memref_slice %arg3[%arg0, %add3A_184, %dma_start3A_195] : memref<2x10000x128xf32, #tpu.memory_space<hbm>> -> memref<1x128x128xf32, #tpu.memory_space<hbm>>
      %dma_start3A_197 = tpu.memref_squeeze %dma_start3A_196 : memref<1x128x128xf32, #tpu.memory_space<hbm>> -> memref<128x128xf32, #tpu.memory_space<hbm>>
      %dma_start3A_198 = arith.constant 0 : i32
      %dma_start3A_199 = tpu.memref_slice %arg3[%arg0, %add3A_184, %dma_start3A_198] : memref<2x10000x128xf32, #tpu.memory_space<hbm>> -> memref<1x128x128xf32, #tpu.memory_space<hbm>>
      %dma_start3A_200 = tpu.memref_squeeze %dma_start3A_199 : memref<1x128x128xf32, #tpu.memory_space<hbm>> -> memref<128x128xf32, #tpu.memory_space<hbm>>
      %dma_start3A_201 = arith.constant 0 : i32
      %dma_start3A_202 = arith.constant 0 : i32
      %dma_start3A_203 = tpu.memref_slice %arg4[%dma_start3A_201, %dma_start3A_202] : memref<128x128xf32, #tpu.memory_space<vmem>> -> memref<128x128xf32, #tpu.memory_space<vmem>>
      tpu.enqueue_dma source(%dma_start3A_203 : memref<128x128xf32, #tpu.memory_space<vmem>>) target(%dma_start3A_200 : memref<128x128xf32, #tpu.memory_space<hbm>>) target_semaphore(%run_scoped3A : memref<!tpu.dma_semaphore, #tpu.memory_space<semaphore_mem>>)
      %dma_wait3A_204 = arith.constant 0 : i32
      %dma_wait3A_205 = arith.constant 0 : i32
      %dma_wait3A_206 = tpu.memref_slice %arg4[%dma_wait3A_204, %dma_wait3A_205] : memref<128x128xf32, #tpu.memory_space<vmem>> -> memref<128x128xf32, #tpu.memory_space<vmem>>
      %dma_wait3A_207 = arith.constant 0 : i32
      %dma_wait3A_208 = tpu.memref_slice %arg3[%arg0, %add3A_184, %dma_wait3A_207] : memref<2x10000x128xf32, #tpu.memory_space<hbm>> -> memref<1x128x128xf32, #tpu.memory_space<hbm>>
      %dma_wait3A_209 = tpu.memref_squeeze %dma_wait3A_208 : memref<1x128x128xf32, #tpu.memory_space<hbm>> -> memref<128x128xf32, #tpu.memory_space<hbm>>
      %dma_wait3A_210 = arith.constant 0 : i32
      %dma_wait3A_211 = tpu.memref_slice %arg3[%arg0, %add3A_184, %dma_wait3A_210] : memref<2x10000x128xf32, #tpu.memory_space<hbm>> -> memref<1x128x128xf32, #tpu.memory_space<hbm>>
      %dma_wait3A_212 = tpu.memref_squeeze %dma_wait3A_211 : memref<1x128x128xf32, #tpu.memory_space<hbm>> -> memref<128x128xf32, #tpu.memory_space<hbm>>
      %dma_wait3A_213 = arith.constant 0 : i32
      %dma_wait3A_214 = arith.constant 0 : i32
      %dma_wait3A_215 = tpu.memref_slice %arg4[%dma_wait3A_213, %dma_wait3A_214] : memref<128x128xf32, #tpu.memory_space<vmem>> -> memref<128x128xf32, #tpu.memory_space<vmem>>
      tpu.wait_dma2 semaphore(%run_scoped3A : memref<!tpu.dma_semaphore, #tpu.memory_space<semaphore_mem>>) src(%dma_wait3A_215 : memref<128x128xf32, #tpu.memory_space<vmem>>) dst(%dma_wait3A_212 : memref<128x128xf32, #tpu.memory_space<hbm>>)
      tpu.yield
    }) : () -> ()
    "tpu.region"() ({
      %run_scoped3A = tpu.sem_alloc : memref<!tpu.dma_semaphore, #tpu.memory_space<semaphore_mem>>
      %dma_start3A_192 = arith.constant 0 : i32
      %dma_start3A_193 = arith.constant 0 : i32
      %dma_start3A_194 = tpu.memref_slice %arg4[%dma_start3A_192, %dma_start3A_193] : memref<128x128xf32, #tpu.memory_space<vmem>> -> memref<112x128xf32, #tpu.memory_space<vmem>>
      %dma_start3A_195 = arith.constant 0 : i32
      %dma_start3A_196 = tpu.memref_slice %arg8[%add3A_186, %dma_start3A_195] : memref<10000x128xf32, #tpu.memory_space<vmem_shared>> -> memref<112x128xf32, #tpu.memory_space<vmem_shared>>
      %dma_start3A_197 = arith.constant 0 : i32
      %dma_start3A_198 = arith.constant 0 : i32
      %dma_start3A_199 = tpu.memref_slice %arg4[%dma_start3A_197, %dma_start3A_198] : memref<128x128xf32, #tpu.memory_space<vmem>> -> memref<112x128xf32, #tpu.memory_space<vmem>>
      %dma_start3A_200 = arith.constant 0 : i32
      %dma_start3A_201 = tpu.memref_slice %arg8[%add3A_186, %dma_start3A_200] : memref<10000x128xf32, #tpu.memory_space<vmem_shared>> -> memref<112x128xf32, #tpu.memory_space<vmem_shared>>
      tpu.enqueue_dma source(%dma_start3A_201 : memref<112x128xf32, #tpu.memory_space<vmem_shared>>) target(%dma_start3A_199 : memref<112x128xf32, #tpu.memory_space<vmem>>) target_semaphore(%run_scoped3A : memref<!tpu.dma_semaphore, #tpu.memory_space<semaphore_mem>>)
      %dma_wait3A_202 = arith.constant 0 : i32
      %dma_wait3A_203 = arith.constant 0 : i32
      %dma_wait3A_204 = tpu.memref_slice %arg4[%dma_wait3A_202, %dma_wait3A_203] : memref<128x128xf32, #tpu.memory_space<vmem>> -> memref<112x128xf32, #tpu.memory_space<vmem>>
      %dma_wait3A_205 = arith.constant 0 : i32
      %dma_wait3A_206 = tpu.memref_slice %arg8[%add3A_186, %dma_wait3A_205] : memref<10000x128xf32, #tpu.memory_space<vmem_shared>> -> memref<112x128xf32, #tpu.memory_space<vmem_shared>>
      %dma_wait3A_207 = arith.constant 0 : i32
      %dma_wait3A_208 = arith.constant 0 : i32
      %dma_wait3A_209 = tpu.memref_slice %arg4[%dma_wait3A_207, %dma_wait3A_208] : memref<128x128xf32, #tpu.memory_space<vmem>> -> memref<112x128xf32, #tpu.memory_space<vmem>>
      %dma_wait3A_210 = arith.constant 0 : i32
      %dma_wait3A_211 = tpu.memref_slice %arg8[%add3A_186, %dma_wait3A_210] : memref<10000x128xf32, #tpu.memory_space<vmem_shared>> -> memref<112x128xf32, #tpu.memory_space<vmem_shared>>
      tpu.wait_dma2 semaphore(%run_scoped3A : memref<!tpu.dma_semaphore, #tpu.memory_space<semaphore_mem>>) src(%dma_wait3A_211 : memref<112x128xf32, #tpu.memory_space<vmem_shared>>) dst(%dma_wait3A_209 : memref<112x128xf32, #tpu.memory_space<vmem>>)
      tpu.yield
    }) : () -> ()
    "tpu.region"() ({
      %run_scoped3A = tpu.sem_alloc : memref<!tpu.dma_semaphore, #tpu.memory_space<semaphore_mem>>
      %dma_start3A_192 = arith.constant 0 : i32
      %dma_start3A_193 = arith.constant 0 : i32
      %dma_start3A_194 = tpu.memref_slice %arg4[%dma_start3A_192, %dma_start3A_193] : memref<128x128xf32, #tpu.memory_space<vmem>> -> memref<112x128xf32, #tpu.memory_space<vmem>>
      %dma_start3A_195 = arith.constant 0 : i32
      %dma_start3A_196 = tpu.memref_slice %arg3[%arg0, %add3A_186, %dma_start3A_195] : memref<2x10000x128xf32, #tpu.memory_space<hbm>> -> memref<1x112x128xf32, #tpu.memory_space<hbm>>
      %dma_start3A_197 = tpu.memref_squeeze %dma_start3A_196 : memref<1x112x128xf32, #tpu.memory_space<hbm>> -> memref<112x128xf32, #tpu.memory_space<hbm>>
      %dma_start3A_198 = arith.constant 0 : i32
      %dma_start3A_199 = tpu.memref_slice %arg3[%arg0, %add3A_186, %dma_start3A_198] : memref<2x10000x128xf32, #tpu.memory_space<hbm>> -> memref<1x112x128xf32, #tpu.memory_space<hbm>>
      %dma_start3A_200 = tpu.memref_squeeze %dma_start3A_199 : memref<1x112x128xf32, #tpu.memory_space<hbm>> -> memref<112x128xf32, #tpu.memory_space<hbm>>
      %dma_start3A_201 = arith.constant 0 : i32
      %dma_start3A_202 = arith.constant 0 : i32
      %dma_start3A_203 = tpu.memref_slice %arg4[%dma_start3A_201, %dma_start3A_202] : memref<128x128xf32, #tpu.memory_space<vmem>> -> memref<112x128xf32, #tpu.memory_space<vmem>>
      tpu.enqueue_dma source(%dma_start3A_203 : memref<112x128xf32, #tpu.memory_space<vmem>>) target(%dma_start3A_200 : memref<112x128xf32, #tpu.memory_space<hbm>>) target_semaphore(%run_scoped3A : memref<!tpu.dma_semaphore, #tpu.memory_space<semaphore_mem>>)
      %dma_wait3A_204 = arith.constant 0 : i32
      %dma_wait3A_205 = arith.constant 0 : i32
      %dma_wait3A_206 = tpu.memref_slice %arg4[%dma_wait3A_204, %dma_wait3A_205] : memref<128x128xf32, #tpu.memory_space<vmem>> -> memref<112x128xf32, #tpu.memory_space<vmem>>
      %dma_wait3A_207 = arith.constant 0 : i32
      %dma_wait3A_208 = tpu.memref_slice %arg3[%arg0, %add3A_186, %dma_wait3A_207] : memref<2x10000x128xf32, #tpu.memory_space<hbm>> -> memref<1x112x128xf32, #tpu.memory_space<hbm>>
      %dma_wait3A_209 = tpu.memref_squeeze %dma_wait3A_208 : memref<1x112x128xf32, #tpu.memory_space<hbm>> -> memref<112x128xf32, #tpu.memory_space<hbm>>
      %dma_wait3A_210 = arith.constant 0 : i32
      %dma_wait3A_211 = tpu.memref_slice %arg3[%arg0, %add3A_186, %dma_wait3A_210] : memref<2x10000x128xf32, #tpu.memory_space<hbm>> -> memref<1x112x128xf32, #tpu.memory_space<hbm>>
      %dma_wait3A_212 = tpu.memref_squeeze %dma_wait3A_211 : memref<1x112x128xf32, #tpu.memory_space<hbm>> -> memref<112x128xf32, #tpu.memory_space<hbm>>
      %dma_wait3A_213 = arith.constant 0 : i32
      %dma_wait3A_214 = arith.constant 0 : i32
      %dma_wait3A_215 = tpu.memref_slice %arg4[%dma_wait3A_213, %dma_wait3A_214] : memref<128x128xf32, #tpu.memory_space<vmem>> -> memref<112x128xf32, #tpu.memory_space<vmem>>
      tpu.wait_dma2 semaphore(%run_scoped3A : memref<!tpu.dma_semaphore, #tpu.memory_space<semaphore_mem>>) src(%dma_wait3A_215 : memref<112x128xf32, #tpu.memory_space<vmem>>) dst(%dma_wait3A_212 : memref<112x128xf32, #tpu.memory_space<hbm>>)
      tpu.yield
    }) : () -> ()
    %lt3A_187 = arith.constant 2 : i32
    %lt3A_188 = arith.cmpi slt, %arg1, %lt3A_187 : i32
    %convert_element_type3A_189 = arith.extui %lt3A_188 : i1 to i32
    %cond3A_190 = arith.constant 0 : i32
    %cond3A_191 = arith.cmpi ne, %convert_element_type3A_189, %cond3A_190 : i32
    scf.if %cond3A_191 {
      %mul3A_192 = arith.constant 8 : i32
      %mul3A_193 = arith.muli %arg1, %mul3A_192 : i32
      %add3A_194 = arith.constant 9984 : i32
      %add3A_195 = arith.addi %add3A_194, %mul3A_193 : i32
      "tpu.region"() ({
        %run_scoped3A = tpu.sem_alloc : memref<!tpu.dma_semaphore, #tpu.memory_space<semaphore_mem>>
        %dma_start3A_196 = arith.constant 0 : i32
        %dma_start3A_197 = arith.constant 0 : i32
        %dma_start3A_198 = tpu.memref_slice %arg4[%dma_start3A_196, %dma_start3A_197] : memref<128x128xf32, #tpu.memory_space<vmem>> -> memref<8x128xf32, #tpu.memory_space<vmem>>
        %dma_start3A_199 = arith.constant 0 : i32
        %dma_start3A_200 = tpu.memref_slice %arg8[%add3A_195, %dma_start3A_199] : memref<10000x128xf32, #tpu.memory_space<vmem_shared>> -> memref<8x128xf32, #tpu.memory_space<vmem_shared>>
        %dma_start3A_201 = arith.constant 0 : i32
        %dma_start3A_202 = arith.constant 0 : i32
        %dma_start3A_203 = tpu.memref_slice %arg4[%dma_start3A_201, %dma_start3A_202] : memref<128x128xf32, #tpu.memory_space<vmem>> -> memref<8x128xf32, #tpu.memory_space<vmem>>
        %dma_start3A_204 = arith.constant 0 : i32
        %dma_start3A_205 = tpu.memref_slice %arg8[%add3A_195, %dma_start3A_204] : memref<10000x128xf32, #tpu.memory_space<vmem_shared>> -> memref<8x128xf32, #tpu.memory_space<vmem_shared>>
        tpu.enqueue_dma source(%dma_start3A_205 : memref<8x128xf32, #tpu.memory_space<vmem_shared>>) target(%dma_start3A_203 : memref<8x128xf32, #tpu.memory_space<vmem>>) target_semaphore(%run_scoped3A : memref<!tpu.dma_semaphore, #tpu.memory_space<semaphore_mem>>)
        %dma_wait3A_206 = arith.constant 0 : i32
        %dma_wait3A_207 = arith.constant 0 : i32
        %dma_wait3A_208 = tpu.memref_slice %arg4[%dma_wait3A_206, %dma_wait3A_207] : memref<128x128xf32, #tpu.memory_space<vmem>> -> memref<8x128xf32, #tpu.memory_space<vmem>>
        %dma_wait3A_209 = arith.constant 0 : i32
        %dma_wait3A_210 = tpu.memref_slice %arg8[%add3A_195, %dma_wait3A_209] : memref<10000x128xf32, #tpu.memory_space<vmem_shared>> -> memref<8x128xf32, #tpu.memory_space<vmem_shared>>
        %dma_wait3A_211 = arith.constant 0 : i32
        %dma_wait3A_212 = arith.constant 0 : i32
        %dma_wait3A_213 = tpu.memref_slice %arg4[%dma_wait3A_211, %dma_wait3A_212] : memref<128x128xf32, #tpu.memory_space<vmem>> -> memref<8x128xf32, #tpu.memory_space<vmem>>
        %dma_wait3A_214 = arith.constant 0 : i32
        %dma_wait3A_215 = tpu.memref_slice %arg8[%add3A_195, %dma_wait3A_214] : memref<10000x128xf32, #tpu.memory_space<vmem_shared>> -> memref<8x128xf32, #tpu.memory_space<vmem_shared>>
        tpu.wait_dma2 semaphore(%run_scoped3A : memref<!tpu.dma_semaphore, #tpu.memory_space<semaphore_mem>>) src(%dma_wait3A_215 : memref<8x128xf32, #tpu.memory_space<vmem_shared>>) dst(%dma_wait3A_213 : memref<8x128xf32, #tpu.memory_space<vmem>>)
        tpu.yield
      }) : () -> ()
      "tpu.region"() ({
        %run_scoped3A = tpu.sem_alloc : memref<!tpu.dma_semaphore, #tpu.memory_space<semaphore_mem>>
        %dma_start3A_196 = arith.constant 0 : i32
        %dma_start3A_197 = arith.constant 0 : i32
        %dma_start3A_198 = tpu.memref_slice %arg4[%dma_start3A_196, %dma_start3A_197] : memref<128x128xf32, #tpu.memory_space<vmem>> -> memref<8x128xf32, #tpu.memory_space<vmem>>
        %dma_start3A_199 = arith.constant 0 : i32
        %dma_start3A_200 = tpu.memref_slice %arg3[%arg0, %add3A_195, %dma_start3A_199] : memref<2x10000x128xf32, #tpu.memory_space<hbm>> -> memref<1x8x128xf32, #tpu.memory_space<hbm>>
        %dma_start3A_201 = tpu.memref_squeeze %dma_start3A_200 : memref<1x8x128xf32, #tpu.memory_space<hbm>> -> memref<8x128xf32, #tpu.memory_space<hbm>>
        %dma_start3A_202 = arith.constant 0 : i32
        %dma_start3A_203 = tpu.memref_slice %arg3[%arg0, %add3A_195, %dma_start3A_202] : memref<2x10000x128xf32, #tpu.memory_space<hbm>> -> memref<1x8x128xf32, #tpu.memory_space<hbm>>
        %dma_start3A_204 = tpu.memref_squeeze %dma_start3A_203 : memref<1x8x128xf32, #tpu.memory_space<hbm>> -> memref<8x128xf32, #tpu.memory_space<hbm>>
        %dma_start3A_205 = arith.constant 0 : i32
        %dma_start3A_206 = arith.constant 0 : i32
        %dma_start3A_207 = tpu.memref_slice %arg4[%dma_start3A_205, %dma_start3A_206] : memref<128x128xf32, #tpu.memory_space<vmem>> -> memref<8x128xf32, #tpu.memory_space<vmem>>
        tpu.enqueue_dma source(%dma_start3A_207 : memref<8x128xf32, #tpu.memory_space<vmem>>) target(%dma_start3A_204 : memref<8x128xf32, #tpu.memory_space<hbm>>) target_semaphore(%run_scoped3A : memref<!tpu.dma_semaphore, #tpu.memory_space<semaphore_mem>>)
        %dma_wait3A_208 = arith.constant 0 : i32
        %dma_wait3A_209 = arith.constant 0 : i32
        %dma_wait3A_210 = tpu.memref_slice %arg4[%dma_wait3A_208, %dma_wait3A_209] : memref<128x128xf32, #tpu.memory_space<vmem>> -> memref<8x128xf32, #tpu.memory_space<vmem>>
        %dma_wait3A_211 = arith.constant 0 : i32
        %dma_wait3A_212 = tpu.memref_slice %arg3[%arg0, %add3A_195, %dma_wait3A_211] : memref<2x10000x128xf32, #tpu.memory_space<hbm>> -> memref<1x8x128xf32, #tpu.memory_space<hbm>>
        %dma_wait3A_213 = tpu.memref_squeeze %dma_wait3A_212 : memref<1x8x128xf32, #tpu.memory_space<hbm>> -> memref<8x128xf32, #tpu.memory_space<hbm>>
        %dma_wait3A_214 = arith.constant 0 : i32
        %dma_wait3A_215 = tpu.memref_slice %arg3[%arg0, %add3A_195, %dma_wait3A_214] : memref<2x10000x128xf32, #tpu.memory_space<hbm>> -> memref<1x8x128xf32, #tpu.memory_space<hbm>>
        %dma_wait3A_216 = tpu.memref_squeeze %dma_wait3A_215 : memref<1x8x128xf32, #tpu.memory_space<hbm>> -> memref<8x128xf32, #tpu.memory_space<hbm>>
        %dma_wait3A_217 = arith.constant 0 : i32
        %dma_wait3A_218 = arith.constant 0 : i32
        %dma_wait3A_219 = tpu.memref_slice %arg4[%dma_wait3A_217, %dma_wait3A_218] : memref<128x128xf32, #tpu.memory_space<vmem>> -> memref<8x128xf32, #tpu.memory_space<vmem>>
        tpu.wait_dma2 semaphore(%run_scoped3A : memref<!tpu.dma_semaphore, #tpu.memory_space<semaphore_mem>>) src(%dma_wait3A_219 : memref<8x128xf32, #tpu.memory_space<vmem>>) dst(%dma_wait3A_216 : memref<8x128xf32, #tpu.memory_space<hbm>>)
        tpu.yield
      }) : () -> ()
    } else {
    }
    return
  }
}

module attributes {stable_mosaic.version = 14 : i64} {
  func.func @body(%arg0: i32, %arg1: memref<2x2000x128xf32, #tpu.memory_space<vmem>>, %arg2: memref<2x2000x128xf32, #tpu.memory_space<vmem>>, %arg3: memref<2000x128xf32, #tpu.memory_space<vmem>>, %arg4: memref<2000x128xf32, #tpu.memory_space<vmem>>, %arg5: memref<128x128xf32, #tpu.memory_space<vmem>>, %arg6: memref<1x128xf32, #tpu.memory_space<vmem>>, %arg7: memref<128x128xf32, #tpu.memory_space<vmem>>, %arg8: memref<256x384xf32, #tpu.memory_space<vmem>>, %arg9: memref<1x256xf32, #tpu.memory_space<vmem>>, %arg10: memref<128x256xf32, #tpu.memory_space<vmem>>, %arg11: memref<1x128xf32, #tpu.memory_space<vmem>>, %arg12: memref<2000x128xf32, #tpu.memory_space<vmem>>) attributes {dimension_semantics = [#tpu.dimension_semantics<arbitrary>], iteration_bounds = array<i64: 5>, scalar_prefetch = 0 : i64, scratch_operands = 0 : i64, tpu.core_type = #tpu.core_type<tc>, window_params = [{transform_indices = @transform_0, window_bounds = array<i64: 2, 2000, 128>}, {transform_indices = @transform_1, window_bounds = array<i64: 2, 2000, 128>}, {transform_indices = @transform_2, window_bounds = array<i64: 2000, 128>}, {transform_indices = @transform_3, window_bounds = array<i64: 2000, 128>}, {pipeline_mode = #tpu.pipeline_mode<synchronous>, transform_indices = @transform_4, window_bounds = array<i64: 128, 128>}, {pipeline_mode = #tpu.pipeline_mode<synchronous>, transform_indices = @transform_5, window_bounds = array<i64: 1, 128>}, {pipeline_mode = #tpu.pipeline_mode<synchronous>, transform_indices = @transform_6, window_bounds = array<i64: 128, 128>}, {pipeline_mode = #tpu.pipeline_mode<synchronous>, transform_indices = @transform_7, window_bounds = array<i64: 256, 384>}, {pipeline_mode = #tpu.pipeline_mode<synchronous>, transform_indices = @transform_8, window_bounds = array<i64: 1, 256>}, {pipeline_mode = #tpu.pipeline_mode<synchronous>, transform_indices = @transform_9, window_bounds = array<i64: 128, 256>}, {pipeline_mode = #tpu.pipeline_mode<synchronous>, transform_indices = @transform_10, window_bounds = array<i64: 1, 128>}, {transform_indices = @transform_11, window_bounds = array<i64: 2000, 128>}]} {
    %get3A = arith.constant 0 : index
    %get3A_0 = arith.constant 0 : index
    %get3A_1 = arith.constant 0 : index
    %get3A_2 = vector.load %arg1[%get3A, %get3A_0, %get3A_1] : memref<2x2000x128xf32, #tpu.memory_space<vmem>>, vector<1x2000x128xf32>
    %get3A_3 = vector.shape_cast %get3A_2 : vector<1x2000x128xf32> to vector<2000x128xf32>
    %get3A_4 = arith.constant 1 : index
    %get3A_5 = arith.constant 0 : index
    %get3A_6 = arith.constant 0 : index
    %get3A_7 = vector.load %arg1[%get3A_4, %get3A_5, %get3A_6] : memref<2x2000x128xf32, #tpu.memory_space<vmem>>, vector<1x2000x128xf32>
    %get3A_8 = vector.shape_cast %get3A_7 : vector<1x2000x128xf32> to vector<2000x128xf32>
    %add3A = arith.addf %get3A_3, %get3A_8 : vector<2000x128xf32>
    %get3A_9 = arith.constant 0 : index
    %get3A_10 = arith.constant 0 : index
    %get3A_11 = arith.constant 0 : index
    %get3A_12 = vector.load %arg2[%get3A_9, %get3A_10, %get3A_11] : memref<2x2000x128xf32, #tpu.memory_space<vmem>>, vector<1x2000x1xf32>
    %get3A_13 = vector.shape_cast %get3A_12 : vector<1x2000x1xf32> to vector<2000x1xf32>
    %get3A_14 = arith.constant 1 : index
    %get3A_15 = arith.constant 0 : index
    %get3A_16 = arith.constant 0 : index
    %get3A_17 = vector.load %arg2[%get3A_14, %get3A_15, %get3A_16] : memref<2x2000x128xf32, #tpu.memory_space<vmem>>, vector<1x2000x1xf32>
    %get3A_18 = vector.shape_cast %get3A_17 : vector<1x2000x1xf32> to vector<2000x1xf32>
    %add3A_19 = arith.addf %get3A_13, %get3A_18 : vector<2000x1xf32>
    %max3A = arith.constant 1.000000e+00 : f32
    %max3A_20 = vector.broadcast %max3A : f32 to vector<2000x1xf32>
    %max3A_21 = arith.maximumf %add3A_19, %max3A_20 : vector<2000x1xf32>
    %div3A = arith.constant 1.000000e+00 : f32
    %div3A_22 = vector.broadcast %div3A : f32 to vector<2000x1xf32>
    %div3A_23 = arith.divf %div3A_22, %max3A_21 : vector<2000x1xf32>
    %mul3A = vector.broadcast %div3A_23 : vector<2000x1xf32> to vector<2000x128xf32>
    %mul3A_24 = arith.mulf %add3A, %mul3A : vector<2000x128xf32>
    %get3A_25 = arith.constant 0 : index
    %get3A_26 = arith.constant 0 : index
    %get3A_27 = vector.load %arg3[%get3A_25, %get3A_26] : memref<2000x128xf32, #tpu.memory_space<vmem>>, vector<2000x128xf32>
    %get3A_28 = arith.constant 0 : index
    %get3A_29 = arith.constant 0 : index
    %get3A_30 = vector.load %arg5[%get3A_28, %get3A_29] : memref<128x128xf32, #tpu.memory_space<vmem>>, vector<128x128xf32>
    %dot_general3A = arith.constant dense<0.000000e+00> : vector<2000x128xf32>
    %dot_general3A_31 = tpu.matmul %mul3A_24, %get3A_30, %dot_general3A {dimension_numbers = #tpu.dot_dimension_numbers<[1], [1], [0], [0], [0, 0, 1, 0], [], []>, transpose_lhs_hint = false} : vector<2000x128xf32>, vector<128x128xf32>, vector<2000x128xf32> -> vector<2000x128xf32>
    %get3A_32 = arith.constant 0 : index
    %get3A_33 = arith.constant 0 : index
    %get3A_34 = vector.load %arg7[%get3A_32, %get3A_33] : memref<128x128xf32, #tpu.memory_space<vmem>>, vector<128x128xf32>
    %dot_general3A_35 = arith.constant dense<0.000000e+00> : vector<2000x128xf32>
    %dot_general3A_36 = tpu.matmul %get3A_27, %get3A_34, %dot_general3A_35 {dimension_numbers = #tpu.dot_dimension_numbers<[1], [1], [0], [0], [0, 0, 1, 0], [], []>, transpose_lhs_hint = false} : vector<2000x128xf32>, vector<128x128xf32>, vector<2000x128xf32> -> vector<2000x128xf32>
    %add3A_37 = arith.addf %dot_general3A_31, %dot_general3A_36 : vector<2000x128xf32>
    %get3A_38 = arith.constant 0 : index
    %get3A_39 = arith.constant 0 : index
    %get3A_40 = vector.load %arg6[%get3A_38, %get3A_39] : memref<1x128xf32, #tpu.memory_space<vmem>>, vector<1x128xf32>
    %add3A_41 = vector.broadcast %get3A_40 : vector<1x128xf32> to vector<2000x128xf32>
    %add3A_42 = arith.addf %add3A_37, %add3A_41 : vector<2000x128xf32>
    %max3A_43 = arith.constant 0.000000e+00 : f32
    %max3A_44 = vector.broadcast %max3A_43 : f32 to vector<2000x128xf32>
    %max3A_45 = arith.maximumf %add3A_42, %max3A_44 : vector<2000x128xf32>
    %get3A_46 = arith.constant 0 : index
    %get3A_47 = arith.constant 0 : index
    %get3A_48 = vector.load %arg8[%get3A_46, %get3A_47] : memref<256x384xf32, #tpu.memory_space<vmem>>, vector<256x384xf32>
    %get3A_49 = arith.constant 0 : index
    %get3A_50 = arith.constant 0 : index
    %get3A_51 = vector.load %arg4[%get3A_49, %get3A_50] : memref<2000x128xf32, #tpu.memory_space<vmem>>, vector<2000x128xf32>
    %slice3A = vector.extract_strided_slice %get3A_48 {offsets = [0, 0], sizes = [256, 128], strides = [1, 1]} : vector<256x384xf32> to vector<256x128xf32>
    %dot_general3A_52 = arith.constant dense<0.000000e+00> : vector<2000x256xf32>
    %dot_general3A_53 = tpu.matmul %get3A_51, %slice3A, %dot_general3A_52 {dimension_numbers = #tpu.dot_dimension_numbers<[1], [1], [0], [0], [0, 0, 1, 0], [], []>, transpose_lhs_hint = false} : vector<2000x128xf32>, vector<256x128xf32>, vector<2000x256xf32> -> vector<2000x256xf32>
    %slice3A_54 = vector.extract_strided_slice %get3A_48 {offsets = [0, 128], sizes = [256, 128], strides = [1, 1]} : vector<256x384xf32> to vector<256x128xf32>
    %dot_general3A_55 = arith.constant dense<0.000000e+00> : vector<2000x256xf32>
    %dot_general3A_56 = tpu.matmul %get3A_27, %slice3A_54, %dot_general3A_55 {dimension_numbers = #tpu.dot_dimension_numbers<[1], [1], [0], [0], [0, 0, 1, 0], [], []>, transpose_lhs_hint = false} : vector<2000x128xf32>, vector<256x128xf32>, vector<2000x256xf32> -> vector<2000x256xf32>
    %add3A_57 = arith.addf %dot_general3A_53, %dot_general3A_56 : vector<2000x256xf32>
    %slice3A_58 = vector.extract_strided_slice %get3A_48 {offsets = [0, 256], sizes = [256, 128], strides = [1, 1]} : vector<256x384xf32> to vector<256x128xf32>
    %dot_general3A_59 = arith.constant dense<0.000000e+00> : vector<2000x256xf32>
    %dot_general3A_60 = tpu.matmul %max3A_45, %slice3A_58, %dot_general3A_59 {dimension_numbers = #tpu.dot_dimension_numbers<[1], [1], [0], [0], [0, 0, 1, 0], [], []>, transpose_lhs_hint = false} : vector<2000x128xf32>, vector<256x128xf32>, vector<2000x256xf32> -> vector<2000x256xf32>
    %add3A_61 = arith.addf %add3A_57, %dot_general3A_60 : vector<2000x256xf32>
    %get3A_62 = arith.constant 0 : index
    %get3A_63 = arith.constant 0 : index
    %get3A_64 = vector.load %arg9[%get3A_62, %get3A_63] : memref<1x256xf32, #tpu.memory_space<vmem>>, vector<1x256xf32>
    %add3A_65 = vector.broadcast %get3A_64 : vector<1x256xf32> to vector<2000x256xf32>
    %add3A_66 = arith.addf %add3A_61, %add3A_65 : vector<2000x256xf32>
    %max3A_67 = arith.constant 0.000000e+00 : f32
    %max3A_68 = vector.broadcast %max3A_67 : f32 to vector<2000x256xf32>
    %max3A_69 = arith.maximumf %add3A_66, %max3A_68 : vector<2000x256xf32>
    %get3A_70 = arith.constant 0 : index
    %get3A_71 = arith.constant 0 : index
    %get3A_72 = vector.load %arg10[%get3A_70, %get3A_71] : memref<128x256xf32, #tpu.memory_space<vmem>>, vector<128x256xf32>
    %dot_general3A_73 = arith.constant dense<0.000000e+00> : vector<2000x128xf32>
    %dot_general3A_74 = tpu.matmul %max3A_69, %get3A_72, %dot_general3A_73 {dimension_numbers = #tpu.dot_dimension_numbers<[1], [1], [0], [0], [0, 0, 1, 0], [], []>, transpose_lhs_hint = false} : vector<2000x256xf32>, vector<128x256xf32>, vector<2000x128xf32> -> vector<2000x128xf32>
    %get3A_75 = arith.constant 0 : index
    %get3A_76 = arith.constant 0 : index
    %get3A_77 = vector.load %arg11[%get3A_75, %get3A_76] : memref<1x128xf32, #tpu.memory_space<vmem>>, vector<1x128xf32>
    %add3A_78 = vector.broadcast %get3A_77 : vector<1x128xf32> to vector<2000x128xf32>
    %add3A_79 = arith.addf %dot_general3A_74, %add3A_78 : vector<2000x128xf32>
    %swap3A = arith.constant 0 : index
    %swap3A_80 = arith.constant 0 : index
    %swap3A_81 = vector.load %arg12[%swap3A, %swap3A_80] : memref<2000x128xf32, #tpu.memory_space<vmem>>, vector<2000x128xf32>
    tpu.vector_store %arg12[%swap3A, %swap3A_80], %add3A_79 {strides = array<i32>} : memref<2000x128xf32, #tpu.memory_space<vmem>>, vector<2000x128xf32>,
    return
  }
  func.func @transform_0(%arg0: i32) -> (i32, i32, i32) {
    %c0_i32 = arith.constant 0 : i32
    %c0_i32_0 = arith.constant 0 : i32
    %c0_i32_1 = arith.constant 0 : i32
    return %c0_i32, %arg0, %c0_i32_0 : i32, i32, i32
  }
  func.func @transform_1(%arg0: i32) -> (i32, i32, i32) {
    %c0_i32 = arith.constant 0 : i32
    %c0_i32_0 = arith.constant 0 : i32
    %c0_i32_1 = arith.constant 0 : i32
    return %c0_i32, %arg0, %c0_i32_0 : i32, i32, i32
  }
  func.func @transform_2(%arg0: i32) -> (i32, i32) {
    %c0_i32 = arith.constant 0 : i32
    %c0_i32_0 = arith.constant 0 : i32
    return %arg0, %c0_i32 : i32, i32
  }
  func.func @transform_3(%arg0: i32) -> (i32, i32) {
    %c0_i32 = arith.constant 0 : i32
    %c0_i32_0 = arith.constant 0 : i32
    return %arg0, %c0_i32 : i32, i32
  }
  func.func @transform_4(%arg0: i32) -> (i32, i32) {
    %c0_i32 = arith.constant 0 : i32
    %c0_i32_0 = arith.constant 0 : i32
    %c0_i32_1 = arith.constant 0 : i32
    return %c0_i32, %c0_i32_0 : i32, i32
  }
  func.func @transform_5(%arg0: i32) -> (i32, i32) {
    %c0_i32 = arith.constant 0 : i32
    %c0_i32_0 = arith.constant 0 : i32
    %c0_i32_1 = arith.constant 0 : i32
    return %c0_i32, %c0_i32_0 : i32, i32
  }
  func.func @transform_6(%arg0: i32) -> (i32, i32) {
    %c0_i32 = arith.constant 0 : i32
    %c0_i32_0 = arith.constant 0 : i32
    %c0_i32_1 = arith.constant 0 : i32
    return %c0_i32, %c0_i32_0 : i32, i32
  }
  func.func @transform_7(%arg0: i32) -> (i32, i32) {
    %c0_i32 = arith.constant 0 : i32
    %c0_i32_0 = arith.constant 0 : i32
    %c0_i32_1 = arith.constant 0 : i32
    return %c0_i32, %c0_i32_0 : i32, i32
  }
  func.func @transform_8(%arg0: i32) -> (i32, i32) {
    %c0_i32 = arith.constant 0 : i32
    %c0_i32_0 = arith.constant 0 : i32
    %c0_i32_1 = arith.constant 0 : i32
    return %c0_i32, %c0_i32_0 : i32, i32
  }
  func.func @transform_9(%arg0: i32) -> (i32, i32) {
    %c0_i32 = arith.constant 0 : i32
    %c0_i32_0 = arith.constant 0 : i32
    %c0_i32_1 = arith.constant 0 : i32
    return %c0_i32, %c0_i32_0 : i32, i32
  }
  func.func @transform_10(%arg0: i32) -> (i32, i32) {
    %c0_i32 = arith.constant 0 : i32
    %c0_i32_0 = arith.constant 0 : i32
    %c0_i32_1 = arith.constant 0 : i32
    return %c0_i32, %c0_i32_0 : i32, i32
  }
  func.func @transform_11(%arg0: i32) -> (i32, i32) {
    %c0_i32 = arith.constant 0 : i32
    %c0_i32_0 = arith.constant 0 : i32
    return %arg0, %c0_i32 : i32, i32
  }
}

module attributes {stable_mosaic.version = 14 : i64} {
  func.func @body(%arg0: i32, %arg1: memref<2x2000x128xf32, #tpu.memory_space<vmem>>, %arg2: memref<2x2000x128xf32, #tpu.memory_space<vmem>>, %arg3: memref<2000x128xf32, #tpu.memory_space<vmem>>, %arg4: memref<128x128xf32, #tpu.memory_space<vmem>>, %arg5: memref<1x128xf32, #tpu.memory_space<vmem>>, %arg6: memref<128x128xf32, #tpu.memory_space<vmem>>, %arg7: memref<2000x128xf32, #tpu.memory_space<vmem>>) attributes {dimension_semantics = [#tpu.dimension_semantics<arbitrary>], iteration_bounds = array<i64: 5>, scalar_prefetch = 0 : i64, scratch_operands = 0 : i64, tpu.core_type = #tpu.core_type<tc>, window_params = [{transform_indices = @transform_0, window_bounds = array<i64: 2, 2000, 128>}, {transform_indices = @transform_1, window_bounds = array<i64: 2, 2000, 128>}, {transform_indices = @transform_2, window_bounds = array<i64: 2000, 128>}, {pipeline_mode = #tpu.pipeline_mode<synchronous>, transform_indices = @transform_3, window_bounds = array<i64: 128, 128>}, {pipeline_mode = #tpu.pipeline_mode<synchronous>, transform_indices = @transform_4, window_bounds = array<i64: 1, 128>}, {pipeline_mode = #tpu.pipeline_mode<synchronous>, transform_indices = @transform_5, window_bounds = array<i64: 128, 128>}, {transform_indices = @transform_6, window_bounds = array<i64: 2000, 128>}]} {
    %get3A = arith.constant 0 : index
    %get3A_0 = arith.constant 0 : index
    %get3A_1 = arith.constant 0 : index
    %get3A_2 = vector.load %arg1[%get3A, %get3A_0, %get3A_1] : memref<2x2000x128xf32, #tpu.memory_space<vmem>>, vector<1x2000x128xf32>
    %get3A_3 = vector.shape_cast %get3A_2 : vector<1x2000x128xf32> to vector<2000x128xf32>
    %get3A_4 = arith.constant 1 : index
    %get3A_5 = arith.constant 0 : index
    %get3A_6 = arith.constant 0 : index
    %get3A_7 = vector.load %arg1[%get3A_4, %get3A_5, %get3A_6] : memref<2x2000x128xf32, #tpu.memory_space<vmem>>, vector<1x2000x128xf32>
    %get3A_8 = vector.shape_cast %get3A_7 : vector<1x2000x128xf32> to vector<2000x128xf32>
    %add3A = arith.addf %get3A_3, %get3A_8 : vector<2000x128xf32>
    %get3A_9 = arith.constant 0 : index
    %get3A_10 = arith.constant 0 : index
    %get3A_11 = arith.constant 0 : index
    %get3A_12 = vector.load %arg2[%get3A_9, %get3A_10, %get3A_11] : memref<2x2000x128xf32, #tpu.memory_space<vmem>>, vector<1x2000x1xf32>
    %get3A_13 = vector.shape_cast %get3A_12 : vector<1x2000x1xf32> to vector<2000x1xf32>
    %get3A_14 = arith.constant 1 : index
    %get3A_15 = arith.constant 0 : index
    %get3A_16 = arith.constant 0 : index
    %get3A_17 = vector.load %arg2[%get3A_14, %get3A_15, %get3A_16] : memref<2x2000x128xf32, #tpu.memory_space<vmem>>, vector<1x2000x1xf32>
    %get3A_18 = vector.shape_cast %get3A_17 : vector<1x2000x1xf32> to vector<2000x1xf32>
    %add3A_19 = arith.addf %get3A_13, %get3A_18 : vector<2000x1xf32>
    %max3A = arith.constant 1.000000e+00 : f32
    %max3A_20 = vector.broadcast %max3A : f32 to vector<2000x1xf32>
    %max3A_21 = arith.maximumf %add3A_19, %max3A_20 : vector<2000x1xf32>
    %div3A = arith.constant 1.000000e+00 : f32
    %div3A_22 = vector.broadcast %div3A : f32 to vector<2000x1xf32>
    %div3A_23 = arith.divf %div3A_22, %max3A_21 : vector<2000x1xf32>
    %mul3A = vector.broadcast %div3A_23 : vector<2000x1xf32> to vector<2000x128xf32>
    %mul3A_24 = arith.mulf %add3A, %mul3A : vector<2000x128xf32>
    %get3A_25 = arith.constant 0 : index
    %get3A_26 = arith.constant 0 : index
    %get3A_27 = vector.load %arg4[%get3A_25, %get3A_26] : memref<128x128xf32, #tpu.memory_space<vmem>>, vector<128x128xf32>
    %dot_general3A = arith.constant dense<0.000000e+00> : vector<2000x128xf32>
    %dot_general3A_28 = tpu.matmul %mul3A_24, %get3A_27, %dot_general3A {dimension_numbers = #tpu.dot_dimension_numbers<[1], [1], [0], [0], [0, 0, 1, 0], [], []>, transpose_lhs_hint = false} : vector<2000x128xf32>, vector<128x128xf32>, vector<2000x128xf32> -> vector<2000x128xf32>
    %get3A_29 = arith.constant 0 : index
    %get3A_30 = arith.constant 0 : index
    %get3A_31 = vector.load %arg3[%get3A_29, %get3A_30] : memref<2000x128xf32, #tpu.memory_space<vmem>>, vector<2000x128xf32>
    %get3A_32 = arith.constant 0 : index
    %get3A_33 = arith.constant 0 : index
    %get3A_34 = vector.load %arg6[%get3A_32, %get3A_33] : memref<128x128xf32, #tpu.memory_space<vmem>>, vector<128x128xf32>
    %dot_general3A_35 = arith.constant dense<0.000000e+00> : vector<2000x128xf32>
    %dot_general3A_36 = tpu.matmul %get3A_31, %get3A_34, %dot_general3A_35 {dimension_numbers = #tpu.dot_dimension_numbers<[1], [1], [0], [0], [0, 0, 1, 0], [], []>, transpose_lhs_hint = false} : vector<2000x128xf32>, vector<128x128xf32>, vector<2000x128xf32> -> vector<2000x128xf32>
    %add3A_37 = arith.addf %dot_general3A_28, %dot_general3A_36 : vector<2000x128xf32>
    %get3A_38 = arith.constant 0 : index
    %get3A_39 = arith.constant 0 : index
    %get3A_40 = vector.load %arg5[%get3A_38, %get3A_39] : memref<1x128xf32, #tpu.memory_space<vmem>>, vector<1x128xf32>
    %add3A_41 = vector.broadcast %get3A_40 : vector<1x128xf32> to vector<2000x128xf32>
    %add3A_42 = arith.addf %add3A_37, %add3A_41 : vector<2000x128xf32>
    %max3A_43 = arith.constant 0.000000e+00 : f32
    %max3A_44 = vector.broadcast %max3A_43 : f32 to vector<2000x128xf32>
    %max3A_45 = arith.maximumf %add3A_42, %max3A_44 : vector<2000x128xf32>
    %swap3A = arith.constant 0 : index
    %swap3A_46 = arith.constant 0 : index
    %swap3A_47 = vector.load %arg7[%swap3A, %swap3A_46] : memref<2000x128xf32, #tpu.memory_space<vmem>>, vector<2000x128xf32>
    tpu.vector_store %arg7[%swap3A, %swap3A_46], %max3A_45 {strides = array<i32>} : memref<2000x128xf32, #tpu.memory_space<vmem>>, vector<2000x128xf32>,
    return
  }
  func.func @transform_0(%arg0: i32) -> (i32, i32, i32) {
    %c0_i32 = arith.constant 0 : i32
    %c0_i32_0 = arith.constant 0 : i32
    %c0_i32_1 = arith.constant 0 : i32
    return %c0_i32, %arg0, %c0_i32_0 : i32, i32, i32
  }
  func.func @transform_1(%arg0: i32) -> (i32, i32, i32) {
    %c0_i32 = arith.constant 0 : i32
    %c0_i32_0 = arith.constant 0 : i32
    %c0_i32_1 = arith.constant 0 : i32
    return %c0_i32, %arg0, %c0_i32_0 : i32, i32, i32
  }
  func.func @transform_2(%arg0: i32) -> (i32, i32) {
    %c0_i32 = arith.constant 0 : i32
    %c0_i32_0 = arith.constant 0 : i32
    return %arg0, %c0_i32 : i32, i32
  }
  func.func @transform_3(%arg0: i32) -> (i32, i32) {
    %c0_i32 = arith.constant 0 : i32
    %c0_i32_0 = arith.constant 0 : i32
    %c0_i32_1 = arith.constant 0 : i32
    return %c0_i32, %c0_i32_0 : i32, i32
  }
  func.func @transform_4(%arg0: i32) -> (i32, i32) {
    %c0_i32 = arith.constant 0 : i32
    %c0_i32_0 = arith.constant 0 : i32
    %c0_i32_1 = arith.constant 0 : i32
    return %c0_i32, %c0_i32_0 : i32, i32
  }
  func.func @transform_5(%arg0: i32) -> (i32, i32) {
    %c0_i32 = arith.constant 0 : i32
    %c0_i32_0 = arith.constant 0 : i32
    %c0_i32_1 = arith.constant 0 : i32
    return %c0_i32, %c0_i32_0 : i32, i32
  }
  func.func @transform_6(%arg0: i32) -> (i32, i32) {
    %c0_i32 = arith.constant 0 : i32
    %c0_i32_0 = arith.constant 0 : i32
    return %arg0, %c0_i32 : i32, i32
  }
}

</mosaic_0001>

<sc_bundles>
// kernel: kernel.12.cloned.1.call-start
scs
__scs_entry_jumppad:
0x0: {  	(pc) =	sbr.rel $0x88, $3  }
0x1: {  	(tag) =	ssettag $0x0;
	lr =	simm.s32 $0x1  }
0x2: {  	[smem:$0x3F92] =	sst lr;
	_ =	strace $0xD0000000  }
0x3: {  	_ = 	snop  }
0x4: {  	_ = 	snop  }
0x5: {  	_ = 	snop  }
0x6: {  	_ = 	snop  }
0x7: {  	_ = 	snop  }
__scs_overlays_trampoline_lowered:
0x8: {  	[smem:$0x3FA1] =	sst s0  }
0x9: {  	[smem:$0x3FA2] =	sst s1  }
0xa: {  	[smem:$0x3FA3] =	sst s2  }
0xb: {  	[smem:$0x3FA4] =	sst s3  }
0xc: {  	[smem:$0x3FA5] =	sst s4  }
0xd: {  	[smem:$0x3FA6] =	sst s5  }
0xe: {  	[smem:$0x3FA7] =	sst s6  }
0xf: {  	[smem:$0x3FA8] =	sst s7  }
0x10: {  	[smem:$0x3FA9] =	sst s8  }
0x11: {  	[smem:$0x3FAA] =	sst s9;
	s0 =	simm.s32 @!p0 $0x0  }
0x12: {  	s1 =	sld [smem:$0x3F90];
	s0 =	simm.s32 @p0 $0x1  }
0x13: {  	[smem:$0x3FAB] =	sst s0;
	s0 =	simm.s32 @!p1 $0x0  }
0x14: {  	s2 =	sld [smem:$0x3F8F];
	s0 =	simm.s32 @p1 $0x1  }
0x15: {  	[smem:$0x3FAC] =	sst s0;
	s0 =	simm.s32 @!p2 $0x0  }
0x16: {  	s3 =	sld [smem:$0x3FDB];
	s0 =	simm.s32 @p2 $0x1  }
0x17: {  	s4 =	simm.s32 $0x1BF5;
	[smem:$0x3FAE] =	sst s0  }
0x18: {  	s0 =	sld [smem:$0x3F91];
	_ =	swait.ge [sflag:s4], $0x0  }
0x19: {  	s7 =	sld [smem:$0x3F92]  }
0x1a: {  	s8 =	sadd.s32 $0xFFFFE003, lr  }
0x1b: {  	s9 =	sadd.s32 $0xFFFFFEF7, lr;
	s5 =	simm.s32 $0xFFFFFFFF;
	p2 =	slt.u32 s8, $0xFFFFF086  }
0x1c: {  	p1 =	slt.u32 s9, $0xF7A;
	s5 =	simm.s32 @!p2 $0x0  }
0x1d: {  	s5 =	simm.s32 @p1 $0x1;
	p0 =	seq.s32 s7, s2  }
0x1e: {  	s7 =	smul.u32 @!p0 $0xF7A, s2;
	p2 =	seq.s32 @!p0 s5, $0x0  }
0x1f: {  	s9 =	smul.u32 $0xF7A, s1;
	s8 =	simm.s32 @!p0 $0x1BF5;
	p2 =	por !p2, p0  }
0x20: {  	[sflag:s8] =	ssyncset.s32 @!p0 $0xFFFFF086;
	s6 =	sadd.s32 @!p0 s3, s7;
	s7 =	simm.s32 @!p0 $0x108  }
0x21: {  	s3 =	sadd.s32 s3, s9;
	s6 =	sadd.s32 @!p0 $0x88, s6;
	s7 =	simm.s32 @p2 $0x1082  }
0x22: {  	[simem:s7], [sflag:s8] =	dma.local @!p0 [hbm:s6], $0xF7A  }
0x23: {  	s9 =	sor.u32 $0xD0000000, s2;
	s6 =	simm.s32 $0x108;
	_ =	swait.ge @!p0 [sflag:s8], $0x0  }
0x24: {  	s3 =	sadd.s32 $0x88, s3;
	s6 =	simm.s32 @!p1 $0x1082;
	[sflag:s4] =	ssyncset.s32 $0xFFFFF086  }
0x25: {  	[simem:s6], [sflag:s4] =	dma.local [hbm:s3], $0xF7A  }
0x26: {  	[smem:$0x3F92] =	sst s1;
	(tag) =	ssettag s2;
	_ =	strace s9  }
0x27: {  	s1 =	sld [smem:$0x3FA2]  }
0x28: {  	s2 =	sld [smem:$0x3FA3]  }
0x29: {  	s4 =	sld [smem:$0x3FA5]  }
0x2a: {  	p0 =	seq.s32 s5, $0x0;
	s5 =	sld [smem:$0x3FA6]  }
0x2b: {  	s6 =	sld [smem:$0x3FA7]  }
0x2c: {  	s7 =	sld [smem:$0x3FA8]  }
0x2d: {  	s3 =	simm.s32 $0x108;
	s8 =	sld [smem:$0x3FA9]  }
0x2e: {  	s3 =	simm.s32 @!p0 $0x1082;
	s9 =	sld [smem:$0x3FAA]  }
0x2f: {  	lr =	sadd.s32 s0, s3;
	s0 =	sld [smem:$0x3FA1]  }
0x30: {  	s3 =	sld [smem:$0x3FA4]  }
0x31: {  	[smem:$0x3FAD] =	sst s10  }
0x32: {  	s10 =	sld [smem:$0x3FAB];
	_ =	sdelay $0x3  }
0x33: {  	p0 =	seq.s32 s10, $0x1;
	s10 =	sld [smem:$0x3FAD];
	_ =	sdelay $0x3  }
0x34: {  	[smem:$0x3FAD] =	sst s10  }
0x35: {  	s10 =	sld [smem:$0x3FAC];
	_ =	sdelay $0x3  }
0x36: {  	p1 =	seq.s32 s10, $0x1;
	s10 =	sld [smem:$0x3FAD];
	_ =	sdelay $0x3  }
0x37: {  	[smem:$0x3FAD] =	sst s10  }
0x38: {  	s10 =	sld [smem:$0x3FAE]  }
0x39: {  	_ = 	snop;
	(pc) =	sbr.ind lr, $3  }
0x3a: {  	_ = 	snop  }
0x3b: {  	_ = 	snop  }
0x3c: {  	p2 =	seq.s32 s10, $0x1;
	s10 =	sld [smem:$0x3FAD]  }
0x3d: {  	_ =	shalt  }
0x3e: {  	_ =	shalt  }
0x3f: {  	_ =	shalt  }
0x40: {  	_ =	shalt  }
0x41: {  	_ =	shalt  }
0x42: {  	_ =	shalt  }
0x43: {  	_ =	shalt  }
0x44: {  	_ =	shalt  }
0x45: {  	_ =	shalt  }
0x46: {  	_ =	shalt  }
0x47: {  	_ =	shalt  }
0x48: {  	_ =	shalt  }
0x49: {  	_ =	shalt  }
0x4a: {  	_ =	shalt  }
0x4b: {  	_ =	shalt  }
0x4c: {  	_ =	shalt  }
0x4d: {  	_ =	shalt  }
0x4e: {  	_ =	shalt  }
0x4f: {  	_ =	shalt  }
0x50: {  	_ =	shalt  }
0x51: {  	_ =	shalt  }
0x52: {  	_ =	shalt  }
0x53: {  	_ =	shalt  }
0x54: {  	_ =	shalt  }
0x55: {  	_ =	shalt  }
0x56: {  	_ =	shalt  }
0x57: {  	_ =	shalt  }
0x58: {  	_ =	shalt  }
0x59: {  	_ =	shalt  }
0x5a: {  	_ =	shalt  }
0x5b: {  	_ =	shalt  }
0x5c: {  	_ =	shalt  }
0x5d: {  	_ =	shalt  }
0x5e: {  	_ =	shalt  }
0x5f: {  	_ =	shalt  }
0x60: {  	_ =	shalt  }
0x61: {  	_ =	shalt  }
0x62: {  	_ =	shalt  }
0x63: {  	_ =	shalt  }
0x64: {  	_ =	shalt  }
0x65: {  	_ =	shalt  }
0x66: {  	_ =	shalt  }
0x67: {  	_ =	shalt  }
0x68: {  	_ =	shalt  }
0x69: {  	_ =	shalt  }
0x6a: {  	_ =	shalt  }
0x6b: {  	_ =	shalt  }
0x6c: {  	_ =	shalt  }
0x6d: {  	_ =	shalt  }
0x6e: {  	_ =	shalt  }
0x6f: {  	_ =	shalt  }
0x70: {  	_ =	shalt  }
0x71: {  	_ =	shalt  }
0x72: {  	_ =	shalt  }
0x73: {  	_ =	shalt  }
0x74: {  	_ =	shalt  }
0x75: {  	_ =	shalt  }
0x76: {  	_ =	shalt  }
0x77: {  	_ =	shalt  }
0x78: {  	_ =	shalt  }
0x79: {  	_ =	shalt  }
0x7a: {  	_ =	shalt  }
0x7b: {  	_ =	shalt  }
0x7c: {  	_ =	shalt  }
0x7d: {  	_ =	shalt  }
0x7e: {  	_ =	shalt  }
0x7f: {  	_ =	shalt  }
0x80: {  	_ =	shalt  }
0x81: {  	_ =	shalt  }
0x82: {  	_ =	shalt  }
0x83: {  	_ =	shalt  }
0x84: {  	_ =	shalt  }
0x85: {  	_ =	shalt  }
0x86: {  	_ =	shalt  }
0x87: {  	_ =	shalt  }
.Lfunc_end0:
.L_simem_size_0:
called_computation.1_lowered:
.L_overlay_start_0:
0x88: {  	s2 =	sld [smem:$0x3FD9]  }
0x89: {  	s3 =	sld [smem:$0x3FFE];
	_ =	sdelay $0x1  }
0x8a: {  	s1 =	srdreg.scid  }
0x8b: {  	s0 =	sand.u32 $0x1, s1  }
0x8c: {  	s17 =	sshll.u32 s0, $0xA;
	s2 =	sadd.s32 s3, s2  }
0x8d: {  	s2 =	sadd.s32 s2, s17  }
0x8e: {  	[smem:$0x3FB9] =	sst s2  }
0x8f: {  	_ = 	snop  }
0x90: {  	s2 =	sld [smem:$0x3FC9];
	(tm) =	ssettm $0x1  }
0x91: {  	s18 =	sld [smem:$0x3FFB];
	_ =	sdelay $0x3  }
0x92: {  	_ =	strace s18  }
0x93: {  	s3 =	sld [smem:$0x3FFC];
	_ =	sdelay $0x3  }
0x94: {  	_ =	strace s3  }
0x95: {  	s3 =	sld [smem:$0x3FFD];
	_ =	sdelay $0x3  }
0x96: {  	_ =	strace s3  }
0x97: {  	_ =	strace $0x8FFFFFFF  }
0x98: {  	s19 =	sld [smem:$0x3FDB];
	_ =	sdelay $0x1  }
0x99: {  	s4 =	simm.s32 $_scs_section_size  }
0x9a: {  	s5 =	simm.s32 $_size__tile_overlayer_lowered;
	s6 =	simm.s32 $_tile_overlayer_lowered  }
0x9b: {  	s22 =	simm.s32 $0x1BFF;
	s21 =	sshll.u32 s6, $0x1;
	s3 =	sadd.s32 s4, s19  }
0x9c: {  	s7 =	simm.s32 $0x0;
	s20 =	sshll.u32 s5, $0x1;
	s5 =	sadd.s32 s21, s3  }
0x9d: {  	[timem:s7], [sflag:s22] =	dma.local [hbm:s5], s20  }
0x9e: {  	_ =	swait.ge [sflag:s22], s20  }
0x9f: {  	s4 =	ssub.s32 $0x0, s20;
	[sflag:s22] =	ssyncset.done $0x0  }
0xa0: {  	[sflag:s22] =	ssyncadd.s32 s4;
	_ =	sdelay $0x1  }
0xa1: {  	s23 =	simm.s32 $0x1B8B  }
0xa2: {  	_ =	swait.ge [sflag:s23], $0x1  }
0xa3: {  	[sflag:s23] =	ssyncset.done $0x0  }
0xa4: {  	s25 =	simm.s32 $0x1B8E;
	s24 =	sld [smem:$0x3FFE];
	[sflag:s23] =	ssyncadd.s32 $0xFFFFFFFF  }
0xa5: {  	s26 =	simm.s32 $execute0_lowered;
	[smem:$0x3FD2] =	sst s25  }
0xa6: {  	s5 =	sshll.u32 s26, $0x1;
	_ =	strace $0x80000046;
	[dreg:$0x1] =	wrdreg $0xFFFFFFFF  }
0xa7: {  	s28 =	simm.s32 $_size_execute0_lowered;
	s3 =	sadd.s32 s3, s5;
	[dreg:$0x0] =	wrdreg $0x0  }
0xa8: {  	s5 =	sshll.u32 s28, $0x1;
	[dreg:$0x2] =	wrdreg s3  }
0xa9: {  	[dreg:$0x3] =	wrdreg s5  }
0xaa: {  	[dreg:$0x4] =	wrdreg $0xC0  }
0xab: {  	_ =	task [dreg:s7], $0x5FFFF  }
0xac: {  	[dreg:$0x1] =	wrdreg $0xFFFFFFFF  }
0xad: {  	[dreg:$0x0] =	wrdreg $0x60  }
0xae: {  	[dreg:$0x2] =	wrdreg s2  }
0xaf: {  	[dreg:$0x3] =	wrdreg s24  }
0xb0: {  	[dreg:$0x4] =	wrdreg $0x83000  }
0xb1: {  	[dreg:$0x5] =	wrdreg $0xA  }
0xb2: {  	_ =	task.clear_ibuf [dreg:s7], $0x6FFFF;
	_ =	strace $0x90000046  }
0xb3: {  	s29 =	simm.s32 $0xA;
	_ =	strace $0x80000048  }
0xb4: {  	_ =	swait.ge [sflag:s29], $0x1  }
0xb5: {  	[sflag:s29] =	ssyncadd.s32 $0xFFFFFFFF  }
0xb6: {  	_ =	strace $0x90000048  }
0xb7: {  	_ =	sfence  }
0xb8: {  	s30 =	sld [smem:$0x0];
	_ =	sdelay $0x2  }
0xb9: {  	s31 =	sshll.u32 s1, $0xD;
	s1 =	sshrl.u32 s1, $0x2  }
0xba: {  	s3 =	sand.u32 $0x4000, s31;
	s1 =	sadd.s32 s1, s30  }
0xbb: {  	s0 =	sor.u32 s3, s0;
	s1 =	sshll.u32 s1, $0x11  }
0xbc: {  	s0 =	sor.u32 s1, s0  }
0xbd: {  	s0 =	sadd.s32 $0x8F2B, s0  }
0xbe: {  	[sflag:s0] =	ssyncadd.remote.s32 $0x1  }
0xbf: {  	_ =	sfence.sel $0xFFFF  }
0xc0: {  	[dreg:$0x0] =	wrdreg $0xFFFFFFFF;
	(pc) =	sbr.abs _section_cstart, $3  }
0xc1: {  	[dreg:$0x1] =	wrdreg $0xFFFFFFFF  }
0xc2: {  	_ =	task.clear_ibuf [dreg:s7], $0x2FFFF;
	_ =	strace $0x9FFFFFFF  }
0xc3: {  	(tm) =	ssettm $0x7FFFFFFF  }
tec
execute0_lowered:
.L_overlay_start_1:
0x0: {  	(tag) =	ssettag $0x1  }
0x1: {  	s1 =	rddreg [dreg:$0x0]  }
0x2: {  	s0 =	rddreg [dreg:$0x1]  }
0x3: {  	s2 =	rddreg [dreg:$0x2];
	s4 =	simm.s32 $0x0;
	s3 =	srdreg.scid  }
0x4: {  	s22 =	stileid.u32;
	s31 =	simm.s32 $0x300;
	[smem:$0x7FF] =	sst s4  }
0x5: {  	s3 =	sand.u32 $0x1, s3;
	s5 =	sadd.s32 $0xD600, s0;
	s8 =	smul.u32 $0x2710, s22  }
0x6: {  	s6 =	sadd.s32 $0x3800, s0;
	s10 =	smul.u32 $0x4E000, s22;
	s0 =	sadd.s32 $0x17400, s0  }
0x7: {  	s12 =	smul.u32 $0x13800, s22;
	s19 =	sshll.u32 s22, $0xA;
	p0 =	sgt.u32 s22, $0x1  }
0x8: {  	s22 =	simm.s32 $0x0;
	s7 =	smul.u32 $0x27100, s3;
	_ =	strace $0x80000047  }
0x9: {  	s9 =	ssub.s32 $0x2, s3;
	s20 =	sadd.s32 s19, s2;
	s3 =	smul.u32 $0x138800, s3  }
0xa: {  	s11 =	sshrl.u32 s9, $0x1;
	s25 =	sshrl.u32 s10, $0x2;
	s15 =	sadd.s32 $0x4000, s12  }
0xb: {  	s16 =	sadd.s32 $0x8000, s12;
	s17 =	sadd.s32 $0xC000, s12;
	s18 =	sadd.s32 $0x10000, s12  }
0xc: {  	s20 =	sadd.s32 $0x138000, s20;
	s13 =	ssub.s32 s9, s11;
	s14 =	sadd.s32 s8, s7  }
0xd: {  	s7 =	sadd.s32 s25, s2;
	s8 =	sadd.s32 s15, s2;
	s9 =	sadd.s32 s16, s2  }
0xe: {  	s10 =	sadd.s32 s17, s2;
	s11 =	sadd.s32 s18, s2;
	[dreg:$0x4] =	wrdreg s20  }
0xf: {  	s12 =	sadd.s32 s12, s3;
	s15 =	sadd.s32 s3, s15;
	s16 =	sadd.s32 s3, s16  }
0x10: {  	s24 =	sadd.s32 s3, s17;
	s25 =	sor.u32 $0x138000, s19;
	s21 =	sshrl.u32 s14, $0x3  }
0x11: {  	s12 =	sshrl.u32 s12, $0x3;
	s15 =	sshrl.u32 s15, $0x3;
	s26 =	sadd.s32 s5, s21  }
0x12: {  	s23 =	sshrl.u32 s16, $0x3;
	s12 =	sadd.s32 s0, s12;
	[dreg:$0x5] =	wrdreg s26  }
0x13: {  	s30 =	sadd.s32 $0x100, s14;
	s15 =	sadd.s32 s0, s15;
	[dreg:$0x6] =	wrdreg s12  }
0x14: {  	s16 =	simm.s32 $0x4300;
	s20 =	sadd.s32 $0x10, s21;
	[dreg:$0x7] =	wrdreg s15  }
0x15: {  	s12 =	sadd.s32 s0, s23;
	s26 =	sadd.s32 s3, s18;
	s3 =	sadd.s32 s3, s25  }
0x16: {  	s18 =	sadd.s32 s5, s20;
	s19 =	sadd.s32 s6, s20;
	s20 =	sadd.s32 s6, s21  }
0x17: {  	s21 =	sadd.s32 $0x4E0, s21;
	s25 =	sadd.s32 s25, s2;
	[dreg:$0x8] =	wrdreg s12  }
0x18: {  	s15 =	simm.s32 $0x4;
	s12 =	sshrl.u32 s24, $0x3;
	[dreg:$0xc] =	wrdreg s18  }
0x19: {  	s17 =	sshrl.u32 s26, $0x3;
	s3 =	sshrl.u32 s3, $0x3;
	[dreg:$0xd] =	wrdreg s19  }
0x1a: {  	[dreg:$0xe] =	wrdreg s20;
	s23 =	sadd.s32 s5, s21;
	s24 =	sadd.s32 $0x180, s14  }
0x1b: {  	[dreg:$0x11] =	wrdreg s25;
	s26 =	smax.u32 s13, $0x1;
	s13 =	simm.s32 $0x100  }
0x1c: {  	s14 =	simm.s32 $0x180;
	s18 =	simm.s32 $0x2;
	[dreg:$0xf] =	wrdreg s23  }
0x1d: {  	s20 =	simm.s32 $0x280;
	s12 =	sadd.s32 s0, s12;
	[dreg:$0x12] =	wrdreg s26  }
0x1e: {  	[dreg:$0x9] =	wrdreg s12;
	s12 =	sadd.s32 s0, s17;
	s0 =	sadd.s32 s0, s3  }
0x1f: {  	s3 =	simm.s32 $0x80;
	s17 =	simm.s32 $0x5;
	[dreg:$0xa] =	wrdreg s12  }
0x20: {  	[dreg:$0xb] =	wrdreg s0;
	s0 =	sadd.s32 s6, s21;
	s12 =	simm.s32 $0x3  }
0x21: {  	s21 =	simm.s32 $0x10;
	[dreg:$0x10] =	wrdreg s0;
	s0 =	sshrl.u32 s24, $0x3  }
0x22: {  	v0 =	vimm.f32 $0.0e+00;
	s28 =	sadd.s32 s0, s6;
	s29 =	sadd.s32 s0, s5;
	s0 =	simm.s32 $0x1  }
.LBB2_1:
0x23: {  	s23 =	simm.s32 $0x0;
	s24 =	simm.s32 $0x200  }
.LBB2_2:
0x24: {  	p1 =	sne.s32 s24, $0xFE00;
	[tilespmem:s23+$0x370] =	vst v0  }
0x25: {  	[tilespmem:s23+$0x300] =	vst v0  }
0x26: {  	[tilespmem:s23+$0x310] =	vst v0  }
.Ltmp0:
0x27: {  	[tilespmem:s23+$0x320] =	vst v0;
	(pc) =	sbr.rel @p1 .LBB2_2-.Ltmp0, $4  }
0x28: {  	[tilespmem:s23+$0x330] =	vst v0  }
0x29: {  	[tilespmem:s23+$0x340] =	vst v0  }
0x2a: {  	[tilespmem:s23+$0x350] =	vst v0  }
0x2b: {  	[tilespmem:s23+$0x360] =	vst v0;
	s23 =	sshra.s32 s24, $0x2;
	s24 =	sadd.s32 $0x200, s24  }
0x2c: {  	[tilespmem:s23+$0x370] =	vst v0  }
0x2d: {  	[tilespmem:s23+$0x300] =	vst v0  }
0x2e: {  	[tilespmem:s23+$0x310] =	vst v0  }
0x2f: {  	[tilespmem:s23+$0x320] =	vst v0  }
0x30: {  	[tilespmem:s23+$0x330] =	vst v0  }
0x31: {  	[tilespmem:s23+$0x340] =	vst v0  }
0x32: {  	[tilespmem:s23+$0x350] =	vst v0  }
0x33: {  	[tilespmem:s23+$0x360] =	vst v0  }
0x34: {  	[spmem:s7] =	stream.linear.scatter [tilespmem:s31], [sflag:$0x1], $0x4000, $0x38;
	[tilespmem:$0x1BB80] =	vst v63  }
0x35: {  	_ = 	snop  }
0x36: {  	[spmem:s8] =	stream.linear.scatter [tilespmem:s31], [sflag:$0x1], $0x4000, $0x38;
	[tilespmem:$0x1BB80] =	vst v63  }
0x37: {  	_ = 	snop  }
0x38: {  	[spmem:s9] =	stream.linear.scatter [tilespmem:s31], [sflag:$0x1], $0x4000, $0x38;
	[tilespmem:$0x1BB80] =	vst v63  }
0x39: {  	_ = 	snop  }
0x3a: {  	[spmem:s10] =	stream.linear.scatter [tilespmem:s31], [sflag:$0x1], $0x4000, $0x38;
	[tilespmem:$0x1BB80] =	vst v63  }
0x3b: {  	_ = 	snop  }
0x3c: {  	[spmem:s11] =	stream.linear.scatter [tilespmem:s31], [sflag:$0x1], $0x3800, $0x38;
	[tilespmem:$0x1BB80] =	vst v63  }
0x3d: {  	s23 =	simm.s32 @!p0 $0x300;
	s19 =	rddreg [dreg:$0x4]  }
0x3e: {  	[spmem:s19] =	stream.linear.scatter @!p0 [tilespmem:s23], [sflag:$0x1], $0x400, $0x38;
	[tilespmem:$0x1BB80] =	vst v63  }
0x3f: {  	_ =	swait.ge [sflag:s0], $0x4000  }
0x40: {  	[sflag:s0] =	ssyncset.done $0x0  }
0x41: {  	[sflag:s0] =	ssyncadd.s32 $0xFFFFC000  }
0x42: {  	_ =	swait.ge [sflag:s0], $0x4000  }
0x43: {  	[sflag:s0] =	ssyncset.done $0x0  }
0x44: {  	[sflag:s0] =	ssyncadd.s32 $0xFFFFC000  }
0x45: {  	_ =	swait.ge [sflag:s0], $0x4000  }
0x46: {  	[sflag:s0] =	ssyncset.done $0x0  }
0x47: {  	[sflag:s0] =	ssyncadd.s32 $0xFFFFC000  }
0x48: {  	_ =	swait.ge [sflag:s0], $0x4000  }
0x49: {  	[sflag:s0] =	ssyncset.done $0x0  }
0x4a: {  	[sflag:s0] =	ssyncadd.s32 $0xFFFFC000  }
0x4b: {  	_ =	swait.ge [sflag:s0], $0x3800  }
0x4c: {  	[sflag:s0] =	ssyncset.done $0x0  }
0x4d: {  	s23 =	simm.s32 @!p0 $0x1;
	[sflag:s0] =	ssyncadd.s32 $0xFFFFC800  }
0x4e: {  	_ =	swait.ge @!p0 [sflag:s23], $0x400  }
0x4f: {  	[sflag:s23] =	ssyncset.done @!p0 $0x0  }
0x50: {  	[sflag:s23] =	ssyncadd.s32 @!p0 $0xFFFFFC00  }
0x51: {  	[bflag:$0x0] =	sbarrier.arrive $0xFFFF  }
0x52: {  	s23 =	simm.s32 $0x0;
	s24 =	rddreg [dreg:$0x5]  }
0x53: {  	[tilespmem:s23], [sflag:$0x3] =	stream.linear.gather [hbm4b:s24+s23], $0x80, $0x38;
	[tilespmem:$0x1BB80] =	vst v63  }
0x54: {  	s25 =	rddreg [dreg:$0xe]  }
0x55: {  	[tilespmem:s3], [sflag:$0x3] =	stream.linear.gather [hbm4b:s25+s23], $0x80, $0x38;
	[tilespmem:$0x1BB80] =	vst v63  }
0x56: {  	_ =	swait.ge [sflag:s12], $0x80  }
0x57: {  	[sflag:s12] =	ssyncset.done $0x0  }
0x58: {  	[sflag:s12] =	ssyncadd.s32 $0xFFFFFF80  }
0x59: {  	_ =	swait.ge [sflag:s12], $0x80  }
0x5a: {  	[sflag:s12] =	ssyncset.done $0x0  }
0x5b: {  	[sflag:s12] =	ssyncadd.s32 $0xFFFFFF80  }
0x5c: {  	[tilespmem:s31], [sflag:$0x1] =	stream.indirect.gather [hbm4b:s1+s3], $0x80, s23, s3, $0xb8;
	[tilespmem:$0x1BB80] =	vst v63  }
0x5d: {  	s26 =	rddreg [dreg:$0xc]  }
0x5e: {  	[tilespmem:s13], [sflag:$0x4] =	stream.linear.gather [hbm4b:s26+s23], $0x80, $0x38;
	[tilespmem:$0x1BB80] =	vst v63  }
0x5f: {  	s24 =	rddreg [dreg:$0xd]  }
0x60: {  	[tilespmem:s14], [sflag:$0x4] =	stream.linear.gather [hbm4b:s24+s23], $0x80, $0x38;
	[tilespmem:$0x1BB80] =	vst v63  }
0x61: {  	_ =	swait.ge [sflag:s15], $0x80  }
0x62: {  	[sflag:s15] =	ssyncset.done $0x0  }
0x63: {  	[sflag:s15] =	ssyncadd.s32 $0xFFFFFF80  }
0x64: {  	_ =	swait.ge [sflag:s15], $0x80  }
0x65: {  	[sflag:s15] =	ssyncset.done $0x0  }
0x66: {  	[sflag:s15] =	ssyncadd.s32 $0xFFFFFF80  }
0x67: {  	[tilespmem:s16], [sflag:$0x2] =	stream.indirect.gather [hbm4b:s1+s3], $0x80, s13, s3, $0xb8;
	[tilespmem:$0x1BB80] =	vst v63  }
0x68: {  	_ =	swait.ge [sflag:s0], $0x4000  }
0x69: {  	[sflag:s0] =	ssyncset.done $0x0  }
0x6a: {  	[sflag:s0] =	ssyncadd.s32 $0xFFFFC000  }
0x6b: {  	[spmem:s2] =	stream.indirect.scatter.add.f32 [tilespmem:s31], [sflag:$0x5], $0x80, s3, s3, $0xb8;
	[tilespmem:$0x1BB80] =	vst v63  }
0x6c: {  	_ =	swait.ge [sflag:s17], $0x4000  }
0x6d: {  	s25 =	sshrl.u32 s30, $0x3;
	[sflag:s17] =	ssyncset.done $0x0  }
0x6e: {  	s24 =	sadd.s32 s5, s25;
	[sflag:s17] =	ssyncadd.s32 $0xFFFFC000  }
0x6f: {  	[tilespmem:s4], [sflag:$0x3] =	stream.linear.gather [hbm4b:s24+s4], $0x80, $0x38;
	[tilespmem:$0x1BB80] =	vst v63  }
0x70: {  	s23 =	sadd.s32 s6, s25  }
0x71: {  	[tilespmem:s3], [sflag:$0x3] =	stream.linear.gather [hbm4b:s23+s4], $0x80, $0x38;
	[tilespmem:$0x1BB80] =	vst v63  }
0x72: {  	_ =	swait.ge [sflag:s18], $0x4000  }
0x73: {  	[sflag:s18] =	ssyncset.done $0x0  }
0x74: {  	[sflag:s18] =	ssyncadd.s32 $0xFFFFC000  }
0x75: {  	[spmem:s2] =	stream.indirect.scatter.add.f32 [tilespmem:s16], [sflag:$0x5], $0x80, s14, s3, $0xb8;
	[tilespmem:$0x1BB80] =	vst v63  }
0x76: {  	_ =	swait.ge [sflag:s17], $0x4000  }
0x77: {  	[sflag:s17] =	ssyncset.done $0x0  }
0x78: {  	[sflag:s17] =	ssyncadd.s32 $0xFFFFC000  }
0x79: {  	_ =	swait.ge [sflag:s12], $0x80  }
0x7a: {  	[sflag:s12] =	ssyncset.done $0x0  }
0x7b: {  	[sflag:s12] =	ssyncadd.s32 $0xFFFFFF80  }
0x7c: {  	_ =	swait.ge [sflag:s12], $0x80  }
0x7d: {  	[sflag:s12] =	ssyncset.done $0x0  }
0x7e: {  	s26 =	sadd.s32 $0x0, s29;
	[sflag:s12] =	ssyncadd.s32 $0xFFFFFF80  }
0x7f: {  	[tilespmem:s31], [sflag:$0x1] =	stream.indirect.gather [hbm4b:s1+s3], $0x80, s4, s3, $0xb8;
	[tilespmem:$0x1BB80] =	vst v63  }
0x80: {  	s25 =	sadd.s32 $0x0, s28;
	s24 =	sadd.s32 $0x100, s30;
	s23 =	simm.s32 $0x20  }
0x81: {  	[tilespmem:s13], [sflag:$0x4] =	stream.linear.gather [hbm4b:s26+s4], $0x80, $0x38;
	[tilespmem:$0x1BB80] =	vst v63  }
.LBB2_4:
0x82: {  	[tilespmem:s14], [sflag:$0x4] =	stream.linear.gather [hbm4b:s25+s4], $0x80, $0x38;
	[tilespmem:$0x1BB80] =	vst v63  }
0x83: {  	s25 =	smov.u32 s23  }
0x84: {  	p1 =	sne.s32 s23, $0x4A0;
	s23 =	sadd.s32 $0x20, s23;
	_ =	swait.ge [sflag:s15], $0x80  }
0x85: {  	[sflag:s15] =	ssyncset.done $0x0  }
0x86: {  	[sflag:s15] =	ssyncadd.s32 $0xFFFFFF80  }
0x87: {  	_ =	swait.ge [sflag:s15], $0x80  }
0x88: {  	[sflag:s15] =	ssyncset.done $0x0  }
0x89: {  	[sflag:s15] =	ssyncadd.s32 $0xFFFFFF80  }
0x8a: {  	[tilespmem:s16], [sflag:$0x2] =	stream.indirect.gather [hbm4b:s1+s3], $0x80, s13, s3, $0xb8;
	[tilespmem:$0x1BB80] =	vst v63  }
0x8b: {  	_ =	swait.ge [sflag:s0], $0x4000  }
0x8c: {  	[sflag:s0] =	ssyncset.done $0x0  }
0x8d: {  	[sflag:s0] =	ssyncadd.s32 $0xFFFFC000  }
0x8e: {  	[spmem:s2] =	stream.indirect.scatter.add.f32 [tilespmem:s31], [sflag:$0x5], $0x80, s3, s3, $0xb8;
	[tilespmem:$0x1BB80] =	vst v63  }
0x8f: {  	_ =	swait.ge [sflag:s17], $0x4000  }
0x90: {  	s26 =	sshrl.u32 s24, $0x3;
	[sflag:s17] =	ssyncset.done $0x0  }
0x91: {  	s19 =	sadd.s32 s5, s26;
	[sflag:s17] =	ssyncadd.s32 $0xFFFFC000  }
0x92: {  	[tilespmem:s4], [sflag:$0x3] =	stream.linear.gather [hbm4b:s19+s4], $0x80, $0x38;
	[tilespmem:$0x1BB80] =	vst v63  }
0x93: {  	s19 =	sadd.s32 s6, s26  }
0x94: {  	[tilespmem:s3], [sflag:$0x3] =	stream.linear.gather [hbm4b:s19+s4], $0x80, $0x38;
	[tilespmem:$0x1BB80] =	vst v63  }
0x95: {  	_ =	swait.ge [sflag:s18], $0x4000  }
0x96: {  	[sflag:s18] =	ssyncset.done $0x0  }
0x97: {  	[sflag:s18] =	ssyncadd.s32 $0xFFFFC000  }
0x98: {  	[spmem:s2] =	stream.indirect.scatter.add.f32 [tilespmem:s16], [sflag:$0x5], $0x80, s14, s3, $0xb8;
	[tilespmem:$0x1BB80] =	vst v63  }
0x99: {  	_ =	swait.ge [sflag:s17], $0x4000  }
0x9a: {  	[sflag:s17] =	ssyncset.done $0x0  }
0x9b: {  	[sflag:s17] =	ssyncadd.s32 $0xFFFFC000  }
0x9c: {  	_ =	swait.ge [sflag:s12], $0x80  }
0x9d: {  	[sflag:s12] =	ssyncset.done $0x0  }
0x9e: {  	[sflag:s12] =	ssyncadd.s32 $0xFFFFFF80  }
0x9f: {  	_ =	swait.ge [sflag:s12], $0x80  }
0xa0: {  	[sflag:s12] =	ssyncset.done $0x0  }
.Ltmp1:
0xa1: {  	[sflag:s12] =	ssyncadd.s32 $0xFFFFFF80;
	(pc) =	sbr.rel @p1 .LBB2_4-.Ltmp1, $4  }
0xa2: {  	[tilespmem:s31], [sflag:$0x1] =	stream.indirect.gather [hbm4b:s1+s3], $0x80, s4, s3, $0xb8;
	[tilespmem:$0x1BB80] =	vst v63  }
0xa3: {  	s19 =	sadd.s32 s25, s29  }
0xa4: {  	[tilespmem:s13], [sflag:$0x4] =	stream.linear.gather [hbm4b:s19+s4], $0x80, $0x38;
	[tilespmem:$0x1BB80] =	vst v63  }
0xa5: {  	s24 =	sadd.s32 $0x100, s24;
	s25 =	sadd.s32 s25, s28  }
0xa6: {  	[tilespmem:s14], [sflag:$0x4] =	stream.linear.gather [hbm4b:s25+s4], $0x80, $0x38;
	[tilespmem:$0x1BB80] =	vst v63  }
0xa7: {  	_ =	swait.ge [sflag:s15], $0x80  }
0xa8: {  	[sflag:s15] =	ssyncset.done $0x0  }
0xa9: {  	[sflag:s15] =	ssyncadd.s32 $0xFFFFFF80  }
0xaa: {  	_ =	swait.ge [sflag:s15], $0x80  }
0xab: {  	[sflag:s15] =	ssyncset.done $0x0  }
0xac: {  	[sflag:s15] =	ssyncadd.s32 $0xFFFFFF80  }
0xad: {  	[tilespmem:s16], [sflag:$0x2] =	stream.indirect.gather [hbm4b:s1+s3], $0x80, s13, s3, $0xb8;
	[tilespmem:$0x1BB80] =	vst v63  }
0xae: {  	_ =	swait.ge [sflag:s0], $0x4000  }
0xaf: {  	[sflag:s0] =	ssyncset.done $0x0  }
0xb0: {  	[sflag:s0] =	ssyncadd.s32 $0xFFFFC000  }
0xb1: {  	[spmem:s2] =	stream.indirect.scatter.add.f32 [tilespmem:s31], [sflag:$0x5], $0x80, s3, s3, $0xb8;
	[tilespmem:$0x1BB80] =	vst v63  }
0xb2: {  	_ =	swait.ge [sflag:s17], $0x4000  }
0xb3: {  	[sflag:s17] =	ssyncset.done $0x0  }
0xb4: {  	[sflag:s17] =	ssyncadd.s32 $0xFFFFC000  }
0xb5: {  	_ =	swait.ge [sflag:s18], $0x4000  }
0xb6: {  	[sflag:s18] =	ssyncset.done $0x0  }
0xb7: {  	[sflag:s18] =	ssyncadd.s32 $0xFFFFC000  }
0xb8: {  	[spmem:s2] =	stream.indirect.scatter.add.f32 [tilespmem:s16], [sflag:$0x5], $0x80, s14, s3, $0xb8;
	[tilespmem:$0x1BB80] =	vst v63  }
0xb9: {  	_ =	swait.ge [sflag:s17], $0x4000  }
0xba: {  	[sflag:s17] =	ssyncset.done $0x0  }
0xbb: {  	s23 =	simm.s32 $0x200;
	s19 =	rddreg [dreg:$0xf];
	[sflag:s17] =	ssyncadd.s32 $0xFFFFC000  }
0xbc: {  	[tilespmem:s23], [sflag:$0x5] =	stream.linear.gather [hbm4b:s19+s4], $0x10, $0x38;
	[tilespmem:$0x1BB80] =	vst v63  }
0xbd: {  	_ =	swait.ge [sflag:s17], $0x10  }
0xbe: {  	[sflag:s17] =	ssyncset.done $0x0  }
0xbf: {  	s24 =	rddreg [dreg:$0x10];
	[sflag:s17] =	ssyncadd.s32 $0xFFFFFFF0  }
0xc0: {  	[tilespmem:s20], [sflag:$0x5] =	stream.linear.gather [hbm4b:s24+s4], $0x10, $0x38;
	[tilespmem:$0x1BB80] =	vst v63  }
0xc1: {  	_ =	swait.ge [sflag:s17], $0x10  }
0xc2: {  	[sflag:s17] =	ssyncset.done $0x0  }
0xc3: {  	[sflag:s17] =	ssyncadd.s32 $0xFFFFFFF0  }
0xc4: {  	[tilespmem:s31], [sflag:$0x1] =	stream.indirect.gather [hbm4b:s1+s21], $0x80, s23, s21, $0xb8;
	[tilespmem:$0x1BB80] =	vst v63  }
0xc5: {  	_ =	swait.ge [sflag:s0], $0x800  }
0xc6: {  	[sflag:s0] =	ssyncset.done $0x0  }
0xc7: {  	[sflag:s0] =	ssyncadd.s32 $0xFFFFF800  }
0xc8: {  	[spmem:s2] =	stream.indirect.scatter.add.f32 [tilespmem:s31], [sflag:$0x5], $0x80, s20, s21, $0xb8;
	[tilespmem:$0x1BB80] =	vst v63  }
0xc9: {  	_ =	swait.ge [sflag:s17], $0x800  }
0xca: {  	[sflag:s17] =	ssyncset.done $0x0  }
0xcb: {  	[sflag:s17] =	ssyncadd.s32 $0xFFFFF800  }
0xcc: {  	[bflag:$0x0] =	sbarrier.arrive $0xFFFF  }
0xcd: {  	[tilespmem:s31], [sflag:$0x5] =	stream.linear.gather [spmem:s7], $0x4000, $0x38;
	[tilespmem:$0x1BB80] =	vst v63  }
0xce: {  	_ =	swait.ge [sflag:s17], $0x4000  }
0xcf: {  	[sflag:s17] =	ssyncset.done $0x0  }
0xd0: {  	s25 =	rddreg [dreg:$0x6];
	[sflag:s17] =	ssyncadd.s32 $0xFFFFC000  }
0xd1: {  	[hbm4b:s25+s4] =	stream.linear.scatter [tilespmem:s31], [sflag:$0x1], $0x4000, $0x38;
	[tilespmem:$0x1BB80] =	vst v63  }
0xd2: {  	_ = 	snop  }
0xd3: {  	[tilespmem:s16], [sflag:$0x5] =	stream.linear.gather [spmem:s8], $0x4000, $0x38;
	[tilespmem:$0x1BB80] =	vst v63  }
0xd4: {  	_ =	swait.ge [sflag:s17], $0x4000  }
0xd5: {  	[sflag:s17] =	ssyncset.done $0x0  }
0xd6: {  	s26 =	rddreg [dreg:$0x7];
	[sflag:s17] =	ssyncadd.s32 $0xFFFFC000  }
0xd7: {  	[hbm4b:s26+s4] =	stream.linear.scatter [tilespmem:s16], [sflag:$0x2], $0x4000, $0x38;
	[tilespmem:$0x1BB80] =	vst v63  }
0xd8: {  	_ =	swait.ge [sflag:s0], $0x4000  }
0xd9: {  	[sflag:s0] =	ssyncset.done $0x0  }
0xda: {  	[sflag:s0] =	ssyncadd.s32 $0xFFFFC000  }
0xdb: {  	[tilespmem:s31], [sflag:$0x5] =	stream.linear.gather [spmem:s9], $0x4000, $0x38;
	[tilespmem:$0x1BB80] =	vst v63  }
0xdc: {  	_ =	swait.ge [sflag:s17], $0x4000  }
0xdd: {  	[sflag:s17] =	ssyncset.done $0x0  }
0xde: {  	s23 =	rddreg [dreg:$0x8];
	[sflag:s17] =	ssyncadd.s32 $0xFFFFC000  }
0xdf: {  	[hbm4b:s23+s4] =	stream.linear.scatter [tilespmem:s31], [sflag:$0x1], $0x4000, $0x38;
	[tilespmem:$0x1BB80] =	vst v63  }
0xe0: {  	_ =	swait.ge [sflag:s18], $0x4000  }
0xe1: {  	[sflag:s18] =	ssyncset.done $0x0  }
0xe2: {  	[sflag:s18] =	ssyncadd.s32 $0xFFFFC000  }
0xe3: {  	[tilespmem:s16], [sflag:$0x5] =	stream.linear.gather [spmem:s10], $0x4000, $0x38;
	[tilespmem:$0x1BB80] =	vst v63  }
0xe4: {  	_ =	swait.ge [sflag:s17], $0x4000  }
0xe5: {  	[sflag:s17] =	ssyncset.done $0x0  }
0xe6: {  	s24 =	rddreg [dreg:$0x9];
	[sflag:s17] =	ssyncadd.s32 $0xFFFFC000  }
0xe7: {  	[hbm4b:s24+s4] =	stream.linear.scatter [tilespmem:s16], [sflag:$0x2], $0x4000, $0x38;
	[tilespmem:$0x1BB80] =	vst v63  }
0xe8: {  	_ =	swait.ge [sflag:s0], $0x4000  }
0xe9: {  	[sflag:s0] =	ssyncset.done $0x0  }
0xea: {  	[sflag:s0] =	ssyncadd.s32 $0xFFFFC000  }
0xeb: {  	[tilespmem:s31], [sflag:$0x5] =	stream.linear.gather [spmem:s11], $0x3800, $0x38;
	[tilespmem:$0x1BB80] =	vst v63  }
0xec: {  	_ =	swait.ge [sflag:s17], $0x3800  }
0xed: {  	[sflag:s17] =	ssyncset.done $0x0  }
0xee: {  	s25 =	rddreg [dreg:$0xa];
	[sflag:s17] =	ssyncadd.s32 $0xFFFFC800  }
0xef: {  	[hbm4b:s25+s4] =	stream.linear.scatter [tilespmem:s31], [sflag:$0x1], $0x3800, $0x38;
	[tilespmem:$0x1BB80] =	vst v63  }
0xf0: {  	_ =	swait.ge [sflag:s18], $0x4000  }
0xf1: {  	[sflag:s18] =	ssyncset.done $0x0  }
0xf2: {  	[sflag:s18] =	ssyncadd.s32 $0xFFFFC000  }
0xf3: {  	_ =	swait.ge [sflag:s0], $0x3800  }
0xf4: {  	[sflag:s0] =	ssyncset.done $0x0  }
0xf5: {  	s19 =	simm.s32 @!p0 $0x300;
	s23 =	rddreg [dreg:$0x11];
	[sflag:s0] =	ssyncadd.s32 $0xFFFFC800  }
0xf6: {  	[tilespmem:s19], [sflag:$0x5] =	stream.linear.gather @!p0 [spmem:s23], $0x400, $0x38;
	[tilespmem:$0x1BB80] =	vst v63  }
0xf7: {  	s23 =	simm.s32 @!p0 $0x5  }
0xf8: {  	_ =	swait.ge @!p0 [sflag:s23], $0x400  }
0xf9: {  	[sflag:s23] =	ssyncset.done @!p0 $0x0  }
0xfa: {  	s24 =	simm.s32 @!p0 $0x0;
	s25 =	rddreg [dreg:$0xb];
	[sflag:s23] =	ssyncadd.s32 @!p0 $0xFFFFFC00  }
0xfb: {  	[hbm4b:s25+s24] =	stream.linear.scatter @!p0 [tilespmem:s19], [sflag:$0x5], $0x400, $0x38;
	[tilespmem:$0x1BB80] =	vst v63  }
0xfc: {  	_ =	swait.ge @!p0 [sflag:s23], $0x400  }
0xfd: {  	s22 =	sadd.s32 $0x1, s22;
	s26 =	rddreg [dreg:$0x12]  }
0xfe: {  	p1 =	sne.s32 s22, s26  }
.Ltmp2:
0xff: {  	_ = 	snop;
	(pc) =	sbr.rel @p1 .LBB2_1-.Ltmp2, $3  }
0x100: {  	_ =	sdelay $0x1  }
0x101: {  	[sflag:s23] =	ssyncset.done @!p0 $0x0  }
0x102: {  	[sflag:s23] =	ssyncadd.s32 @!p0 $0xFFFFFC00  }
0x103: {  	_ =	sfence.sel $0x180000  }
0x104: {  	[bflag:$0x0] =	sbarrier.arrive $0xFFFF  }
0x105: {  	_ =	strace $0x90000047  }
0x106: {  	s0 =	stileid.u32;
	[bflag:$0x2] =	sbarrier.arrive $0xFFFF  }
0x107: {  	p0 =	sne.s32 s0, $0x0;
	s0 =	rddreg [dreg:$0x3]  }
0x108: {  	s0 =	sadd.s32 @!p0 $0x100000, s0  }
0x109: {  	[sflag:s0] =	ssyncadd.tile.s32 @!p0 $0x1;
	_ =	shalt  }
.Lfunc_end2:
_tile_overlayer_lowered:
.L_overlay_start_2:
0x10a: {  	(tag) =	ssettag $0x2  }
0x10b: {  	s0 =	rddreg [dreg:$0x0];
	s2 =	stileid.u32  }
0x10c: {  	s1 =	rddreg [dreg:$0x1];
	p0 =	sne.s32 s2, $0x0  }
0x10d: {  	s3 =	rddreg [dreg:$0x2];
	[bflag:$0x3] =	sbarrier.arrive $0xFFFF;
	s2 =	simm.s32 @!p0 $0x1C05  }
0x10e: {  	[timem:s3], [sflag:s2] =	dma.local @!p0 [hbm:s0], s1  }
0x10f: {  	s0 =	simm.s32 @!p0 $0x5  }
0x110: {  	_ =	swait.ge @!p0 [sflag:s0], s1  }
0x111: {  	s1 =	ssub.s32 @!p0 $0x0, s1;
	[sflag:s0] =	ssyncset.done @!p0 $0x0  }
0x112: {  	[sflag:s0] =	ssyncadd.s32 @!p0 s1  }
0x113: {  	[bflag:$0x3] =	sbarrier.arrive $0xFFFF  }
0x114: {  	_ =	shalt  }

// kernel: kernel.15.cloned.1.call-start
scs
__scs_entry_jumppad:
0x0: {  	(pc) =	sbr.rel $0x88, $3  }
0x1: {  	(tag) =	ssettag $0x0;
	lr =	simm.s32 $0x1  }
0x2: {  	[smem:$0x3F92] =	sst lr;
	_ =	strace $0xD0000000  }
0x3: {  	_ = 	snop  }
0x4: {  	_ = 	snop  }
0x5: {  	_ = 	snop  }
0x6: {  	_ = 	snop  }
0x7: {  	_ = 	snop  }
__scs_overlays_trampoline_lowered:
0x8: {  	[smem:$0x3FA1] =	sst s0  }
0x9: {  	[smem:$0x3FA2] =	sst s1  }
0xa: {  	[smem:$0x3FA3] =	sst s2  }
0xb: {  	[smem:$0x3FA4] =	sst s3  }
0xc: {  	[smem:$0x3FA5] =	sst s4  }
0xd: {  	[smem:$0x3FA6] =	sst s5  }
0xe: {  	[smem:$0x3FA7] =	sst s6  }
0xf: {  	[smem:$0x3FA8] =	sst s7  }
0x10: {  	[smem:$0x3FA9] =	sst s8  }
0x11: {  	[smem:$0x3FAA] =	sst s9;
	s0 =	simm.s32 @!p0 $0x0  }
0x12: {  	s1 =	sld [smem:$0x3F90];
	s0 =	simm.s32 @p0 $0x1  }
0x13: {  	[smem:$0x3FAB] =	sst s0;
	s0 =	simm.s32 @!p1 $0x0  }
0x14: {  	s2 =	sld [smem:$0x3F8F];
	s0 =	simm.s32 @p1 $0x1  }
0x15: {  	[smem:$0x3FAC] =	sst s0;
	s0 =	simm.s32 @!p2 $0x0  }
0x16: {  	s3 =	sld [smem:$0x3FDB];
	s0 =	simm.s32 @p2 $0x1  }
0x17: {  	s4 =	simm.s32 $0x1BF5;
	[smem:$0x3FAE] =	sst s0  }
0x18: {  	s0 =	sld [smem:$0x3F91];
	_ =	swait.ge [sflag:s4], $0x0  }
0x19: {  	s7 =	sld [smem:$0x3F92]  }
0x1a: {  	s8 =	sadd.s32 $0xFFFFE003, lr  }
0x1b: {  	s9 =	sadd.s32 $0xFFFFFEF7, lr;
	s5 =	simm.s32 $0xFFFFFFFF;
	p2 =	slt.u32 s8, $0xFFFFF086  }
0x1c: {  	p1 =	slt.u32 s9, $0xF7A;
	s5 =	simm.s32 @!p2 $0x0  }
0x1d: {  	s5 =	simm.s32 @p1 $0x1;
	p0 =	seq.s32 s7, s2  }
0x1e: {  	s7 =	smul.u32 @!p0 $0xF7A, s2;
	p2 =	seq.s32 @!p0 s5, $0x0  }
0x1f: {  	s9 =	smul.u32 $0xF7A, s1;
	s8 =	simm.s32 @!p0 $0x1BF5;
	p2 =	por !p2, p0  }
0x20: {  	[sflag:s8] =	ssyncset.s32 @!p0 $0xFFFFF086;
	s6 =	sadd.s32 @!p0 s3, s7;
	s7 =	simm.s32 @!p0 $0x108  }
0x21: {  	s3 =	sadd.s32 s3, s9;
	s6 =	sadd.s32 @!p0 $0x88, s6;
	s7 =	simm.s32 @p2 $0x1082  }
0x22: {  	[simem:s7], [sflag:s8] =	dma.local @!p0 [hbm:s6], $0xF7A  }
0x23: {  	s9 =	sor.u32 $0xD0000000, s2;
	s6 =	simm.s32 $0x108;
	_ =	swait.ge @!p0 [sflag:s8], $0x0  }
0x24: {  	s3 =	sadd.s32 $0x88, s3;
	s6 =	simm.s32 @!p1 $0x1082;
	[sflag:s4] =	ssyncset.s32 $0xFFFFF086  }
0x25: {  	[simem:s6], [sflag:s4] =	dma.local [hbm:s3], $0xF7A  }
0x26: {  	[smem:$0x3F92] =	sst s1;
	(tag) =	ssettag s2;
	_ =	strace s9  }
0x27: {  	s1 =	sld [smem:$0x3FA2]  }
0x28: {  	s2 =	sld [smem:$0x3FA3]  }
0x29: {  	s4 =	sld [smem:$0x3FA5]  }
0x2a: {  	p0 =	seq.s32 s5, $0x0;
	s5 =	sld [smem:$0x3FA6]  }
0x2b: {  	s6 =	sld [smem:$0x3FA7]  }
0x2c: {  	s7 =	sld [smem:$0x3FA8]  }
0x2d: {  	s3 =	simm.s32 $0x108;
	s8 =	sld [smem:$0x3FA9]  }
0x2e: {  	s3 =	simm.s32 @!p0 $0x1082;
	s9 =	sld [smem:$0x3FAA]  }
0x2f: {  	lr =	sadd.s32 s0, s3;
	s0 =	sld [smem:$0x3FA1]  }
0x30: {  	s3 =	sld [smem:$0x3FA4]  }
0x31: {  	[smem:$0x3FAD] =	sst s10  }
0x32: {  	s10 =	sld [smem:$0x3FAB];
	_ =	sdelay $0x3  }
0x33: {  	p0 =	seq.s32 s10, $0x1;
	s10 =	sld [smem:$0x3FAD];
	_ =	sdelay $0x3  }
0x34: {  	[smem:$0x3FAD] =	sst s10  }
0x35: {  	s10 =	sld [smem:$0x3FAC];
	_ =	sdelay $0x3  }
0x36: {  	p1 =	seq.s32 s10, $0x1;
	s10 =	sld [smem:$0x3FAD];
	_ =	sdelay $0x3  }
0x37: {  	[smem:$0x3FAD] =	sst s10  }
0x38: {  	s10 =	sld [smem:$0x3FAE]  }
0x39: {  	_ = 	snop;
	(pc) =	sbr.ind lr, $3  }
0x3a: {  	_ = 	snop  }
0x3b: {  	_ = 	snop  }
0x3c: {  	p2 =	seq.s32 s10, $0x1;
	s10 =	sld [smem:$0x3FAD]  }
0x3d: {  	_ =	shalt  }
0x3e: {  	_ =	shalt  }
0x3f: {  	_ =	shalt  }
0x40: {  	_ =	shalt  }
0x41: {  	_ =	shalt  }
0x42: {  	_ =	shalt  }
0x43: {  	_ =	shalt  }
0x44: {  	_ =	shalt  }
0x45: {  	_ =	shalt  }
0x46: {  	_ =	shalt  }
0x47: {  	_ =	shalt  }
0x48: {  	_ =	shalt  }
0x49: {  	_ =	shalt  }
0x4a: {  	_ =	shalt  }
0x4b: {  	_ =	shalt  }
0x4c: {  	_ =	shalt  }
0x4d: {  	_ =	shalt  }
0x4e: {  	_ =	shalt  }
0x4f: {  	_ =	shalt  }
0x50: {  	_ =	shalt  }
0x51: {  	_ =	shalt  }
0x52: {  	_ =	shalt  }
0x53: {  	_ =	shalt  }
0x54: {  	_ =	shalt  }
0x55: {  	_ =	shalt  }
0x56: {  	_ =	shalt  }
0x57: {  	_ =	shalt  }
0x58: {  	_ =	shalt  }
0x59: {  	_ =	shalt  }
0x5a: {  	_ =	shalt  }
0x5b: {  	_ =	shalt  }
0x5c: {  	_ =	shalt  }
0x5d: {  	_ =	shalt  }
0x5e: {  	_ =	shalt  }
0x5f: {  	_ =	shalt  }
0x60: {  	_ =	shalt  }
0x61: {  	_ =	shalt  }
0x62: {  	_ =	shalt  }
0x63: {  	_ =	shalt  }
0x64: {  	_ =	shalt  }
0x65: {  	_ =	shalt  }
0x66: {  	_ =	shalt  }
0x67: {  	_ =	shalt  }
0x68: {  	_ =	shalt  }
0x69: {  	_ =	shalt  }
0x6a: {  	_ =	shalt  }
0x6b: {  	_ =	shalt  }
0x6c: {  	_ =	shalt  }
0x6d: {  	_ =	shalt  }
0x6e: {  	_ =	shalt  }
0x6f: {  	_ =	shalt  }
0x70: {  	_ =	shalt  }
0x71: {  	_ =	shalt  }
0x72: {  	_ =	shalt  }
0x73: {  	_ =	shalt  }
0x74: {  	_ =	shalt  }
0x75: {  	_ =	shalt  }
0x76: {  	_ =	shalt  }
0x77: {  	_ =	shalt  }
0x78: {  	_ =	shalt  }
0x79: {  	_ =	shalt  }
0x7a: {  	_ =	shalt  }
0x7b: {  	_ =	shalt  }
0x7c: {  	_ =	shalt  }
0x7d: {  	_ =	shalt  }
0x7e: {  	_ =	shalt  }
0x7f: {  	_ =	shalt  }
0x80: {  	_ =	shalt  }
0x81: {  	_ =	shalt  }
0x82: {  	_ =	shalt  }
0x83: {  	_ =	shalt  }
0x84: {  	_ =	shalt  }
0x85: {  	_ =	shalt  }
0x86: {  	_ =	shalt  }
0x87: {  	_ =	shalt  }
.Lfunc_end0:
.L_simem_size_0:
called_computation.2_lowered:
.L_overlay_start_0:
0x88: {  	s2 =	sld [smem:$0x3FD9]  }
0x89: {  	s3 =	sld [smem:$0x3FFE];
	_ =	sdelay $0x1  }
0x8a: {  	s1 =	srdreg.scid  }
0x8b: {  	s0 =	sand.u32 $0x1, s1  }
0x8c: {  	s17 =	sshll.u32 s0, $0xA;
	s2 =	sadd.s32 s3, s2  }
0x8d: {  	s2 =	sadd.s32 s2, s17  }
0x8e: {  	[smem:$0x3FB9] =	sst s2  }
0x8f: {  	_ = 	snop  }
0x90: {  	s2 =	sld [smem:$0x3FD0];
	(tm) =	ssettm $0x1  }
0x91: {  	s18 =	sld [smem:$0x3FFB];
	_ =	sdelay $0x3  }
0x92: {  	_ =	strace s18  }
0x93: {  	s3 =	sld [smem:$0x3FFC];
	_ =	sdelay $0x3  }
0x94: {  	_ =	strace s3  }
0x95: {  	s3 =	sld [smem:$0x3FFD];
	_ =	sdelay $0x3  }
0x96: {  	_ =	strace s3  }
0x97: {  	_ =	strace $0x8FFFFFFF  }
0x98: {  	s19 =	sld [smem:$0x3FDB];
	_ =	sdelay $0x1  }
0x99: {  	s4 =	simm.s32 $_scs_section_size  }
0x9a: {  	s5 =	simm.s32 $_size__tile_overlayer_lowered;
	s6 =	simm.s32 $_tile_overlayer_lowered  }
0x9b: {  	s22 =	simm.s32 $0x1BFF;
	s21 =	sshll.u32 s6, $0x1;
	s3 =	sadd.s32 s4, s19  }
0x9c: {  	s7 =	simm.s32 $0x0;
	s20 =	sshll.u32 s5, $0x1;
	s5 =	sadd.s32 s21, s3  }
0x9d: {  	[timem:s7], [sflag:s22] =	dma.local [hbm:s5], s20  }
0x9e: {  	_ =	swait.ge [sflag:s22], s20  }
0x9f: {  	s4 =	ssub.s32 $0x0, s20;
	[sflag:s22] =	ssyncset.done $0x0  }
0xa0: {  	[sflag:s22] =	ssyncadd.s32 s4;
	_ =	sdelay $0x1  }
0xa1: {  	s23 =	simm.s32 $0x1B8B  }
0xa2: {  	_ =	swait.ge [sflag:s23], $0x1  }
0xa3: {  	[sflag:s23] =	ssyncset.done $0x0  }
0xa4: {  	s25 =	simm.s32 $0x1B8E;
	s24 =	sld [smem:$0x3FFE];
	[sflag:s23] =	ssyncadd.s32 $0xFFFFFFFF  }
0xa5: {  	s26 =	simm.s32 $execute0_lowered;
	[smem:$0x3FD2] =	sst s25  }
0xa6: {  	s5 =	sshll.u32 s26, $0x1;
	_ =	strace $0x8000004C;
	[dreg:$0x1] =	wrdreg $0xFFFFFFFF  }
0xa7: {  	s28 =	simm.s32 $_size_execute0_lowered;
	s3 =	sadd.s32 s3, s5;
	[dreg:$0x0] =	wrdreg $0x0  }
0xa8: {  	s5 =	sshll.u32 s28, $0x1;
	[dreg:$0x2] =	wrdreg s3  }
0xa9: {  	[dreg:$0x3] =	wrdreg s5  }
0xaa: {  	[dreg:$0x4] =	wrdreg $0xC0  }
0xab: {  	_ =	task [dreg:s7], $0x5FFFF  }
0xac: {  	[dreg:$0x1] =	wrdreg $0xFFFFFFFF  }
0xad: {  	[dreg:$0x0] =	wrdreg $0x60  }
0xae: {  	[dreg:$0x2] =	wrdreg s2  }
0xaf: {  	[dreg:$0x3] =	wrdreg s24  }
0xb0: {  	[dreg:$0x4] =	wrdreg $0x83000  }
0xb1: {  	[dreg:$0x5] =	wrdreg $0x9  }
0xb2: {  	_ =	task.clear_ibuf [dreg:s7], $0x6FFFF;
	_ =	strace $0x9000004C  }
0xb3: {  	s29 =	simm.s32 $0x9;
	_ =	strace $0x8000004E  }
0xb4: {  	_ =	swait.ge [sflag:s29], $0x1  }
0xb5: {  	[sflag:s29] =	ssyncadd.s32 $0xFFFFFFFF  }
0xb6: {  	_ =	strace $0x9000004E  }
0xb7: {  	_ =	sfence  }
0xb8: {  	s30 =	sld [smem:$0x0];
	_ =	sdelay $0x2  }
0xb9: {  	s31 =	sshll.u32 s1, $0xD;
	s1 =	sshrl.u32 s1, $0x2  }
0xba: {  	s3 =	sand.u32 $0x4000, s31;
	s1 =	sadd.s32 s1, s30  }
0xbb: {  	s0 =	sor.u32 s3, s0;
	s1 =	sshll.u32 s1, $0x11  }
0xbc: {  	s0 =	sor.u32 s1, s0  }
0xbd: {  	s0 =	sadd.s32 $0x8F2B, s0  }
0xbe: {  	[sflag:s0] =	ssyncadd.remote.s32 $0x1  }
0xbf: {  	_ =	sfence.sel $0xFFFF  }
0xc0: {  	[dreg:$0x0] =	wrdreg $0xFFFFFFFF;
	(pc) =	sbr.abs _section_cstart, $3  }
0xc1: {  	[dreg:$0x1] =	wrdreg $0xFFFFFFFF  }
0xc2: {  	_ =	task.clear_ibuf [dreg:s7], $0x2FFFF;
	_ =	strace $0x9FFFFFFF  }
0xc3: {  	(tm) =	ssettm $0x7FFFFFFF  }
tec
execute0_lowered:
.L_overlay_start_1:
0x0: {  	(tag) =	ssettag $0x1  }
0x1: {  	s1 =	rddreg [dreg:$0x0]  }
0x2: {  	s0 =	rddreg [dreg:$0x1]  }
0x3: {  	s2 =	rddreg [dreg:$0x2];
	s4 =	simm.s32 $0x0;
	s3 =	srdreg.scid  }
0x4: {  	s22 =	stileid.u32;
	s31 =	simm.s32 $0x300;
	[smem:$0x7FF] =	sst s4  }
0x5: {  	s3 =	sand.u32 $0x1, s3;
	s5 =	sadd.s32 $0xD600, s0;
	s8 =	smul.u32 $0x2710, s22  }
0x6: {  	s6 =	sadd.s32 $0x3800, s0;
	s10 =	smul.u32 $0x4E000, s22;
	s0 =	sadd.s32 $0x17400, s0  }
0x7: {  	s12 =	smul.u32 $0x13800, s22;
	s19 =	sshll.u32 s22, $0xA;
	p0 =	sgt.u32 s22, $0x1  }
0x8: {  	s22 =	simm.s32 $0x0;
	s7 =	smul.u32 $0x27100, s3;
	_ =	strace $0x8000004D  }
0x9: {  	s9 =	ssub.s32 $0x2, s3;
	s20 =	sadd.s32 s19, s2;
	s3 =	smul.u32 $0x138800, s3  }
0xa: {  	s11 =	sshrl.u32 s9, $0x1;
	s25 =	sshrl.u32 s10, $0x2;
	s15 =	sadd.s32 $0x4000, s12  }
0xb: {  	s16 =	sadd.s32 $0x8000, s12;
	s17 =	sadd.s32 $0xC000, s12;
	s18 =	sadd.s32 $0x10000, s12  }
0xc: {  	s20 =	sadd.s32 $0x138000, s20;
	s13 =	ssub.s32 s9, s11;
	s14 =	sadd.s32 s8, s7  }
0xd: {  	s7 =	sadd.s32 s25, s2;
	s8 =	sadd.s32 s15, s2;
	s9 =	sadd.s32 s16, s2  }
0xe: {  	s10 =	sadd.s32 s17, s2;
	s11 =	sadd.s32 s18, s2;
	[dreg:$0x4] =	wrdreg s20  }
0xf: {  	s12 =	sadd.s32 s12, s3;
	s15 =	sadd.s32 s3, s15;
	s16 =	sadd.s32 s3, s16  }
0x10: {  	s24 =	sadd.s32 s3, s17;
	s25 =	sor.u32 $0x138000, s19;
	s21 =	sshrl.u32 s14, $0x3  }
0x11: {  	s12 =	sshrl.u32 s12, $0x3;
	s15 =	sshrl.u32 s15, $0x3;
	s26 =	sadd.s32 s5, s21  }
0x12: {  	s23 =	sshrl.u32 s16, $0x3;
	s12 =	sadd.s32 s0, s12;
	[dreg:$0x5] =	wrdreg s26  }
0x13: {  	s30 =	sadd.s32 $0x100, s14;
	s15 =	sadd.s32 s0, s15;
	[dreg:$0x6] =	wrdreg s12  }
0x14: {  	s16 =	simm.s32 $0x4300;
	s20 =	sadd.s32 $0x10, s21;
	[dreg:$0x7] =	wrdreg s15  }
0x15: {  	s12 =	sadd.s32 s0, s23;
	s26 =	sadd.s32 s3, s18;
	s3 =	sadd.s32 s3, s25  }
0x16: {  	s18 =	sadd.s32 s5, s20;
	s19 =	sadd.s32 s6, s20;
	s20 =	sadd.s32 s6, s21  }
0x17: {  	s21 =	sadd.s32 $0x4E0, s21;
	s25 =	sadd.s32 s25, s2;
	[dreg:$0x8] =	wrdreg s12  }
0x18: {  	s15 =	simm.s32 $0x4;
	s12 =	sshrl.u32 s24, $0x3;
	[dreg:$0xc] =	wrdreg s18  }
0x19: {  	s17 =	sshrl.u32 s26, $0x3;
	s3 =	sshrl.u32 s3, $0x3;
	[dreg:$0xd] =	wrdreg s19  }
0x1a: {  	[dreg:$0xe] =	wrdreg s20;
	s23 =	sadd.s32 s5, s21;
	s24 =	sadd.s32 $0x180, s14  }
0x1b: {  	[dreg:$0x11] =	wrdreg s25;
	s26 =	smax.u32 s13, $0x1;
	s13 =	simm.s32 $0x100  }
0x1c: {  	s14 =	simm.s32 $0x180;
	s18 =	simm.s32 $0x2;
	[dreg:$0xf] =	wrdreg s23  }
0x1d: {  	s20 =	simm.s32 $0x280;
	s12 =	sadd.s32 s0, s12;
	[dreg:$0x12] =	wrdreg s26  }
0x1e: {  	[dreg:$0x9] =	wrdreg s12;
	s12 =	sadd.s32 s0, s17;
	s0 =	sadd.s32 s0, s3  }
0x1f: {  	s3 =	simm.s32 $0x80;
	s17 =	simm.s32 $0x5;
	[dreg:$0xa] =	wrdreg s12  }
0x20: {  	[dreg:$0xb] =	wrdreg s0;
	s0 =	sadd.s32 s6, s21;
	s12 =	simm.s32 $0x3  }
0x21: {  	s21 =	simm.s32 $0x10;
	[dreg:$0x10] =	wrdreg s0;
	s0 =	sshrl.u32 s24, $0x3  }
0x22: {  	v0 =	vimm.f32 $0.0e+00;
	s28 =	sadd.s32 s0, s6;
	s29 =	sadd.s32 s0, s5;
	s0 =	simm.s32 $0x1  }
.LBB2_1:
0x23: {  	s23 =	simm.s32 $0x0;
	s24 =	simm.s32 $0x200  }
.LBB2_2:
0x24: {  	p1 =	sne.s32 s24, $0xFE00;
	[tilespmem:s23+$0x370] =	vst v0  }
0x25: {  	[tilespmem:s23+$0x300] =	vst v0  }
0x26: {  	[tilespmem:s23+$0x310] =	vst v0  }
.Ltmp0:
0x27: {  	[tilespmem:s23+$0x320] =	vst v0;
	(pc) =	sbr.rel @p1 .LBB2_2-.Ltmp0, $4  }
0x28: {  	[tilespmem:s23+$0x330] =	vst v0  }
0x29: {  	[tilespmem:s23+$0x340] =	vst v0  }
0x2a: {  	[tilespmem:s23+$0x350] =	vst v0  }
0x2b: {  	[tilespmem:s23+$0x360] =	vst v0;
	s23 =	sshra.s32 s24, $0x2;
	s24 =	sadd.s32 $0x200, s24  }
0x2c: {  	[tilespmem:s23+$0x370] =	vst v0  }
0x2d: {  	[tilespmem:s23+$0x300] =	vst v0  }
0x2e: {  	[tilespmem:s23+$0x310] =	vst v0  }
0x2f: {  	[tilespmem:s23+$0x320] =	vst v0  }
0x30: {  	[tilespmem:s23+$0x330] =	vst v0  }
0x31: {  	[tilespmem:s23+$0x340] =	vst v0  }
0x32: {  	[tilespmem:s23+$0x350] =	vst v0  }
0x33: {  	[tilespmem:s23+$0x360] =	vst v0  }
0x34: {  	[spmem:s7] =	stream.linear.scatter [tilespmem:s31], [sflag:$0x1], $0x4000, $0x38;
	[tilespmem:$0x1BB80] =	vst v63  }
0x35: {  	_ = 	snop  }
0x36: {  	[spmem:s8] =	stream.linear.scatter [tilespmem:s31], [sflag:$0x1], $0x4000, $0x38;
	[tilespmem:$0x1BB80] =	vst v63  }
0x37: {  	_ = 	snop  }
0x38: {  	[spmem:s9] =	stream.linear.scatter [tilespmem:s31], [sflag:$0x1], $0x4000, $0x38;
	[tilespmem:$0x1BB80] =	vst v63  }
0x39: {  	_ = 	snop  }
0x3a: {  	[spmem:s10] =	stream.linear.scatter [tilespmem:s31], [sflag:$0x1], $0x4000, $0x38;
	[tilespmem:$0x1BB80] =	vst v63  }
0x3b: {  	_ = 	snop  }
0x3c: {  	[spmem:s11] =	stream.linear.scatter [tilespmem:s31], [sflag:$0x1], $0x3800, $0x38;
	[tilespmem:$0x1BB80] =	vst v63  }
0x3d: {  	s23 =	simm.s32 @!p0 $0x300;
	s19 =	rddreg [dreg:$0x4]  }
0x3e: {  	[spmem:s19] =	stream.linear.scatter @!p0 [tilespmem:s23], [sflag:$0x1], $0x400, $0x38;
	[tilespmem:$0x1BB80] =	vst v63  }
0x3f: {  	_ =	swait.ge [sflag:s0], $0x4000  }
0x40: {  	[sflag:s0] =	ssyncset.done $0x0  }
0x41: {  	[sflag:s0] =	ssyncadd.s32 $0xFFFFC000  }
0x42: {  	_ =	swait.ge [sflag:s0], $0x4000  }
0x43: {  	[sflag:s0] =	ssyncset.done $0x0  }
0x44: {  	[sflag:s0] =	ssyncadd.s32 $0xFFFFC000  }
0x45: {  	_ =	swait.ge [sflag:s0], $0x4000  }
0x46: {  	[sflag:s0] =	ssyncset.done $0x0  }
0x47: {  	[sflag:s0] =	ssyncadd.s32 $0xFFFFC000  }
0x48: {  	_ =	swait.ge [sflag:s0], $0x4000  }
0x49: {  	[sflag:s0] =	ssyncset.done $0x0  }
0x4a: {  	[sflag:s0] =	ssyncadd.s32 $0xFFFFC000  }
0x4b: {  	_ =	swait.ge [sflag:s0], $0x3800  }
0x4c: {  	[sflag:s0] =	ssyncset.done $0x0  }
0x4d: {  	s23 =	simm.s32 @!p0 $0x1;
	[sflag:s0] =	ssyncadd.s32 $0xFFFFC800  }
0x4e: {  	_ =	swait.ge @!p0 [sflag:s23], $0x400  }
0x4f: {  	[sflag:s23] =	ssyncset.done @!p0 $0x0  }
0x50: {  	[sflag:s23] =	ssyncadd.s32 @!p0 $0xFFFFFC00  }
0x51: {  	[bflag:$0x0] =	sbarrier.arrive $0xFFFF  }
0x52: {  	s23 =	simm.s32 $0x0;
	s24 =	rddreg [dreg:$0x5]  }
0x53: {  	[tilespmem:s23], [sflag:$0x3] =	stream.linear.gather [hbm4b:s24+s23], $0x80, $0x38;
	[tilespmem:$0x1BB80] =	vst v63  }
0x54: {  	s25 =	rddreg [dreg:$0xe]  }
0x55: {  	[tilespmem:s3], [sflag:$0x3] =	stream.linear.gather [hbm4b:s25+s23], $0x80, $0x38;
	[tilespmem:$0x1BB80] =	vst v63  }
0x56: {  	_ =	swait.ge [sflag:s12], $0x80  }
0x57: {  	[sflag:s12] =	ssyncset.done $0x0  }
0x58: {  	[sflag:s12] =	ssyncadd.s32 $0xFFFFFF80  }
0x59: {  	_ =	swait.ge [sflag:s12], $0x80  }
0x5a: {  	[sflag:s12] =	ssyncset.done $0x0  }
0x5b: {  	[sflag:s12] =	ssyncadd.s32 $0xFFFFFF80  }
0x5c: {  	[tilespmem:s31], [sflag:$0x1] =	stream.indirect.gather [hbm4b:s1+s3], $0x80, s23, s3, $0xb8;
	[tilespmem:$0x1BB80] =	vst v63  }
0x5d: {  	s26 =	rddreg [dreg:$0xc]  }
0x5e: {  	[tilespmem:s13], [sflag:$0x4] =	stream.linear.gather [hbm4b:s26+s23], $0x80, $0x38;
	[tilespmem:$0x1BB80] =	vst v63  }
0x5f: {  	s24 =	rddreg [dreg:$0xd]  }
0x60: {  	[tilespmem:s14], [sflag:$0x4] =	stream.linear.gather [hbm4b:s24+s23], $0x80, $0x38;
	[tilespmem:$0x1BB80] =	vst v63  }
0x61: {  	_ =	swait.ge [sflag:s15], $0x80  }
0x62: {  	[sflag:s15] =	ssyncset.done $0x0  }
0x63: {  	[sflag:s15] =	ssyncadd.s32 $0xFFFFFF80  }
0x64: {  	_ =	swait.ge [sflag:s15], $0x80  }
0x65: {  	[sflag:s15] =	ssyncset.done $0x0  }
0x66: {  	[sflag:s15] =	ssyncadd.s32 $0xFFFFFF80  }
0x67: {  	[tilespmem:s16], [sflag:$0x2] =	stream.indirect.gather [hbm4b:s1+s3], $0x80, s13, s3, $0xb8;
	[tilespmem:$0x1BB80] =	vst v63  }
0x68: {  	_ =	swait.ge [sflag:s0], $0x4000  }
0x69: {  	[sflag:s0] =	ssyncset.done $0x0  }
0x6a: {  	[sflag:s0] =	ssyncadd.s32 $0xFFFFC000  }
0x6b: {  	[spmem:s2] =	stream.indirect.scatter.add.f32 [tilespmem:s31], [sflag:$0x5], $0x80, s3, s3, $0xb8;
	[tilespmem:$0x1BB80] =	vst v63  }
0x6c: {  	_ =	swait.ge [sflag:s17], $0x4000  }
0x6d: {  	s25 =	sshrl.u32 s30, $0x3;
	[sflag:s17] =	ssyncset.done $0x0  }
0x6e: {  	s24 =	sadd.s32 s5, s25;
	[sflag:s17] =	ssyncadd.s32 $0xFFFFC000  }
0x6f: {  	[tilespmem:s4], [sflag:$0x3] =	stream.linear.gather [hbm4b:s24+s4], $0x80, $0x38;
	[tilespmem:$0x1BB80] =	vst v63  }
0x70: {  	s23 =	sadd.s32 s6, s25  }
0x71: {  	[tilespmem:s3], [sflag:$0x3] =	stream.linear.gather [hbm4b:s23+s4], $0x80, $0x38;
	[tilespmem:$0x1BB80] =	vst v63  }
0x72: {  	_ =	swait.ge [sflag:s18], $0x4000  }
0x73: {  	[sflag:s18] =	ssyncset.done $0x0  }
0x74: {  	[sflag:s18] =	ssyncadd.s32 $0xFFFFC000  }
0x75: {  	[spmem:s2] =	stream.indirect.scatter.add.f32 [tilespmem:s16], [sflag:$0x5], $0x80, s14, s3, $0xb8;
	[tilespmem:$0x1BB80] =	vst v63  }
0x76: {  	_ =	swait.ge [sflag:s17], $0x4000  }
0x77: {  	[sflag:s17] =	ssyncset.done $0x0  }
0x78: {  	[sflag:s17] =	ssyncadd.s32 $0xFFFFC000  }
0x79: {  	_ =	swait.ge [sflag:s12], $0x80  }
0x7a: {  	[sflag:s12] =	ssyncset.done $0x0  }
0x7b: {  	[sflag:s12] =	ssyncadd.s32 $0xFFFFFF80  }
0x7c: {  	_ =	swait.ge [sflag:s12], $0x80  }
0x7d: {  	[sflag:s12] =	ssyncset.done $0x0  }
0x7e: {  	s26 =	sadd.s32 $0x0, s29;
	[sflag:s12] =	ssyncadd.s32 $0xFFFFFF80  }
0x7f: {  	[tilespmem:s31], [sflag:$0x1] =	stream.indirect.gather [hbm4b:s1+s3], $0x80, s4, s3, $0xb8;
	[tilespmem:$0x1BB80] =	vst v63  }
0x80: {  	s25 =	sadd.s32 $0x0, s28;
	s24 =	sadd.s32 $0x100, s30;
	s23 =	simm.s32 $0x20  }
0x81: {  	[tilespmem:s13], [sflag:$0x4] =	stream.linear.gather [hbm4b:s26+s4], $0x80, $0x38;
	[tilespmem:$0x1BB80] =	vst v63  }
.LBB2_4:
0x82: {  	[tilespmem:s14], [sflag:$0x4] =	stream.linear.gather [hbm4b:s25+s4], $0x80, $0x38;
	[tilespmem:$0x1BB80] =	vst v63  }
0x83: {  	s25 =	smov.u32 s23  }
0x84: {  	p1 =	sne.s32 s23, $0x4A0;
	s23 =	sadd.s32 $0x20, s23;
	_ =	swait.ge [sflag:s15], $0x80  }
0x85: {  	[sflag:s15] =	ssyncset.done $0x0  }
0x86: {  	[sflag:s15] =	ssyncadd.s32 $0xFFFFFF80  }
0x87: {  	_ =	swait.ge [sflag:s15], $0x80  }
0x88: {  	[sflag:s15] =	ssyncset.done $0x0  }
0x89: {  	[sflag:s15] =	ssyncadd.s32 $0xFFFFFF80  }
0x8a: {  	[tilespmem:s16], [sflag:$0x2] =	stream.indirect.gather [hbm4b:s1+s3], $0x80, s13, s3, $0xb8;
	[tilespmem:$0x1BB80] =	vst v63  }
0x8b: {  	_ =	swait.ge [sflag:s0], $0x4000  }
0x8c: {  	[sflag:s0] =	ssyncset.done $0x0  }
0x8d: {  	[sflag:s0] =	ssyncadd.s32 $0xFFFFC000  }
0x8e: {  	[spmem:s2] =	stream.indirect.scatter.add.f32 [tilespmem:s31], [sflag:$0x5], $0x80, s3, s3, $0xb8;
	[tilespmem:$0x1BB80] =	vst v63  }
0x8f: {  	_ =	swait.ge [sflag:s17], $0x4000  }
0x90: {  	s26 =	sshrl.u32 s24, $0x3;
	[sflag:s17] =	ssyncset.done $0x0  }
0x91: {  	s19 =	sadd.s32 s5, s26;
	[sflag:s17] =	ssyncadd.s32 $0xFFFFC000  }
0x92: {  	[tilespmem:s4], [sflag:$0x3] =	stream.linear.gather [hbm4b:s19+s4], $0x80, $0x38;
	[tilespmem:$0x1BB80] =	vst v63  }
0x93: {  	s19 =	sadd.s32 s6, s26  }
0x94: {  	[tilespmem:s3], [sflag:$0x3] =	stream.linear.gather [hbm4b:s19+s4], $0x80, $0x38;
	[tilespmem:$0x1BB80] =	vst v63  }
0x95: {  	_ =	swait.ge [sflag:s18], $0x4000  }
0x96: {  	[sflag:s18] =	ssyncset.done $0x0  }
0x97: {  	[sflag:s18] =	ssyncadd.s32 $0xFFFFC000  }
0x98: {  	[spmem:s2] =	stream.indirect.scatter.add.f32 [tilespmem:s16], [sflag:$0x5], $0x80, s14, s3, $0xb8;
	[tilespmem:$0x1BB80] =	vst v63  }
0x99: {  	_ =	swait.ge [sflag:s17], $0x4000  }
0x9a: {  	[sflag:s17] =	ssyncset.done $0x0  }
0x9b: {  	[sflag:s17] =	ssyncadd.s32 $0xFFFFC000  }
0x9c: {  	_ =	swait.ge [sflag:s12], $0x80  }
0x9d: {  	[sflag:s12] =	ssyncset.done $0x0  }
0x9e: {  	[sflag:s12] =	ssyncadd.s32 $0xFFFFFF80  }
0x9f: {  	_ =	swait.ge [sflag:s12], $0x80  }
0xa0: {  	[sflag:s12] =	ssyncset.done $0x0  }
.Ltmp1:
0xa1: {  	[sflag:s12] =	ssyncadd.s32 $0xFFFFFF80;
	(pc) =	sbr.rel @p1 .LBB2_4-.Ltmp1, $4  }
0xa2: {  	[tilespmem:s31], [sflag:$0x1] =	stream.indirect.gather [hbm4b:s1+s3], $0x80, s4, s3, $0xb8;
	[tilespmem:$0x1BB80] =	vst v63  }
0xa3: {  	s19 =	sadd.s32 s25, s29  }
0xa4: {  	[tilespmem:s13], [sflag:$0x4] =	stream.linear.gather [hbm4b:s19+s4], $0x80, $0x38;
	[tilespmem:$0x1BB80] =	vst v63  }
0xa5: {  	s24 =	sadd.s32 $0x100, s24;
	s25 =	sadd.s32 s25, s28  }
0xa6: {  	[tilespmem:s14], [sflag:$0x4] =	stream.linear.gather [hbm4b:s25+s4], $0x80, $0x38;
	[tilespmem:$0x1BB80] =	vst v63  }
0xa7: {  	_ =	swait.ge [sflag:s15], $0x80  }
0xa8: {  	[sflag:s15] =	ssyncset.done $0x0  }
0xa9: {  	[sflag:s15] =	ssyncadd.s32 $0xFFFFFF80  }
0xaa: {  	_ =	swait.ge [sflag:s15], $0x80  }
0xab: {  	[sflag:s15] =	ssyncset.done $0x0  }
0xac: {  	[sflag:s15] =	ssyncadd.s32 $0xFFFFFF80  }
0xad: {  	[tilespmem:s16], [sflag:$0x2] =	stream.indirect.gather [hbm4b:s1+s3], $0x80, s13, s3, $0xb8;
	[tilespmem:$0x1BB80] =	vst v63  }
0xae: {  	_ =	swait.ge [sflag:s0], $0x4000  }
0xaf: {  	[sflag:s0] =	ssyncset.done $0x0  }
0xb0: {  	[sflag:s0] =	ssyncadd.s32 $0xFFFFC000  }
0xb1: {  	[spmem:s2] =	stream.indirect.scatter.add.f32 [tilespmem:s31], [sflag:$0x5], $0x80, s3, s3, $0xb8;
	[tilespmem:$0x1BB80] =	vst v63  }
0xb2: {  	_ =	swait.ge [sflag:s17], $0x4000  }
0xb3: {  	[sflag:s17] =	ssyncset.done $0x0  }
0xb4: {  	[sflag:s17] =	ssyncadd.s32 $0xFFFFC000  }
0xb5: {  	_ =	swait.ge [sflag:s18], $0x4000  }
0xb6: {  	[sflag:s18] =	ssyncset.done $0x0  }
0xb7: {  	[sflag:s18] =	ssyncadd.s32 $0xFFFFC000  }
0xb8: {  	[spmem:s2] =	stream.indirect.scatter.add.f32 [tilespmem:s16], [sflag:$0x5], $0x80, s14, s3, $0xb8;
	[tilespmem:$0x1BB80] =	vst v63  }
0xb9: {  	_ =	swait.ge [sflag:s17], $0x4000  }
0xba: {  	[sflag:s17] =	ssyncset.done $0x0  }
0xbb: {  	s23 =	simm.s32 $0x200;
	s19 =	rddreg [dreg:$0xf];
	[sflag:s17] =	ssyncadd.s32 $0xFFFFC000  }
0xbc: {  	[tilespmem:s23], [sflag:$0x5] =	stream.linear.gather [hbm4b:s19+s4], $0x10, $0x38;
	[tilespmem:$0x1BB80] =	vst v63  }
0xbd: {  	_ =	swait.ge [sflag:s17], $0x10  }
0xbe: {  	[sflag:s17] =	ssyncset.done $0x0  }
0xbf: {  	s24 =	rddreg [dreg:$0x10];
	[sflag:s17] =	ssyncadd.s32 $0xFFFFFFF0  }
0xc0: {  	[tilespmem:s20], [sflag:$0x5] =	stream.linear.gather [hbm4b:s24+s4], $0x10, $0x38;
	[tilespmem:$0x1BB80] =	vst v63  }
0xc1: {  	_ =	swait.ge [sflag:s17], $0x10  }
0xc2: {  	[sflag:s17] =	ssyncset.done $0x0  }
0xc3: {  	[sflag:s17] =	ssyncadd.s32 $0xFFFFFFF0  }
0xc4: {  	[tilespmem:s31], [sflag:$0x1] =	stream.indirect.gather [hbm4b:s1+s21], $0x80, s23, s21, $0xb8;
	[tilespmem:$0x1BB80] =	vst v63  }
0xc5: {  	_ =	swait.ge [sflag:s0], $0x800  }
0xc6: {  	[sflag:s0] =	ssyncset.done $0x0  }
0xc7: {  	[sflag:s0] =	ssyncadd.s32 $0xFFFFF800  }
0xc8: {  	[spmem:s2] =	stream.indirect.scatter.add.f32 [tilespmem:s31], [sflag:$0x5], $0x80, s20, s21, $0xb8;
	[tilespmem:$0x1BB80] =	vst v63  }
0xc9: {  	_ =	swait.ge [sflag:s17], $0x800  }
0xca: {  	[sflag:s17] =	ssyncset.done $0x0  }
0xcb: {  	[sflag:s17] =	ssyncadd.s32 $0xFFFFF800  }
0xcc: {  	[bflag:$0x0] =	sbarrier.arrive $0xFFFF  }
0xcd: {  	[tilespmem:s31], [sflag:$0x5] =	stream.linear.gather [spmem:s7], $0x4000, $0x38;
	[tilespmem:$0x1BB80] =	vst v63  }
0xce: {  	_ =	swait.ge [sflag:s17], $0x4000  }
0xcf: {  	[sflag:s17] =	ssyncset.done $0x0  }
0xd0: {  	s25 =	rddreg [dreg:$0x6];
	[sflag:s17] =	ssyncadd.s32 $0xFFFFC000  }
0xd1: {  	[hbm4b:s25+s4] =	stream.linear.scatter [tilespmem:s31], [sflag:$0x1], $0x4000, $0x38;
	[tilespmem:$0x1BB80] =	vst v63  }
0xd2: {  	_ = 	snop  }
0xd3: {  	[tilespmem:s16], [sflag:$0x5] =	stream.linear.gather [spmem:s8], $0x4000, $0x38;
	[tilespmem:$0x1BB80] =	vst v63  }
0xd4: {  	_ =	swait.ge [sflag:s17], $0x4000  }
0xd5: {  	[sflag:s17] =	ssyncset.done $0x0  }
0xd6: {  	s26 =	rddreg [dreg:$0x7];
	[sflag:s17] =	ssyncadd.s32 $0xFFFFC000  }
0xd7: {  	[hbm4b:s26+s4] =	stream.linear.scatter [tilespmem:s16], [sflag:$0x2], $0x4000, $0x38;
	[tilespmem:$0x1BB80] =	vst v63  }
0xd8: {  	_ =	swait.ge [sflag:s0], $0x4000  }
0xd9: {  	[sflag:s0] =	ssyncset.done $0x0  }
0xda: {  	[sflag:s0] =	ssyncadd.s32 $0xFFFFC000  }
0xdb: {  	[tilespmem:s31], [sflag:$0x5] =	stream.linear.gather [spmem:s9], $0x4000, $0x38;
	[tilespmem:$0x1BB80] =	vst v63  }
0xdc: {  	_ =	swait.ge [sflag:s17], $0x4000  }
0xdd: {  	[sflag:s17] =	ssyncset.done $0x0  }
0xde: {  	s23 =	rddreg [dreg:$0x8];
	[sflag:s17] =	ssyncadd.s32 $0xFFFFC000  }
0xdf: {  	[hbm4b:s23+s4] =	stream.linear.scatter [tilespmem:s31], [sflag:$0x1], $0x4000, $0x38;
	[tilespmem:$0x1BB80] =	vst v63  }
0xe0: {  	_ =	swait.ge [sflag:s18], $0x4000  }
0xe1: {  	[sflag:s18] =	ssyncset.done $0x0  }
0xe2: {  	[sflag:s18] =	ssyncadd.s32 $0xFFFFC000  }
0xe3: {  	[tilespmem:s16], [sflag:$0x5] =	stream.linear.gather [spmem:s10], $0x4000, $0x38;
	[tilespmem:$0x1BB80] =	vst v63  }
0xe4: {  	_ =	swait.ge [sflag:s17], $0x4000  }
0xe5: {  	[sflag:s17] =	ssyncset.done $0x0  }
0xe6: {  	s24 =	rddreg [dreg:$0x9];
	[sflag:s17] =	ssyncadd.s32 $0xFFFFC000  }
0xe7: {  	[hbm4b:s24+s4] =	stream.linear.scatter [tilespmem:s16], [sflag:$0x2], $0x4000, $0x38;
	[tilespmem:$0x1BB80] =	vst v63  }
0xe8: {  	_ =	swait.ge [sflag:s0], $0x4000  }
0xe9: {  	[sflag:s0] =	ssyncset.done $0x0  }
0xea: {  	[sflag:s0] =	ssyncadd.s32 $0xFFFFC000  }
0xeb: {  	[tilespmem:s31], [sflag:$0x5] =	stream.linear.gather [spmem:s11], $0x3800, $0x38;
	[tilespmem:$0x1BB80] =	vst v63  }
0xec: {  	_ =	swait.ge [sflag:s17], $0x3800  }
0xed: {  	[sflag:s17] =	ssyncset.done $0x0  }
0xee: {  	s25 =	rddreg [dreg:$0xa];
	[sflag:s17] =	ssyncadd.s32 $0xFFFFC800  }
0xef: {  	[hbm4b:s25+s4] =	stream.linear.scatter [tilespmem:s31], [sflag:$0x1], $0x3800, $0x38;
	[tilespmem:$0x1BB80] =	vst v63  }
0xf0: {  	_ =	swait.ge [sflag:s18], $0x4000  }
0xf1: {  	[sflag:s18] =	ssyncset.done $0x0  }
0xf2: {  	[sflag:s18] =	ssyncadd.s32 $0xFFFFC000  }
0xf3: {  	_ =	swait.ge [sflag:s0], $0x3800  }
0xf4: {  	[sflag:s0] =	ssyncset.done $0x0  }
0xf5: {  	s19 =	simm.s32 @!p0 $0x300;
	s23 =	rddreg [dreg:$0x11];
	[sflag:s0] =	ssyncadd.s32 $0xFFFFC800  }
0xf6: {  	[tilespmem:s19], [sflag:$0x5] =	stream.linear.gather @!p0 [spmem:s23], $0x400, $0x38;
	[tilespmem:$0x1BB80] =	vst v63  }
0xf7: {  	s23 =	simm.s32 @!p0 $0x5  }
0xf8: {  	_ =	swait.ge @!p0 [sflag:s23], $0x400  }
0xf9: {  	[sflag:s23] =	ssyncset.done @!p0 $0x0  }
0xfa: {  	s24 =	simm.s32 @!p0 $0x0;
	s25 =	rddreg [dreg:$0xb];
	[sflag:s23] =	ssyncadd.s32 @!p0 $0xFFFFFC00  }
0xfb: {  	[hbm4b:s25+s24] =	stream.linear.scatter @!p0 [tilespmem:s19], [sflag:$0x5], $0x400, $0x38;
	[tilespmem:$0x1BB80] =	vst v63  }
0xfc: {  	_ =	swait.ge @!p0 [sflag:s23], $0x400  }
0xfd: {  	s22 =	sadd.s32 $0x1, s22;
	s26 =	rddreg [dreg:$0x12]  }
0xfe: {  	p1 =	sne.s32 s22, s26  }
.Ltmp2:
0xff: {  	_ = 	snop;
	(pc) =	sbr.rel @p1 .LBB2_1-.Ltmp2, $3  }
0x100: {  	_ =	sdelay $0x1  }
0x101: {  	[sflag:s23] =	ssyncset.done @!p0 $0x0  }
0x102: {  	[sflag:s23] =	ssyncadd.s32 @!p0 $0xFFFFFC00  }
0x103: {  	_ =	sfence.sel $0x180000  }
0x104: {  	[bflag:$0x0] =	sbarrier.arrive $0xFFFF  }
0x105: {  	_ =	strace $0x9000004D  }
0x106: {  	s0 =	stileid.u32;
	[bflag:$0x2] =	sbarrier.arrive $0xFFFF  }
0x107: {  	p0 =	sne.s32 s0, $0x0;
	s0 =	rddreg [dreg:$0x3]  }
0x108: {  	s0 =	sadd.s32 @!p0 $0x100000, s0  }
0x109: {  	[sflag:s0] =	ssyncadd.tile.s32 @!p0 $0x1;
	_ =	shalt  }
.Lfunc_end2:
_tile_overlayer_lowered:
.L_overlay_start_2:
0x10a: {  	(tag) =	ssettag $0x2  }
0x10b: {  	s0 =	rddreg [dreg:$0x0];
	s2 =	stileid.u32  }
0x10c: {  	s1 =	rddreg [dreg:$0x1];
	p0 =	sne.s32 s2, $0x0  }
0x10d: {  	s3 =	rddreg [dreg:$0x2];
	[bflag:$0x3] =	sbarrier.arrive $0xFFFF;
	s2 =	simm.s32 @!p0 $0x1C05  }
0x10e: {  	[timem:s3], [sflag:s2] =	dma.local @!p0 [hbm:s0], s1  }
0x10f: {  	s0 =	simm.s32 @!p0 $0x5  }
0x110: {  	_ =	swait.ge @!p0 [sflag:s0], s1  }
0x111: {  	s1 =	ssub.s32 @!p0 $0x0, s1;
	[sflag:s0] =	ssyncset.done @!p0 $0x0  }
0x112: {  	[sflag:s0] =	ssyncadd.s32 @!p0 s1  }
0x113: {  	[bflag:$0x3] =	sbarrier.arrive $0xFFFF  }
0x114: {  	_ =	shalt  }

// kernel: kernel.18.cloned.1.call-start
scs
__scs_entry_jumppad:
0x0: {  	(pc) =	sbr.rel $0x88, $3  }
0x1: {  	(tag) =	ssettag $0x0;
	lr =	simm.s32 $0x1  }
0x2: {  	[smem:$0x3F92] =	sst lr;
	_ =	strace $0xD0000000  }
0x3: {  	_ = 	snop  }
0x4: {  	_ = 	snop  }
0x5: {  	_ = 	snop  }
0x6: {  	_ = 	snop  }
0x7: {  	_ = 	snop  }
__scs_overlays_trampoline_lowered:
0x8: {  	[smem:$0x3FA1] =	sst s0  }
0x9: {  	[smem:$0x3FA2] =	sst s1  }
0xa: {  	[smem:$0x3FA3] =	sst s2  }
0xb: {  	[smem:$0x3FA4] =	sst s3  }
0xc: {  	[smem:$0x3FA5] =	sst s4  }
0xd: {  	[smem:$0x3FA6] =	sst s5  }
0xe: {  	[smem:$0x3FA7] =	sst s6  }
0xf: {  	[smem:$0x3FA8] =	sst s7  }
0x10: {  	[smem:$0x3FA9] =	sst s8  }
0x11: {  	[smem:$0x3FAA] =	sst s9;
	s0 =	simm.s32 @!p0 $0x0  }
0x12: {  	s1 =	sld [smem:$0x3F90];
	s0 =	simm.s32 @p0 $0x1  }
0x13: {  	[smem:$0x3FAB] =	sst s0;
	s0 =	simm.s32 @!p1 $0x0  }
0x14: {  	s2 =	sld [smem:$0x3F8F];
	s0 =	simm.s32 @p1 $0x1  }
0x15: {  	[smem:$0x3FAC] =	sst s0;
	s0 =	simm.s32 @!p2 $0x0  }
0x16: {  	s3 =	sld [smem:$0x3FDB];
	s0 =	simm.s32 @p2 $0x1  }
0x17: {  	s4 =	simm.s32 $0x1BF5;
	[smem:$0x3FAE] =	sst s0  }
0x18: {  	s0 =	sld [smem:$0x3F91];
	_ =	swait.ge [sflag:s4], $0x0  }
0x19: {  	s7 =	sld [smem:$0x3F92]  }
0x1a: {  	s8 =	sadd.s32 $0xFFFFE003, lr  }
0x1b: {  	s9 =	sadd.s32 $0xFFFFFEF7, lr;
	s5 =	simm.s32 $0xFFFFFFFF;
	p2 =	slt.u32 s8, $0xFFFFF086  }
0x1c: {  	p1 =	slt.u32 s9, $0xF7A;
	s5 =	simm.s32 @!p2 $0x0  }
0x1d: {  	s5 =	simm.s32 @p1 $0x1;
	p0 =	seq.s32 s7, s2  }
0x1e: {  	s7 =	smul.u32 @!p0 $0xF7A, s2;
	p2 =	seq.s32 @!p0 s5, $0x0  }
0x1f: {  	s9 =	smul.u32 $0xF7A, s1;
	s8 =	simm.s32 @!p0 $0x1BF5;
	p2 =	por !p2, p0  }
0x20: {  	[sflag:s8] =	ssyncset.s32 @!p0 $0xFFFFF086;
	s6 =	sadd.s32 @!p0 s3, s7;
	s7 =	simm.s32 @!p0 $0x108  }
0x21: {  	s3 =	sadd.s32 s3, s9;
	s6 =	sadd.s32 @!p0 $0x88, s6;
	s7 =	simm.s32 @p2 $0x1082  }
0x22: {  	[simem:s7], [sflag:s8] =	dma.local @!p0 [hbm:s6], $0xF7A  }
0x23: {  	s9 =	sor.u32 $0xD0000000, s2;
	s6 =	simm.s32 $0x108;
	_ =	swait.ge @!p0 [sflag:s8], $0x0  }
0x24: {  	s3 =	sadd.s32 $0x88, s3;
	s6 =	simm.s32 @!p1 $0x1082;
	[sflag:s4] =	ssyncset.s32 $0xFFFFF086  }
0x25: {  	[simem:s6], [sflag:s4] =	dma.local [hbm:s3], $0xF7A  }
0x26: {  	[smem:$0x3F92] =	sst s1;
	(tag) =	ssettag s2;
	_ =	strace s9  }
0x27: {  	s1 =	sld [smem:$0x3FA2]  }
0x28: {  	s2 =	sld [smem:$0x3FA3]  }
0x29: {  	s4 =	sld [smem:$0x3FA5]  }
0x2a: {  	p0 =	seq.s32 s5, $0x0;
	s5 =	sld [smem:$0x3FA6]  }
0x2b: {  	s6 =	sld [smem:$0x3FA7]  }
0x2c: {  	s7 =	sld [smem:$0x3FA8]  }
0x2d: {  	s3 =	simm.s32 $0x108;
	s8 =	sld [smem:$0x3FA9]  }
0x2e: {  	s3 =	simm.s32 @!p0 $0x1082;
	s9 =	sld [smem:$0x3FAA]  }
0x2f: {  	lr =	sadd.s32 s0, s3;
	s0 =	sld [smem:$0x3FA1]  }
0x30: {  	s3 =	sld [smem:$0x3FA4]  }
0x31: {  	[smem:$0x3FAD] =	sst s10  }
0x32: {  	s10 =	sld [smem:$0x3FAB];
	_ =	sdelay $0x3  }
0x33: {  	p0 =	seq.s32 s10, $0x1;
	s10 =	sld [smem:$0x3FAD];
	_ =	sdelay $0x3  }
0x34: {  	[smem:$0x3FAD] =	sst s10  }
0x35: {  	s10 =	sld [smem:$0x3FAC];
	_ =	sdelay $0x3  }
0x36: {  	p1 =	seq.s32 s10, $0x1;
	s10 =	sld [smem:$0x3FAD];
	_ =	sdelay $0x3  }
0x37: {  	[smem:$0x3FAD] =	sst s10  }
0x38: {  	s10 =	sld [smem:$0x3FAE]  }
0x39: {  	_ = 	snop;
	(pc) =	sbr.ind lr, $3  }
0x3a: {  	_ = 	snop  }
0x3b: {  	_ = 	snop  }
0x3c: {  	p2 =	seq.s32 s10, $0x1;
	s10 =	sld [smem:$0x3FAD]  }
0x3d: {  	_ =	shalt  }
0x3e: {  	_ =	shalt  }
0x3f: {  	_ =	shalt  }
0x40: {  	_ =	shalt  }
0x41: {  	_ =	shalt  }
0x42: {  	_ =	shalt  }
0x43: {  	_ =	shalt  }
0x44: {  	_ =	shalt  }
0x45: {  	_ =	shalt  }
0x46: {  	_ =	shalt  }
0x47: {  	_ =	shalt  }
0x48: {  	_ =	shalt  }
0x49: {  	_ =	shalt  }
0x4a: {  	_ =	shalt  }
0x4b: {  	_ =	shalt  }
0x4c: {  	_ =	shalt  }
0x4d: {  	_ =	shalt  }
0x4e: {  	_ =	shalt  }
0x4f: {  	_ =	shalt  }
0x50: {  	_ =	shalt  }
0x51: {  	_ =	shalt  }
0x52: {  	_ =	shalt  }
0x53: {  	_ =	shalt  }
0x54: {  	_ =	shalt  }
0x55: {  	_ =	shalt  }
0x56: {  	_ =	shalt  }
0x57: {  	_ =	shalt  }
0x58: {  	_ =	shalt  }
0x59: {  	_ =	shalt  }
0x5a: {  	_ =	shalt  }
0x5b: {  	_ =	shalt  }
0x5c: {  	_ =	shalt  }
0x5d: {  	_ =	shalt  }
0x5e: {  	_ =	shalt  }
0x5f: {  	_ =	shalt  }
0x60: {  	_ =	shalt  }
0x61: {  	_ =	shalt  }
0x62: {  	_ =	shalt  }
0x63: {  	_ =	shalt  }
0x64: {  	_ =	shalt  }
0x65: {  	_ =	shalt  }
0x66: {  	_ =	shalt  }
0x67: {  	_ =	shalt  }
0x68: {  	_ =	shalt  }
0x69: {  	_ =	shalt  }
0x6a: {  	_ =	shalt  }
0x6b: {  	_ =	shalt  }
0x6c: {  	_ =	shalt  }
0x6d: {  	_ =	shalt  }
0x6e: {  	_ =	shalt  }
0x6f: {  	_ =	shalt  }
0x70: {  	_ =	shalt  }
0x71: {  	_ =	shalt  }
0x72: {  	_ =	shalt  }
0x73: {  	_ =	shalt  }
0x74: {  	_ =	shalt  }
0x75: {  	_ =	shalt  }
0x76: {  	_ =	shalt  }
0x77: {  	_ =	shalt  }
0x78: {  	_ =	shalt  }
0x79: {  	_ =	shalt  }
0x7a: {  	_ =	shalt  }
0x7b: {  	_ =	shalt  }
0x7c: {  	_ =	shalt  }
0x7d: {  	_ =	shalt  }
0x7e: {  	_ =	shalt  }
0x7f: {  	_ =	shalt  }
0x80: {  	_ =	shalt  }
0x81: {  	_ =	shalt  }
0x82: {  	_ =	shalt  }
0x83: {  	_ =	shalt  }
0x84: {  	_ =	shalt  }
0x85: {  	_ =	shalt  }
0x86: {  	_ =	shalt  }
0x87: {  	_ =	shalt  }
.Lfunc_end0:
.L_simem_size_0:
called_computation.3_lowered:
.L_overlay_start_0:
0x88: {  	s2 =	sld [smem:$0x3FD9]  }
0x89: {  	s3 =	sld [smem:$0x3FFE];
	_ =	sdelay $0x1  }
0x8a: {  	s1 =	srdreg.scid  }
0x8b: {  	s0 =	sand.u32 $0x1, s1  }
0x8c: {  	s17 =	sshll.u32 s0, $0xA;
	s2 =	sadd.s32 s3, s2  }
0x8d: {  	s2 =	sadd.s32 s2, s17  }
0x8e: {  	[smem:$0x3FB9] =	sst s2  }
0x8f: {  	_ = 	snop  }
0x90: {  	s2 =	sld [smem:$0x3FD0];
	(tm) =	ssettm $0x1  }
0x91: {  	s18 =	sld [smem:$0x3FFB];
	_ =	sdelay $0x3  }
0x92: {  	_ =	strace s18  }
0x93: {  	s3 =	sld [smem:$0x3FFC];
	_ =	sdelay $0x3  }
0x94: {  	_ =	strace s3  }
0x95: {  	s3 =	sld [smem:$0x3FFD];
	_ =	sdelay $0x3  }
0x96: {  	_ =	strace s3  }
0x97: {  	_ =	strace $0x8FFFFFFF  }
0x98: {  	s19 =	sld [smem:$0x3FDB];
	_ =	sdelay $0x1  }
0x99: {  	s4 =	simm.s32 $_scs_section_size  }
0x9a: {  	s5 =	simm.s32 $_size__tile_overlayer_lowered;
	s6 =	simm.s32 $_tile_overlayer_lowered  }
0x9b: {  	s22 =	simm.s32 $0x1BFF;
	s21 =	sshll.u32 s6, $0x1;
	s3 =	sadd.s32 s4, s19  }
0x9c: {  	s7 =	simm.s32 $0x0;
	s20 =	sshll.u32 s5, $0x1;
	s5 =	sadd.s32 s21, s3  }
0x9d: {  	[timem:s7], [sflag:s22] =	dma.local [hbm:s5], s20  }
0x9e: {  	_ =	swait.ge [sflag:s22], s20  }
0x9f: {  	s4 =	ssub.s32 $0x0, s20;
	[sflag:s22] =	ssyncset.done $0x0  }
0xa0: {  	[sflag:s22] =	ssyncadd.s32 s4;
	_ =	sdelay $0x1  }
0xa1: {  	s23 =	simm.s32 $0x1B8B  }
0xa2: {  	_ =	swait.ge [sflag:s23], $0x1  }
0xa3: {  	[sflag:s23] =	ssyncset.done $0x0  }
0xa4: {  	s25 =	simm.s32 $0x1B8E;
	s24 =	sld [smem:$0x3FFE];
	[sflag:s23] =	ssyncadd.s32 $0xFFFFFFFF  }
0xa5: {  	s26 =	simm.s32 $execute0_lowered;
	[smem:$0x3FD2] =	sst s25  }
0xa6: {  	s5 =	sshll.u32 s26, $0x1;
	_ =	strace $0x8000004F;
	[dreg:$0x1] =	wrdreg $0xFFFFFFFF  }
0xa7: {  	s28 =	simm.s32 $_size_execute0_lowered;
	s3 =	sadd.s32 s3, s5;
	[dreg:$0x0] =	wrdreg $0x0  }
0xa8: {  	s5 =	sshll.u32 s28, $0x1;
	[dreg:$0x2] =	wrdreg s3  }
0xa9: {  	[dreg:$0x3] =	wrdreg s5  }
0xaa: {  	[dreg:$0x4] =	wrdreg $0xC0  }
0xab: {  	_ =	task [dreg:s7], $0x5FFFF  }
0xac: {  	[dreg:$0x1] =	wrdreg $0xFFFFFFFF  }
0xad: {  	[dreg:$0x0] =	wrdreg $0x60  }
0xae: {  	[dreg:$0x2] =	wrdreg s2  }
0xaf: {  	[dreg:$0x3] =	wrdreg s24  }
0xb0: {  	[dreg:$0x4] =	wrdreg $0x83000  }
0xb1: {  	[dreg:$0x5] =	wrdreg $0x9  }
0xb2: {  	_ =	task.clear_ibuf [dreg:s7], $0x6FFFF;
	_ =	strace $0x9000004F  }
0xb3: {  	s29 =	simm.s32 $0x9;
	_ =	strace $0x80000051  }
0xb4: {  	_ =	swait.ge [sflag:s29], $0x1  }
0xb5: {  	[sflag:s29] =	ssyncadd.s32 $0xFFFFFFFF  }
0xb6: {  	_ =	strace $0x90000051  }
0xb7: {  	_ =	sfence  }
0xb8: {  	s30 =	sld [smem:$0x0];
	_ =	sdelay $0x2  }
0xb9: {  	s31 =	sshll.u32 s1, $0xD;
	s1 =	sshrl.u32 s1, $0x2  }
0xba: {  	s3 =	sand.u32 $0x4000, s31;
	s1 =	sadd.s32 s1, s30  }
0xbb: {  	s0 =	sor.u32 s3, s0;
	s1 =	sshll.u32 s1, $0x11  }
0xbc: {  	s0 =	sor.u32 s1, s0  }
0xbd: {  	s0 =	sadd.s32 $0x8F2B, s0  }
0xbe: {  	[sflag:s0] =	ssyncadd.remote.s32 $0x1  }
0xbf: {  	_ =	sfence.sel $0xFFFF  }
0xc0: {  	[dreg:$0x0] =	wrdreg $0xFFFFFFFF;
	(pc) =	sbr.abs _section_cstart, $3  }
0xc1: {  	[dreg:$0x1] =	wrdreg $0xFFFFFFFF  }
0xc2: {  	_ =	task.clear_ibuf [dreg:s7], $0x2FFFF;
	_ =	strace $0x9FFFFFFF  }
0xc3: {  	(tm) =	ssettm $0x7FFFFFFF  }
tec
execute0_lowered:
.L_overlay_start_1:
0x0: {  	(tag) =	ssettag $0x1  }
0x1: {  	s1 =	rddreg [dreg:$0x0]  }
0x2: {  	s0 =	rddreg [dreg:$0x1]  }
0x3: {  	s2 =	rddreg [dreg:$0x2];
	s4 =	simm.s32 $0x0;
	s3 =	srdreg.scid  }
0x4: {  	s22 =	stileid.u32;
	s31 =	simm.s32 $0x300;
	[smem:$0x7FF] =	sst s4  }
0x5: {  	s3 =	sand.u32 $0x1, s3;
	s5 =	sadd.s32 $0xD600, s0;
	s8 =	smul.u32 $0x2710, s22  }
0x6: {  	s6 =	sadd.s32 $0x3800, s0;
	s10 =	smul.u32 $0x4E000, s22;
	s0 =	sadd.s32 $0x17400, s0  }
0x7: {  	s12 =	smul.u32 $0x13800, s22;
	s19 =	sshll.u32 s22, $0xA;
	p0 =	sgt.u32 s22, $0x1  }
0x8: {  	s22 =	simm.s32 $0x0;
	s7 =	smul.u32 $0x27100, s3;
	_ =	strace $0x80000050  }
0x9: {  	s9 =	ssub.s32 $0x2, s3;
	s20 =	sadd.s32 s19, s2;
	s3 =	smul.u32 $0x138800, s3  }
0xa: {  	s11 =	sshrl.u32 s9, $0x1;
	s25 =	sshrl.u32 s10, $0x2;
	s15 =	sadd.s32 $0x4000, s12  }
0xb: {  	s16 =	sadd.s32 $0x8000, s12;
	s17 =	sadd.s32 $0xC000, s12;
	s18 =	sadd.s32 $0x10000, s12  }
0xc: {  	s20 =	sadd.s32 $0x138000, s20;
	s13 =	ssub.s32 s9, s11;
	s14 =	sadd.s32 s8, s7  }
0xd: {  	s7 =	sadd.s32 s25, s2;
	s8 =	sadd.s32 s15, s2;
	s9 =	sadd.s32 s16, s2  }
0xe: {  	s10 =	sadd.s32 s17, s2;
	s11 =	sadd.s32 s18, s2;
	[dreg:$0x4] =	wrdreg s20  }
0xf: {  	s12 =	sadd.s32 s12, s3;
	s15 =	sadd.s32 s3, s15;
	s16 =	sadd.s32 s3, s16  }
0x10: {  	s24 =	sadd.s32 s3, s17;
	s25 =	sor.u32 $0x138000, s19;
	s21 =	sshrl.u32 s14, $0x3  }
0x11: {  	s12 =	sshrl.u32 s12, $0x3;
	s15 =	sshrl.u32 s15, $0x3;
	s26 =	sadd.s32 s5, s21  }
0x12: {  	s23 =	sshrl.u32 s16, $0x3;
	s12 =	sadd.s32 s0, s12;
	[dreg:$0x5] =	wrdreg s26  }
0x13: {  	s30 =	sadd.s32 $0x100, s14;
	s15 =	sadd.s32 s0, s15;
	[dreg:$0x6] =	wrdreg s12  }
0x14: {  	s16 =	simm.s32 $0x4300;
	s20 =	sadd.s32 $0x10, s21;
	[dreg:$0x7] =	wrdreg s15  }
0x15: {  	s12 =	sadd.s32 s0, s23;
	s26 =	sadd.s32 s3, s18;
	s3 =	sadd.s32 s3, s25  }
0x16: {  	s18 =	sadd.s32 s5, s20;
	s19 =	sadd.s32 s6, s20;
	s20 =	sadd.s32 s6, s21  }
0x17: {  	s21 =	sadd.s32 $0x4E0, s21;
	s25 =	sadd.s32 s25, s2;
	[dreg:$0x8] =	wrdreg s12  }
0x18: {  	s15 =	simm.s32 $0x4;
	s12 =	sshrl.u32 s24, $0x3;
	[dreg:$0xc] =	wrdreg s18  }
0x19: {  	s17 =	sshrl.u32 s26, $0x3;
	s3 =	sshrl.u32 s3, $0x3;
	[dreg:$0xd] =	wrdreg s19  }
0x1a: {  	[dreg:$0xe] =	wrdreg s20;
	s23 =	sadd.s32 s5, s21;
	s24 =	sadd.s32 $0x180, s14  }
0x1b: {  	[dreg:$0x11] =	wrdreg s25;
	s26 =	smax.u32 s13, $0x1;
	s13 =	simm.s32 $0x100  }
0x1c: {  	s14 =	simm.s32 $0x180;
	s18 =	simm.s32 $0x2;
	[dreg:$0xf] =	wrdreg s23  }
0x1d: {  	s20 =	simm.s32 $0x280;
	s12 =	sadd.s32 s0, s12;
	[dreg:$0x12] =	wrdreg s26  }
0x1e: {  	[dreg:$0x9] =	wrdreg s12;
	s12 =	sadd.s32 s0, s17;
	s0 =	sadd.s32 s0, s3  }
0x1f: {  	s3 =	simm.s32 $0x80;
	s17 =	simm.s32 $0x5;
	[dreg:$0xa] =	wrdreg s12  }
0x20: {  	[dreg:$0xb] =	wrdreg s0;
	s0 =	sadd.s32 s6, s21;
	s12 =	simm.s32 $0x3  }
0x21: {  	s21 =	simm.s32 $0x10;
	[dreg:$0x10] =	wrdreg s0;
	s0 =	sshrl.u32 s24, $0x3  }
0x22: {  	v0 =	vimm.f32 $0.0e+00;
	s28 =	sadd.s32 s0, s6;
	s29 =	sadd.s32 s0, s5;
	s0 =	simm.s32 $0x1  }
.LBB2_1:
0x23: {  	s23 =	simm.s32 $0x0;
	s24 =	simm.s32 $0x200  }
.LBB2_2:
0x24: {  	p1 =	sne.s32 s24, $0xFE00;
	[tilespmem:s23+$0x370] =	vst v0  }
0x25: {  	[tilespmem:s23+$0x300] =	vst v0  }
0x26: {  	[tilespmem:s23+$0x310] =	vst v0  }
.Ltmp0:
0x27: {  	[tilespmem:s23+$0x320] =	vst v0;
	(pc) =	sbr.rel @p1 .LBB2_2-.Ltmp0, $4  }
0x28: {  	[tilespmem:s23+$0x330] =	vst v0  }
0x29: {  	[tilespmem:s23+$0x340] =	vst v0  }
0x2a: {  	[tilespmem:s23+$0x350] =	vst v0  }
0x2b: {  	[tilespmem:s23+$0x360] =	vst v0;
	s23 =	sshra.s32 s24, $0x2;
	s24 =	sadd.s32 $0x200, s24  }
0x2c: {  	[tilespmem:s23+$0x370] =	vst v0  }
0x2d: {  	[tilespmem:s23+$0x300] =	vst v0  }
0x2e: {  	[tilespmem:s23+$0x310] =	vst v0  }
0x2f: {  	[tilespmem:s23+$0x320] =	vst v0  }
0x30: {  	[tilespmem:s23+$0x330] =	vst v0  }
0x31: {  	[tilespmem:s23+$0x340] =	vst v0  }
0x32: {  	[tilespmem:s23+$0x350] =	vst v0  }
0x33: {  	[tilespmem:s23+$0x360] =	vst v0  }
0x34: {  	[spmem:s7] =	stream.linear.scatter [tilespmem:s31], [sflag:$0x1], $0x4000, $0x38;
	[tilespmem:$0x1BB80] =	vst v63  }
0x35: {  	_ = 	snop  }
0x36: {  	[spmem:s8] =	stream.linear.scatter [tilespmem:s31], [sflag:$0x1], $0x4000, $0x38;
	[tilespmem:$0x1BB80] =	vst v63  }
0x37: {  	_ = 	snop  }
0x38: {  	[spmem:s9] =	stream.linear.scatter [tilespmem:s31], [sflag:$0x1], $0x4000, $0x38;
	[tilespmem:$0x1BB80] =	vst v63  }
0x39: {  	_ = 	snop  }
0x3a: {  	[spmem:s10] =	stream.linear.scatter [tilespmem:s31], [sflag:$0x1], $0x4000, $0x38;
	[tilespmem:$0x1BB80] =	vst v63  }
0x3b: {  	_ = 	snop  }
0x3c: {  	[spmem:s11] =	stream.linear.scatter [tilespmem:s31], [sflag:$0x1], $0x3800, $0x38;
	[tilespmem:$0x1BB80] =	vst v63  }
0x3d: {  	s23 =	simm.s32 @!p0 $0x300;
	s19 =	rddreg [dreg:$0x4]  }
0x3e: {  	[spmem:s19] =	stream.linear.scatter @!p0 [tilespmem:s23], [sflag:$0x1], $0x400, $0x38;
	[tilespmem:$0x1BB80] =	vst v63  }
0x3f: {  	_ =	swait.ge [sflag:s0], $0x4000  }
0x40: {  	[sflag:s0] =	ssyncset.done $0x0  }
0x41: {  	[sflag:s0] =	ssyncadd.s32 $0xFFFFC000  }
0x42: {  	_ =	swait.ge [sflag:s0], $0x4000  }
0x43: {  	[sflag:s0] =	ssyncset.done $0x0  }
0x44: {  	[sflag:s0] =	ssyncadd.s32 $0xFFFFC000  }
0x45: {  	_ =	swait.ge [sflag:s0], $0x4000  }
0x46: {  	[sflag:s0] =	ssyncset.done $0x0  }
0x47: {  	[sflag:s0] =	ssyncadd.s32 $0xFFFFC000  }
0x48: {  	_ =	swait.ge [sflag:s0], $0x4000  }
0x49: {  	[sflag:s0] =	ssyncset.done $0x0  }
0x4a: {  	[sflag:s0] =	ssyncadd.s32 $0xFFFFC000  }
0x4b: {  	_ =	swait.ge [sflag:s0], $0x3800  }
0x4c: {  	[sflag:s0] =	ssyncset.done $0x0  }
0x4d: {  	s23 =	simm.s32 @!p0 $0x1;
	[sflag:s0] =	ssyncadd.s32 $0xFFFFC800  }
0x4e: {  	_ =	swait.ge @!p0 [sflag:s23], $0x400  }
0x4f: {  	[sflag:s23] =	ssyncset.done @!p0 $0x0  }
0x50: {  	[sflag:s23] =	ssyncadd.s32 @!p0 $0xFFFFFC00  }
0x51: {  	[bflag:$0x0] =	sbarrier.arrive $0xFFFF  }
0x52: {  	s23 =	simm.s32 $0x0;
	s24 =	rddreg [dreg:$0x5]  }
0x53: {  	[tilespmem:s23], [sflag:$0x3] =	stream.linear.gather [hbm4b:s24+s23], $0x80, $0x38;
	[tilespmem:$0x1BB80] =	vst v63  }
0x54: {  	s25 =	rddreg [dreg:$0xe]  }
0x55: {  	[tilespmem:s3], [sflag:$0x3] =	stream.linear.gather [hbm4b:s25+s23], $0x80, $0x38;
	[tilespmem:$0x1BB80] =	vst v63  }
0x56: {  	_ =	swait.ge [sflag:s12], $0x80  }
0x57: {  	[sflag:s12] =	ssyncset.done $0x0  }
0x58: {  	[sflag:s12] =	ssyncadd.s32 $0xFFFFFF80  }
0x59: {  	_ =	swait.ge [sflag:s12], $0x80  }
0x5a: {  	[sflag:s12] =	ssyncset.done $0x0  }
0x5b: {  	[sflag:s12] =	ssyncadd.s32 $0xFFFFFF80  }
0x5c: {  	[tilespmem:s31], [sflag:$0x1] =	stream.indirect.gather [hbm4b:s1+s3], $0x80, s23, s3, $0xb8;
	[tilespmem:$0x1BB80] =	vst v63  }
0x5d: {  	s26 =	rddreg [dreg:$0xc]  }
0x5e: {  	[tilespmem:s13], [sflag:$0x4] =	stream.linear.gather [hbm4b:s26+s23], $0x80, $0x38;
	[tilespmem:$0x1BB80] =	vst v63  }
0x5f: {  	s24 =	rddreg [dreg:$0xd]  }
0x60: {  	[tilespmem:s14], [sflag:$0x4] =	stream.linear.gather [hbm4b:s24+s23], $0x80, $0x38;
	[tilespmem:$0x1BB80] =	vst v63  }
0x61: {  	_ =	swait.ge [sflag:s15], $0x80  }
0x62: {  	[sflag:s15] =	ssyncset.done $0x0  }
0x63: {  	[sflag:s15] =	ssyncadd.s32 $0xFFFFFF80  }
0x64: {  	_ =	swait.ge [sflag:s15], $0x80  }
0x65: {  	[sflag:s15] =	ssyncset.done $0x0  }
0x66: {  	[sflag:s15] =	ssyncadd.s32 $0xFFFFFF80  }
0x67: {  	[tilespmem:s16], [sflag:$0x2] =	stream.indirect.gather [hbm4b:s1+s3], $0x80, s13, s3, $0xb8;
	[tilespmem:$0x1BB80] =	vst v63  }
0x68: {  	_ =	swait.ge [sflag:s0], $0x4000  }
0x69: {  	[sflag:s0] =	ssyncset.done $0x0  }
0x6a: {  	[sflag:s0] =	ssyncadd.s32 $0xFFFFC000  }
0x6b: {  	[spmem:s2] =	stream.indirect.scatter.add.f32 [tilespmem:s31], [sflag:$0x5], $0x80, s3, s3, $0xb8;
	[tilespmem:$0x1BB80] =	vst v63  }
0x6c: {  	_ =	swait.ge [sflag:s17], $0x4000  }
0x6d: {  	s25 =	sshrl.u32 s30, $0x3;
	[sflag:s17] =	ssyncset.done $0x0  }
0x6e: {  	s24 =	sadd.s32 s5, s25;
	[sflag:s17] =	ssyncadd.s32 $0xFFFFC000  }
0x6f: {  	[tilespmem:s4], [sflag:$0x3] =	stream.linear.gather [hbm4b:s24+s4], $0x80, $0x38;
	[tilespmem:$0x1BB80] =	vst v63  }
0x70: {  	s23 =	sadd.s32 s6, s25  }
0x71: {  	[tilespmem:s3], [sflag:$0x3] =	stream.linear.gather [hbm4b:s23+s4], $0x80, $0x38;
	[tilespmem:$0x1BB80] =	vst v63  }
0x72: {  	_ =	swait.ge [sflag:s18], $0x4000  }
0x73: {  	[sflag:s18] =	ssyncset.done $0x0  }
0x74: {  	[sflag:s18] =	ssyncadd.s32 $0xFFFFC000  }
0x75: {  	[spmem:s2] =	stream.indirect.scatter.add.f32 [tilespmem:s16], [sflag:$0x5], $0x80, s14, s3, $0xb8;
	[tilespmem:$0x1BB80] =	vst v63  }
0x76: {  	_ =	swait.ge [sflag:s17], $0x4000  }
0x77: {  	[sflag:s17] =	ssyncset.done $0x0  }
0x78: {  	[sflag:s17] =	ssyncadd.s32 $0xFFFFC000  }
0x79: {  	_ =	swait.ge [sflag:s12], $0x80  }
0x7a: {  	[sflag:s12] =	ssyncset.done $0x0  }
0x7b: {  	[sflag:s12] =	ssyncadd.s32 $0xFFFFFF80  }
0x7c: {  	_ =	swait.ge [sflag:s12], $0x80  }
0x7d: {  	[sflag:s12] =	ssyncset.done $0x0  }
0x7e: {  	s26 =	sadd.s32 $0x0, s29;
	[sflag:s12] =	ssyncadd.s32 $0xFFFFFF80  }
0x7f: {  	[tilespmem:s31], [sflag:$0x1] =	stream.indirect.gather [hbm4b:s1+s3], $0x80, s4, s3, $0xb8;
	[tilespmem:$0x1BB80] =	vst v63  }
0x80: {  	s25 =	sadd.s32 $0x0, s28;
	s24 =	sadd.s32 $0x100, s30;
	s23 =	simm.s32 $0x20  }
0x81: {  	[tilespmem:s13], [sflag:$0x4] =	stream.linear.gather [hbm4b:s26+s4], $0x80, $0x38;
	[tilespmem:$0x1BB80] =	vst v63  }
.LBB2_4:
0x82: {  	[tilespmem:s14], [sflag:$0x4] =	stream.linear.gather [hbm4b:s25+s4], $0x80, $0x38;
	[tilespmem:$0x1BB80] =	vst v63  }
0x83: {  	s25 =	smov.u32 s23  }
0x84: {  	p1 =	sne.s32 s23, $0x4A0;
	s23 =	sadd.s32 $0x20, s23;
	_ =	swait.ge [sflag:s15], $0x80  }
0x85: {  	[sflag:s15] =	ssyncset.done $0x0  }
0x86: {  	[sflag:s15] =	ssyncadd.s32 $0xFFFFFF80  }
0x87: {  	_ =	swait.ge [sflag:s15], $0x80  }
0x88: {  	[sflag:s15] =	ssyncset.done $0x0  }
0x89: {  	[sflag:s15] =	ssyncadd.s32 $0xFFFFFF80  }
0x8a: {  	[tilespmem:s16], [sflag:$0x2] =	stream.indirect.gather [hbm4b:s1+s3], $0x80, s13, s3, $0xb8;
	[tilespmem:$0x1BB80] =	vst v63  }
0x8b: {  	_ =	swait.ge [sflag:s0], $0x4000  }
0x8c: {  	[sflag:s0] =	ssyncset.done $0x0  }
0x8d: {  	[sflag:s0] =	ssyncadd.s32 $0xFFFFC000  }
0x8e: {  	[spmem:s2] =	stream.indirect.scatter.add.f32 [tilespmem:s31], [sflag:$0x5], $0x80, s3, s3, $0xb8;
	[tilespmem:$0x1BB80] =	vst v63  }
0x8f: {  	_ =	swait.ge [sflag:s17], $0x4000  }
0x90: {  	s26 =	sshrl.u32 s24, $0x3;
	[sflag:s17] =	ssyncset.done $0x0  }
0x91: {  	s19 =	sadd.s32 s5, s26;
	[sflag:s17] =	ssyncadd.s32 $0xFFFFC000  }
0x92: {  	[tilespmem:s4], [sflag:$0x3] =	stream.linear.gather [hbm4b:s19+s4], $0x80, $0x38;
	[tilespmem:$0x1BB80] =	vst v63  }
0x93: {  	s19 =	sadd.s32 s6, s26  }
0x94: {  	[tilespmem:s3], [sflag:$0x3] =	stream.linear.gather [hbm4b:s19+s4], $0x80, $0x38;
	[tilespmem:$0x1BB80] =	vst v63  }
0x95: {  	_ =	swait.ge [sflag:s18], $0x4000  }
0x96: {  	[sflag:s18] =	ssyncset.done $0x0  }
0x97: {  	[sflag:s18] =	ssyncadd.s32 $0xFFFFC000  }
0x98: {  	[spmem:s2] =	stream.indirect.scatter.add.f32 [tilespmem:s16], [sflag:$0x5], $0x80, s14, s3, $0xb8;
	[tilespmem:$0x1BB80] =	vst v63  }
0x99: {  	_ =	swait.ge [sflag:s17], $0x4000  }
0x9a: {  	[sflag:s17] =	ssyncset.done $0x0  }
0x9b: {  	[sflag:s17] =	ssyncadd.s32 $0xFFFFC000  }
0x9c: {  	_ =	swait.ge [sflag:s12], $0x80  }
0x9d: {  	[sflag:s12] =	ssyncset.done $0x0  }
0x9e: {  	[sflag:s12] =	ssyncadd.s32 $0xFFFFFF80  }
0x9f: {  	_ =	swait.ge [sflag:s12], $0x80  }
0xa0: {  	[sflag:s12] =	ssyncset.done $0x0  }
.Ltmp1:
0xa1: {  	[sflag:s12] =	ssyncadd.s32 $0xFFFFFF80;
	(pc) =	sbr.rel @p1 .LBB2_4-.Ltmp1, $4  }
0xa2: {  	[tilespmem:s31], [sflag:$0x1] =	stream.indirect.gather [hbm4b:s1+s3], $0x80, s4, s3, $0xb8;
	[tilespmem:$0x1BB80] =	vst v63  }
0xa3: {  	s19 =	sadd.s32 s25, s29  }
0xa4: {  	[tilespmem:s13], [sflag:$0x4] =	stream.linear.gather [hbm4b:s19+s4], $0x80, $0x38;
	[tilespmem:$0x1BB80] =	vst v63  }
0xa5: {  	s24 =	sadd.s32 $0x100, s24;
	s25 =	sadd.s32 s25, s28  }
0xa6: {  	[tilespmem:s14], [sflag:$0x4] =	stream.linear.gather [hbm4b:s25+s4], $0x80, $0x38;
	[tilespmem:$0x1BB80] =	vst v63  }
0xa7: {  	_ =	swait.ge [sflag:s15], $0x80  }
0xa8: {  	[sflag:s15] =	ssyncset.done $0x0  }
0xa9: {  	[sflag:s15] =	ssyncadd.s32 $0xFFFFFF80  }
0xaa: {  	_ =	swait.ge [sflag:s15], $0x80  }
0xab: {  	[sflag:s15] =	ssyncset.done $0x0  }
0xac: {  	[sflag:s15] =	ssyncadd.s32 $0xFFFFFF80  }
0xad: {  	[tilespmem:s16], [sflag:$0x2] =	stream.indirect.gather [hbm4b:s1+s3], $0x80, s13, s3, $0xb8;
	[tilespmem:$0x1BB80] =	vst v63  }
0xae: {  	_ =	swait.ge [sflag:s0], $0x4000  }
0xaf: {  	[sflag:s0] =	ssyncset.done $0x0  }
0xb0: {  	[sflag:s0] =	ssyncadd.s32 $0xFFFFC000  }
0xb1: {  	[spmem:s2] =	stream.indirect.scatter.add.f32 [tilespmem:s31], [sflag:$0x5], $0x80, s3, s3, $0xb8;
	[tilespmem:$0x1BB80] =	vst v63  }
0xb2: {  	_ =	swait.ge [sflag:s17], $0x4000  }
0xb3: {  	[sflag:s17] =	ssyncset.done $0x0  }
0xb4: {  	[sflag:s17] =	ssyncadd.s32 $0xFFFFC000  }
0xb5: {  	_ =	swait.ge [sflag:s18], $0x4000  }
0xb6: {  	[sflag:s18] =	ssyncset.done $0x0  }
0xb7: {  	[sflag:s18] =	ssyncadd.s32 $0xFFFFC000  }
0xb8: {  	[spmem:s2] =	stream.indirect.scatter.add.f32 [tilespmem:s16], [sflag:$0x5], $0x80, s14, s3, $0xb8;
	[tilespmem:$0x1BB80] =	vst v63  }
0xb9: {  	_ =	swait.ge [sflag:s17], $0x4000  }
0xba: {  	[sflag:s17] =	ssyncset.done $0x0  }
0xbb: {  	s23 =	simm.s32 $0x200;
	s19 =	rddreg [dreg:$0xf];
	[sflag:s17] =	ssyncadd.s32 $0xFFFFC000  }
0xbc: {  	[tilespmem:s23], [sflag:$0x5] =	stream.linear.gather [hbm4b:s19+s4], $0x10, $0x38;
	[tilespmem:$0x1BB80] =	vst v63  }
0xbd: {  	_ =	swait.ge [sflag:s17], $0x10  }
0xbe: {  	[sflag:s17] =	ssyncset.done $0x0  }
0xbf: {  	s24 =	rddreg [dreg:$0x10];
	[sflag:s17] =	ssyncadd.s32 $0xFFFFFFF0  }
0xc0: {  	[tilespmem:s20], [sflag:$0x5] =	stream.linear.gather [hbm4b:s24+s4], $0x10, $0x38;
	[tilespmem:$0x1BB80] =	vst v63  }
0xc1: {  	_ =	swait.ge [sflag:s17], $0x10  }
0xc2: {  	[sflag:s17] =	ssyncset.done $0x0  }
0xc3: {  	[sflag:s17] =	ssyncadd.s32 $0xFFFFFFF0  }
0xc4: {  	[tilespmem:s31], [sflag:$0x1] =	stream.indirect.gather [hbm4b:s1+s21], $0x80, s23, s21, $0xb8;
	[tilespmem:$0x1BB80] =	vst v63  }
0xc5: {  	_ =	swait.ge [sflag:s0], $0x800  }
0xc6: {  	[sflag:s0] =	ssyncset.done $0x0  }
0xc7: {  	[sflag:s0] =	ssyncadd.s32 $0xFFFFF800  }
0xc8: {  	[spmem:s2] =	stream.indirect.scatter.add.f32 [tilespmem:s31], [sflag:$0x5], $0x80, s20, s21, $0xb8;
	[tilespmem:$0x1BB80] =	vst v63  }
0xc9: {  	_ =	swait.ge [sflag:s17], $0x800  }
0xca: {  	[sflag:s17] =	ssyncset.done $0x0  }
0xcb: {  	[sflag:s17] =	ssyncadd.s32 $0xFFFFF800  }
0xcc: {  	[bflag:$0x0] =	sbarrier.arrive $0xFFFF  }
0xcd: {  	[tilespmem:s31], [sflag:$0x5] =	stream.linear.gather [spmem:s7], $0x4000, $0x38;
	[tilespmem:$0x1BB80] =	vst v63  }
0xce: {  	_ =	swait.ge [sflag:s17], $0x4000  }
0xcf: {  	[sflag:s17] =	ssyncset.done $0x0  }
0xd0: {  	s25 =	rddreg [dreg:$0x6];
	[sflag:s17] =	ssyncadd.s32 $0xFFFFC000  }
0xd1: {  	[hbm4b:s25+s4] =	stream.linear.scatter [tilespmem:s31], [sflag:$0x1], $0x4000, $0x38;
	[tilespmem:$0x1BB80] =	vst v63  }
0xd2: {  	_ = 	snop  }
0xd3: {  	[tilespmem:s16], [sflag:$0x5] =	stream.linear.gather [spmem:s8], $0x4000, $0x38;
	[tilespmem:$0x1BB80] =	vst v63  }
0xd4: {  	_ =	swait.ge [sflag:s17], $0x4000  }
0xd5: {  	[sflag:s17] =	ssyncset.done $0x0  }
0xd6: {  	s26 =	rddreg [dreg:$0x7];
	[sflag:s17] =	ssyncadd.s32 $0xFFFFC000  }
0xd7: {  	[hbm4b:s26+s4] =	stream.linear.scatter [tilespmem:s16], [sflag:$0x2], $0x4000, $0x38;
	[tilespmem:$0x1BB80] =	vst v63  }
0xd8: {  	_ =	swait.ge [sflag:s0], $0x4000  }
0xd9: {  	[sflag:s0] =	ssyncset.done $0x0  }
0xda: {  	[sflag:s0] =	ssyncadd.s32 $0xFFFFC000  }
0xdb: {  	[tilespmem:s31], [sflag:$0x5] =	stream.linear.gather [spmem:s9], $0x4000, $0x38;
	[tilespmem:$0x1BB80] =	vst v63  }
0xdc: {  	_ =	swait.ge [sflag:s17], $0x4000  }
0xdd: {  	[sflag:s17] =	ssyncset.done $0x0  }
0xde: {  	s23 =	rddreg [dreg:$0x8];
	[sflag:s17] =	ssyncadd.s32 $0xFFFFC000  }
0xdf: {  	[hbm4b:s23+s4] =	stream.linear.scatter [tilespmem:s31], [sflag:$0x1], $0x4000, $0x38;
	[tilespmem:$0x1BB80] =	vst v63  }
0xe0: {  	_ =	swait.ge [sflag:s18], $0x4000  }
0xe1: {  	[sflag:s18] =	ssyncset.done $0x0  }
0xe2: {  	[sflag:s18] =	ssyncadd.s32 $0xFFFFC000  }
0xe3: {  	[tilespmem:s16], [sflag:$0x5] =	stream.linear.gather [spmem:s10], $0x4000, $0x38;
	[tilespmem:$0x1BB80] =	vst v63  }
0xe4: {  	_ =	swait.ge [sflag:s17], $0x4000  }
0xe5: {  	[sflag:s17] =	ssyncset.done $0x0  }
0xe6: {  	s24 =	rddreg [dreg:$0x9];
	[sflag:s17] =	ssyncadd.s32 $0xFFFFC000  }
0xe7: {  	[hbm4b:s24+s4] =	stream.linear.scatter [tilespmem:s16], [sflag:$0x2], $0x4000, $0x38;
	[tilespmem:$0x1BB80] =	vst v63  }
0xe8: {  	_ =	swait.ge [sflag:s0], $0x4000  }
0xe9: {  	[sflag:s0] =	ssyncset.done $0x0  }
0xea: {  	[sflag:s0] =	ssyncadd.s32 $0xFFFFC000  }
0xeb: {  	[tilespmem:s31], [sflag:$0x5] =	stream.linear.gather [spmem:s11], $0x3800, $0x38;
	[tilespmem:$0x1BB80] =	vst v63  }
0xec: {  	_ =	swait.ge [sflag:s17], $0x3800  }
0xed: {  	[sflag:s17] =	ssyncset.done $0x0  }
0xee: {  	s25 =	rddreg [dreg:$0xa];
	[sflag:s17] =	ssyncadd.s32 $0xFFFFC800  }
0xef: {  	[hbm4b:s25+s4] =	stream.linear.scatter [tilespmem:s31], [sflag:$0x1], $0x3800, $0x38;
	[tilespmem:$0x1BB80] =	vst v63  }
0xf0: {  	_ =	swait.ge [sflag:s18], $0x4000  }
0xf1: {  	[sflag:s18] =	ssyncset.done $0x0  }
0xf2: {  	[sflag:s18] =	ssyncadd.s32 $0xFFFFC000  }
0xf3: {  	_ =	swait.ge [sflag:s0], $0x3800  }
0xf4: {  	[sflag:s0] =	ssyncset.done $0x0  }
0xf5: {  	s19 =	simm.s32 @!p0 $0x300;
	s23 =	rddreg [dreg:$0x11];
	[sflag:s0] =	ssyncadd.s32 $0xFFFFC800  }
0xf6: {  	[tilespmem:s19], [sflag:$0x5] =	stream.linear.gather @!p0 [spmem:s23], $0x400, $0x38;
	[tilespmem:$0x1BB80] =	vst v63  }
0xf7: {  	s23 =	simm.s32 @!p0 $0x5  }
0xf8: {  	_ =	swait.ge @!p0 [sflag:s23], $0x400  }
0xf9: {  	[sflag:s23] =	ssyncset.done @!p0 $0x0  }
0xfa: {  	s24 =	simm.s32 @!p0 $0x0;
	s25 =	rddreg [dreg:$0xb];
	[sflag:s23] =	ssyncadd.s32 @!p0 $0xFFFFFC00  }
0xfb: {  	[hbm4b:s25+s24] =	stream.linear.scatter @!p0 [tilespmem:s19], [sflag:$0x5], $0x400, $0x38;
	[tilespmem:$0x1BB80] =	vst v63  }
0xfc: {  	_ =	swait.ge @!p0 [sflag:s23], $0x400  }
0xfd: {  	s22 =	sadd.s32 $0x1, s22;
	s26 =	rddreg [dreg:$0x12]  }
0xfe: {  	p1 =	sne.s32 s22, s26  }
.Ltmp2:
0xff: {  	_ = 	snop;
	(pc) =	sbr.rel @p1 .LBB2_1-.Ltmp2, $3  }
0x100: {  	_ =	sdelay $0x1  }
0x101: {  	[sflag:s23] =	ssyncset.done @!p0 $0x0  }
0x102: {  	[sflag:s23] =	ssyncadd.s32 @!p0 $0xFFFFFC00  }
0x103: {  	_ =	sfence.sel $0x180000  }
0x104: {  	[bflag:$0x0] =	sbarrier.arrive $0xFFFF  }
0x105: {  	_ =	strace $0x90000050  }
0x106: {  	s0 =	stileid.u32;
	[bflag:$0x2] =	sbarrier.arrive $0xFFFF  }
0x107: {  	p0 =	sne.s32 s0, $0x0;
	s0 =	rddreg [dreg:$0x3]  }
0x108: {  	s0 =	sadd.s32 @!p0 $0x100000, s0  }
0x109: {  	[sflag:s0] =	ssyncadd.tile.s32 @!p0 $0x1;
	_ =	shalt  }
.Lfunc_end2:
_tile_overlayer_lowered:
.L_overlay_start_2:
0x10a: {  	(tag) =	ssettag $0x2  }
0x10b: {  	s0 =	rddreg [dreg:$0x0];
	s2 =	stileid.u32  }
0x10c: {  	s1 =	rddreg [dreg:$0x1];
	p0 =	sne.s32 s2, $0x0  }
0x10d: {  	s3 =	rddreg [dreg:$0x2];
	[bflag:$0x3] =	sbarrier.arrive $0xFFFF;
	s2 =	simm.s32 @!p0 $0x1C05  }
0x10e: {  	[timem:s3], [sflag:s2] =	dma.local @!p0 [hbm:s0], s1  }
0x10f: {  	s0 =	simm.s32 @!p0 $0x5  }
0x110: {  	_ =	swait.ge @!p0 [sflag:s0], s1  }
0x111: {  	s1 =	ssub.s32 @!p0 $0x0, s1;
	[sflag:s0] =	ssyncset.done @!p0 $0x0  }
0x112: {  	[sflag:s0] =	ssyncadd.s32 @!p0 s1  }
0x113: {  	[bflag:$0x3] =	sbarrier.arrive $0xFFFF  }
0x114: {  	_ =	shalt  }

// kernel: kernel.9.cloned.1.call-start
scs
__scs_entry_jumppad:
0x0: {  	(pc) =	sbr.rel $0x88, $3  }
0x1: {  	(tag) =	ssettag $0x0;
	lr =	simm.s32 $0x1  }
0x2: {  	[smem:$0x3F92] =	sst lr;
	_ =	strace $0xD0000000  }
0x3: {  	_ = 	snop  }
0x4: {  	_ = 	snop  }
0x5: {  	_ = 	snop  }
0x6: {  	_ = 	snop  }
0x7: {  	_ = 	snop  }
__scs_overlays_trampoline_lowered:
0x8: {  	[smem:$0x3FA1] =	sst s0  }
0x9: {  	[smem:$0x3FA2] =	sst s1  }
0xa: {  	[smem:$0x3FA3] =	sst s2  }
0xb: {  	[smem:$0x3FA4] =	sst s3  }
0xc: {  	[smem:$0x3FA5] =	sst s4  }
0xd: {  	[smem:$0x3FA6] =	sst s5  }
0xe: {  	[smem:$0x3FA7] =	sst s6  }
0xf: {  	[smem:$0x3FA8] =	sst s7  }
0x10: {  	[smem:$0x3FA9] =	sst s8  }
0x11: {  	[smem:$0x3FAA] =	sst s9;
	s0 =	simm.s32 @!p0 $0x0  }
0x12: {  	s1 =	sld [smem:$0x3F90];
	s0 =	simm.s32 @p0 $0x1  }
0x13: {  	[smem:$0x3FAB] =	sst s0;
	s0 =	simm.s32 @!p1 $0x0  }
0x14: {  	s2 =	sld [smem:$0x3F8F];
	s0 =	simm.s32 @p1 $0x1  }
0x15: {  	[smem:$0x3FAC] =	sst s0;
	s0 =	simm.s32 @!p2 $0x0  }
0x16: {  	s3 =	sld [smem:$0x3FDB];
	s0 =	simm.s32 @p2 $0x1  }
0x17: {  	s4 =	simm.s32 $0x1BF5;
	[smem:$0x3FAE] =	sst s0  }
0x18: {  	s0 =	sld [smem:$0x3F91];
	_ =	swait.ge [sflag:s4], $0x0  }
0x19: {  	s7 =	sld [smem:$0x3F92]  }
0x1a: {  	s8 =	sadd.s32 $0xFFFFE003, lr  }
0x1b: {  	s9 =	sadd.s32 $0xFFFFFEF7, lr;
	s5 =	simm.s32 $0xFFFFFFFF;
	p2 =	slt.u32 s8, $0xFFFFF086  }
0x1c: {  	p1 =	slt.u32 s9, $0xF7A;
	s5 =	simm.s32 @!p2 $0x0  }
0x1d: {  	s5 =	simm.s32 @p1 $0x1;
	p0 =	seq.s32 s7, s2  }
0x1e: {  	s7 =	smul.u32 @!p0 $0xF7A, s2;
	p2 =	seq.s32 @!p0 s5, $0x0  }
0x1f: {  	s9 =	smul.u32 $0xF7A, s1;
	s8 =	simm.s32 @!p0 $0x1BF5;
	p2 =	por !p2, p0  }
0x20: {  	[sflag:s8] =	ssyncset.s32 @!p0 $0xFFFFF086;
	s6 =	sadd.s32 @!p0 s3, s7;
	s7 =	simm.s32 @!p0 $0x108  }
0x21: {  	s3 =	sadd.s32 s3, s9;
	s6 =	sadd.s32 @!p0 $0x88, s6;
	s7 =	simm.s32 @p2 $0x1082  }
0x22: {  	[simem:s7], [sflag:s8] =	dma.local @!p0 [hbm:s6], $0xF7A  }
0x23: {  	s9 =	sor.u32 $0xD0000000, s2;
	s6 =	simm.s32 $0x108;
	_ =	swait.ge @!p0 [sflag:s8], $0x0  }
0x24: {  	s3 =	sadd.s32 $0x88, s3;
	s6 =	simm.s32 @!p1 $0x1082;
	[sflag:s4] =	ssyncset.s32 $0xFFFFF086  }
0x25: {  	[simem:s6], [sflag:s4] =	dma.local [hbm:s3], $0xF7A  }
0x26: {  	[smem:$0x3F92] =	sst s1;
	(tag) =	ssettag s2;
	_ =	strace s9  }
0x27: {  	s1 =	sld [smem:$0x3FA2]  }
0x28: {  	s2 =	sld [smem:$0x3FA3]  }
0x29: {  	s4 =	sld [smem:$0x3FA5]  }
0x2a: {  	p0 =	seq.s32 s5, $0x0;
	s5 =	sld [smem:$0x3FA6]  }
0x2b: {  	s6 =	sld [smem:$0x3FA7]  }
0x2c: {  	s7 =	sld [smem:$0x3FA8]  }
0x2d: {  	s3 =	simm.s32 $0x108;
	s8 =	sld [smem:$0x3FA9]  }
0x2e: {  	s3 =	simm.s32 @!p0 $0x1082;
	s9 =	sld [smem:$0x3FAA]  }
0x2f: {  	lr =	sadd.s32 s0, s3;
	s0 =	sld [smem:$0x3FA1]  }
0x30: {  	s3 =	sld [smem:$0x3FA4]  }
0x31: {  	[smem:$0x3FAD] =	sst s10  }
0x32: {  	s10 =	sld [smem:$0x3FAB];
	_ =	sdelay $0x3  }
0x33: {  	p0 =	seq.s32 s10, $0x1;
	s10 =	sld [smem:$0x3FAD];
	_ =	sdelay $0x3  }
0x34: {  	[smem:$0x3FAD] =	sst s10  }
0x35: {  	s10 =	sld [smem:$0x3FAC];
	_ =	sdelay $0x3  }
0x36: {  	p1 =	seq.s32 s10, $0x1;
	s10 =	sld [smem:$0x3FAD];
	_ =	sdelay $0x3  }
0x37: {  	[smem:$0x3FAD] =	sst s10  }
0x38: {  	s10 =	sld [smem:$0x3FAE]  }
0x39: {  	_ = 	snop;
	(pc) =	sbr.ind lr, $3  }
0x3a: {  	_ = 	snop  }
0x3b: {  	_ = 	snop  }
0x3c: {  	p2 =	seq.s32 s10, $0x1;
	s10 =	sld [smem:$0x3FAD]  }
0x3d: {  	_ =	shalt  }
0x3e: {  	_ =	shalt  }
0x3f: {  	_ =	shalt  }
0x40: {  	_ =	shalt  }
0x41: {  	_ =	shalt  }
0x42: {  	_ =	shalt  }
0x43: {  	_ =	shalt  }
0x44: {  	_ =	shalt  }
0x45: {  	_ =	shalt  }
0x46: {  	_ =	shalt  }
0x47: {  	_ =	shalt  }
0x48: {  	_ =	shalt  }
0x49: {  	_ =	shalt  }
0x4a: {  	_ =	shalt  }
0x4b: {  	_ =	shalt  }
0x4c: {  	_ =	shalt  }
0x4d: {  	_ =	shalt  }
0x4e: {  	_ =	shalt  }
0x4f: {  	_ =	shalt  }
0x50: {  	_ =	shalt  }
0x51: {  	_ =	shalt  }
0x52: {  	_ =	shalt  }
0x53: {  	_ =	shalt  }
0x54: {  	_ =	shalt  }
0x55: {  	_ =	shalt  }
0x56: {  	_ =	shalt  }
0x57: {  	_ =	shalt  }
0x58: {  	_ =	shalt  }
0x59: {  	_ =	shalt  }
0x5a: {  	_ =	shalt  }
0x5b: {  	_ =	shalt  }
0x5c: {  	_ =	shalt  }
0x5d: {  	_ =	shalt  }
0x5e: {  	_ =	shalt  }
0x5f: {  	_ =	shalt  }
0x60: {  	_ =	shalt  }
0x61: {  	_ =	shalt  }
0x62: {  	_ =	shalt  }
0x63: {  	_ =	shalt  }
0x64: {  	_ =	shalt  }
0x65: {  	_ =	shalt  }
0x66: {  	_ =	shalt  }
0x67: {  	_ =	shalt  }
0x68: {  	_ =	shalt  }
0x69: {  	_ =	shalt  }
0x6a: {  	_ =	shalt  }
0x6b: {  	_ =	shalt  }
0x6c: {  	_ =	shalt  }
0x6d: {  	_ =	shalt  }
0x6e: {  	_ =	shalt  }
0x6f: {  	_ =	shalt  }
0x70: {  	_ =	shalt  }
0x71: {  	_ =	shalt  }
0x72: {  	_ =	shalt  }
0x73: {  	_ =	shalt  }
0x74: {  	_ =	shalt  }
0x75: {  	_ =	shalt  }
0x76: {  	_ =	shalt  }
0x77: {  	_ =	shalt  }
0x78: {  	_ =	shalt  }
0x79: {  	_ =	shalt  }
0x7a: {  	_ =	shalt  }
0x7b: {  	_ =	shalt  }
0x7c: {  	_ =	shalt  }
0x7d: {  	_ =	shalt  }
0x7e: {  	_ =	shalt  }
0x7f: {  	_ =	shalt  }
0x80: {  	_ =	shalt  }
0x81: {  	_ =	shalt  }
0x82: {  	_ =	shalt  }
0x83: {  	_ =	shalt  }
0x84: {  	_ =	shalt  }
0x85: {  	_ =	shalt  }
0x86: {  	_ =	shalt  }
0x87: {  	_ =	shalt  }
.Lfunc_end0:
.L_simem_size_0:
called_computation_lowered:
.L_overlay_start_0:
0x88: {  	s2 =	sld [smem:$0x3FD9]  }
0x89: {  	s3 =	sld [smem:$0x3FFE];
	_ =	sdelay $0x1  }
0x8a: {  	s1 =	srdreg.scid  }
0x8b: {  	s0 =	sand.u32 $0x1, s1  }
0x8c: {  	s17 =	sshll.u32 s0, $0xA;
	s2 =	sadd.s32 s3, s2  }
0x8d: {  	s2 =	sadd.s32 s2, s17  }
0x8e: {  	[smem:$0x3FB9] =	sst s2  }
0x8f: {  	_ = 	snop  }
0x90: {  	(tm) =	ssettm $0x1  }
0x91: {  	s18 =	sld [smem:$0x3FFB];
	_ =	sdelay $0x3  }
0x92: {  	_ =	strace s18  }
0x93: {  	s2 =	sld [smem:$0x3FFC];
	_ =	sdelay $0x3  }
0x94: {  	_ =	strace s2  }
0x95: {  	s2 =	sld [smem:$0x3FFD];
	_ =	sdelay $0x3  }
0x96: {  	_ =	strace s2  }
0x97: {  	_ =	strace $0x8FFFFFFF  }
0x98: {  	s19 =	sld [smem:$0x3FDB];
	_ =	sdelay $0x1  }
0x99: {  	s20 =	simm.s32 $_scs_section_size  }
0x9a: {  	s4 =	simm.s32 $_size__tile_overlayer_lowered;
	s5 =	simm.s32 $_tile_overlayer_lowered  }
0x9b: {  	s6 =	simm.s32 $0x1BFF;
	s21 =	sshll.u32 s5, $0x1;
	s3 =	sadd.s32 s20, s19  }
0x9c: {  	s22 =	simm.s32 $0x0;
	s4 =	sshll.u32 s4, $0x1;
	s5 =	sadd.s32 s21, s3  }
0x9d: {  	[timem:s22], [sflag:s6] =	dma.local [hbm:s5], s4  }
0x9e: {  	_ =	swait.ge [sflag:s6], s4  }
0x9f: {  	s4 =	ssub.s32 $0x0, s4;
	[sflag:s6] =	ssyncset.done $0x0  }
0xa0: {  	[sflag:s6] =	ssyncadd.s32 s4;
	_ =	sdelay $0x1  }
0xa1: {  	s23 =	simm.s32 $0x1B8B  }
0xa2: {  	_ =	swait.ge [sflag:s23], $0x1  }
0xa3: {  	[sflag:s23] =	ssyncset.done $0x0  }
0xa4: {  	[sflag:s23] =	ssyncadd.s32 $0xFFFFFFFF  }
0xa5: {  	s4 =	sld [smem:$0x0]  }
0xa6: {  	s5 =	sand.u32 $0xFFFFFFFE, s1  }
0xa7: {  	p0 =	sne.s32 s1, s5  }
0xa8: {  	s5 =	sshll.u32 @p0 s5, $0xE  }
0xa9: {  	s5 =	sadd.s32 @p0 $0x11B8D, s5;
	s6 =	sshll.u32 @p0 s4, $0x11  }
0xaa: {  	s5 =	sor.u32 @p0 s6, s5  }
0xab: {  	[sflag:s5] =	ssyncadd.remote.s32 @p0 $0x1;
	_ =	sdelay $0x1  }
0xac: {  	s5 =	simm.s32 @p0 $0x1B8D  }
0xad: {  	_ =	swait.eq @p0 [sflag:s5], $0x1  }
0xae: {  	[sflag:s5] =	ssyncadd.s32 @p0 $0xFFFFFFFF  }
0xaf: {  	s6 =	sshll.u32 @!p0 s1, $0xE  }
0xb0: {  	s6 =	sor.u32 @!p0 $0x4000, s6;
	s5 =	simm.s32 @!p0 $0x1B8D  }
0xb1: {  	s4 =	sshll.u32 @!p0 s4, $0x11;
	s6 =	sadd.s32 @!p0 $0x11B8D, s6;
	_ =	swait.eq @!p0 [sflag:s5], $0x1  }
0xb2: {  	s4 =	sor.u32 @!p0 s4, s6;
	[sflag:s5] =	ssyncadd.s32 @!p0 $0xFFFFFFFF  }
0xb3: {  	s25 =	simm.s32 $0x1B8E;
	s24 =	sld [smem:$0x3FFE];
	[sflag:s4] =	ssyncadd.remote.s32 @!p0 $0x1  }
0xb4: {  	s26 =	simm.s32 $execute0_lowered;
	[smem:$0x3FD2] =	sst s25  }
0xb5: {  	s5 =	sshll.u32 s26, $0x1;
	_ =	strace $0x80000049;
	[dreg:$0x1] =	wrdreg $0xFFFFFFFF  }
0xb6: {  	s28 =	simm.s32 $_size_execute0_lowered;
	s3 =	sadd.s32 s3, s5;
	[dreg:$0x0] =	wrdreg $0x0  }
0xb7: {  	s5 =	sshll.u32 s28, $0x1;
	[dreg:$0x2] =	wrdreg s3  }
0xb8: {  	[dreg:$0x3] =	wrdreg s5  }
0xb9: {  	[dreg:$0x4] =	wrdreg $0xC0  }
0xba: {  	_ =	task [dreg:s22], $0x5FFFF  }
0xbb: {  	[dreg:$0x1] =	wrdreg $0xFFFFFFFF  }
0xbc: {  	[dreg:$0x0] =	wrdreg $0x60  }
0xbd: {  	[dreg:$0x2] =	wrdreg s24  }
0xbe: {  	[dreg:$0x3] =	wrdreg $0x8F800  }
0xbf: {  	[dreg:$0x4] =	wrdreg $0x9  }
0xc0: {  	_ =	task.clear_ibuf [dreg:s22], $0x5FFFF;
	_ =	strace $0x90000049  }
0xc1: {  	s29 =	simm.s32 $0x9;
	_ =	strace $0x8000004B  }
0xc2: {  	_ =	swait.ge [sflag:s29], $0x1  }
0xc3: {  	[sflag:s29] =	ssyncadd.s32 $0xFFFFFFFF  }
0xc4: {  	_ =	strace $0x9000004B  }
0xc5: {  	_ =	sfence  }
0xc6: {  	s30 =	sld [smem:$0x0];
	_ =	sdelay $0x2  }
0xc7: {  	s31 =	sshll.u32 s1, $0xD;
	s1 =	sshrl.u32 s1, $0x2  }
0xc8: {  	s4 =	sand.u32 $0x4000, s31;
	s1 =	sadd.s32 s1, s30  }
0xc9: {  	s0 =	sor.u32 s4, s0;
	s1 =	sshll.u32 s1, $0x11  }
0xca: {  	s0 =	sor.u32 s1, s0  }
0xcb: {  	s0 =	sadd.s32 $0x8F2B, s0  }
0xcc: {  	[sflag:s0] =	ssyncadd.remote.s32 $0x1  }
0xcd: {  	_ =	sfence.sel $0xFFFF  }
0xce: {  	[dreg:$0x0] =	wrdreg $0xFFFFFFFF;
	(pc) =	sbr.abs _section_cstart, $3  }
0xcf: {  	[dreg:$0x1] =	wrdreg $0xFFFFFFFF  }
0xd0: {  	_ =	task.clear_ibuf [dreg:s22], $0x2FFFF;
	_ =	strace $0x9FFFFFFF  }
0xd1: {  	(tm) =	ssettm $0x7FFFFFFF  }
tec
execute0_lowered:
.L_overlay_start_1:
0x0: {  	(tag) =	ssettag $0x1  }
0x1: {  	s4 =	rddreg [dreg:$0x0]  }
0x2: {  	s2 =	rddreg [dreg:$0x1]  }
0x3: {  	s0 =	srdreg.scid;
	s1 =	rddreg [dreg:$0x2];
	s3 =	simm.s32 $0x0  }
0x4: {  	s21 =	simm.s32 $0x2;
	s22 =	simm.s32 $0x8F00;
	s9 =	sand.u32 $0x1, s0  }
0x5: {  	s23 =	simm.s32 $0x1;
	s0 =	stileid.u32;
	s5 =	smul.u32 $0x27100, s9  }
0x6: {  	s24 =	simm.s32 $0x80;
	s25 =	simm.s32 $0x10;
	s6 =	smul.u32 $0x2710, s0  }
0x7: {  	s26 =	simm.s32 $0x0;
	[smem:$0x7FF] =	sst s3;
	s8 =	smul.u32 $0x4E000, s0  }
0x8: {  	s18 =	sadd.s32 $0x65600, s4;
	_ =	strace $0x8000004A;
	s12 =	smul.u32 $0x13800, s0  }
0x9: {  	s30 =	ssub.s32 $0x2, s9;
	s17 =	sshll.u32 s0, $0xA;
	s20 =	smul.u32 $0x138800, s9  }
0xa: {  	p0 =	sgt.u32 s0, $0x1;
	s7 =	sshrl.u32 s30, $0x1;
	s11 =	sadd.s32 s17, s2  }
0xb: {  	s17 =	sor.u32 $0x138000, s17;
	s5 =	sadd.s32 s6, s5;
	s19 =	ssub.s32 s30, s7  }
0xc: {  	s31 =	sshrl.u32 s8, $0x2;
	s13 =	sadd.s32 $0x4000, s12;
	s14 =	sadd.s32 $0x8000, s12  }
0xd: {  	s15 =	sadd.s32 $0xC000, s12;
	s16 =	sadd.s32 $0x10000, s12;
	s11 =	sadd.s32 $0x138000, s11  }
0xe: {  	s12 =	sadd.s32 s12, s20;
	s5 =	sshrl.u32 s5, $0x3;
	s6 =	sadd.s32 s31, s2  }
0xf: {  	s7 =	sadd.s32 s13, s2;
	s8 =	sadd.s32 s14, s2;
	s9 =	sadd.s32 s15, s2  }
0x10: {  	s10 =	sadd.s32 s16, s2;
	s13 =	sadd.s32 s20, s13;
	s12 =	sshrl.u32 s12, $0x3  }
0x11: {  	s14 =	sadd.s32 s20, s14;
	s15 =	sadd.s32 s20, s15;
	s16 =	sadd.s32 s20, s16  }
0x12: {  	s20 =	sadd.s32 s20, s17;
	s17 =	sadd.s32 s17, s2;
	s19 =	smax.u32 s19, $0x1  }
0x13: {  	s5 =	sadd.s32 s5, s4;
	s13 =	sshrl.u32 s13, $0x3;
	s12 =	sadd.s32 s18, s12  }
0x14: {  	s14 =	sshrl.u32 s14, $0x3;
	s15 =	sshrl.u32 s15, $0x3;
	s16 =	sshrl.u32 s16, $0x3  }
0x15: {  	s20 =	sshrl.u32 s20, $0x3;
	s4 =	sadd.s32 $0x3800, s5;
	s5 =	sadd.s32 $0x3CE0, s5  }
0x16: {  	s13 =	sadd.s32 s18, s13;
	s14 =	sadd.s32 s18, s14;
	s15 =	sadd.s32 s18, s15  }
0x17: {  	v0 =	vimm.f32 $0.0e+00;
	v1 =	vimm.f32 $1.000000000e+00;
	s16 =	sadd.s32 s18, s16;
	s18 =	sadd.s32 s18, s20;
	s20 =	simm.s32 $0x4000  }
.LBB2_1:
0x18: {  	[tilespmem:s20], [sflag:$0x2] =	stream.linear.gather [hbm4b:s4+s3], $0x2700, $0x38;
	[tilespmem:$0x1C800] =	vst v63  }
0x19: {  	_ =	swait.ge [sflag:s21], $0x2700  }
0x1a: {  	[sflag:s21] =	ssyncset.done $0x0  }
0x1b: {  	s28 =	simm.s32 $0x0;
	[sflag:s21] =	ssyncadd.s32 $0xFFFFD900  }
0x1c: {  	v5 =	vld [tilespmem:s28+$0x4070]  }
0x1d: {  	v6 =	vld [tilespmem:s28+$0x4000]  }
0x1e: {  	v7 =	vld [tilespmem:s28+$0x4010]  }
0x1f: {  	v4 =	vld [tilespmem:s28+$0x4020]  }
0x20: {  	v2 =	vld [tilespmem:s28+$0x4030]  }
0x21: {  	v3 =	vld [tilespmem:s28+$0x4040];
	[tilespmem:s28+$0x6770] =	vst v5  }
0x22: {  	[tilespmem:s28+$0x6700] =	vst v6;
	v5 =	vld [tilespmem:s28+$0x4050]  }
0x23: {  	s29 =	simm.s32 $0x80;
	s30 =	simm.s32 $0x400;
	[tilespmem:s28+$0x6710] =	vst v7;
	v6 =	vld [tilespmem:s28+$0x4060]  }
.LBB2_2:
0x24: {  	p1 =	sne.s32 s30, $0x9A00;
	v7 =	vld [tilespmem:s29+$0x4070];
	[tilespmem:s28+$0x6720] =	vst v4  }
0x25: {  	v8 =	vld [tilespmem:s29+$0x4000];
	[tilespmem:s28+$0x6730] =	vst v2  }
0x26: {  	v9 =	vld [tilespmem:s29+$0x4010];
	[tilespmem:s28+$0x6740] =	vst v3  }
.Ltmp0:
0x27: {  	v4 =	vld [tilespmem:s29+$0x4020];
	[tilespmem:s28+$0x6750] =	vst v5;
	(pc) =	sbr.rel @p1 .LBB2_2-.Ltmp0, $4  }
0x28: {  	v2 =	vld [tilespmem:s29+$0x4030];
	[tilespmem:s28+$0x6760] =	vst v6;
	s28 =	smov.u32 s29  }
0x29: {  	v3 =	vld [tilespmem:s28+$0x4040];
	[tilespmem:s28+$0x6770] =	vst v7  }
0x2a: {  	[tilespmem:s28+$0x6700] =	vst v8;
	v5 =	vld [tilespmem:s28+$0x4050]  }
0x2b: {  	s29 =	sshra.s32 s30, $0x2;
	s30 =	sadd.s32 $0x200, s30;
	[tilespmem:s28+$0x6710] =	vst v9;
	v6 =	vld [tilespmem:s28+$0x4060]  }
0x2c: {  	v7 =	vld [tilespmem:s29+$0x4070];
	[tilespmem:s28+$0x6720] =	vst v4  }
0x2d: {  	v4 =	vld [tilespmem:s29+$0x4000];
	[tilespmem:s28+$0x6730] =	vst v2  }
0x2e: {  	v2 =	vld [tilespmem:s29+$0x4010];
	[tilespmem:s28+$0x6740] =	vst v3  }
0x2f: {  	v3 =	vld [tilespmem:s29+$0x4020];
	[tilespmem:s28+$0x6750] =	vst v5  }
0x30: {  	v5 =	vld [tilespmem:s29+$0x4030];
	[tilespmem:s28+$0x6760] =	vst v6  }
0x31: {  	v6 =	vld [tilespmem:s29+$0x4040];
	[tilespmem:s29+$0x6770] =	vst v7  }
0x32: {  	v63 =	vld [tilespmem:s29+$0x4050];
	[tilespmem:s29+$0x6700] =	vst v4  }
0x33: {  	[tilespmem:s29+$0x6710] =	vst v2;
	v2 =	vld [tilespmem:s29+$0x4060]  }
0x34: {  	[tilespmem:s29+$0x6720] =	vst v3  }
0x35: {  	[tilespmem:s29+$0x6730] =	vst v5  }
0x36: {  	[tilespmem:s29+$0x6740] =	vst v6  }
0x37: {  	[tilespmem:s29+$0x6750] =	vst v63  }
0x38: {  	s28 =	simm.s32 $0x0;
	[tilespmem:s29+$0x6760] =	vst v2  }
0x39: {  	[tilespmem:s22], [sflag:$0x2] =	stream.linear.gather [hbm4b:s5+s28], $0x10, $0x38;
	[tilespmem:$0x1C800] =	vst v63  }
0x3a: {  	_ =	swait.ge [sflag:s21], $0x10  }
0x3b: {  	[sflag:s21] =	ssyncset.done $0x0  }
0x3c: {  	s29 =	simm.s32 $0x200;
	s28 =	simm.s32 $0x0;
	[sflag:s21] =	ssyncadd.s32 $0xFFFFFFF0  }
.LBB2_4:
0x3d: {  	p1 =	sne.s32 s29, $0xFE00;
	[tilespmem:s28+$0x70] =	vst v0  }
0x3e: {  	[tilespmem:s28+$0x0] =	vst v0  }
0x3f: {  	[tilespmem:s28+$0x10] =	vst v0  }
.Ltmp1:
0x40: {  	[tilespmem:s28+$0x20] =	vst v0;
	(pc) =	sbr.rel @p1 .LBB2_4-.Ltmp1, $4  }
0x41: {  	[tilespmem:s28+$0x30] =	vst v0  }
0x42: {  	[tilespmem:s28+$0x40] =	vst v0  }
0x43: {  	[tilespmem:s28+$0x50] =	vst v0  }
0x44: {  	[tilespmem:s28+$0x60] =	vst v0;
	s28 =	sshra.s32 s29, $0x2;
	s29 =	sadd.s32 $0x200, s29  }
0x45: {  	[tilespmem:s28+$0x70] =	vst v0  }
0x46: {  	[tilespmem:s28+$0x0] =	vst v0  }
0x47: {  	[tilespmem:s28+$0x10] =	vst v0  }
0x48: {  	[tilespmem:s28+$0x20] =	vst v0  }
0x49: {  	[tilespmem:s28+$0x30] =	vst v0  }
0x4a: {  	[tilespmem:s28+$0x40] =	vst v0  }
0x4b: {  	[tilespmem:s28+$0x50] =	vst v0  }
0x4c: {  	[tilespmem:s28+$0x60] =	vst v0  }
0x4d: {  	[spmem:s6] =	stream.linear.scatter [tilespmem:s3], [sflag:$0x1], $0x4000, $0x38;
	[tilespmem:$0x1C800] =	vst v63  }
0x4e: {  	_ = 	snop  }
0x4f: {  	[spmem:s7] =	stream.linear.scatter [tilespmem:s3], [sflag:$0x1], $0x4000, $0x38;
	[tilespmem:$0x1C800] =	vst v63  }
0x50: {  	_ = 	snop  }
0x51: {  	[spmem:s8] =	stream.linear.scatter [tilespmem:s3], [sflag:$0x1], $0x4000, $0x38;
	[tilespmem:$0x1C800] =	vst v63  }
0x52: {  	_ = 	snop  }
0x53: {  	[spmem:s9] =	stream.linear.scatter [tilespmem:s3], [sflag:$0x1], $0x4000, $0x38;
	[tilespmem:$0x1C800] =	vst v63  }
0x54: {  	_ = 	snop  }
0x55: {  	[spmem:s10] =	stream.linear.scatter [tilespmem:s3], [sflag:$0x1], $0x3800, $0x38;
	[tilespmem:$0x1C800] =	vst v63  }
0x56: {  	s28 =	simm.s32 @!p0 $0x0  }
0x57: {  	[spmem:s11] =	stream.linear.scatter @!p0 [tilespmem:s28], [sflag:$0x1], $0x400, $0x38;
	[tilespmem:$0x1C800] =	vst v63  }
0x58: {  	_ =	swait.ge [sflag:s23], $0x4000  }
0x59: {  	[sflag:s23] =	ssyncset.done $0x0  }
0x5a: {  	[sflag:s23] =	ssyncadd.s32 $0xFFFFC000  }
0x5b: {  	_ =	swait.ge [sflag:s23], $0x4000  }
0x5c: {  	[sflag:s23] =	ssyncset.done $0x0  }
0x5d: {  	[sflag:s23] =	ssyncadd.s32 $0xFFFFC000  }
0x5e: {  	_ =	swait.ge [sflag:s23], $0x4000  }
0x5f: {  	[sflag:s23] =	ssyncset.done $0x0  }
0x60: {  	[sflag:s23] =	ssyncadd.s32 $0xFFFFC000  }
0x61: {  	_ =	swait.ge [sflag:s23], $0x4000  }
0x62: {  	[sflag:s23] =	ssyncset.done $0x0  }
0x63: {  	[sflag:s23] =	ssyncadd.s32 $0xFFFFC000  }
0x64: {  	_ =	swait.ge [sflag:s23], $0x3800  }
0x65: {  	[sflag:s23] =	ssyncset.done $0x0  }
0x66: {  	s28 =	simm.s32 @!p0 $0x1;
	[sflag:s23] =	ssyncadd.s32 $0xFFFFC800  }
0x67: {  	_ =	swait.ge @!p0 [sflag:s28], $0x400  }
0x68: {  	[sflag:s28] =	ssyncset.done @!p0 $0x0  }
0x69: {  	s29 =	simm.s32 $0x200;
	[sflag:s28] =	ssyncadd.s32 @!p0 $0xFFFFFC00;
	s28 =	simm.s32 $0x0  }
.LBB2_6:
0x6a: {  	p1 =	sne.s32 s29, $0xFE00;
	[tilespmem:s28+$0x70] =	vst v1  }
0x6b: {  	[tilespmem:s28+$0x0] =	vst v1  }
0x6c: {  	[tilespmem:s28+$0x10] =	vst v1  }
.Ltmp2:
0x6d: {  	[tilespmem:s28+$0x20] =	vst v1;
	(pc) =	sbr.rel @p1 .LBB2_6-.Ltmp2, $4  }
0x6e: {  	[tilespmem:s28+$0x30] =	vst v1  }
0x6f: {  	[tilespmem:s28+$0x40] =	vst v1  }
0x70: {  	[tilespmem:s28+$0x50] =	vst v1  }
0x71: {  	[tilespmem:s28+$0x60] =	vst v1;
	s28 =	sshra.s32 s29, $0x2;
	s29 =	sadd.s32 $0x200, s29  }
0x72: {  	[tilespmem:s28+$0x70] =	vst v1  }
0x73: {  	[tilespmem:s28+$0x0] =	vst v1  }
0x74: {  	[tilespmem:s28+$0x10] =	vst v1  }
0x75: {  	[tilespmem:s28+$0x20] =	vst v1  }
0x76: {  	[tilespmem:s28+$0x30] =	vst v1  }
0x77: {  	[tilespmem:s28+$0x40] =	vst v1  }
0x78: {  	[tilespmem:s28+$0x50] =	vst v1  }
0x79: {  	[tilespmem:s28+$0x60] =	vst v1  }
0x7a: {  	s28 =	simm.s32 $0x0;
	[bflag:$0x0] =	sbarrier.arrive $0xFFFF  }
.LBB2_8:
0x7b: {  	p1 =	sne.s32 s28, $0x9A00  }
.Ltmp3:
0x7c: {  	_ = 	snop;
	(pc) =	sbr.rel @p1 .LBB2_8-.Ltmp3, $4  }
0x7d: {  	_ = 	snop  }
0x7e: {  	s29 =	sshra.s32 s28, $0x2  }
0x7f: {  	s28 =	sadd.s32 $0x200, s28;
	s29 =	sadd.s32 $0x6700, s29  }
0x80: {  	[spmem:s2] =	stream.indirect.scatter.add.f32 [tilespmem:s3], [sflag:$0x1], $0x80, s29, s24, $0xb8;
	[tilespmem:$0x1C800] =	vst v63  }
0x81: {  	_ =	swait.ge [sflag:s23], $0x4000  }
0x82: {  	s28 =	simm.s32 $0x4D;
	[sflag:s23] =	ssyncset.done $0x0  }
.LBB2_10:
0x83: {  	p1 =	sne.s32 s28, $0x1;
	s28 =	sadd.s32 $0xFFFFFFFF, s28;
	[sflag:s23] =	ssyncadd.s32 $0xFFFFC000  }
.Ltmp4:
0x84: {  	(pc) =	sbr.rel @p1 .LBB2_10-.Ltmp4, $3  }
0x85: {  	_ =	sdelay $0x1  }
0x86: {  	_ =	swait.ge [sflag:s23], $0x4000  }
0x87: {  	[sflag:s23] =	ssyncset.done $0x0  }
0x88: {  	[sflag:s23] =	ssyncadd.s32 $0xFFFFC000  }
0x89: {  	[spmem:s2] =	stream.indirect.scatter.add.f32 [tilespmem:s3], [sflag:$0x1], $0x80, s22, s25, $0xb8;
	[tilespmem:$0x1C800] =	vst v63  }
0x8a: {  	_ =	swait.ge [sflag:s23], $0x800  }
0x8b: {  	[sflag:s23] =	ssyncset.done $0x0  }
0x8c: {  	[sflag:s23] =	ssyncadd.s32 $0xFFFFF800  }
0x8d: {  	[bflag:$0x0] =	sbarrier.arrive $0xFFFF  }
0x8e: {  	[tilespmem:s3], [sflag:$0x2] =	stream.linear.gather [spmem:s6], $0x4000, $0x38;
	[tilespmem:$0x1C800] =	vst v63  }
0x8f: {  	_ =	swait.ge [sflag:s21], $0x4000  }
0x90: {  	[sflag:s21] =	ssyncset.done $0x0  }
0x91: {  	[sflag:s21] =	ssyncadd.s32 $0xFFFFC000  }
0x92: {  	[hbm4b:s12+s3] =	stream.linear.scatter [tilespmem:s3], [sflag:$0x2], $0x4000, $0x38;
	[tilespmem:$0x1C800] =	vst v63  }
0x93: {  	_ =	swait.ge [sflag:s21], $0x4000  }
0x94: {  	[sflag:s21] =	ssyncset.done $0x0  }
0x95: {  	[sflag:s21] =	ssyncadd.s32 $0xFFFFC000  }
0x96: {  	[tilespmem:s3], [sflag:$0x2] =	stream.linear.gather [spmem:s7], $0x4000, $0x38;
	[tilespmem:$0x1C800] =	vst v63  }
0x97: {  	_ =	swait.ge [sflag:s21], $0x4000  }
0x98: {  	[sflag:s21] =	ssyncset.done $0x0  }
0x99: {  	[sflag:s21] =	ssyncadd.s32 $0xFFFFC000  }
0x9a: {  	[hbm4b:s13+s3] =	stream.linear.scatter [tilespmem:s3], [sflag:$0x2], $0x4000, $0x38;
	[tilespmem:$0x1C800] =	vst v63  }
0x9b: {  	_ =	swait.ge [sflag:s21], $0x4000  }
0x9c: {  	[sflag:s21] =	ssyncset.done $0x0  }
0x9d: {  	[sflag:s21] =	ssyncadd.s32 $0xFFFFC000  }
0x9e: {  	[tilespmem:s3], [sflag:$0x2] =	stream.linear.gather [spmem:s8], $0x4000, $0x38;
	[tilespmem:$0x1C800] =	vst v63  }
0x9f: {  	_ =	swait.ge [sflag:s21], $0x4000  }
0xa0: {  	[sflag:s21] =	ssyncset.done $0x0  }
0xa1: {  	[sflag:s21] =	ssyncadd.s32 $0xFFFFC000  }
0xa2: {  	[hbm4b:s14+s3] =	stream.linear.scatter [tilespmem:s3], [sflag:$0x2], $0x4000, $0x38;
	[tilespmem:$0x1C800] =	vst v63  }
0xa3: {  	_ =	swait.ge [sflag:s21], $0x4000  }
0xa4: {  	[sflag:s21] =	ssyncset.done $0x0  }
0xa5: {  	[sflag:s21] =	ssyncadd.s32 $0xFFFFC000  }
0xa6: {  	[tilespmem:s3], [sflag:$0x2] =	stream.linear.gather [spmem:s9], $0x4000, $0x38;
	[tilespmem:$0x1C800] =	vst v63  }
0xa7: {  	_ =	swait.ge [sflag:s21], $0x4000  }
0xa8: {  	[sflag:s21] =	ssyncset.done $0x0  }
0xa9: {  	[sflag:s21] =	ssyncadd.s32 $0xFFFFC000  }
0xaa: {  	[hbm4b:s15+s3] =	stream.linear.scatter [tilespmem:s3], [sflag:$0x2], $0x4000, $0x38;
	[tilespmem:$0x1C800] =	vst v63  }
0xab: {  	_ =	swait.ge [sflag:s21], $0x4000  }
0xac: {  	[sflag:s21] =	ssyncset.done $0x0  }
0xad: {  	[sflag:s21] =	ssyncadd.s32 $0xFFFFC000  }
0xae: {  	[tilespmem:s3], [sflag:$0x2] =	stream.linear.gather [spmem:s10], $0x3800, $0x38;
	[tilespmem:$0x1C800] =	vst v63  }
0xaf: {  	_ =	swait.ge [sflag:s21], $0x3800  }
0xb0: {  	[sflag:s21] =	ssyncset.done $0x0  }
0xb1: {  	[sflag:s21] =	ssyncadd.s32 $0xFFFFC800  }
0xb2: {  	[hbm4b:s16+s3] =	stream.linear.scatter [tilespmem:s3], [sflag:$0x2], $0x3800, $0x38;
	[tilespmem:$0x1C800] =	vst v63  }
0xb3: {  	_ =	swait.ge [sflag:s21], $0x3800  }
0xb4: {  	[sflag:s21] =	ssyncset.done $0x0  }
0xb5: {  	s28 =	simm.s32 @!p0 $0x0;
	s29 =	simm.s32 @!p0 $0x2;
	[sflag:s21] =	ssyncadd.s32 $0xFFFFC800  }
0xb6: {  	[tilespmem:s28], [sflag:$0x2] =	stream.linear.gather @!p0 [spmem:s17], $0x400, $0x38;
	[tilespmem:$0x1C800] =	vst v63  }
0xb7: {  	s26 =	sadd.s32 $0x1, s26;
	_ =	swait.ge @!p0 [sflag:s29], $0x400  }
0xb8: {  	p1 =	sne.s32 s26, s19;
	[sflag:s29] =	ssyncset.done @!p0 $0x0  }
.Ltmp5:
0xb9: {  	[sflag:s29] =	ssyncadd.s32 @!p0 $0xFFFFFC00;
	(pc) =	sbr.rel @p1 .LBB2_1-.Ltmp5, $4  }
0xba: {  	[hbm4b:s18+s28] =	stream.linear.scatter @!p0 [tilespmem:s28], [sflag:$0x2], $0x400, $0x38;
	[tilespmem:$0x1C800] =	vst v63  }
0xbb: {  	_ =	swait.ge @!p0 [sflag:s29], $0x400  }
0xbc: {  	[sflag:s29] =	ssyncset.done @!p0 $0x0  }
0xbd: {  	[sflag:s29] =	ssyncadd.s32 @!p0 $0xFFFFFC00  }
0xbe: {  	_ =	sfence.sel $0x180000  }
0xbf: {  	[bflag:$0x0] =	sbarrier.arrive $0xFFFF  }
0xc0: {  	p0 =	sne.s32 s0, $0x0;
	_ =	strace $0x9000004A  }
0xc1: {  	s0 =	sadd.s32 @!p0 $0x100000, s1;
	[bflag:$0x2] =	sbarrier.arrive $0xFFFF  }
0xc2: {  	[sflag:s0] =	ssyncadd.tile.s32 @!p0 $0x1;
	_ =	shalt  }
.Lfunc_end2:
_tile_overlayer_lowered:
.L_overlay_start_2:
0xc3: {  	(tag) =	ssettag $0x2  }
0xc4: {  	s0 =	rddreg [dreg:$0x0];
	s2 =	stileid.u32  }
0xc5: {  	s1 =	rddreg [dreg:$0x1];
	p0 =	sne.s32 s2, $0x0  }
0xc6: {  	s3 =	rddreg [dreg:$0x2];
	[bflag:$0x3] =	sbarrier.arrive $0xFFFF;
	s2 =	simm.s32 @!p0 $0x1C02  }
0xc7: {  	[timem:s3], [sflag:s2] =	dma.local @!p0 [hbm:s0], s1  }
0xc8: {  	s0 =	simm.s32 @!p0 $0x2  }
0xc9: {  	_ =	swait.ge @!p0 [sflag:s0], s1  }
0xca: {  	s1 =	ssub.s32 @!p0 $0x0, s1;
	[sflag:s0] =	ssyncset.done @!p0 $0x0  }
0xcb: {  	[sflag:s0] =	ssyncadd.s32 @!p0 s1  }
0xcc: {  	[bflag:$0x3] =	sbarrier.arrive $0xFFFF  }
0xcd: {  	_ =	shalt  }

</sc_bundles>
